<compile_context>
chip_gen: v7x
topology: tpu7x:2x2x1
jax: 0.10.2.dev20260603
libtpu: 0.0.44.dev20260713+nightly
codegen_flags: <defaults>
</compile_context>

<pallas_src>
import jax
import jax.numpy as jnp
from jax import lax
from jax.experimental import pallas as pl
from jax.experimental.pallas import tpu as pltpu
from jax.experimental.pallas import tpu_sc as plsc

N = 10000
D = 128
NC = 2
NS = 16
NW = NC * NS
EPB = 128
NPAD = 10112
RT = NPAD // NS
DW = 8


def _zero_chunks(total):
  out, off = [], 0
  while off < total:
    step = min(EPB, total - off)
    out.append((off, step))
    off += step
  return out


CH = 8
NCHT = 320
N0 = 19
N1 = NCHT // NS - N0


def _build_agg(with_deg):
  out_type = [jax.ShapeDtypeStruct((NC, NPAD, D), jnp.bfloat16)]
  scratch = [
      pltpu.VMEM_SHARED((NPAD, D), jnp.bfloat16),
      pltpu.SemaphoreType.DMA,
      pltpu.SemaphoreType.DMA,
      pltpu.SemaphoreType.DMA,
      pltpu.SemaphoreType.DMA,
      pltpu.SemaphoreType.DMA,
      pltpu.SemaphoreType.DMA,
  ]
  if with_deg:
    out_type.append(jax.ShapeDtypeStruct((NC, NPAD, DW), jnp.float32))
    scratch += [pltpu.VMEM_SHARED((NPAD, DW), jnp.float32)]

  def body(x_hbm, src_hbm, dst_hbm, *refs):
    if with_deg:
      (ones_hbm, zeros_hbm, agg_out, deg_out, agg_sh, sem0, sem1, sem2,
       sem3, semi, ssem, deg_sh) = refs
    else:
      (agg_out, agg_sh, sem0, sem1, sem2, sem3, semi, ssem) = refs

    tile_scratch = [
        pltpu.VMEM((2, CH, EPB), jnp.int32),
        pltpu.VMEM((2, CH, EPB), jnp.int32),
        pltpu.VMEM((EPB, D), jnp.bfloat16),
        pltpu.VMEM((EPB, D), jnp.bfloat16),
        pltpu.VMEM((EPB, D), jnp.bfloat16),
        pltpu.VMEM((EPB, D), jnp.bfloat16),
    ]
    if with_deg:
      tile_scratch += [
          pltpu.VMEM((EPB, DW), jnp.float32),
          pltpu.VMEM((EPB, DW), jnp.float32),
      ]

    def inner(srcc, dstc, rows0, rows1, rows2, rows3, *deg_refs):
      ones_v, zdeg_v = deg_refs if with_deg else (None, None)
      c = lax.axis_index("c")
      s = lax.axis_index("s")
      nch = jnp.where(c == 0, N0, N1)
      ch0 = jnp.where(c == 0, s * N0, NS * N0 + s * N1)
      zero32 = jnp.zeros((32,), jnp.bfloat16)

      def zrow(i, carry):
        for j in range(D // 32):
          rows0[i, pl.ds(j * 32, 32)] = zero32
        return carry
      lax.fori_loop(0, EPB, zrow, 0)
      base = pl.multiple_of(s * RT, 8)
      for off, step in _zero_chunks(RT):
        pltpu.sync_copy(rows0.at[pl.ds(0, step)],
                        agg_sh.at[pl.ds(base + off, step)])
      if with_deg:
        pltpu.sync_copy(ones_hbm, ones_v)
        pltpu.sync_copy(zeros_hbm, zdeg_v)
        for off, step in _zero_chunks(RT):
          pltpu.sync_copy(zdeg_v.at[pl.ds(0, step)],
                          deg_sh.at[pl.ds(base + off, step)])
      plsc.subcore_barrier()

      bufs = [(rows0, sem0), (rows1, sem1), (rows2, sem2), (rows3, sem3)]
      pltpu.sync_copy(src_hbm.at[ch0], srcc.at[0])
      pltpu.sync_copy(dst_hbm.at[ch0], dstc.at[0])
      pltpu.async_copy(x_hbm.at[srcc.at[0, 0]], rows0, sem0)
      pltpu.async_copy(x_hbm.at[srcc.at[0, 1]], rows1, sem1)

      def chunk_fn(g, carry):
        p = lax.rem(g, 2)
        q = lax.rem(g + 1, 2)

        @pl.when(g + 1 < nch)
        def _():
          pltpu.async_copy(src_hbm.at[ch0 + g + 1], srcc.at[q], semi)
          pltpu.async_copy(dst_hbm.at[ch0 + g + 1], dstc.at[q], semi)

        sd = [None] * CH
        dd = [None] * CH
        for b in range(CH):
          rbuf, sem = bufs[b % 4]
          nbuf, nsem = bufs[(b + 2) % 4]
          if b >= 2:
            sd[b - 2].wait()
            if with_deg:
              dd[b - 2].wait()
          if b + 2 < CH:
            pltpu.async_copy(x_hbm.at[srcc.at[p, b + 2]], nbuf, nsem)
          else:
            @pl.when(g + 1 < nch)
            def _():
              if b + 2 == CH:
                pltpu.make_async_copy(src_hbm.at[ch0], srcc.at[q],
                                      semi).wait()
                pltpu.make_async_copy(dst_hbm.at[ch0], dstc.at[q],
                                      semi).wait()
              pltpu.async_copy(x_hbm.at[srcc.at[q, b + 2 - CH]], nbuf, nsem)
          pltpu.make_async_copy(x_hbm.at[srcc.at[p, b]], rbuf, sem).wait()
          sd[b] = pltpu.async_copy(rbuf, agg_sh.at[dstc.at[p, b]], ssem,
                                   add=True)
          if with_deg:
            dd[b] = pltpu.async_copy(ones_v, deg_sh.at[dstc.at[p, b]], ssem,
                                     add=True)
        sd[CH - 2].wait()
        sd[CH - 1].wait()
        if with_deg:
          dd[CH - 2].wait()
          dd[CH - 1].wait()
        return carry
      lax.fori_loop(0, nch, chunk_fn, 0)

      @pl.when(nch == 0)
      def _():
        pltpu.make_async_copy(x_hbm.at[srcc.at[0, 0]], rows0, sem0).wait()
        pltpu.make_async_copy(x_hbm.at[srcc.at[0, 1]], rows1, sem1).wait()

      plsc.subcore_barrier()
      pltpu.sync_copy(agg_sh.at[pl.ds(base, RT)],
                      agg_out.at[c, pl.ds(base, RT)])
      if with_deg:
        pltpu.sync_copy(deg_sh.at[pl.ds(base, RT)],
                        deg_out.at[c, pl.ds(base, RT)])

    pl.run_scoped(inner, *tile_scratch)

  return pl.kernel(
      body,
      out_type=tuple(out_type) if with_deg else out_type[0],
      mesh=plsc.VectorSubcoreMesh(core_axis_name="c", subcore_axis_name="s"),
      scratch_types=scratch,
      compiler_params=pltpu.CompilerParams(use_tc_tiling_on_sc=False),
  )


def _build_dense(relu, normalize, bf16_copy):
  RB = 1024

  def body(agg_ref, deg_ref, x_ref, wl_ref, wr_ref, b_ref, *rest):
    if bf16_copy:
      rest = rest[1:]
    outs = rest
    deg = deg_ref[0][:, :1] + deg_ref[1][:, :1]
    agg = (agg_ref[0].astype(jnp.float32) + agg_ref[1].astype(jnp.float32))
    mean = agg / jnp.maximum(deg, 1.0)
    y = (jnp.dot(mean, wl_ref[...], preferred_element_type=jnp.float32)
         + jnp.dot(x_ref[...], wr_ref[...], preferred_element_type=jnp.float32)
         + b_ref[...])
    if relu:
      y = jnp.maximum(y, 0.0)
    if normalize:
      nrm = jnp.sqrt(jnp.sum(y * y, axis=1, keepdims=True))
      y = y / jnp.maximum(nrm, 1e-12)
    outs[0][...] = y
    if bf16_copy:
      outs[1][...] = y.astype(jnp.bfloat16)

  out_shape = [jax.ShapeDtypeStruct((NPAD, D), jnp.float32)]
  out_specs = [pl.BlockSpec((RB, D), lambda i: (i, 0))]
  in_specs = [
      pl.BlockSpec((NC, RB, D), lambda i: (0, i, 0)),
      pl.BlockSpec((NC, RB, DW), lambda i: (0, i, 0)),
      pl.BlockSpec((RB, D), lambda i: (i, 0)),
      pl.BlockSpec((D, D), lambda i: (0, 0)),
      pl.BlockSpec((D, D), lambda i: (0, 0)),
      pl.BlockSpec((1, D), lambda i: (0, 0)),
  ]
  aliases = {}
  if bf16_copy:
    out_shape.append(jax.ShapeDtypeStruct((NPAD, D), jnp.bfloat16))
    out_specs.append(pl.BlockSpec((RB, D), lambda i: (i, 0)))
    in_specs.append(pl.BlockSpec((RB, D), lambda i: (i, 0)))
    aliases = {6: 1}
  return pl.pallas_call(
      body,
      grid=(pl.cdiv(NPAD, RB),),
      in_specs=in_specs,
      out_specs=tuple(out_specs),
      out_shape=tuple(out_shape),
      input_output_aliases=aliases,
  )


_agg_deg = _build_agg(True)
_agg = _build_agg(False)
_dense_relu = _build_dense(True, False, True)
_dense_norm = _build_dense(False, True, False)


@jax.jit
def kernel(x, edge_index, Wl1, bl1, Wr1, Wl2, bl2, Wr2):
  e = edge_index.shape[1]
  epad = (NCHT + 1) * CH * EPB
  src = jnp.concatenate(
      [edge_index[0], jnp.zeros((epad - e,), jnp.int32)]).reshape(
          NCHT + 1, CH, EPB)
  dst = jnp.concatenate(
      [edge_index[1], jnp.full((epad - e,), N, jnp.int32)]).reshape(
          NCHT + 1, CH, EPB)
  x_p = jnp.pad(x, ((0, NPAD - N), (0, 0)))

  ones8 = jnp.ones((EPB, DW), jnp.float32)
  zeros8 = jnp.zeros((EPB, DW), jnp.float32)
  x_b = x_p.astype(jnp.bfloat16)
  agg1, deg = _agg_deg(x_b, src, dst, ones8, zeros8)
  h, h_b = _dense_relu(agg1, deg, x_p, Wl1.T, Wr1.T, bl1.reshape(1, D), x_b)
  agg2 = _agg(h_b, src, dst)
  y, = _dense_norm(agg2, deg, h, Wl2.T, Wr2.T, bl2.reshape(1, D))
  return y[:N]

# --- scband reference (transcript-rebuilt; emitter-appended) ---
"""Pipeline reference for scband-sagebackbone-10720238371194 (READ-ONLY COPY).

The authoritative reference and input builder live on the scoring server;
editing this copy changes nothing except your own understanding.
"""

import jax, jax.numpy as jnp
import numpy as np

N = 10000
E = 320000
D = 128


def setup_inputs(seed: int = 0) -> dict:
    key = jax.random.key(seed)
    ks = jax.random.split(key, 10)
    x = jax.random.normal(ks[0], (N, D), dtype=jnp.float32)
    edge_index = jax.random.randint(ks[1], (2, E), 0, N, dtype=jnp.int32)
    s = 1.0 / np.sqrt(D)
    Wl1 = jax.random.uniform(ks[2], (D, D), dtype=jnp.float32, minval=-s, maxval=s)
    bl1 = jax.random.uniform(ks[3], (D,), dtype=jnp.float32, minval=-s, maxval=s)
    Wr1 = jax.random.uniform(ks[4], (D, D), dtype=jnp.float32, minval=-s, maxval=s)
    Wl2 = jax.random.uniform(ks[5], (D, D), dtype=jnp.float32, minval=-s, maxval=s)
    bl2 = jax.random.uniform(ks[6], (D,), dtype=jnp.float32, minval=-s, maxval=s)
    Wr2 = jax.random.uniform(ks[7], (D, D), dtype=jnp.float32, minval=-s, maxval=s)
    return {"x": x, "edge_index": edge_index, "Wl1": Wl1, "bl1": bl1, "Wr1": Wr1, "Wl2": Wl2, "bl2": bl2, "Wr2": Wr2}


def _sage_conv(x, src, dst, Wl, bl, Wr):
    # PyG SAGEConv (mean aggregation): out = lin_l(mean_{j in N(i)} x_j) + lin_r(x_i)
    msgs = jnp.take(x, src, axis=0)
    agg = jax.ops.segment_sum(msgs, dst, num_segments=N)
    deg = jax.ops.segment_sum(jnp.ones((dst.shape[0],), dtype=x.dtype), dst, num_segments=N)
    agg = agg / jnp.clip(deg, 1.0, None)[:, None]
    return agg @ Wl.T + bl + x @ Wr.T


def reference(x, edge_index, Wl1, bl1, Wr1, Wl2, bl2, Wr2):
    src = edge_index[0]
    dst = edge_index[1]
    h = _sage_conv(x, src, dst, Wl1, bl1, Wr1)
    h = jax.nn.relu(h)
    # dropout is identity in eval mode
    h = _sage_conv(h, src, dst, Wl2, bl2, Wr2)
    # F.normalize(p=2, dim=-1) with eps=1e-12
    nrm = jnp.maximum(jnp.linalg.norm(h, axis=-1, keepdims=True), 1e-12)
    return h / nrm

if __name__ == "__main__":
    import jax
    _d = setup_inputs()
    print(jax.jit(kernel)(*tuple(_d.values())))

</pallas_src>

<mosaic_0001>
#map = affine_map<(d0, d1) -> (0, 0)>
#map1 = affine_map<(d0, d1) -> (0, 0, 0)>
module attributes {stable_mosaic.version = 14 : i64} {
  func.func @body(%arg0: i32, %arg1: i32, %arg2: memref<10112x128xbf16, #tpu.memory_space<hbm>>, %arg3: memref<321x8x128xi32, #tpu.memory_space<hbm>>, %arg4: memref<321x8x128xi32, #tpu.memory_space<hbm>>, %arg5: memref<128x8xf32, #tpu.memory_space<hbm>>, %arg6: memref<128x8xf32, #tpu.memory_space<hbm>>, %arg7: memref<2x10112x128xbf16, #tpu.memory_space<hbm>>, %arg8: memref<2x10112x8xf32, #tpu.memory_space<hbm>>, %arg9: memref<10112x128xbf16, #tpu.memory_space<vmem_shared>>, %arg10: memref<!tpu.dma_semaphore, #tpu.memory_space<semaphore_mem>>, %arg11: memref<!tpu.dma_semaphore, #tpu.memory_space<semaphore_mem>>, %arg12: memref<!tpu.dma_semaphore, #tpu.memory_space<semaphore_mem>>, %arg13: memref<!tpu.dma_semaphore, #tpu.memory_space<semaphore_mem>>, %arg14: memref<!tpu.dma_semaphore, #tpu.memory_space<semaphore_mem>>, %arg15: memref<!tpu.dma_semaphore, #tpu.memory_space<semaphore_mem>>, %arg16: memref<10112x8xf32, #tpu.memory_space<vmem_shared>>) attributes {dimension_semantics = [#tpu.dimension_semantics<core_parallel>, #tpu.dimension_semantics<subcore_parallel>], iteration_bounds = array<i64: 2, 16>, scalar_prefetch = 0 : i64, scratch_operands = 8 : i64, tpu.core_type = #tpu.core_type<sc_vector_subcore>, window_params = [{transform_indices = #map}, {transform_indices = #map1}, {transform_indices = #map1}, {transform_indices = #map}, {transform_indices = #map}, {transform_indices = #map1}, {transform_indices = #map1}]} {
    "tpu.region"() ({
      %run_scoped3A = memref.alloca() : memref<2x8x128xi32, #tpu.memory_space<vmem>>
      %run_scoped3A_0 = memref.alloca() : memref<2x8x128xi32, #tpu.memory_space<vmem>>
      %run_scoped3A_1 = memref.alloca() : memref<128x128xbf16, #tpu.memory_space<vmem>>
      %run_scoped3A_2 = memref.alloca() : memref<128x128xbf16, #tpu.memory_space<vmem>>
      %run_scoped3A_3 = memref.alloca() : memref<128x128xbf16, #tpu.memory_space<vmem>>
      %run_scoped3A_4 = memref.alloca() : memref<128x128xbf16, #tpu.memory_space<vmem>>
      %run_scoped3A_5 = memref.alloca() : memref<128x8xf32, #tpu.memory_space<vmem>>
      %run_scoped3A_6 = memref.alloca() : memref<128x8xf32, #tpu.memory_space<vmem>>
      %eq3A = arith.constant 0 : i32
      %eq3A_7 = arith.cmpi eq, %arg0, %eq3A : i32
      %jit3A = arith.constant 19 : i32
      %jit3A_8 = arith.constant 1 : i32
      %select_n3A = arith.select %eq3A_7, %jit3A, %jit3A_8 : i32
      %eq3A_9 = arith.constant 0 : i32
      %eq3A_10 = arith.cmpi eq, %arg0, %eq3A_9 : i32
      %mul3A = arith.constant 19 : i32
      %mul3A_11 = arith.muli %arg1, %mul3A : i32
      %mul3A_12 = arith.constant 1 : i32
      %mul3A_13 = arith.muli %arg1, %mul3A_12 : i32
      %add3A = arith.constant 304 : i32
      %add3A_14 = arith.addi %add3A, %mul3A_13 : i32
      %select_n3A_15 = arith.select %eq3A_10, %mul3A_11, %add3A_14 : i32
      %broadcast_in_dim3A = arith.constant 0.000000e+00 : bf16
      %broadcast_in_dim3A_16 = vector.broadcast %broadcast_in_dim3A : bf16 to vector<32xbf16>
      %scan3A = arith.constant 0 : i32
      %scan3A_17 = arith.constant 0 : i32
      %scan3A_18 = arith.constant 128 : i32
      %scan3A_19 = arith.addi %scan3A_17, %scan3A_18 : i32
      %scan3A_20 = arith.constant 1 : i32
      scf.for %scan3A_74 = %scan3A_17 to %scan3A_19 step %scan3A_20  : i32 {
        %swap3A = arith.index_cast %scan3A_74 : i32 to index
        %swap3A_75 = arith.constant 0 : index
        %swap3A_76 = tpu.vector_load %run_scoped3A_1[%swap3A, %swap3A_75] {strides = array<i32>} : memref<128x128xbf16, #tpu.memory_space<vmem>>, vector<1x32xbf16>,
        %swap3A_77 = vector.shape_cast %swap3A_76 : vector<1x32xbf16> to vector<32xbf16>
        %swap3A_78 = vector.shape_cast %broadcast_in_dim3A_16 : vector<32xbf16> to vector<1x32xbf16>
        tpu.vector_store %run_scoped3A_1[%swap3A, %swap3A_75], %swap3A_78 {strides = array<i32>} : memref<128x128xbf16, #tpu.memory_space<vmem>>, vector<1x32xbf16>,
        %swap3A_79 = arith.index_cast %scan3A_74 : i32 to index
        %swap3A_80 = arith.constant 32 : index
        %swap3A_81 = tpu.vector_load %run_scoped3A_1[%swap3A_79, %swap3A_80] {strides = array<i32>} : memref<128x128xbf16, #tpu.memory_space<vmem>>, vector<1x32xbf16>,
        %swap3A_82 = vector.shape_cast %swap3A_81 : vector<1x32xbf16> to vector<32xbf16>
        %swap3A_83 = vector.shape_cast %broadcast_in_dim3A_16 : vector<32xbf16> to vector<1x32xbf16>
        tpu.vector_store %run_scoped3A_1[%swap3A_79, %swap3A_80], %swap3A_83 {strides = array<i32>} : memref<128x128xbf16, #tpu.memory_space<vmem>>, vector<1x32xbf16>,
        %swap3A_84 = arith.index_cast %scan3A_74 : i32 to index
        %swap3A_85 = arith.constant 64 : index
        %swap3A_86 = tpu.vector_load %run_scoped3A_1[%swap3A_84, %swap3A_85] {strides = array<i32>} : memref<128x128xbf16, #tpu.memory_space<vmem>>, vector<1x32xbf16>,
        %swap3A_87 = vector.shape_cast %swap3A_86 : vector<1x32xbf16> to vector<32xbf16>
        %swap3A_88 = vector.shape_cast %broadcast_in_dim3A_16 : vector<32xbf16> to vector<1x32xbf16>
        tpu.vector_store %run_scoped3A_1[%swap3A_84, %swap3A_85], %swap3A_88 {strides = array<i32>} : memref<128x128xbf16, #tpu.memory_space<vmem>>, vector<1x32xbf16>,
        %swap3A_89 = arith.index_cast %scan3A_74 : i32 to index
        %swap3A_90 = arith.constant 96 : index
        %swap3A_91 = tpu.vector_load %run_scoped3A_1[%swap3A_89, %swap3A_90] {strides = array<i32>} : memref<128x128xbf16, #tpu.memory_space<vmem>>, vector<1x32xbf16>,
        %swap3A_92 = vector.shape_cast %swap3A_91 : vector<1x32xbf16> to vector<32xbf16>
        %swap3A_93 = vector.shape_cast %broadcast_in_dim3A_16 : vector<32xbf16> to vector<1x32xbf16>
        tpu.vector_store %run_scoped3A_1[%swap3A_89, %swap3A_90], %swap3A_93 {strides = array<i32>} : memref<128x128xbf16, #tpu.memory_space<vmem>>, vector<1x32xbf16>,
      }
      %scan3A_21 = arith.constant 128 : i32
      %mul3A_22 = arith.constant 632 : i32
      %mul3A_23 = arith.muli %arg1, %mul3A_22 : i32
      %multiple_of3A = tpu.assume_multiple %mul3A_23, 8 : i32
      %add3A_24 = arith.constant 0 : i32
      %add3A_25 = arith.addi %multiple_of3A, %add3A_24 : i32
      "tpu.region"() ({
        %run_scoped3A_74 = tpu.sem_alloc : memref<!tpu.dma_semaphore, #tpu.memory_space<semaphore_mem>>
        %dma_start3A_75 = arith.constant 0 : i32
        %dma_start3A_76 = arith.constant 0 : i32
        %dma_start3A_77 = tpu.memref_slice %run_scoped3A_1[%dma_start3A_75, %dma_start3A_76] : memref<128x128xbf16, #tpu.memory_space<vmem>> -> memref<128x128xbf16, #tpu.memory_space<vmem>>
        %dma_start3A_78 = arith.constant 0 : i32
        %dma_start3A_79 = tpu.memref_slice %arg9[%add3A_25, %dma_start3A_78] : memref<10112x128xbf16, #tpu.memory_space<vmem_shared>> -> memref<128x128xbf16, #tpu.memory_space<vmem_shared>>
        %dma_start3A_80 = arith.constant 0 : i32
        %dma_start3A_81 = tpu.memref_slice %arg9[%add3A_25, %dma_start3A_80] : memref<10112x128xbf16, #tpu.memory_space<vmem_shared>> -> memref<128x128xbf16, #tpu.memory_space<vmem_shared>>
        %dma_start3A_82 = arith.constant 0 : i32
        %dma_start3A_83 = arith.constant 0 : i32
        %dma_start3A_84 = tpu.memref_slice %run_scoped3A_1[%dma_start3A_82, %dma_start3A_83] : memref<128x128xbf16, #tpu.memory_space<vmem>> -> memref<128x128xbf16, #tpu.memory_space<vmem>>
        tpu.enqueue_dma source(%dma_start3A_84 : memref<128x128xbf16, #tpu.memory_space<vmem>>) target(%dma_start3A_81 : memref<128x128xbf16, #tpu.memory_space<vmem_shared>>) target_semaphore(%run_scoped3A_74 : memref<!tpu.dma_semaphore, #tpu.memory_space<semaphore_mem>>)
        %dma_wait3A = arith.constant 0 : i32
        %dma_wait3A_85 = arith.constant 0 : i32
        %dma_wait3A_86 = tpu.memref_slice %run_scoped3A_1[%dma_wait3A, %dma_wait3A_85] : memref<128x128xbf16, #tpu.memory_space<vmem>> -> memref<128x128xbf16, #tpu.memory_space<vmem>>
        %dma_wait3A_87 = arith.constant 0 : i32
        %dma_wait3A_88 = tpu.memref_slice %arg9[%add3A_25, %dma_wait3A_87] : memref<10112x128xbf16, #tpu.memory_space<vmem_shared>> -> memref<128x128xbf16, #tpu.memory_space<vmem_shared>>
        %dma_wait3A_89 = arith.constant 0 : i32
        %dma_wait3A_90 = tpu.memref_slice %arg9[%add3A_25, %dma_wait3A_89] : memref<10112x128xbf16, #tpu.memory_space<vmem_shared>> -> memref<128x128xbf16, #tpu.memory_space<vmem_shared>>
        %dma_wait3A_91 = arith.constant 0 : i32
        %dma_wait3A_92 = arith.constant 0 : i32
        %dma_wait3A_93 = tpu.memref_slice %run_scoped3A_1[%dma_wait3A_91, %dma_wait3A_92] : memref<128x128xbf16, #tpu.memory_space<vmem>> -> memref<128x128xbf16, #tpu.memory_space<vmem>>
        tpu.wait_dma2 semaphore(%run_scoped3A_74 : memref<!tpu.dma_semaphore, #tpu.memory_space<semaphore_mem>>) src(%dma_wait3A_93 : memref<128x128xbf16, #tpu.memory_space<vmem>>) dst(%dma_wait3A_90 : memref<128x128xbf16, #tpu.memory_space<vmem_shared>>)
        tpu.yield
      }) : () -> ()
      %add3A_26 = arith.constant 128 : i32
      %add3A_27 = arith.addi %multiple_of3A, %add3A_26 : i32
      "tpu.region"() ({
        %run_scoped3A_74 = tpu.sem_alloc : memref<!tpu.dma_semaphore, #tpu.memory_space<semaphore_mem>>
        %dma_start3A_75 = arith.constant 0 : i32
        %dma_start3A_76 = arith.constant 0 : i32
        %dma_start3A_77 = tpu.memref_slice %run_scoped3A_1[%dma_start3A_75, %dma_start3A_76] : memref<128x128xbf16, #tpu.memory_space<vmem>> -> memref<128x128xbf16, #tpu.memory_space<vmem>>
        %dma_start3A_78 = arith.constant 0 : i32
        %dma_start3A_79 = tpu.memref_slice %arg9[%add3A_27, %dma_start3A_78] : memref<10112x128xbf16, #tpu.memory_space<vmem_shared>> -> memref<128x128xbf16, #tpu.memory_space<vmem_shared>>
        %dma_start3A_80 = arith.constant 0 : i32
        %dma_start3A_81 = tpu.memref_slice %arg9[%add3A_27, %dma_start3A_80] : memref<10112x128xbf16, #tpu.memory_space<vmem_shared>> -> memref<128x128xbf16, #tpu.memory_space<vmem_shared>>
        %dma_start3A_82 = arith.constant 0 : i32
        %dma_start3A_83 = arith.constant 0 : i32
        %dma_start3A_84 = tpu.memref_slice %run_scoped3A_1[%dma_start3A_82, %dma_start3A_83] : memref<128x128xbf16, #tpu.memory_space<vmem>> -> memref<128x128xbf16, #tpu.memory_space<vmem>>
        tpu.enqueue_dma source(%dma_start3A_84 : memref<128x128xbf16, #tpu.memory_space<vmem>>) target(%dma_start3A_81 : memref<128x128xbf16, #tpu.memory_space<vmem_shared>>) target_semaphore(%run_scoped3A_74 : memref<!tpu.dma_semaphore, #tpu.memory_space<semaphore_mem>>)
        %dma_wait3A = arith.constant 0 : i32
        %dma_wait3A_85 = arith.constant 0 : i32
        %dma_wait3A_86 = tpu.memref_slice %run_scoped3A_1[%dma_wait3A, %dma_wait3A_85] : memref<128x128xbf16, #tpu.memory_space<vmem>> -> memref<128x128xbf16, #tpu.memory_space<vmem>>
        %dma_wait3A_87 = arith.constant 0 : i32
        %dma_wait3A_88 = tpu.memref_slice %arg9[%add3A_27, %dma_wait3A_87] : memref<10112x128xbf16, #tpu.memory_space<vmem_shared>> -> memref<128x128xbf16, #tpu.memory_space<vmem_shared>>
        %dma_wait3A_89 = arith.constant 0 : i32
        %dma_wait3A_90 = tpu.memref_slice %arg9[%add3A_27, %dma_wait3A_89] : memref<10112x128xbf16, #tpu.memory_space<vmem_shared>> -> memref<128x128xbf16, #tpu.memory_space<vmem_shared>>
        %dma_wait3A_91 = arith.constant 0 : i32
        %dma_wait3A_92 = arith.constant 0 : i32
        %dma_wait3A_93 = tpu.memref_slice %run_scoped3A_1[%dma_wait3A_91, %dma_wait3A_92] : memref<128x128xbf16, #tpu.memory_space<vmem>> -> memref<128x128xbf16, #tpu.memory_space<vmem>>
        tpu.wait_dma2 semaphore(%run_scoped3A_74 : memref<!tpu.dma_semaphore, #tpu.memory_space<semaphore_mem>>) src(%dma_wait3A_93 : memref<128x128xbf16, #tpu.memory_space<vmem>>) dst(%dma_wait3A_90 : memref<128x128xbf16, #tpu.memory_space<vmem_shared>>)
        tpu.yield
      }) : () -> ()
      %add3A_28 = arith.constant 256 : i32
      %add3A_29 = arith.addi %multiple_of3A, %add3A_28 : i32
      "tpu.region"() ({
        %run_scoped3A_74 = tpu.sem_alloc : memref<!tpu.dma_semaphore, #tpu.memory_space<semaphore_mem>>
        %dma_start3A_75 = arith.constant 0 : i32
        %dma_start3A_76 = arith.constant 0 : i32
        %dma_start3A_77 = tpu.memref_slice %run_scoped3A_1[%dma_start3A_75, %dma_start3A_76] : memref<128x128xbf16, #tpu.memory_space<vmem>> -> memref<128x128xbf16, #tpu.memory_space<vmem>>
        %dma_start3A_78 = arith.constant 0 : i32
        %dma_start3A_79 = tpu.memref_slice %arg9[%add3A_29, %dma_start3A_78] : memref<10112x128xbf16, #tpu.memory_space<vmem_shared>> -> memref<128x128xbf16, #tpu.memory_space<vmem_shared>>
        %dma_start3A_80 = arith.constant 0 : i32
        %dma_start3A_81 = tpu.memref_slice %arg9[%add3A_29, %dma_start3A_80] : memref<10112x128xbf16, #tpu.memory_space<vmem_shared>> -> memref<128x128xbf16, #tpu.memory_space<vmem_shared>>
        %dma_start3A_82 = arith.constant 0 : i32
        %dma_start3A_83 = arith.constant 0 : i32
        %dma_start3A_84 = tpu.memref_slice %run_scoped3A_1[%dma_start3A_82, %dma_start3A_83] : memref<128x128xbf16, #tpu.memory_space<vmem>> -> memref<128x128xbf16, #tpu.memory_space<vmem>>
        tpu.enqueue_dma source(%dma_start3A_84 : memref<128x128xbf16, #tpu.memory_space<vmem>>) target(%dma_start3A_81 : memref<128x128xbf16, #tpu.memory_space<vmem_shared>>) target_semaphore(%run_scoped3A_74 : memref<!tpu.dma_semaphore, #tpu.memory_space<semaphore_mem>>)
        %dma_wait3A = arith.constant 0 : i32
        %dma_wait3A_85 = arith.constant 0 : i32
        %dma_wait3A_86 = tpu.memref_slice %run_scoped3A_1[%dma_wait3A, %dma_wait3A_85] : memref<128x128xbf16, #tpu.memory_space<vmem>> -> memref<128x128xbf16, #tpu.memory_space<vmem>>
        %dma_wait3A_87 = arith.constant 0 : i32
        %dma_wait3A_88 = tpu.memref_slice %arg9[%add3A_29, %dma_wait3A_87] : memref<10112x128xbf16, #tpu.memory_space<vmem_shared>> -> memref<128x128xbf16, #tpu.memory_space<vmem_shared>>
        %dma_wait3A_89 = arith.constant 0 : i32
        %dma_wait3A_90 = tpu.memref_slice %arg9[%add3A_29, %dma_wait3A_89] : memref<10112x128xbf16, #tpu.memory_space<vmem_shared>> -> memref<128x128xbf16, #tpu.memory_space<vmem_shared>>
        %dma_wait3A_91 = arith.constant 0 : i32
        %dma_wait3A_92 = arith.constant 0 : i32
        %dma_wait3A_93 = tpu.memref_slice %run_scoped3A_1[%dma_wait3A_91, %dma_wait3A_92] : memref<128x128xbf16, #tpu.memory_space<vmem>> -> memref<128x128xbf16, #tpu.memory_space<vmem>>
        tpu.wait_dma2 semaphore(%run_scoped3A_74 : memref<!tpu.dma_semaphore, #tpu.memory_space<semaphore_mem>>) src(%dma_wait3A_93 : memref<128x128xbf16, #tpu.memory_space<vmem>>) dst(%dma_wait3A_90 : memref<128x128xbf16, #tpu.memory_space<vmem_shared>>)
        tpu.yield
      }) : () -> ()
      %add3A_30 = arith.constant 384 : i32
      %add3A_31 = arith.addi %multiple_of3A, %add3A_30 : i32
      "tpu.region"() ({
        %run_scoped3A_74 = tpu.sem_alloc : memref<!tpu.dma_semaphore, #tpu.memory_space<semaphore_mem>>
        %dma_start3A_75 = arith.constant 0 : i32
        %dma_start3A_76 = arith.constant 0 : i32
        %dma_start3A_77 = tpu.memref_slice %run_scoped3A_1[%dma_start3A_75, %dma_start3A_76] : memref<128x128xbf16, #tpu.memory_space<vmem>> -> memref<128x128xbf16, #tpu.memory_space<vmem>>
        %dma_start3A_78 = arith.constant 0 : i32
        %dma_start3A_79 = tpu.memref_slice %arg9[%add3A_31, %dma_start3A_78] : memref<10112x128xbf16, #tpu.memory_space<vmem_shared>> -> memref<128x128xbf16, #tpu.memory_space<vmem_shared>>
        %dma_start3A_80 = arith.constant 0 : i32
        %dma_start3A_81 = tpu.memref_slice %arg9[%add3A_31, %dma_start3A_80] : memref<10112x128xbf16, #tpu.memory_space<vmem_shared>> -> memref<128x128xbf16, #tpu.memory_space<vmem_shared>>
        %dma_start3A_82 = arith.constant 0 : i32
        %dma_start3A_83 = arith.constant 0 : i32
        %dma_start3A_84 = tpu.memref_slice %run_scoped3A_1[%dma_start3A_82, %dma_start3A_83] : memref<128x128xbf16, #tpu.memory_space<vmem>> -> memref<128x128xbf16, #tpu.memory_space<vmem>>
        tpu.enqueue_dma source(%dma_start3A_84 : memref<128x128xbf16, #tpu.memory_space<vmem>>) target(%dma_start3A_81 : memref<128x128xbf16, #tpu.memory_space<vmem_shared>>) target_semaphore(%run_scoped3A_74 : memref<!tpu.dma_semaphore, #tpu.memory_space<semaphore_mem>>)
        %dma_wait3A = arith.constant 0 : i32
        %dma_wait3A_85 = arith.constant 0 : i32
        %dma_wait3A_86 = tpu.memref_slice %run_scoped3A_1[%dma_wait3A, %dma_wait3A_85] : memref<128x128xbf16, #tpu.memory_space<vmem>> -> memref<128x128xbf16, #tpu.memory_space<vmem>>
        %dma_wait3A_87 = arith.constant 0 : i32
        %dma_wait3A_88 = tpu.memref_slice %arg9[%add3A_31, %dma_wait3A_87] : memref<10112x128xbf16, #tpu.memory_space<vmem_shared>> -> memref<128x128xbf16, #tpu.memory_space<vmem_shared>>
        %dma_wait3A_89 = arith.constant 0 : i32
        %dma_wait3A_90 = tpu.memref_slice %arg9[%add3A_31, %dma_wait3A_89] : memref<10112x128xbf16, #tpu.memory_space<vmem_shared>> -> memref<128x128xbf16, #tpu.memory_space<vmem_shared>>
        %dma_wait3A_91 = arith.constant 0 : i32
        %dma_wait3A_92 = arith.constant 0 : i32
        %dma_wait3A_93 = tpu.memref_slice %run_scoped3A_1[%dma_wait3A_91, %dma_wait3A_92] : memref<128x128xbf16, #tpu.memory_space<vmem>> -> memref<128x128xbf16, #tpu.memory_space<vmem>>
        tpu.wait_dma2 semaphore(%run_scoped3A_74 : memref<!tpu.dma_semaphore, #tpu.memory_space<semaphore_mem>>) src(%dma_wait3A_93 : memref<128x128xbf16, #tpu.memory_space<vmem>>) dst(%dma_wait3A_90 : memref<128x128xbf16, #tpu.memory_space<vmem_shared>>)
        tpu.yield
      }) : () -> ()
      %add3A_32 = arith.constant 512 : i32
      %add3A_33 = arith.addi %multiple_of3A, %add3A_32 : i32
      "tpu.region"() ({
        %run_scoped3A_74 = tpu.sem_alloc : memref<!tpu.dma_semaphore, #tpu.memory_space<semaphore_mem>>
        %dma_start3A_75 = arith.constant 0 : i32
        %dma_start3A_76 = arith.constant 0 : i32
        %dma_start3A_77 = tpu.memref_slice %run_scoped3A_1[%dma_start3A_75, %dma_start3A_76] : memref<128x128xbf16, #tpu.memory_space<vmem>> -> memref<120x128xbf16, #tpu.memory_space<vmem>>
        %dma_start3A_78 = arith.constant 0 : i32
        %dma_start3A_79 = tpu.memref_slice %arg9[%add3A_33, %dma_start3A_78] : memref<10112x128xbf16, #tpu.memory_space<vmem_shared>> -> memref<120x128xbf16, #tpu.memory_space<vmem_shared>>
        %dma_start3A_80 = arith.constant 0 : i32
        %dma_start3A_81 = tpu.memref_slice %arg9[%add3A_33, %dma_start3A_80] : memref<10112x128xbf16, #tpu.memory_space<vmem_shared>> -> memref<120x128xbf16, #tpu.memory_space<vmem_shared>>
        %dma_start3A_82 = arith.constant 0 : i32
        %dma_start3A_83 = arith.constant 0 : i32
        %dma_start3A_84 = tpu.memref_slice %run_scoped3A_1[%dma_start3A_82, %dma_start3A_83] : memref<128x128xbf16, #tpu.memory_space<vmem>> -> memref<120x128xbf16, #tpu.memory_space<vmem>>
        tpu.enqueue_dma source(%dma_start3A_84 : memref<120x128xbf16, #tpu.memory_space<vmem>>) target(%dma_start3A_81 : memref<120x128xbf16, #tpu.memory_space<vmem_shared>>) target_semaphore(%run_scoped3A_74 : memref<!tpu.dma_semaphore, #tpu.memory_space<semaphore_mem>>)
        %dma_wait3A = arith.constant 0 : i32
        %dma_wait3A_85 = arith.constant 0 : i32
        %dma_wait3A_86 = tpu.memref_slice %run_scoped3A_1[%dma_wait3A, %dma_wait3A_85] : memref<128x128xbf16, #tpu.memory_space<vmem>> -> memref<120x128xbf16, #tpu.memory_space<vmem>>
        %dma_wait3A_87 = arith.constant 0 : i32
        %dma_wait3A_88 = tpu.memref_slice %arg9[%add3A_33, %dma_wait3A_87] : memref<10112x128xbf16, #tpu.memory_space<vmem_shared>> -> memref<120x128xbf16, #tpu.memory_space<vmem_shared>>
        %dma_wait3A_89 = arith.constant 0 : i32
        %dma_wait3A_90 = tpu.memref_slice %arg9[%add3A_33, %dma_wait3A_89] : memref<10112x128xbf16, #tpu.memory_space<vmem_shared>> -> memref<120x128xbf16, #tpu.memory_space<vmem_shared>>
        %dma_wait3A_91 = arith.constant 0 : i32
        %dma_wait3A_92 = arith.constant 0 : i32
        %dma_wait3A_93 = tpu.memref_slice %run_scoped3A_1[%dma_wait3A_91, %dma_wait3A_92] : memref<128x128xbf16, #tpu.memory_space<vmem>> -> memref<120x128xbf16, #tpu.memory_space<vmem>>
        tpu.wait_dma2 semaphore(%run_scoped3A_74 : memref<!tpu.dma_semaphore, #tpu.memory_space<semaphore_mem>>) src(%dma_wait3A_93 : memref<120x128xbf16, #tpu.memory_space<vmem>>) dst(%dma_wait3A_90 : memref<120x128xbf16, #tpu.memory_space<vmem_shared>>)
        tpu.yield
      }) : () -> ()
      "tpu.region"() ({
        %run_scoped3A_74 = tpu.sem_alloc : memref<!tpu.dma_semaphore, #tpu.memory_space<semaphore_mem>>
        tpu.enqueue_dma source(%arg5 : memref<128x8xf32, #tpu.memory_space<hbm>>) target(%run_scoped3A_5 : memref<128x8xf32, #tpu.memory_space<vmem>>) target_semaphore(%run_scoped3A_74 : memref<!tpu.dma_semaphore, #tpu.memory_space<semaphore_mem>>)
        tpu.wait_dma2 semaphore(%run_scoped3A_74 : memref<!tpu.dma_semaphore, #tpu.memory_space<semaphore_mem>>) src(%arg5 : memref<128x8xf32, #tpu.memory_space<hbm>>) dst(%run_scoped3A_5 : memref<128x8xf32, #tpu.memory_space<vmem>>)
        tpu.yield
      }) : () -> ()
      "tpu.region"() ({
        %run_scoped3A_74 = tpu.sem_alloc : memref<!tpu.dma_semaphore, #tpu.memory_space<semaphore_mem>>
        tpu.enqueue_dma source(%arg6 : memref<128x8xf32, #tpu.memory_space<hbm>>) target(%run_scoped3A_6 : memref<128x8xf32, #tpu.memory_space<vmem>>) target_semaphore(%run_scoped3A_74 : memref<!tpu.dma_semaphore, #tpu.memory_space<semaphore_mem>>)
        tpu.wait_dma2 semaphore(%run_scoped3A_74 : memref<!tpu.dma_semaphore, #tpu.memory_space<semaphore_mem>>) src(%arg6 : memref<128x8xf32, #tpu.memory_space<hbm>>) dst(%run_scoped3A_6 : memref<128x8xf32, #tpu.memory_space<vmem>>)
        tpu.yield
      }) : () -> ()
      %add3A_34 = arith.constant 0 : i32
      %add3A_35 = arith.addi %multiple_of3A, %add3A_34 : i32
      "tpu.region"() ({
        %run_scoped3A_74 = tpu.sem_alloc : memref<!tpu.dma_semaphore, #tpu.memory_space<semaphore_mem>>
        %dma_start3A_75 = arith.constant 0 : i32
        %dma_start3A_76 = arith.constant 0 : i32
        %dma_start3A_77 = tpu.memref_slice %run_scoped3A_6[%dma_start3A_75, %dma_start3A_76] : memref<128x8xf32, #tpu.memory_space<vmem>> -> memref<128x8xf32, #tpu.memory_space<vmem>>
        %dma_start3A_78 = arith.constant 0 : i32
        %dma_start3A_79 = tpu.memref_slice %arg16[%add3A_35, %dma_start3A_78] : memref<10112x8xf32, #tpu.memory_space<vmem_shared>> -> memref<128x8xf32, #tpu.memory_space<vmem_shared>>
        %dma_start3A_80 = arith.constant 0 : i32
        %dma_start3A_81 = tpu.memref_slice %arg16[%add3A_35, %dma_start3A_80] : memref<10112x8xf32, #tpu.memory_space<vmem_shared>> -> memref<128x8xf32, #tpu.memory_space<vmem_shared>>
        %dma_start3A_82 = arith.constant 0 : i32
        %dma_start3A_83 = arith.constant 0 : i32
        %dma_start3A_84 = tpu.memref_slice %run_scoped3A_6[%dma_start3A_82, %dma_start3A_83] : memref<128x8xf32, #tpu.memory_space<vmem>> -> memref<128x8xf32, #tpu.memory_space<vmem>>
        tpu.enqueue_dma source(%dma_start3A_84 : memref<128x8xf32, #tpu.memory_space<vmem>>) target(%dma_start3A_81 : memref<128x8xf32, #tpu.memory_space<vmem_shared>>) target_semaphore(%run_scoped3A_74 : memref<!tpu.dma_semaphore, #tpu.memory_space<semaphore_mem>>)
        %dma_wait3A = arith.constant 0 : i32
        %dma_wait3A_85 = arith.constant 0 : i32
        %dma_wait3A_86 = tpu.memref_slice %run_scoped3A_6[%dma_wait3A, %dma_wait3A_85] : memref<128x8xf32, #tpu.memory_space<vmem>> -> memref<128x8xf32, #tpu.memory_space<vmem>>
        %dma_wait3A_87 = arith.constant 0 : i32
        %dma_wait3A_88 = tpu.memref_slice %arg16[%add3A_35, %dma_wait3A_87] : memref<10112x8xf32, #tpu.memory_space<vmem_shared>> -> memref<128x8xf32, #tpu.memory_space<vmem_shared>>
        %dma_wait3A_89 = arith.constant 0 : i32
        %dma_wait3A_90 = tpu.memref_slice %arg16[%add3A_35, %dma_wait3A_89] : memref<10112x8xf32, #tpu.memory_space<vmem_shared>> -> memref<128x8xf32, #tpu.memory_space<vmem_shared>>
        %dma_wait3A_91 = arith.constant 0 : i32
        %dma_wait3A_92 = arith.constant 0 : i32
        %dma_wait3A_93 = tpu.memref_slice %run_scoped3A_6[%dma_wait3A_91, %dma_wait3A_92] : memref<128x8xf32, #tpu.memory_space<vmem>> -> memref<128x8xf32, #tpu.memory_space<vmem>>
        tpu.wait_dma2 semaphore(%run_scoped3A_74 : memref<!tpu.dma_semaphore, #tpu.memory_space<semaphore_mem>>) src(%dma_wait3A_93 : memref<128x8xf32, #tpu.memory_space<vmem>>) dst(%dma_wait3A_90 : memref<128x8xf32, #tpu.memory_space<vmem_shared>>)
        tpu.yield
      }) : () -> ()
      %add3A_36 = arith.constant 128 : i32
      %add3A_37 = arith.addi %multiple_of3A, %add3A_36 : i32
      "tpu.region"() ({
        %run_scoped3A_74 = tpu.sem_alloc : memref<!tpu.dma_semaphore, #tpu.memory_space<semaphore_mem>>
        %dma_start3A_75 = arith.constant 0 : i32
        %dma_start3A_76 = arith.constant 0 : i32
        %dma_start3A_77 = tpu.memref_slice %run_scoped3A_6[%dma_start3A_75, %dma_start3A_76] : memref<128x8xf32, #tpu.memory_space<vmem>> -> memref<128x8xf32, #tpu.memory_space<vmem>>
        %dma_start3A_78 = arith.constant 0 : i32
        %dma_start3A_79 = tpu.memref_slice %arg16[%add3A_37, %dma_start3A_78] : memref<10112x8xf32, #tpu.memory_space<vmem_shared>> -> memref<128x8xf32, #tpu.memory_space<vmem_shared>>
        %dma_start3A_80 = arith.constant 0 : i32
        %dma_start3A_81 = tpu.memref_slice %arg16[%add3A_37, %dma_start3A_80] : memref<10112x8xf32, #tpu.memory_space<vmem_shared>> -> memref<128x8xf32, #tpu.memory_space<vmem_shared>>
        %dma_start3A_82 = arith.constant 0 : i32
        %dma_start3A_83 = arith.constant 0 : i32
        %dma_start3A_84 = tpu.memref_slice %run_scoped3A_6[%dma_start3A_82, %dma_start3A_83] : memref<128x8xf32, #tpu.memory_space<vmem>> -> memref<128x8xf32, #tpu.memory_space<vmem>>
        tpu.enqueue_dma source(%dma_start3A_84 : memref<128x8xf32, #tpu.memory_space<vmem>>) target(%dma_start3A_81 : memref<128x8xf32, #tpu.memory_space<vmem_shared>>) target_semaphore(%run_scoped3A_74 : memref<!tpu.dma_semaphore, #tpu.memory_space<semaphore_mem>>)
        %dma_wait3A = arith.constant 0 : i32
        %dma_wait3A_85 = arith.constant 0 : i32
        %dma_wait3A_86 = tpu.memref_slice %run_scoped3A_6[%dma_wait3A, %dma_wait3A_85] : memref<128x8xf32, #tpu.memory_space<vmem>> -> memref<128x8xf32, #tpu.memory_space<vmem>>
        %dma_wait3A_87 = arith.constant 0 : i32
        %dma_wait3A_88 = tpu.memref_slice %arg16[%add3A_37, %dma_wait3A_87] : memref<10112x8xf32, #tpu.memory_space<vmem_shared>> -> memref<128x8xf32, #tpu.memory_space<vmem_shared>>
        %dma_wait3A_89 = arith.constant 0 : i32
        %dma_wait3A_90 = tpu.memref_slice %arg16[%add3A_37, %dma_wait3A_89] : memref<10112x8xf32, #tpu.memory_space<vmem_shared>> -> memref<128x8xf32, #tpu.memory_space<vmem_shared>>
        %dma_wait3A_91 = arith.constant 0 : i32
        %dma_wait3A_92 = arith.constant 0 : i32
        %dma_wait3A_93 = tpu.memref_slice %run_scoped3A_6[%dma_wait3A_91, %dma_wait3A_92] : memref<128x8xf32, #tpu.memory_space<vmem>> -> memref<128x8xf32, #tpu.memory_space<vmem>>
        tpu.wait_dma2 semaphore(%run_scoped3A_74 : memref<!tpu.dma_semaphore, #tpu.memory_space<semaphore_mem>>) src(%dma_wait3A_93 : memref<128x8xf32, #tpu.memory_space<vmem>>) dst(%dma_wait3A_90 : memref<128x8xf32, #tpu.memory_space<vmem_shared>>)
        tpu.yield
      }) : () -> ()
      %add3A_38 = arith.constant 256 : i32
      %add3A_39 = arith.addi %multiple_of3A, %add3A_38 : i32
      "tpu.region"() ({
        %run_scoped3A_74 = tpu.sem_alloc : memref<!tpu.dma_semaphore, #tpu.memory_space<semaphore_mem>>
        %dma_start3A_75 = arith.constant 0 : i32
        %dma_start3A_76 = arith.constant 0 : i32
        %dma_start3A_77 = tpu.memref_slice %run_scoped3A_6[%dma_start3A_75, %dma_start3A_76] : memref<128x8xf32, #tpu.memory_space<vmem>> -> memref<128x8xf32, #tpu.memory_space<vmem>>
        %dma_start3A_78 = arith.constant 0 : i32
        %dma_start3A_79 = tpu.memref_slice %arg16[%add3A_39, %dma_start3A_78] : memref<10112x8xf32, #tpu.memory_space<vmem_shared>> -> memref<128x8xf32, #tpu.memory_space<vmem_shared>>
        %dma_start3A_80 = arith.constant 0 : i32
        %dma_start3A_81 = tpu.memref_slice %arg16[%add3A_39, %dma_start3A_80] : memref<10112x8xf32, #tpu.memory_space<vmem_shared>> -> memref<128x8xf32, #tpu.memory_space<vmem_shared>>
        %dma_start3A_82 = arith.constant 0 : i32
        %dma_start3A_83 = arith.constant 0 : i32
        %dma_start3A_84 = tpu.memref_slice %run_scoped3A_6[%dma_start3A_82, %dma_start3A_83] : memref<128x8xf32, #tpu.memory_space<vmem>> -> memref<128x8xf32, #tpu.memory_space<vmem>>
        tpu.enqueue_dma source(%dma_start3A_84 : memref<128x8xf32, #tpu.memory_space<vmem>>) target(%dma_start3A_81 : memref<128x8xf32, #tpu.memory_space<vmem_shared>>) target_semaphore(%run_scoped3A_74 : memref<!tpu.dma_semaphore, #tpu.memory_space<semaphore_mem>>)
        %dma_wait3A = arith.constant 0 : i32
        %dma_wait3A_85 = arith.constant 0 : i32
        %dma_wait3A_86 = tpu.memref_slice %run_scoped3A_6[%dma_wait3A, %dma_wait3A_85] : memref<128x8xf32, #tpu.memory_space<vmem>> -> memref<128x8xf32, #tpu.memory_space<vmem>>
        %dma_wait3A_87 = arith.constant 0 : i32
        %dma_wait3A_88 = tpu.memref_slice %arg16[%add3A_39, %dma_wait3A_87] : memref<10112x8xf32, #tpu.memory_space<vmem_shared>> -> memref<128x8xf32, #tpu.memory_space<vmem_shared>>
        %dma_wait3A_89 = arith.constant 0 : i32
        %dma_wait3A_90 = tpu.memref_slice %arg16[%add3A_39, %dma_wait3A_89] : memref<10112x8xf32, #tpu.memory_space<vmem_shared>> -> memref<128x8xf32, #tpu.memory_space<vmem_shared>>
        %dma_wait3A_91 = arith.constant 0 : i32
        %dma_wait3A_92 = arith.constant 0 : i32
        %dma_wait3A_93 = tpu.memref_slice %run_scoped3A_6[%dma_wait3A_91, %dma_wait3A_92] : memref<128x8xf32, #tpu.memory_space<vmem>> -> memref<128x8xf32, #tpu.memory_space<vmem>>
        tpu.wait_dma2 semaphore(%run_scoped3A_74 : memref<!tpu.dma_semaphore, #tpu.memory_space<semaphore_mem>>) src(%dma_wait3A_93 : memref<128x8xf32, #tpu.memory_space<vmem>>) dst(%dma_wait3A_90 : memref<128x8xf32, #tpu.memory_space<vmem_shared>>)
        tpu.yield
      }) : () -> ()
      %add3A_40 = arith.constant 384 : i32
      %add3A_41 = arith.addi %multiple_of3A, %add3A_40 : i32
      "tpu.region"() ({
        %run_scoped3A_74 = tpu.sem_alloc : memref<!tpu.dma_semaphore, #tpu.memory_space<semaphore_mem>>
        %dma_start3A_75 = arith.constant 0 : i32
        %dma_start3A_76 = arith.constant 0 : i32
        %dma_start3A_77 = tpu.memref_slice %run_scoped3A_6[%dma_start3A_75, %dma_start3A_76] : memref<128x8xf32, #tpu.memory_space<vmem>> -> memref<128x8xf32, #tpu.memory_space<vmem>>
        %dma_start3A_78 = arith.constant 0 : i32
        %dma_start3A_79 = tpu.memref_slice %arg16[%add3A_41, %dma_start3A_78] : memref<10112x8xf32, #tpu.memory_space<vmem_shared>> -> memref<128x8xf32, #tpu.memory_space<vmem_shared>>
        %dma_start3A_80 = arith.constant 0 : i32
        %dma_start3A_81 = tpu.memref_slice %arg16[%add3A_41, %dma_start3A_80] : memref<10112x8xf32, #tpu.memory_space<vmem_shared>> -> memref<128x8xf32, #tpu.memory_space<vmem_shared>>
        %dma_start3A_82 = arith.constant 0 : i32
        %dma_start3A_83 = arith.constant 0 : i32
        %dma_start3A_84 = tpu.memref_slice %run_scoped3A_6[%dma_start3A_82, %dma_start3A_83] : memref<128x8xf32, #tpu.memory_space<vmem>> -> memref<128x8xf32, #tpu.memory_space<vmem>>
        tpu.enqueue_dma source(%dma_start3A_84 : memref<128x8xf32, #tpu.memory_space<vmem>>) target(%dma_start3A_81 : memref<128x8xf32, #tpu.memory_space<vmem_shared>>) target_semaphore(%run_scoped3A_74 : memref<!tpu.dma_semaphore, #tpu.memory_space<semaphore_mem>>)
        %dma_wait3A = arith.constant 0 : i32
        %dma_wait3A_85 = arith.constant 0 : i32
        %dma_wait3A_86 = tpu.memref_slice %run_scoped3A_6[%dma_wait3A, %dma_wait3A_85] : memref<128x8xf32, #tpu.memory_space<vmem>> -> memref<128x8xf32, #tpu.memory_space<vmem>>
        %dma_wait3A_87 = arith.constant 0 : i32
        %dma_wait3A_88 = tpu.memref_slice %arg16[%add3A_41, %dma_wait3A_87] : memref<10112x8xf32, #tpu.memory_space<vmem_shared>> -> memref<128x8xf32, #tpu.memory_space<vmem_shared>>
        %dma_wait3A_89 = arith.constant 0 : i32
        %dma_wait3A_90 = tpu.memref_slice %arg16[%add3A_41, %dma_wait3A_89] : memref<10112x8xf32, #tpu.memory_space<vmem_shared>> -> memref<128x8xf32, #tpu.memory_space<vmem_shared>>
        %dma_wait3A_91 = arith.constant 0 : i32
        %dma_wait3A_92 = arith.constant 0 : i32
        %dma_wait3A_93 = tpu.memref_slice %run_scoped3A_6[%dma_wait3A_91, %dma_wait3A_92] : memref<128x8xf32, #tpu.memory_space<vmem>> -> memref<128x8xf32, #tpu.memory_space<vmem>>
        tpu.wait_dma2 semaphore(%run_scoped3A_74 : memref<!tpu.dma_semaphore, #tpu.memory_space<semaphore_mem>>) src(%dma_wait3A_93 : memref<128x8xf32, #tpu.memory_space<vmem>>) dst(%dma_wait3A_90 : memref<128x8xf32, #tpu.memory_space<vmem_shared>>)
        tpu.yield
      }) : () -> ()
      %add3A_42 = arith.constant 512 : i32
      %add3A_43 = arith.addi %multiple_of3A, %add3A_42 : i32
      "tpu.region"() ({
        %run_scoped3A_74 = tpu.sem_alloc : memref<!tpu.dma_semaphore, #tpu.memory_space<semaphore_mem>>
        %dma_start3A_75 = arith.constant 0 : i32
        %dma_start3A_76 = arith.constant 0 : i32
        %dma_start3A_77 = tpu.memref_slice %run_scoped3A_6[%dma_start3A_75, %dma_start3A_76] : memref<128x8xf32, #tpu.memory_space<vmem>> -> memref<120x8xf32, #tpu.memory_space<vmem>>
        %dma_start3A_78 = arith.constant 0 : i32
        %dma_start3A_79 = tpu.memref_slice %arg16[%add3A_43, %dma_start3A_78] : memref<10112x8xf32, #tpu.memory_space<vmem_shared>> -> memref<120x8xf32, #tpu.memory_space<vmem_shared>>
        %dma_start3A_80 = arith.constant 0 : i32
        %dma_start3A_81 = tpu.memref_slice %arg16[%add3A_43, %dma_start3A_80] : memref<10112x8xf32, #tpu.memory_space<vmem_shared>> -> memref<120x8xf32, #tpu.memory_space<vmem_shared>>
        %dma_start3A_82 = arith.constant 0 : i32
        %dma_start3A_83 = arith.constant 0 : i32
        %dma_start3A_84 = tpu.memref_slice %run_scoped3A_6[%dma_start3A_82, %dma_start3A_83] : memref<128x8xf32, #tpu.memory_space<vmem>> -> memref<120x8xf32, #tpu.memory_space<vmem>>
        tpu.enqueue_dma source(%dma_start3A_84 : memref<120x8xf32, #tpu.memory_space<vmem>>) target(%dma_start3A_81 : memref<120x8xf32, #tpu.memory_space<vmem_shared>>) target_semaphore(%run_scoped3A_74 : memref<!tpu.dma_semaphore, #tpu.memory_space<semaphore_mem>>)
        %dma_wait3A = arith.constant 0 : i32
        %dma_wait3A_85 = arith.constant 0 : i32
        %dma_wait3A_86 = tpu.memref_slice %run_scoped3A_6[%dma_wait3A, %dma_wait3A_85] : memref<128x8xf32, #tpu.memory_space<vmem>> -> memref<120x8xf32, #tpu.memory_space<vmem>>
        %dma_wait3A_87 = arith.constant 0 : i32
        %dma_wait3A_88 = tpu.memref_slice %arg16[%add3A_43, %dma_wait3A_87] : memref<10112x8xf32, #tpu.memory_space<vmem_shared>> -> memref<120x8xf32, #tpu.memory_space<vmem_shared>>
        %dma_wait3A_89 = arith.constant 0 : i32
        %dma_wait3A_90 = tpu.memref_slice %arg16[%add3A_43, %dma_wait3A_89] : memref<10112x8xf32, #tpu.memory_space<vmem_shared>> -> memref<120x8xf32, #tpu.memory_space<vmem_shared>>
        %dma_wait3A_91 = arith.constant 0 : i32
        %dma_wait3A_92 = arith.constant 0 : i32
        %dma_wait3A_93 = tpu.memref_slice %run_scoped3A_6[%dma_wait3A_91, %dma_wait3A_92] : memref<128x8xf32, #tpu.memory_space<vmem>> -> memref<120x8xf32, #tpu.memory_space<vmem>>
        tpu.wait_dma2 semaphore(%run_scoped3A_74 : memref<!tpu.dma_semaphore, #tpu.memory_space<semaphore_mem>>) src(%dma_wait3A_93 : memref<120x8xf32, #tpu.memory_space<vmem>>) dst(%dma_wait3A_90 : memref<120x8xf32, #tpu.memory_space<vmem_shared>>)
        tpu.yield
      }) : () -> ()
      %barrier3A = arith.constant 0 : index
      tpu.barrier barrier_id(%barrier3A)
      %run_scoped3A_44 = arith.constant 0 : i32
      "tpu.region"() ({
        %run_scoped3A_74 = tpu.sem_alloc : memref<!tpu.dma_semaphore, #tpu.memory_space<semaphore_mem>>
        %dma_start3A_75 = arith.constant 0 : i32
        %dma_start3A_76 = arith.constant 0 : i32
        %dma_start3A_77 = tpu.memref_slice %run_scoped3A[%run_scoped3A_44, %dma_start3A_75, %dma_start3A_76] : memref<2x8x128xi32, #tpu.memory_space<vmem>> -> memref<1x8x128xi32, #tpu.memory_space<vmem>>
        %dma_start3A_78 = tpu.memref_squeeze %dma_start3A_77 : memref<1x8x128xi32, #tpu.memory_space<vmem>> -> memref<8x128xi32, #tpu.memory_space<vmem>>
        %dma_start3A_79 = arith.constant 0 : i32
        %dma_start3A_80 = arith.constant 0 : i32
        %dma_start3A_81 = tpu.memref_slice %arg3[%select_n3A_15, %dma_start3A_79, %dma_start3A_80] : memref<321x8x128xi32, #tpu.memory_space<hbm>> -> memref<1x8x128xi32, #tpu.memory_space<hbm>>
        %dma_start3A_82 = tpu.memref_squeeze %dma_start3A_81 : memref<1x8x128xi32, #tpu.memory_space<hbm>> -> memref<8x128xi32, #tpu.memory_space<hbm>>
        %dma_start3A_83 = arith.constant 0 : i32
        %dma_start3A_84 = arith.constant 0 : i32
        %dma_start3A_85 = tpu.memref_slice %run_scoped3A[%run_scoped3A_44, %dma_start3A_83, %dma_start3A_84] : memref<2x8x128xi32, #tpu.memory_space<vmem>> -> memref<1x8x128xi32, #tpu.memory_space<vmem>>
        %dma_start3A_86 = tpu.memref_squeeze %dma_start3A_85 : memref<1x8x128xi32, #tpu.memory_space<vmem>> -> memref<8x128xi32, #tpu.memory_space<vmem>>
        %dma_start3A_87 = arith.constant 0 : i32
        %dma_start3A_88 = arith.constant 0 : i32
        %dma_start3A_89 = tpu.memref_slice %arg3[%select_n3A_15, %dma_start3A_87, %dma_start3A_88] : memref<321x8x128xi32, #tpu.memory_space<hbm>> -> memref<1x8x128xi32, #tpu.memory_space<hbm>>
        %dma_start3A_90 = tpu.memref_squeeze %dma_start3A_89 : memref<1x8x128xi32, #tpu.memory_space<hbm>> -> memref<8x128xi32, #tpu.memory_space<hbm>>
        tpu.enqueue_dma source(%dma_start3A_90 : memref<8x128xi32, #tpu.memory_space<hbm>>) target(%dma_start3A_86 : memref<8x128xi32, #tpu.memory_space<vmem>>) target_semaphore(%run_scoped3A_74 : memref<!tpu.dma_semaphore, #tpu.memory_space<semaphore_mem>>)
        %dma_wait3A = arith.constant 0 : i32
        %dma_wait3A_91 = arith.constant 0 : i32
        %dma_wait3A_92 = tpu.memref_slice %run_scoped3A[%run_scoped3A_44, %dma_wait3A, %dma_wait3A_91] : memref<2x8x128xi32, #tpu.memory_space<vmem>> -> memref<1x8x128xi32, #tpu.memory_space<vmem>>
        %dma_wait3A_93 = tpu.memref_squeeze %dma_wait3A_92 : memref<1x8x128xi32, #tpu.memory_space<vmem>> -> memref<8x128xi32, #tpu.memory_space<vmem>>
        %dma_wait3A_94 = arith.constant 0 : i32
        %dma_wait3A_95 = arith.constant 0 : i32
        %dma_wait3A_96 = tpu.memref_slice %arg3[%select_n3A_15, %dma_wait3A_94, %dma_wait3A_95] : memref<321x8x128xi32, #tpu.memory_space<hbm>> -> memref<1x8x128xi32, #tpu.memory_space<hbm>>
        %dma_wait3A_97 = tpu.memref_squeeze %dma_wait3A_96 : memref<1x8x128xi32, #tpu.memory_space<hbm>> -> memref<8x128xi32, #tpu.memory_space<hbm>>
        %dma_wait3A_98 = arith.constant 0 : i32
        %dma_wait3A_99 = arith.constant 0 : i32
        %dma_wait3A_100 = tpu.memref_slice %run_scoped3A[%run_scoped3A_44, %dma_wait3A_98, %dma_wait3A_99] : memref<2x8x128xi32, #tpu.memory_space<vmem>> -> memref<1x8x128xi32, #tpu.memory_space<vmem>>
        %dma_wait3A_101 = tpu.memref_squeeze %dma_wait3A_100 : memref<1x8x128xi32, #tpu.memory_space<vmem>> -> memref<8x128xi32, #tpu.memory_space<vmem>>
        %dma_wait3A_102 = arith.constant 0 : i32
        %dma_wait3A_103 = arith.constant 0 : i32
        %dma_wait3A_104 = tpu.memref_slice %arg3[%select_n3A_15, %dma_wait3A_102, %dma_wait3A_103] : memref<321x8x128xi32, #tpu.memory_space<hbm>> -> memref<1x8x128xi32, #tpu.memory_space<hbm>>
        %dma_wait3A_105 = tpu.memref_squeeze %dma_wait3A_104 : memref<1x8x128xi32, #tpu.memory_space<hbm>> -> memref<8x128xi32, #tpu.memory_space<hbm>>
        tpu.wait_dma2 semaphore(%run_scoped3A_74 : memref<!tpu.dma_semaphore, #tpu.memory_space<semaphore_mem>>) src(%dma_wait3A_105 : memref<8x128xi32, #tpu.memory_space<hbm>>) dst(%dma_wait3A_101 : memref<8x128xi32, #tpu.memory_space<vmem>>)
        tpu.yield
      }) : () -> ()
      %run_scoped3A_45 = arith.constant 0 : i32
      "tpu.region"() ({
        %run_scoped3A_74 = tpu.sem_alloc : memref<!tpu.dma_semaphore, #tpu.memory_space<semaphore_mem>>
        %dma_start3A_75 = arith.constant 0 : i32
        %dma_start3A_76 = arith.constant 0 : i32
        %dma_start3A_77 = tpu.memref_slice %run_scoped3A_0[%run_scoped3A_45, %dma_start3A_75, %dma_start3A_76] : memref<2x8x128xi32, #tpu.memory_space<vmem>> -> memref<1x8x128xi32, #tpu.memory_space<vmem>>
        %dma_start3A_78 = tpu.memref_squeeze %dma_start3A_77 : memref<1x8x128xi32, #tpu.memory_space<vmem>> -> memref<8x128xi32, #tpu.memory_space<vmem>>
        %dma_start3A_79 = arith.constant 0 : i32
        %dma_start3A_80 = arith.constant 0 : i32
        %dma_start3A_81 = tpu.memref_slice %arg4[%select_n3A_15, %dma_start3A_79, %dma_start3A_80] : memref<321x8x128xi32, #tpu.memory_space<hbm>> -> memref<1x8x128xi32, #tpu.memory_space<hbm>>
        %dma_start3A_82 = tpu.memref_squeeze %dma_start3A_81 : memref<1x8x128xi32, #tpu.memory_space<hbm>> -> memref<8x128xi32, #tpu.memory_space<hbm>>
        %dma_start3A_83 = arith.constant 0 : i32
        %dma_start3A_84 = arith.constant 0 : i32
        %dma_start3A_85 = tpu.memref_slice %run_scoped3A_0[%run_scoped3A_45, %dma_start3A_83, %dma_start3A_84] : memref<2x8x128xi32, #tpu.memory_space<vmem>> -> memref<1x8x128xi32, #tpu.memory_space<vmem>>
        %dma_start3A_86 = tpu.memref_squeeze %dma_start3A_85 : memref<1x8x128xi32, #tpu.memory_space<vmem>> -> memref<8x128xi32, #tpu.memory_space<vmem>>
        %dma_start3A_87 = arith.constant 0 : i32
        %dma_start3A_88 = arith.constant 0 : i32
        %dma_start3A_89 = tpu.memref_slice %arg4[%select_n3A_15, %dma_start3A_87, %dma_start3A_88] : memref<321x8x128xi32, #tpu.memory_space<hbm>> -> memref<1x8x128xi32, #tpu.memory_space<hbm>>
        %dma_start3A_90 = tpu.memref_squeeze %dma_start3A_89 : memref<1x8x128xi32, #tpu.memory_space<hbm>> -> memref<8x128xi32, #tpu.memory_space<hbm>>
        tpu.enqueue_dma source(%dma_start3A_90 : memref<8x128xi32, #tpu.memory_space<hbm>>) target(%dma_start3A_86 : memref<8x128xi32, #tpu.memory_space<vmem>>) target_semaphore(%run_scoped3A_74 : memref<!tpu.dma_semaphore, #tpu.memory_space<semaphore_mem>>)
        %dma_wait3A = arith.constant 0 : i32
        %dma_wait3A_91 = arith.constant 0 : i32
        %dma_wait3A_92 = tpu.memref_slice %run_scoped3A_0[%run_scoped3A_45, %dma_wait3A, %dma_wait3A_91] : memref<2x8x128xi32, #tpu.memory_space<vmem>> -> memref<1x8x128xi32, #tpu.memory_space<vmem>>
        %dma_wait3A_93 = tpu.memref_squeeze %dma_wait3A_92 : memref<1x8x128xi32, #tpu.memory_space<vmem>> -> memref<8x128xi32, #tpu.memory_space<vmem>>
        %dma_wait3A_94 = arith.constant 0 : i32
        %dma_wait3A_95 = arith.constant 0 : i32
        %dma_wait3A_96 = tpu.memref_slice %arg4[%select_n3A_15, %dma_wait3A_94, %dma_wait3A_95] : memref<321x8x128xi32, #tpu.memory_space<hbm>> -> memref<1x8x128xi32, #tpu.memory_space<hbm>>
        %dma_wait3A_97 = tpu.memref_squeeze %dma_wait3A_96 : memref<1x8x128xi32, #tpu.memory_space<hbm>> -> memref<8x128xi32, #tpu.memory_space<hbm>>
        %dma_wait3A_98 = arith.constant 0 : i32
        %dma_wait3A_99 = arith.constant 0 : i32
        %dma_wait3A_100 = tpu.memref_slice %run_scoped3A_0[%run_scoped3A_45, %dma_wait3A_98, %dma_wait3A_99] : memref<2x8x128xi32, #tpu.memory_space<vmem>> -> memref<1x8x128xi32, #tpu.memory_space<vmem>>
        %dma_wait3A_101 = tpu.memref_squeeze %dma_wait3A_100 : memref<1x8x128xi32, #tpu.memory_space<vmem>> -> memref<8x128xi32, #tpu.memory_space<vmem>>
        %dma_wait3A_102 = arith.constant 0 : i32
        %dma_wait3A_103 = arith.constant 0 : i32
        %dma_wait3A_104 = tpu.memref_slice %arg4[%select_n3A_15, %dma_wait3A_102, %dma_wait3A_103] : memref<321x8x128xi32, #tpu.memory_space<hbm>> -> memref<1x8x128xi32, #tpu.memory_space<hbm>>
        %dma_wait3A_105 = tpu.memref_squeeze %dma_wait3A_104 : memref<1x8x128xi32, #tpu.memory_space<hbm>> -> memref<8x128xi32, #tpu.memory_space<hbm>>
        tpu.wait_dma2 semaphore(%run_scoped3A_74 : memref<!tpu.dma_semaphore, #tpu.memory_space<semaphore_mem>>) src(%dma_wait3A_105 : memref<8x128xi32, #tpu.memory_space<hbm>>) dst(%dma_wait3A_101 : memref<8x128xi32, #tpu.memory_space<vmem>>)
        tpu.yield
      }) : () -> ()
      %dma_start3A = arith.constant 0 : i32
      %dma_start3A_46 = arith.constant 0 : i32
      %dma_start3A_47 = arith.constant 0 : i32
      %dma_start3A_48 = tpu.memref_slice %run_scoped3A[%dma_start3A, %dma_start3A_46, %dma_start3A_47] : memref<2x8x128xi32, #tpu.memory_space<vmem>> -> memref<1x1x128xi32, #tpu.memory_space<vmem>>
      %dma_start3A_49 = tpu.memref_squeeze %dma_start3A_48 : memref<1x1x128xi32, #tpu.memory_space<vmem>> -> memref<128xi32, #tpu.memory_space<vmem>>
      %dma_start3A_50 = arith.constant 0 : i32
      %dma_start3A_51 = arith.constant 0 : i32
      %dma_start3A_52 = tpu.memref_slice %arg2[%dma_start3A_50, %dma_start3A_51] : memref<10112x128xbf16, #tpu.memory_space<hbm>> -> memref<10112x128xbf16, #tpu.memory_space<hbm>>
      tpu.enqueue_indirect_dma source(%dma_start3A_52 : memref<10112x128xbf16, #tpu.memory_space<hbm>>) target(%run_scoped3A_1 : memref<128x128xbf16, #tpu.memory_space<vmem>>) offsets(%dma_start3A_49 : memref<128xi32, #tpu.memory_space<vmem>>) semaphore(%arg10 : memref<!tpu.dma_semaphore, #tpu.memory_space<semaphore_mem>>)
      %dma_start3A_53 = arith.constant 0 : i32
      %dma_start3A_54 = arith.constant 1 : i32
      %dma_start3A_55 = arith.constant 0 : i32
      %dma_start3A_56 = tpu.memref_slice %run_scoped3A[%dma_start3A_53, %dma_start3A_54, %dma_start3A_55] : memref<2x8x128xi32, #tpu.memory_space<vmem>> -> memref<1x1x128xi32, #tpu.memory_space<vmem>>
      %dma_start3A_57 = tpu.memref_squeeze %dma_start3A_56 : memref<1x1x128xi32, #tpu.memory_space<vmem>> -> memref<128xi32, #tpu.memory_space<vmem>>
      %dma_start3A_58 = arith.constant 0 : i32
      %dma_start3A_59 = arith.constant 0 : i32
      %dma_start3A_60 = tpu.memref_slice %arg2[%dma_start3A_58, %dma_start3A_59] : memref<10112x128xbf16, #tpu.memory_space<hbm>> -> memref<10112x128xbf16, #tpu.memory_space<hbm>>
      tpu.enqueue_indirect_dma source(%dma_start3A_60 : memref<10112x128xbf16, #tpu.memory_space<hbm>>) target(%run_scoped3A_2 : memref<128x128xbf16, #tpu.memory_space<vmem>>) offsets(%dma_start3A_57 : memref<128xi32, #tpu.memory_space<vmem>>) semaphore(%arg11 : memref<!tpu.dma_semaphore, #tpu.memory_space<semaphore_mem>>)
      %while3A = arith.constant 0 : i32
      %while3A_61 = arith.constant 0 : i32
      %while3A_62 = arith.subi %select_n3A, %while3A_61 : i32
      %while3A_63 = arith.addi %while3A_61, %while3A_62 : i32
      %while3A_64 = arith.constant 1 : i32
      %while3A_65 = arith.divsi %while3A_62, %while3A_64 : i32
      %while3A_66 = arith.muli %while3A_65, %while3A_64 : i32
      %while3A_67 = arith.addi %while3A_61, %while3A_66 : i32
      %while3A_68 = arith.constant 1 : i32
      scf.for %while3A_74 = %while3A_61 to %while3A_67 step %while3A_68  : i32 {
        %rem3A = arith.constant 2 : i32
        %rem3A_75 = arith.remsi %while3A_74, %rem3A : i32
        %add3A_76 = arith.constant 1 : i32
        %add3A_77 = arith.addi %while3A_74, %add3A_76 : i32
        %rem3A_78 = arith.constant 2 : i32
        %rem3A_79 = arith.remsi %add3A_77, %rem3A_78 : i32
        %add3A_80 = arith.constant 1 : i32
        %add3A_81 = arith.addi %while3A_74, %add3A_80 : i32
        %lt3A = arith.cmpi slt, %add3A_81, %select_n3A : i32
        %convert_element_type3A_82 = arith.extui %lt3A : i1 to i32
        %cond3A_83 = arith.constant 0 : i32
        %cond3A_84 = arith.cmpi ne, %convert_element_type3A_82, %cond3A_83 : i32
        scf.if %cond3A_84 {
          %add3A_418 = arith.addi %select_n3A_15, %while3A_74 : i32
          %add3A_419 = arith.constant 1 : i32
          %add3A_420 = arith.addi %add3A_418, %add3A_419 : i32
          %dma_start3A_421 = arith.constant 0 : i32
          %dma_start3A_422 = arith.constant 0 : i32
          %dma_start3A_423 = tpu.memref_slice %run_scoped3A[%rem3A_79, %dma_start3A_421, %dma_start3A_422] : memref<2x8x128xi32, #tpu.memory_space<vmem>> -> memref<1x8x128xi32, #tpu.memory_space<vmem>>
          %dma_start3A_424 = tpu.memref_squeeze %dma_start3A_423 : memref<1x8x128xi32, #tpu.memory_space<vmem>> -> memref<8x128xi32, #tpu.memory_space<vmem>>
          %dma_start3A_425 = arith.constant 0 : i32
          %dma_start3A_426 = arith.constant 0 : i32
          %dma_start3A_427 = tpu.memref_slice %arg3[%add3A_420, %dma_start3A_425, %dma_start3A_426] : memref<321x8x128xi32, #tpu.memory_space<hbm>> -> memref<1x8x128xi32, #tpu.memory_space<hbm>>
          %dma_start3A_428 = tpu.memref_squeeze %dma_start3A_427 : memref<1x8x128xi32, #tpu.memory_space<hbm>> -> memref<8x128xi32, #tpu.memory_space<hbm>>
          %dma_start3A_429 = arith.constant 0 : i32
          %dma_start3A_430 = arith.constant 0 : i32
          %dma_start3A_431 = tpu.memref_slice %run_scoped3A[%rem3A_79, %dma_start3A_429, %dma_start3A_430] : memref<2x8x128xi32, #tpu.memory_space<vmem>> -> memref<1x8x128xi32, #tpu.memory_space<vmem>>
          %dma_start3A_432 = tpu.memref_squeeze %dma_start3A_431 : memref<1x8x128xi32, #tpu.memory_space<vmem>> -> memref<8x128xi32, #tpu.memory_space<vmem>>
          %dma_start3A_433 = arith.constant 0 : i32
          %dma_start3A_434 = arith.constant 0 : i32
          %dma_start3A_435 = tpu.memref_slice %arg3[%add3A_420, %dma_start3A_433, %dma_start3A_434] : memref<321x8x128xi32, #tpu.memory_space<hbm>> -> memref<1x8x128xi32, #tpu.memory_space<hbm>>
          %dma_start3A_436 = tpu.memref_squeeze %dma_start3A_435 : memref<1x8x128xi32, #tpu.memory_space<hbm>> -> memref<8x128xi32, #tpu.memory_space<hbm>>
          tpu.enqueue_dma source(%dma_start3A_436 : memref<8x128xi32, #tpu.memory_space<hbm>>) target(%dma_start3A_432 : memref<8x128xi32, #tpu.memory_space<vmem>>) target_semaphore(%arg14 : memref<!tpu.dma_semaphore, #tpu.memory_space<semaphore_mem>>)
          %add3A_437 = arith.addi %select_n3A_15, %while3A_74 : i32
          %add3A_438 = arith.constant 1 : i32
          %add3A_439 = arith.addi %add3A_437, %add3A_438 : i32
          %dma_start3A_440 = arith.constant 0 : i32
          %dma_start3A_441 = arith.constant 0 : i32
          %dma_start3A_442 = tpu.memref_slice %run_scoped3A_0[%rem3A_79, %dma_start3A_440, %dma_start3A_441] : memref<2x8x128xi32, #tpu.memory_space<vmem>> -> memref<1x8x128xi32, #tpu.memory_space<vmem>>
          %dma_start3A_443 = tpu.memref_squeeze %dma_start3A_442 : memref<1x8x128xi32, #tpu.memory_space<vmem>> -> memref<8x128xi32, #tpu.memory_space<vmem>>
          %dma_start3A_444 = arith.constant 0 : i32
          %dma_start3A_445 = arith.constant 0 : i32
          %dma_start3A_446 = tpu.memref_slice %arg4[%add3A_439, %dma_start3A_444, %dma_start3A_445] : memref<321x8x128xi32, #tpu.memory_space<hbm>> -> memref<1x8x128xi32, #tpu.memory_space<hbm>>
          %dma_start3A_447 = tpu.memref_squeeze %dma_start3A_446 : memref<1x8x128xi32, #tpu.memory_space<hbm>> -> memref<8x128xi32, #tpu.memory_space<hbm>>
          %dma_start3A_448 = arith.constant 0 : i32
          %dma_start3A_449 = arith.constant 0 : i32
          %dma_start3A_450 = tpu.memref_slice %run_scoped3A_0[%rem3A_79, %dma_start3A_448, %dma_start3A_449] : memref<2x8x128xi32, #tpu.memory_space<vmem>> -> memref<1x8x128xi32, #tpu.memory_space<vmem>>
          %dma_start3A_451 = tpu.memref_squeeze %dma_start3A_450 : memref<1x8x128xi32, #tpu.memory_space<vmem>> -> memref<8x128xi32, #tpu.memory_space<vmem>>
          %dma_start3A_452 = arith.constant 0 : i32
          %dma_start3A_453 = arith.constant 0 : i32
          %dma_start3A_454 = tpu.memref_slice %arg4[%add3A_439, %dma_start3A_452, %dma_start3A_453] : memref<321x8x128xi32, #tpu.memory_space<hbm>> -> memref<1x8x128xi32, #tpu.memory_space<hbm>>
          %dma_start3A_455 = tpu.memref_squeeze %dma_start3A_454 : memref<1x8x128xi32, #tpu.memory_space<hbm>> -> memref<8x128xi32, #tpu.memory_space<hbm>>
          tpu.enqueue_dma source(%dma_start3A_455 : memref<8x128xi32, #tpu.memory_space<hbm>>) target(%dma_start3A_451 : memref<8x128xi32, #tpu.memory_space<vmem>>) target_semaphore(%arg14 : memref<!tpu.dma_semaphore, #tpu.memory_space<semaphore_mem>>)
        } else {
        }
        %dma_start3A_85 = arith.constant 2 : i32
        %dma_start3A_86 = arith.constant 0 : i32
        %dma_start3A_87 = tpu.memref_slice %run_scoped3A[%rem3A_75, %dma_start3A_85, %dma_start3A_86] : memref<2x8x128xi32, #tpu.memory_space<vmem>> -> memref<1x1x128xi32, #tpu.memory_space<vmem>>
        %dma_start3A_88 = tpu.memref_squeeze %dma_start3A_87 : memref<1x1x128xi32, #tpu.memory_space<vmem>> -> memref<128xi32, #tpu.memory_space<vmem>>
        %dma_start3A_89 = arith.constant 0 : i32
        %dma_start3A_90 = arith.constant 0 : i32
        %dma_start3A_91 = tpu.memref_slice %arg2[%dma_start3A_89, %dma_start3A_90] : memref<10112x128xbf16, #tpu.memory_space<hbm>> -> memref<10112x128xbf16, #tpu.memory_space<hbm>>
        tpu.enqueue_indirect_dma source(%dma_start3A_91 : memref<10112x128xbf16, #tpu.memory_space<hbm>>) target(%run_scoped3A_3 : memref<128x128xbf16, #tpu.memory_space<vmem>>) offsets(%dma_start3A_88 : memref<128xi32, #tpu.memory_space<vmem>>) semaphore(%arg12 : memref<!tpu.dma_semaphore, #tpu.memory_space<semaphore_mem>>)
        %dma_wait3A = arith.constant 0 : i32
        %dma_wait3A_92 = arith.constant 0 : i32
        %dma_wait3A_93 = tpu.memref_slice %run_scoped3A[%rem3A_75, %dma_wait3A, %dma_wait3A_92] : memref<2x8x128xi32, #tpu.memory_space<vmem>> -> memref<1x1x128xi32, #tpu.memory_space<vmem>>
        %dma_wait3A_94 = tpu.memref_squeeze %dma_wait3A_93 : memref<1x1x128xi32, #tpu.memory_space<vmem>> -> memref<128xi32, #tpu.memory_space<vmem>>
        %dma_wait3A_95 = arith.constant 0 : i32
        %dma_wait3A_96 = arith.constant 0 : i32
        %dma_wait3A_97 = tpu.memref_slice %arg2[%dma_wait3A_95, %dma_wait3A_96] : memref<10112x128xbf16, #tpu.memory_space<hbm>> -> memref<10112x128xbf16, #tpu.memory_space<hbm>>
        tpu.wait_indirect_dma semaphore(%arg10 : memref<!tpu.dma_semaphore, #tpu.memory_space<semaphore_mem>>) src(%dma_wait3A_97 : memref<10112x128xbf16, #tpu.memory_space<hbm>>) dst(%run_scoped3A_1 : memref<128x128xbf16, #tpu.memory_space<vmem>>)
        %dma_start3A_98 = arith.constant 0 : i32
        %dma_start3A_99 = arith.constant 0 : i32
        %dma_start3A_100 = tpu.memref_slice %run_scoped3A_0[%rem3A_75, %dma_start3A_98, %dma_start3A_99] : memref<2x8x128xi32, #tpu.memory_space<vmem>> -> memref<1x1x128xi32, #tpu.memory_space<vmem>>
        %dma_start3A_101 = tpu.memref_squeeze %dma_start3A_100 : memref<1x1x128xi32, #tpu.memory_space<vmem>> -> memref<128xi32, #tpu.memory_space<vmem>>
        %dma_start3A_102 = arith.constant 0 : i32
        %dma_start3A_103 = arith.constant 0 : i32
        %dma_start3A_104 = tpu.memref_slice %arg9[%dma_start3A_102, %dma_start3A_103] : memref<10112x128xbf16, #tpu.memory_space<vmem_shared>> -> memref<10112x128xbf16, #tpu.memory_space<vmem_shared>>
        tpu.enqueue_indirect_dma source(%run_scoped3A_1 : memref<128x128xbf16, #tpu.memory_space<vmem>>) target(%dma_start3A_104 : memref<10112x128xbf16, #tpu.memory_space<vmem_shared>>) offsets(%dma_start3A_101 : memref<128xi32, #tpu.memory_space<vmem>>) semaphore(%arg15 : memref<!tpu.dma_semaphore, #tpu.memory_space<semaphore_mem>>) {add = true}
        %dma_start3A_105 = arith.constant 0 : i32
        %dma_start3A_106 = arith.constant 0 : i32
        %dma_start3A_107 = tpu.memref_slice %run_scoped3A_0[%rem3A_75, %dma_start3A_105, %dma_start3A_106] : memref<2x8x128xi32, #tpu.memory_space<vmem>> -> memref<1x1x128xi32, #tpu.memory_space<vmem>>
        %dma_start3A_108 = tpu.memref_squeeze %dma_start3A_107 : memref<1x1x128xi32, #tpu.memory_space<vmem>> -> memref<128xi32, #tpu.memory_space<vmem>>
        %dma_start3A_109 = arith.constant 0 : i32
        %dma_start3A_110 = arith.constant 0 : i32
        %dma_start3A_111 = tpu.memref_slice %arg16[%dma_start3A_109, %dma_start3A_110] : memref<10112x8xf32, #tpu.memory_space<vmem_shared>> -> memref<10112x8xf32, #tpu.memory_space<vmem_shared>>
        tpu.enqueue_indirect_dma source(%run_scoped3A_5 : memref<128x8xf32, #tpu.memory_space<vmem>>) target(%dma_start3A_111 : memref<10112x8xf32, #tpu.memory_space<vmem_shared>>) offsets(%dma_start3A_108 : memref<128xi32, #tpu.memory_space<vmem>>) semaphore(%arg15 : memref<!tpu.dma_semaphore, #tpu.memory_space<semaphore_mem>>) {add = true}
        %dma_start3A_112 = arith.constant 3 : i32
        %dma_start3A_113 = arith.constant 0 : i32
        %dma_start3A_114 = tpu.memref_slice %run_scoped3A[%rem3A_75, %dma_start3A_112, %dma_start3A_113] : memref<2x8x128xi32, #tpu.memory_space<vmem>> -> memref<1x1x128xi32, #tpu.memory_space<vmem>>
        %dma_start3A_115 = tpu.memref_squeeze %dma_start3A_114 : memref<1x1x128xi32, #tpu.memory_space<vmem>> -> memref<128xi32, #tpu.memory_space<vmem>>
        %dma_start3A_116 = arith.constant 0 : i32
        %dma_start3A_117 = arith.constant 0 : i32
        %dma_start3A_118 = tpu.memref_slice %arg2[%dma_start3A_116, %dma_start3A_117] : memref<10112x128xbf16, #tpu.memory_space<hbm>> -> memref<10112x128xbf16, #tpu.memory_space<hbm>>
        tpu.enqueue_indirect_dma source(%dma_start3A_118 : memref<10112x128xbf16, #tpu.memory_space<hbm>>) target(%run_scoped3A_4 : memref<128x128xbf16, #tpu.memory_space<vmem>>) offsets(%dma_start3A_115 : memref<128xi32, #tpu.memory_space<vmem>>) semaphore(%arg13 : memref<!tpu.dma_semaphore, #tpu.memory_space<semaphore_mem>>)
        %dma_wait3A_119 = arith.constant 1 : i32
        %dma_wait3A_120 = arith.constant 0 : i32
        %dma_wait3A_121 = tpu.memref_slice %run_scoped3A[%rem3A_75, %dma_wait3A_119, %dma_wait3A_120] : memref<2x8x128xi32, #tpu.memory_space<vmem>> -> memref<1x1x128xi32, #tpu.memory_space<vmem>>
        %dma_wait3A_122 = tpu.memref_squeeze %dma_wait3A_121 : memref<1x1x128xi32, #tpu.memory_space<vmem>> -> memref<128xi32, #tpu.memory_space<vmem>>
        %dma_wait3A_123 = arith.constant 0 : i32
        %dma_wait3A_124 = arith.constant 0 : i32
        %dma_wait3A_125 = tpu.memref_slice %arg2[%dma_wait3A_123, %dma_wait3A_124] : memref<10112x128xbf16, #tpu.memory_space<hbm>> -> memref<10112x128xbf16, #tpu.memory_space<hbm>>
        tpu.wait_indirect_dma semaphore(%arg11 : memref<!tpu.dma_semaphore, #tpu.memory_space<semaphore_mem>>) src(%dma_wait3A_125 : memref<10112x128xbf16, #tpu.memory_space<hbm>>) dst(%run_scoped3A_2 : memref<128x128xbf16, #tpu.memory_space<vmem>>)
        %dma_start3A_126 = arith.constant 1 : i32
        %dma_start3A_127 = arith.constant 0 : i32
        %dma_start3A_128 = tpu.memref_slice %run_scoped3A_0[%rem3A_75, %dma_start3A_126, %dma_start3A_127] : memref<2x8x128xi32, #tpu.memory_space<vmem>> -> memref<1x1x128xi32, #tpu.memory_space<vmem>>
        %dma_start3A_129 = tpu.memref_squeeze %dma_start3A_128 : memref<1x1x128xi32, #tpu.memory_space<vmem>> -> memref<128xi32, #tpu.memory_space<vmem>>
        %dma_start3A_130 = arith.constant 0 : i32
        %dma_start3A_131 = arith.constant 0 : i32
        %dma_start3A_132 = tpu.memref_slice %arg9[%dma_start3A_130, %dma_start3A_131] : memref<10112x128xbf16, #tpu.memory_space<vmem_shared>> -> memref<10112x128xbf16, #tpu.memory_space<vmem_shared>>
        tpu.enqueue_indirect_dma source(%run_scoped3A_2 : memref<128x128xbf16, #tpu.memory_space<vmem>>) target(%dma_start3A_132 : memref<10112x128xbf16, #tpu.memory_space<vmem_shared>>) offsets(%dma_start3A_129 : memref<128xi32, #tpu.memory_space<vmem>>) semaphore(%arg15 : memref<!tpu.dma_semaphore, #tpu.memory_space<semaphore_mem>>) {add = true}
        %dma_start3A_133 = arith.constant 1 : i32
        %dma_start3A_134 = arith.constant 0 : i32
        %dma_start3A_135 = tpu.memref_slice %run_scoped3A_0[%rem3A_75, %dma_start3A_133, %dma_start3A_134] : memref<2x8x128xi32, #tpu.memory_space<vmem>> -> memref<1x1x128xi32, #tpu.memory_space<vmem>>
        %dma_start3A_136 = tpu.memref_squeeze %dma_start3A_135 : memref<1x1x128xi32, #tpu.memory_space<vmem>> -> memref<128xi32, #tpu.memory_space<vmem>>
        %dma_start3A_137 = arith.constant 0 : i32
        %dma_start3A_138 = arith.constant 0 : i32
        %dma_start3A_139 = tpu.memref_slice %arg16[%dma_start3A_137, %dma_start3A_138] : memref<10112x8xf32, #tpu.memory_space<vmem_shared>> -> memref<10112x8xf32, #tpu.memory_space<vmem_shared>>
        tpu.enqueue_indirect_dma source(%run_scoped3A_5 : memref<128x8xf32, #tpu.memory_space<vmem>>) target(%dma_start3A_139 : memref<10112x8xf32, #tpu.memory_space<vmem_shared>>) offsets(%dma_start3A_136 : memref<128xi32, #tpu.memory_space<vmem>>) semaphore(%arg15 : memref<!tpu.dma_semaphore, #tpu.memory_space<semaphore_mem>>) {add = true}
        %dma_wait3A_140 = arith.constant 0 : i32
        %dma_wait3A_141 = arith.constant 0 : i32
        %dma_wait3A_142 = tpu.memref_slice %run_scoped3A_0[%rem3A_75, %dma_wait3A_140, %dma_wait3A_141] : memref<2x8x128xi32, #tpu.memory_space<vmem>> -> memref<1x1x128xi32, #tpu.memory_space<vmem>>
        %dma_wait3A_143 = tpu.memref_squeeze %dma_wait3A_142 : memref<1x1x128xi32, #tpu.memory_space<vmem>> -> memref<128xi32, #tpu.memory_space<vmem>>
        %dma_wait3A_144 = arith.constant 0 : i32
        %dma_wait3A_145 = arith.constant 0 : i32
        %dma_wait3A_146 = tpu.memref_slice %arg9[%dma_wait3A_144, %dma_wait3A_145] : memref<10112x128xbf16, #tpu.memory_space<vmem_shared>> -> memref<10112x128xbf16, #tpu.memory_space<vmem_shared>>
        tpu.wait_indirect_dma semaphore(%arg15 : memref<!tpu.dma_semaphore, #tpu.memory_space<semaphore_mem>>) src(%run_scoped3A_1 : memref<128x128xbf16, #tpu.memory_space<vmem>>) dst(%dma_wait3A_146 : memref<10112x128xbf16, #tpu.memory_space<vmem_shared>>)
        %dma_wait3A_147 = arith.constant 0 : i32
        %dma_wait3A_148 = arith.constant 0 : i32
        %dma_wait3A_149 = tpu.memref_slice %run_scoped3A_0[%rem3A_75, %dma_wait3A_147, %dma_wait3A_148] : memref<2x8x128xi32, #tpu.memory_space<vmem>> -> memref<1x1x128xi32, #tpu.memory_space<vmem>>
        %dma_wait3A_150 = tpu.memref_squeeze %dma_wait3A_149 : memref<1x1x128xi32, #tpu.memory_space<vmem>> -> memref<128xi32, #tpu.memory_space<vmem>>
        %dma_wait3A_151 = arith.constant 0 : i32
        %dma_wait3A_152 = arith.constant 0 : i32
        %dma_wait3A_153 = tpu.memref_slice %arg16[%dma_wait3A_151, %dma_wait3A_152] : memref<10112x8xf32, #tpu.memory_space<vmem_shared>> -> memref<10112x8xf32, #tpu.memory_space<vmem_shared>>
        tpu.wait_indirect_dma semaphore(%arg15 : memref<!tpu.dma_semaphore, #tpu.memory_space<semaphore_mem>>) src(%run_scoped3A_5 : memref<128x8xf32, #tpu.memory_space<vmem>>) dst(%dma_wait3A_153 : memref<10112x8xf32, #tpu.memory_space<vmem_shared>>)
        %dma_start3A_154 = arith.constant 4 : i32
        %dma_start3A_155 = arith.constant 0 : i32
        %dma_start3A_156 = tpu.memref_slice %run_scoped3A[%rem3A_75, %dma_start3A_154, %dma_start3A_155] : memref<2x8x128xi32, #tpu.memory_space<vmem>> -> memref<1x1x128xi32, #tpu.memory_space<vmem>>
        %dma_start3A_157 = tpu.memref_squeeze %dma_start3A_156 : memref<1x1x128xi32, #tpu.memory_space<vmem>> -> memref<128xi32, #tpu.memory_space<vmem>>
        %dma_start3A_158 = arith.constant 0 : i32
        %dma_start3A_159 = arith.constant 0 : i32
        %dma_start3A_160 = tpu.memref_slice %arg2[%dma_start3A_158, %dma_start3A_159] : memref<10112x128xbf16, #tpu.memory_space<hbm>> -> memref<10112x128xbf16, #tpu.memory_space<hbm>>
        tpu.enqueue_indirect_dma source(%dma_start3A_160 : memref<10112x128xbf16, #tpu.memory_space<hbm>>) target(%run_scoped3A_1 : memref<128x128xbf16, #tpu.memory_space<vmem>>) offsets(%dma_start3A_157 : memref<128xi32, #tpu.memory_space<vmem>>) semaphore(%arg10 : memref<!tpu.dma_semaphore, #tpu.memory_space<semaphore_mem>>)
        %dma_wait3A_161 = arith.constant 2 : i32
        %dma_wait3A_162 = arith.constant 0 : i32
        %dma_wait3A_163 = tpu.memref_slice %run_scoped3A[%rem3A_75, %dma_wait3A_161, %dma_wait3A_162] : memref<2x8x128xi32, #tpu.memory_space<vmem>> -> memref<1x1x128xi32, #tpu.memory_space<vmem>>
        %dma_wait3A_164 = tpu.memref_squeeze %dma_wait3A_163 : memref<1x1x128xi32, #tpu.memory_space<vmem>> -> memref<128xi32, #tpu.memory_space<vmem>>
        %dma_wait3A_165 = arith.constant 0 : i32
        %dma_wait3A_166 = arith.constant 0 : i32
        %dma_wait3A_167 = tpu.memref_slice %arg2[%dma_wait3A_165, %dma_wait3A_166] : memref<10112x128xbf16, #tpu.memory_space<hbm>> -> memref<10112x128xbf16, #tpu.memory_space<hbm>>
        tpu.wait_indirect_dma semaphore(%arg12 : memref<!tpu.dma_semaphore, #tpu.memory_space<semaphore_mem>>) src(%dma_wait3A_167 : memref<10112x128xbf16, #tpu.memory_space<hbm>>) dst(%run_scoped3A_3 : memref<128x128xbf16, #tpu.memory_space<vmem>>)
        %dma_start3A_168 = arith.constant 2 : i32
        %dma_start3A_169 = arith.constant 0 : i32
        %dma_start3A_170 = tpu.memref_slice %run_scoped3A_0[%rem3A_75, %dma_start3A_168, %dma_start3A_169] : memref<2x8x128xi32, #tpu.memory_space<vmem>> -> memref<1x1x128xi32, #tpu.memory_space<vmem>>
        %dma_start3A_171 = tpu.memref_squeeze %dma_start3A_170 : memref<1x1x128xi32, #tpu.memory_space<vmem>> -> memref<128xi32, #tpu.memory_space<vmem>>
        %dma_start3A_172 = arith.constant 0 : i32
        %dma_start3A_173 = arith.constant 0 : i32
        %dma_start3A_174 = tpu.memref_slice %arg9[%dma_start3A_172, %dma_start3A_173] : memref<10112x128xbf16, #tpu.memory_space<vmem_shared>> -> memref<10112x128xbf16, #tpu.memory_space<vmem_shared>>
        tpu.enqueue_indirect_dma source(%run_scoped3A_3 : memref<128x128xbf16, #tpu.memory_space<vmem>>) target(%dma_start3A_174 : memref<10112x128xbf16, #tpu.memory_space<vmem_shared>>) offsets(%dma_start3A_171 : memref<128xi32, #tpu.memory_space<vmem>>) semaphore(%arg15 : memref<!tpu.dma_semaphore, #tpu.memory_space<semaphore_mem>>) {add = true}
        %dma_start3A_175 = arith.constant 2 : i32
        %dma_start3A_176 = arith.constant 0 : i32
        %dma_start3A_177 = tpu.memref_slice %run_scoped3A_0[%rem3A_75, %dma_start3A_175, %dma_start3A_176] : memref<2x8x128xi32, #tpu.memory_space<vmem>> -> memref<1x1x128xi32, #tpu.memory_space<vmem>>
        %dma_start3A_178 = tpu.memref_squeeze %dma_start3A_177 : memref<1x1x128xi32, #tpu.memory_space<vmem>> -> memref<128xi32, #tpu.memory_space<vmem>>
        %dma_start3A_179 = arith.constant 0 : i32
        %dma_start3A_180 = arith.constant 0 : i32
        %dma_start3A_181 = tpu.memref_slice %arg16[%dma_start3A_179, %dma_start3A_180] : memref<10112x8xf32, #tpu.memory_space<vmem_shared>> -> memref<10112x8xf32, #tpu.memory_space<vmem_shared>>
        tpu.enqueue_indirect_dma source(%run_scoped3A_5 : memref<128x8xf32, #tpu.memory_space<vmem>>) target(%dma_start3A_181 : memref<10112x8xf32, #tpu.memory_space<vmem_shared>>) offsets(%dma_start3A_178 : memref<128xi32, #tpu.memory_space<vmem>>) semaphore(%arg15 : memref<!tpu.dma_semaphore, #tpu.memory_space<semaphore_mem>>) {add = true}
        %dma_wait3A_182 = arith.constant 1 : i32
        %dma_wait3A_183 = arith.constant 0 : i32
        %dma_wait3A_184 = tpu.memref_slice %run_scoped3A_0[%rem3A_75, %dma_wait3A_182, %dma_wait3A_183] : memref<2x8x128xi32, #tpu.memory_space<vmem>> -> memref<1x1x128xi32, #tpu.memory_space<vmem>>
        %dma_wait3A_185 = tpu.memref_squeeze %dma_wait3A_184 : memref<1x1x128xi32, #tpu.memory_space<vmem>> -> memref<128xi32, #tpu.memory_space<vmem>>
        %dma_wait3A_186 = arith.constant 0 : i32
        %dma_wait3A_187 = arith.constant 0 : i32
        %dma_wait3A_188 = tpu.memref_slice %arg9[%dma_wait3A_186, %dma_wait3A_187] : memref<10112x128xbf16, #tpu.memory_space<vmem_shared>> -> memref<10112x128xbf16, #tpu.memory_space<vmem_shared>>
        tpu.wait_indirect_dma semaphore(%arg15 : memref<!tpu.dma_semaphore, #tpu.memory_space<semaphore_mem>>) src(%run_scoped3A_2 : memref<128x128xbf16, #tpu.memory_space<vmem>>) dst(%dma_wait3A_188 : memref<10112x128xbf16, #tpu.memory_space<vmem_shared>>)
        %dma_wait3A_189 = arith.constant 1 : i32
        %dma_wait3A_190 = arith.constant 0 : i32
        %dma_wait3A_191 = tpu.memref_slice %run_scoped3A_0[%rem3A_75, %dma_wait3A_189, %dma_wait3A_190] : memref<2x8x128xi32, #tpu.memory_space<vmem>> -> memref<1x1x128xi32, #tpu.memory_space<vmem>>
        %dma_wait3A_192 = tpu.memref_squeeze %dma_wait3A_191 : memref<1x1x128xi32, #tpu.memory_space<vmem>> -> memref<128xi32, #tpu.memory_space<vmem>>
        %dma_wait3A_193 = arith.constant 0 : i32
        %dma_wait3A_194 = arith.constant 0 : i32
        %dma_wait3A_195 = tpu.memref_slice %arg16[%dma_wait3A_193, %dma_wait3A_194] : memref<10112x8xf32, #tpu.memory_space<vmem_shared>> -> memref<10112x8xf32, #tpu.memory_space<vmem_shared>>
        tpu.wait_indirect_dma semaphore(%arg15 : memref<!tpu.dma_semaphore, #tpu.memory_space<semaphore_mem>>) src(%run_scoped3A_5 : memref<128x8xf32, #tpu.memory_space<vmem>>) dst(%dma_wait3A_195 : memref<10112x8xf32, #tpu.memory_space<vmem_shared>>)
        %dma_start3A_196 = arith.constant 5 : i32
        %dma_start3A_197 = arith.constant 0 : i32
        %dma_start3A_198 = tpu.memref_slice %run_scoped3A[%rem3A_75, %dma_start3A_196, %dma_start3A_197] : memref<2x8x128xi32, #tpu.memory_space<vmem>> -> memref<1x1x128xi32, #tpu.memory_space<vmem>>
        %dma_start3A_199 = tpu.memref_squeeze %dma_start3A_198 : memref<1x1x128xi32, #tpu.memory_space<vmem>> -> memref<128xi32, #tpu.memory_space<vmem>>
        %dma_start3A_200 = arith.constant 0 : i32
        %dma_start3A_201 = arith.constant 0 : i32
        %dma_start3A_202 = tpu.memref_slice %arg2[%dma_start3A_200, %dma_start3A_201] : memref<10112x128xbf16, #tpu.memory_space<hbm>> -> memref<10112x128xbf16, #tpu.memory_space<hbm>>
        tpu.enqueue_indirect_dma source(%dma_start3A_202 : memref<10112x128xbf16, #tpu.memory_space<hbm>>) target(%run_scoped3A_2 : memref<128x128xbf16, #tpu.memory_space<vmem>>) offsets(%dma_start3A_199 : memref<128xi32, #tpu.memory_space<vmem>>) semaphore(%arg11 : memref<!tpu.dma_semaphore, #tpu.memory_space<semaphore_mem>>)
        %dma_wait3A_203 = arith.constant 3 : i32
        %dma_wait3A_204 = arith.constant 0 : i32
        %dma_wait3A_205 = tpu.memref_slice %run_scoped3A[%rem3A_75, %dma_wait3A_203, %dma_wait3A_204] : memref<2x8x128xi32, #tpu.memory_space<vmem>> -> memref<1x1x128xi32, #tpu.memory_space<vmem>>
        %dma_wait3A_206 = tpu.memref_squeeze %dma_wait3A_205 : memref<1x1x128xi32, #tpu.memory_space<vmem>> -> memref<128xi32, #tpu.memory_space<vmem>>
        %dma_wait3A_207 = arith.constant 0 : i32
        %dma_wait3A_208 = arith.constant 0 : i32
        %dma_wait3A_209 = tpu.memref_slice %arg2[%dma_wait3A_207, %dma_wait3A_208] : memref<10112x128xbf16, #tpu.memory_space<hbm>> -> memref<10112x128xbf16, #tpu.memory_space<hbm>>
        tpu.wait_indirect_dma semaphore(%arg13 : memref<!tpu.dma_semaphore, #tpu.memory_space<semaphore_mem>>) src(%dma_wait3A_209 : memref<10112x128xbf16, #tpu.memory_space<hbm>>) dst(%run_scoped3A_4 : memref<128x128xbf16, #tpu.memory_space<vmem>>)
        %dma_start3A_210 = arith.constant 3 : i32
        %dma_start3A_211 = arith.constant 0 : i32
        %dma_start3A_212 = tpu.memref_slice %run_scoped3A_0[%rem3A_75, %dma_start3A_210, %dma_start3A_211] : memref<2x8x128xi32, #tpu.memory_space<vmem>> -> memref<1x1x128xi32, #tpu.memory_space<vmem>>
        %dma_start3A_213 = tpu.memref_squeeze %dma_start3A_212 : memref<1x1x128xi32, #tpu.memory_space<vmem>> -> memref<128xi32, #tpu.memory_space<vmem>>
        %dma_start3A_214 = arith.constant 0 : i32
        %dma_start3A_215 = arith.constant 0 : i32
        %dma_start3A_216 = tpu.memref_slice %arg9[%dma_start3A_214, %dma_start3A_215] : memref<10112x128xbf16, #tpu.memory_space<vmem_shared>> -> memref<10112x128xbf16, #tpu.memory_space<vmem_shared>>
        tpu.enqueue_indirect_dma source(%run_scoped3A_4 : memref<128x128xbf16, #tpu.memory_space<vmem>>) target(%dma_start3A_216 : memref<10112x128xbf16, #tpu.memory_space<vmem_shared>>) offsets(%dma_start3A_213 : memref<128xi32, #tpu.memory_space<vmem>>) semaphore(%arg15 : memref<!tpu.dma_semaphore, #tpu.memory_space<semaphore_mem>>) {add = true}
        %dma_start3A_217 = arith.constant 3 : i32
        %dma_start3A_218 = arith.constant 0 : i32
        %dma_start3A_219 = tpu.memref_slice %run_scoped3A_0[%rem3A_75, %dma_start3A_217, %dma_start3A_218] : memref<2x8x128xi32, #tpu.memory_space<vmem>> -> memref<1x1x128xi32, #tpu.memory_space<vmem>>
        %dma_start3A_220 = tpu.memref_squeeze %dma_start3A_219 : memref<1x1x128xi32, #tpu.memory_space<vmem>> -> memref<128xi32, #tpu.memory_space<vmem>>
        %dma_start3A_221 = arith.constant 0 : i32
        %dma_start3A_222 = arith.constant 0 : i32
        %dma_start3A_223 = tpu.memref_slice %arg16[%dma_start3A_221, %dma_start3A_222] : memref<10112x8xf32, #tpu.memory_space<vmem_shared>> -> memref<10112x8xf32, #tpu.memory_space<vmem_shared>>
        tpu.enqueue_indirect_dma source(%run_scoped3A_5 : memref<128x8xf32, #tpu.memory_space<vmem>>) target(%dma_start3A_223 : memref<10112x8xf32, #tpu.memory_space<vmem_shared>>) offsets(%dma_start3A_220 : memref<128xi32, #tpu.memory_space<vmem>>) semaphore(%arg15 : memref<!tpu.dma_semaphore, #tpu.memory_space<semaphore_mem>>) {add = true}
        %dma_wait3A_224 = arith.constant 2 : i32
        %dma_wait3A_225 = arith.constant 0 : i32
        %dma_wait3A_226 = tpu.memref_slice %run_scoped3A_0[%rem3A_75, %dma_wait3A_224, %dma_wait3A_225] : memref<2x8x128xi32, #tpu.memory_space<vmem>> -> memref<1x1x128xi32, #tpu.memory_space<vmem>>
        %dma_wait3A_227 = tpu.memref_squeeze %dma_wait3A_226 : memref<1x1x128xi32, #tpu.memory_space<vmem>> -> memref<128xi32, #tpu.memory_space<vmem>>
        %dma_wait3A_228 = arith.constant 0 : i32
        %dma_wait3A_229 = arith.constant 0 : i32
        %dma_wait3A_230 = tpu.memref_slice %arg9[%dma_wait3A_228, %dma_wait3A_229] : memref<10112x128xbf16, #tpu.memory_space<vmem_shared>> -> memref<10112x128xbf16, #tpu.memory_space<vmem_shared>>
        tpu.wait_indirect_dma semaphore(%arg15 : memref<!tpu.dma_semaphore, #tpu.memory_space<semaphore_mem>>) src(%run_scoped3A_3 : memref<128x128xbf16, #tpu.memory_space<vmem>>) dst(%dma_wait3A_230 : memref<10112x128xbf16, #tpu.memory_space<vmem_shared>>)
        %dma_wait3A_231 = arith.constant 2 : i32
        %dma_wait3A_232 = arith.constant 0 : i32
        %dma_wait3A_233 = tpu.memref_slice %run_scoped3A_0[%rem3A_75, %dma_wait3A_231, %dma_wait3A_232] : memref<2x8x128xi32, #tpu.memory_space<vmem>> -> memref<1x1x128xi32, #tpu.memory_space<vmem>>
        %dma_wait3A_234 = tpu.memref_squeeze %dma_wait3A_233 : memref<1x1x128xi32, #tpu.memory_space<vmem>> -> memref<128xi32, #tpu.memory_space<vmem>>
        %dma_wait3A_235 = arith.constant 0 : i32
        %dma_wait3A_236 = arith.constant 0 : i32
        %dma_wait3A_237 = tpu.memref_slice %arg16[%dma_wait3A_235, %dma_wait3A_236] : memref<10112x8xf32, #tpu.memory_space<vmem_shared>> -> memref<10112x8xf32, #tpu.memory_space<vmem_shared>>
        tpu.wait_indirect_dma semaphore(%arg15 : memref<!tpu.dma_semaphore, #tpu.memory_space<semaphore_mem>>) src(%run_scoped3A_5 : memref<128x8xf32, #tpu.memory_space<vmem>>) dst(%dma_wait3A_237 : memref<10112x8xf32, #tpu.memory_space<vmem_shared>>)
        %dma_start3A_238 = arith.constant 6 : i32
        %dma_start3A_239 = arith.constant 0 : i32
        %dma_start3A_240 = tpu.memref_slice %run_scoped3A[%rem3A_75, %dma_start3A_238, %dma_start3A_239] : memref<2x8x128xi32, #tpu.memory_space<vmem>> -> memref<1x1x128xi32, #tpu.memory_space<vmem>>
        %dma_start3A_241 = tpu.memref_squeeze %dma_start3A_240 : memref<1x1x128xi32, #tpu.memory_space<vmem>> -> memref<128xi32, #tpu.memory_space<vmem>>
        %dma_start3A_242 = arith.constant 0 : i32
        %dma_start3A_243 = arith.constant 0 : i32
        %dma_start3A_244 = tpu.memref_slice %arg2[%dma_start3A_242, %dma_start3A_243] : memref<10112x128xbf16, #tpu.memory_space<hbm>> -> memref<10112x128xbf16, #tpu.memory_space<hbm>>
        tpu.enqueue_indirect_dma source(%dma_start3A_244 : memref<10112x128xbf16, #tpu.memory_space<hbm>>) target(%run_scoped3A_3 : memref<128x128xbf16, #tpu.memory_space<vmem>>) offsets(%dma_start3A_241 : memref<128xi32, #tpu.memory_space<vmem>>) semaphore(%arg12 : memref<!tpu.dma_semaphore, #tpu.memory_space<semaphore_mem>>)
        %dma_wait3A_245 = arith.constant 4 : i32
        %dma_wait3A_246 = arith.constant 0 : i32
        %dma_wait3A_247 = tpu.memref_slice %run_scoped3A[%rem3A_75, %dma_wait3A_245, %dma_wait3A_246] : memref<2x8x128xi32, #tpu.memory_space<vmem>> -> memref<1x1x128xi32, #tpu.memory_space<vmem>>
        %dma_wait3A_248 = tpu.memref_squeeze %dma_wait3A_247 : memref<1x1x128xi32, #tpu.memory_space<vmem>> -> memref<128xi32, #tpu.memory_space<vmem>>
        %dma_wait3A_249 = arith.constant 0 : i32
        %dma_wait3A_250 = arith.constant 0 : i32
        %dma_wait3A_251 = tpu.memref_slice %arg2[%dma_wait3A_249, %dma_wait3A_250] : memref<10112x128xbf16, #tpu.memory_space<hbm>> -> memref<10112x128xbf16, #tpu.memory_space<hbm>>
        tpu.wait_indirect_dma semaphore(%arg10 : memref<!tpu.dma_semaphore, #tpu.memory_space<semaphore_mem>>) src(%dma_wait3A_251 : memref<10112x128xbf16, #tpu.memory_space<hbm>>) dst(%run_scoped3A_1 : memref<128x128xbf16, #tpu.memory_space<vmem>>)
        %dma_start3A_252 = arith.constant 4 : i32
        %dma_start3A_253 = arith.constant 0 : i32
        %dma_start3A_254 = tpu.memref_slice %run_scoped3A_0[%rem3A_75, %dma_start3A_252, %dma_start3A_253] : memref<2x8x128xi32, #tpu.memory_space<vmem>> -> memref<1x1x128xi32, #tpu.memory_space<vmem>>
        %dma_start3A_255 = tpu.memref_squeeze %dma_start3A_254 : memref<1x1x128xi32, #tpu.memory_space<vmem>> -> memref<128xi32, #tpu.memory_space<vmem>>
        %dma_start3A_256 = arith.constant 0 : i32
        %dma_start3A_257 = arith.constant 0 : i32
        %dma_start3A_258 = tpu.memref_slice %arg9[%dma_start3A_256, %dma_start3A_257] : memref<10112x128xbf16, #tpu.memory_space<vmem_shared>> -> memref<10112x128xbf16, #tpu.memory_space<vmem_shared>>
        tpu.enqueue_indirect_dma source(%run_scoped3A_1 : memref<128x128xbf16, #tpu.memory_space<vmem>>) target(%dma_start3A_258 : memref<10112x128xbf16, #tpu.memory_space<vmem_shared>>) offsets(%dma_start3A_255 : memref<128xi32, #tpu.memory_space<vmem>>) semaphore(%arg15 : memref<!tpu.dma_semaphore, #tpu.memory_space<semaphore_mem>>) {add = true}
        %dma_start3A_259 = arith.constant 4 : i32
        %dma_start3A_260 = arith.constant 0 : i32
        %dma_start3A_261 = tpu.memref_slice %run_scoped3A_0[%rem3A_75, %dma_start3A_259, %dma_start3A_260] : memref<2x8x128xi32, #tpu.memory_space<vmem>> -> memref<1x1x128xi32, #tpu.memory_space<vmem>>
        %dma_start3A_262 = tpu.memref_squeeze %dma_start3A_261 : memref<1x1x128xi32, #tpu.memory_space<vmem>> -> memref<128xi32, #tpu.memory_space<vmem>>
        %dma_start3A_263 = arith.constant 0 : i32
        %dma_start3A_264 = arith.constant 0 : i32
        %dma_start3A_265 = tpu.memref_slice %arg16[%dma_start3A_263, %dma_start3A_264] : memref<10112x8xf32, #tpu.memory_space<vmem_shared>> -> memref<10112x8xf32, #tpu.memory_space<vmem_shared>>
        tpu.enqueue_indirect_dma source(%run_scoped3A_5 : memref<128x8xf32, #tpu.memory_space<vmem>>) target(%dma_start3A_265 : memref<10112x8xf32, #tpu.memory_space<vmem_shared>>) offsets(%dma_start3A_262 : memref<128xi32, #tpu.memory_space<vmem>>) semaphore(%arg15 : memref<!tpu.dma_semaphore, #tpu.memory_space<semaphore_mem>>) {add = true}
        %dma_wait3A_266 = arith.constant 3 : i32
        %dma_wait3A_267 = arith.constant 0 : i32
        %dma_wait3A_268 = tpu.memref_slice %run_scoped3A_0[%rem3A_75, %dma_wait3A_266, %dma_wait3A_267] : memref<2x8x128xi32, #tpu.memory_space<vmem>> -> memref<1x1x128xi32, #tpu.memory_space<vmem>>
        %dma_wait3A_269 = tpu.memref_squeeze %dma_wait3A_268 : memref<1x1x128xi32, #tpu.memory_space<vmem>> -> memref<128xi32, #tpu.memory_space<vmem>>
        %dma_wait3A_270 = arith.constant 0 : i32
        %dma_wait3A_271 = arith.constant 0 : i32
        %dma_wait3A_272 = tpu.memref_slice %arg9[%dma_wait3A_270, %dma_wait3A_271] : memref<10112x128xbf16, #tpu.memory_space<vmem_shared>> -> memref<10112x128xbf16, #tpu.memory_space<vmem_shared>>
        tpu.wait_indirect_dma semaphore(%arg15 : memref<!tpu.dma_semaphore, #tpu.memory_space<semaphore_mem>>) src(%run_scoped3A_4 : memref<128x128xbf16, #tpu.memory_space<vmem>>) dst(%dma_wait3A_272 : memref<10112x128xbf16, #tpu.memory_space<vmem_shared>>)
        %dma_wait3A_273 = arith.constant 3 : i32
        %dma_wait3A_274 = arith.constant 0 : i32
        %dma_wait3A_275 = tpu.memref_slice %run_scoped3A_0[%rem3A_75, %dma_wait3A_273, %dma_wait3A_274] : memref<2x8x128xi32, #tpu.memory_space<vmem>> -> memref<1x1x128xi32, #tpu.memory_space<vmem>>
        %dma_wait3A_276 = tpu.memref_squeeze %dma_wait3A_275 : memref<1x1x128xi32, #tpu.memory_space<vmem>> -> memref<128xi32, #tpu.memory_space<vmem>>
        %dma_wait3A_277 = arith.constant 0 : i32
        %dma_wait3A_278 = arith.constant 0 : i32
        %dma_wait3A_279 = tpu.memref_slice %arg16[%dma_wait3A_277, %dma_wait3A_278] : memref<10112x8xf32, #tpu.memory_space<vmem_shared>> -> memref<10112x8xf32, #tpu.memory_space<vmem_shared>>
        tpu.wait_indirect_dma semaphore(%arg15 : memref<!tpu.dma_semaphore, #tpu.memory_space<semaphore_mem>>) src(%run_scoped3A_5 : memref<128x8xf32, #tpu.memory_space<vmem>>) dst(%dma_wait3A_279 : memref<10112x8xf32, #tpu.memory_space<vmem_shared>>)
        %dma_start3A_280 = arith.constant 7 : i32
        %dma_start3A_281 = arith.constant 0 : i32
        %dma_start3A_282 = tpu.memref_slice %run_scoped3A[%rem3A_75, %dma_start3A_280, %dma_start3A_281] : memref<2x8x128xi32, #tpu.memory_space<vmem>> -> memref<1x1x128xi32, #tpu.memory_space<vmem>>
        %dma_start3A_283 = tpu.memref_squeeze %dma_start3A_282 : memref<1x1x128xi32, #tpu.memory_space<vmem>> -> memref<128xi32, #tpu.memory_space<vmem>>
        %dma_start3A_284 = arith.constant 0 : i32
        %dma_start3A_285 = arith.constant 0 : i32
        %dma_start3A_286 = tpu.memref_slice %arg2[%dma_start3A_284, %dma_start3A_285] : memref<10112x128xbf16, #tpu.memory_space<hbm>> -> memref<10112x128xbf16, #tpu.memory_space<hbm>>
        tpu.enqueue_indirect_dma source(%dma_start3A_286 : memref<10112x128xbf16, #tpu.memory_space<hbm>>) target(%run_scoped3A_4 : memref<128x128xbf16, #tpu.memory_space<vmem>>) offsets(%dma_start3A_283 : memref<128xi32, #tpu.memory_space<vmem>>) semaphore(%arg13 : memref<!tpu.dma_semaphore, #tpu.memory_space<semaphore_mem>>)
        %dma_wait3A_287 = arith.constant 5 : i32
        %dma_wait3A_288 = arith.constant 0 : i32
        %dma_wait3A_289 = tpu.memref_slice %run_scoped3A[%rem3A_75, %dma_wait3A_287, %dma_wait3A_288] : memref<2x8x128xi32, #tpu.memory_space<vmem>> -> memref<1x1x128xi32, #tpu.memory_space<vmem>>
        %dma_wait3A_290 = tpu.memref_squeeze %dma_wait3A_289 : memref<1x1x128xi32, #tpu.memory_space<vmem>> -> memref<128xi32, #tpu.memory_space<vmem>>
        %dma_wait3A_291 = arith.constant 0 : i32
        %dma_wait3A_292 = arith.constant 0 : i32
        %dma_wait3A_293 = tpu.memref_slice %arg2[%dma_wait3A_291, %dma_wait3A_292] : memref<10112x128xbf16, #tpu.memory_space<hbm>> -> memref<10112x128xbf16, #tpu.memory_space<hbm>>
        tpu.wait_indirect_dma semaphore(%arg11 : memref<!tpu.dma_semaphore, #tpu.memory_space<semaphore_mem>>) src(%dma_wait3A_293 : memref<10112x128xbf16, #tpu.memory_space<hbm>>) dst(%run_scoped3A_2 : memref<128x128xbf16, #tpu.memory_space<vmem>>)
        %dma_start3A_294 = arith.constant 5 : i32
        %dma_start3A_295 = arith.constant 0 : i32
        %dma_start3A_296 = tpu.memref_slice %run_scoped3A_0[%rem3A_75, %dma_start3A_294, %dma_start3A_295] : memref<2x8x128xi32, #tpu.memory_space<vmem>> -> memref<1x1x128xi32, #tpu.memory_space<vmem>>
        %dma_start3A_297 = tpu.memref_squeeze %dma_start3A_296 : memref<1x1x128xi32, #tpu.memory_space<vmem>> -> memref<128xi32, #tpu.memory_space<vmem>>
        %dma_start3A_298 = arith.constant 0 : i32
        %dma_start3A_299 = arith.constant 0 : i32
        %dma_start3A_300 = tpu.memref_slice %arg9[%dma_start3A_298, %dma_start3A_299] : memref<10112x128xbf16, #tpu.memory_space<vmem_shared>> -> memref<10112x128xbf16, #tpu.memory_space<vmem_shared>>
        tpu.enqueue_indirect_dma source(%run_scoped3A_2 : memref<128x128xbf16, #tpu.memory_space<vmem>>) target(%dma_start3A_300 : memref<10112x128xbf16, #tpu.memory_space<vmem_shared>>) offsets(%dma_start3A_297 : memref<128xi32, #tpu.memory_space<vmem>>) semaphore(%arg15 : memref<!tpu.dma_semaphore, #tpu.memory_space<semaphore_mem>>) {add = true}
        %dma_start3A_301 = arith.constant 5 : i32
        %dma_start3A_302 = arith.constant 0 : i32
        %dma_start3A_303 = tpu.memref_slice %run_scoped3A_0[%rem3A_75, %dma_start3A_301, %dma_start3A_302] : memref<2x8x128xi32, #tpu.memory_space<vmem>> -> memref<1x1x128xi32, #tpu.memory_space<vmem>>
        %dma_start3A_304 = tpu.memref_squeeze %dma_start3A_303 : memref<1x1x128xi32, #tpu.memory_space<vmem>> -> memref<128xi32, #tpu.memory_space<vmem>>
        %dma_start3A_305 = arith.constant 0 : i32
        %dma_start3A_306 = arith.constant 0 : i32
        %dma_start3A_307 = tpu.memref_slice %arg16[%dma_start3A_305, %dma_start3A_306] : memref<10112x8xf32, #tpu.memory_space<vmem_shared>> -> memref<10112x8xf32, #tpu.memory_space<vmem_shared>>
        tpu.enqueue_indirect_dma source(%run_scoped3A_5 : memref<128x8xf32, #tpu.memory_space<vmem>>) target(%dma_start3A_307 : memref<10112x8xf32, #tpu.memory_space<vmem_shared>>) offsets(%dma_start3A_304 : memref<128xi32, #tpu.memory_space<vmem>>) semaphore(%arg15 : memref<!tpu.dma_semaphore, #tpu.memory_space<semaphore_mem>>) {add = true}
        %dma_wait3A_308 = arith.constant 4 : i32
        %dma_wait3A_309 = arith.constant 0 : i32
        %dma_wait3A_310 = tpu.memref_slice %run_scoped3A_0[%rem3A_75, %dma_wait3A_308, %dma_wait3A_309] : memref<2x8x128xi32, #tpu.memory_space<vmem>> -> memref<1x1x128xi32, #tpu.memory_space<vmem>>
        %dma_wait3A_311 = tpu.memref_squeeze %dma_wait3A_310 : memref<1x1x128xi32, #tpu.memory_space<vmem>> -> memref<128xi32, #tpu.memory_space<vmem>>
        %dma_wait3A_312 = arith.constant 0 : i32
        %dma_wait3A_313 = arith.constant 0 : i32
        %dma_wait3A_314 = tpu.memref_slice %arg9[%dma_wait3A_312, %dma_wait3A_313] : memref<10112x128xbf16, #tpu.memory_space<vmem_shared>> -> memref<10112x128xbf16, #tpu.memory_space<vmem_shared>>
        tpu.wait_indirect_dma semaphore(%arg15 : memref<!tpu.dma_semaphore, #tpu.memory_space<semaphore_mem>>) src(%run_scoped3A_1 : memref<128x128xbf16, #tpu.memory_space<vmem>>) dst(%dma_wait3A_314 : memref<10112x128xbf16, #tpu.memory_space<vmem_shared>>)
        %dma_wait3A_315 = arith.constant 4 : i32
        %dma_wait3A_316 = arith.constant 0 : i32
        %dma_wait3A_317 = tpu.memref_slice %run_scoped3A_0[%rem3A_75, %dma_wait3A_315, %dma_wait3A_316] : memref<2x8x128xi32, #tpu.memory_space<vmem>> -> memref<1x1x128xi32, #tpu.memory_space<vmem>>
        %dma_wait3A_318 = tpu.memref_squeeze %dma_wait3A_317 : memref<1x1x128xi32, #tpu.memory_space<vmem>> -> memref<128xi32, #tpu.memory_space<vmem>>
        %dma_wait3A_319 = arith.constant 0 : i32
        %dma_wait3A_320 = arith.constant 0 : i32
        %dma_wait3A_321 = tpu.memref_slice %arg16[%dma_wait3A_319, %dma_wait3A_320] : memref<10112x8xf32, #tpu.memory_space<vmem_shared>> -> memref<10112x8xf32, #tpu.memory_space<vmem_shared>>
        tpu.wait_indirect_dma semaphore(%arg15 : memref<!tpu.dma_semaphore, #tpu.memory_space<semaphore_mem>>) src(%run_scoped3A_5 : memref<128x8xf32, #tpu.memory_space<vmem>>) dst(%dma_wait3A_321 : memref<10112x8xf32, #tpu.memory_space<vmem_shared>>)
        %add3A_322 = arith.constant 1 : i32
        %add3A_323 = arith.addi %while3A_74, %add3A_322 : i32
        %lt3A_324 = arith.cmpi slt, %add3A_323, %select_n3A : i32
        %convert_element_type3A_325 = arith.extui %lt3A_324 : i1 to i32
        %cond3A_326 = arith.constant 0 : i32
        %cond3A_327 = arith.cmpi ne, %convert_element_type3A_325, %cond3A_326 : i32
        scf.if %cond3A_327 {
          %dma_wait3A_418 = arith.constant 0 : i32
          %dma_wait3A_419 = arith.constant 0 : i32
          %dma_wait3A_420 = tpu.memref_slice %run_scoped3A[%rem3A_79, %dma_wait3A_418, %dma_wait3A_419] : memref<2x8x128xi32, #tpu.memory_space<vmem>> -> memref<1x8x128xi32, #tpu.memory_space<vmem>>
          %dma_wait3A_421 = tpu.memref_squeeze %dma_wait3A_420 : memref<1x8x128xi32, #tpu.memory_space<vmem>> -> memref<8x128xi32, #tpu.memory_space<vmem>>
          %dma_wait3A_422 = arith.constant 0 : i32
          %dma_wait3A_423 = arith.constant 0 : i32
          %dma_wait3A_424 = tpu.memref_slice %arg3[%select_n3A_15, %dma_wait3A_422, %dma_wait3A_423] : memref<321x8x128xi32, #tpu.memory_space<hbm>> -> memref<1x8x128xi32, #tpu.memory_space<hbm>>
          %dma_wait3A_425 = tpu.memref_squeeze %dma_wait3A_424 : memref<1x8x128xi32, #tpu.memory_space<hbm>> -> memref<8x128xi32, #tpu.memory_space<hbm>>
          %dma_wait3A_426 = arith.constant 0 : i32
          %dma_wait3A_427 = arith.constant 0 : i32
          %dma_wait3A_428 = tpu.memref_slice %run_scoped3A[%rem3A_79, %dma_wait3A_426, %dma_wait3A_427] : memref<2x8x128xi32, #tpu.memory_space<vmem>> -> memref<1x8x128xi32, #tpu.memory_space<vmem>>
          %dma_wait3A_429 = tpu.memref_squeeze %dma_wait3A_428 : memref<1x8x128xi32, #tpu.memory_space<vmem>> -> memref<8x128xi32, #tpu.memory_space<vmem>>
          %dma_wait3A_430 = arith.constant 0 : i32
          %dma_wait3A_431 = arith.constant 0 : i32
          %dma_wait3A_432 = tpu.memref_slice %arg3[%select_n3A_15, %dma_wait3A_430, %dma_wait3A_431] : memref<321x8x128xi32, #tpu.memory_space<hbm>> -> memref<1x8x128xi32, #tpu.memory_space<hbm>>
          %dma_wait3A_433 = tpu.memref_squeeze %dma_wait3A_432 : memref<1x8x128xi32, #tpu.memory_space<hbm>> -> memref<8x128xi32, #tpu.memory_space<hbm>>
          tpu.wait_dma2 semaphore(%arg14 : memref<!tpu.dma_semaphore, #tpu.memory_space<semaphore_mem>>) src(%dma_wait3A_433 : memref<8x128xi32, #tpu.memory_space<hbm>>) dst(%dma_wait3A_429 : memref<8x128xi32, #tpu.memory_space<vmem>>)
          %dma_wait3A_434 = arith.constant 0 : i32
          %dma_wait3A_435 = arith.constant 0 : i32
          %dma_wait3A_436 = tpu.memref_slice %run_scoped3A_0[%rem3A_79, %dma_wait3A_434, %dma_wait3A_435] : memref<2x8x128xi32, #tpu.memory_space<vmem>> -> memref<1x8x128xi32, #tpu.memory_space<vmem>>
          %dma_wait3A_437 = tpu.memref_squeeze %dma_wait3A_436 : memref<1x8x128xi32, #tpu.memory_space<vmem>> -> memref<8x128xi32, #tpu.memory_space<vmem>>
          %dma_wait3A_438 = arith.constant 0 : i32
          %dma_wait3A_439 = arith.constant 0 : i32
          %dma_wait3A_440 = tpu.memref_slice %arg4[%select_n3A_15, %dma_wait3A_438, %dma_wait3A_439] : memref<321x8x128xi32, #tpu.memory_space<hbm>> -> memref<1x8x128xi32, #tpu.memory_space<hbm>>
          %dma_wait3A_441 = tpu.memref_squeeze %dma_wait3A_440 : memref<1x8x128xi32, #tpu.memory_space<hbm>> -> memref<8x128xi32, #tpu.memory_space<hbm>>
          %dma_wait3A_442 = arith.constant 0 : i32
          %dma_wait3A_443 = arith.constant 0 : i32
          %dma_wait3A_444 = tpu.memref_slice %run_scoped3A_0[%rem3A_79, %dma_wait3A_442, %dma_wait3A_443] : memref<2x8x128xi32, #tpu.memory_space<vmem>> -> memref<1x8x128xi32, #tpu.memory_space<vmem>>
          %dma_wait3A_445 = tpu.memref_squeeze %dma_wait3A_444 : memref<1x8x128xi32, #tpu.memory_space<vmem>> -> memref<8x128xi32, #tpu.memory_space<vmem>>
          %dma_wait3A_446 = arith.constant 0 : i32
          %dma_wait3A_447 = arith.constant 0 : i32
          %dma_wait3A_448 = tpu.memref_slice %arg4[%select_n3A_15, %dma_wait3A_446, %dma_wait3A_447] : memref<321x8x128xi32, #tpu.memory_space<hbm>> -> memref<1x8x128xi32, #tpu.memory_space<hbm>>
          %dma_wait3A_449 = tpu.memref_squeeze %dma_wait3A_448 : memref<1x8x128xi32, #tpu.memory_space<hbm>> -> memref<8x128xi32, #tpu.memory_space<hbm>>
          tpu.wait_dma2 semaphore(%arg14 : memref<!tpu.dma_semaphore, #tpu.memory_space<semaphore_mem>>) src(%dma_wait3A_449 : memref<8x128xi32, #tpu.memory_space<hbm>>) dst(%dma_wait3A_445 : memref<8x128xi32, #tpu.memory_space<vmem>>)
          %dma_start3A_450 = arith.constant 0 : i32
          %dma_start3A_451 = arith.constant 0 : i32
          %dma_start3A_452 = tpu.memref_slice %run_scoped3A[%rem3A_79, %dma_start3A_450, %dma_start3A_451] : memref<2x8x128xi32, #tpu.memory_space<vmem>> -> memref<1x1x128xi32, #tpu.memory_space<vmem>>
          %dma_start3A_453 = tpu.memref_squeeze %dma_start3A_452 : memref<1x1x128xi32, #tpu.memory_space<vmem>> -> memref<128xi32, #tpu.memory_space<vmem>>
          %dma_start3A_454 = arith.constant 0 : i32
          %dma_start3A_455 = arith.constant 0 : i32
          %dma_start3A_456 = tpu.memref_slice %arg2[%dma_start3A_454, %dma_start3A_455] : memref<10112x128xbf16, #tpu.memory_space<hbm>> -> memref<10112x128xbf16, #tpu.memory_space<hbm>>
          tpu.enqueue_indirect_dma source(%dma_start3A_456 : memref<10112x128xbf16, #tpu.memory_space<hbm>>) target(%run_scoped3A_1 : memref<128x128xbf16, #tpu.memory_space<vmem>>) offsets(%dma_start3A_453 : memref<128xi32, #tpu.memory_space<vmem>>) semaphore(%arg10 : memref<!tpu.dma_semaphore, #tpu.memory_space<semaphore_mem>>)
        } else {
        }
        %dma_wait3A_328 = arith.constant 6 : i32
        %dma_wait3A_329 = arith.constant 0 : i32
        %dma_wait3A_330 = tpu.memref_slice %run_scoped3A[%rem3A_75, %dma_wait3A_328, %dma_wait3A_329] : memref<2x8x128xi32, #tpu.memory_space<vmem>> -> memref<1x1x128xi32, #tpu.memory_space<vmem>>
        %dma_wait3A_331 = tpu.memref_squeeze %dma_wait3A_330 : memref<1x1x128xi32, #tpu.memory_space<vmem>> -> memref<128xi32, #tpu.memory_space<vmem>>
        %dma_wait3A_332 = arith.constant 0 : i32
        %dma_wait3A_333 = arith.constant 0 : i32
        %dma_wait3A_334 = tpu.memref_slice %arg2[%dma_wait3A_332, %dma_wait3A_333] : memref<10112x128xbf16, #tpu.memory_space<hbm>> -> memref<10112x128xbf16, #tpu.memory_space<hbm>>
        tpu.wait_indirect_dma semaphore(%arg12 : memref<!tpu.dma_semaphore, #tpu.memory_space<semaphore_mem>>) src(%dma_wait3A_334 : memref<10112x128xbf16, #tpu.memory_space<hbm>>) dst(%run_scoped3A_3 : memref<128x128xbf16, #tpu.memory_space<vmem>>)
        %dma_start3A_335 = arith.constant 6 : i32
        %dma_start3A_336 = arith.constant 0 : i32
        %dma_start3A_337 = tpu.memref_slice %run_scoped3A_0[%rem3A_75, %dma_start3A_335, %dma_start3A_336] : memref<2x8x128xi32, #tpu.memory_space<vmem>> -> memref<1x1x128xi32, #tpu.memory_space<vmem>>
        %dma_start3A_338 = tpu.memref_squeeze %dma_start3A_337 : memref<1x1x128xi32, #tpu.memory_space<vmem>> -> memref<128xi32, #tpu.memory_space<vmem>>
        %dma_start3A_339 = arith.constant 0 : i32
        %dma_start3A_340 = arith.constant 0 : i32
        %dma_start3A_341 = tpu.memref_slice %arg9[%dma_start3A_339, %dma_start3A_340] : memref<10112x128xbf16, #tpu.memory_space<vmem_shared>> -> memref<10112x128xbf16, #tpu.memory_space<vmem_shared>>
        tpu.enqueue_indirect_dma source(%run_scoped3A_3 : memref<128x128xbf16, #tpu.memory_space<vmem>>) target(%dma_start3A_341 : memref<10112x128xbf16, #tpu.memory_space<vmem_shared>>) offsets(%dma_start3A_338 : memref<128xi32, #tpu.memory_space<vmem>>) semaphore(%arg15 : memref<!tpu.dma_semaphore, #tpu.memory_space<semaphore_mem>>) {add = true}
        %dma_start3A_342 = arith.constant 6 : i32
        %dma_start3A_343 = arith.constant 0 : i32
        %dma_start3A_344 = tpu.memref_slice %run_scoped3A_0[%rem3A_75, %dma_start3A_342, %dma_start3A_343] : memref<2x8x128xi32, #tpu.memory_space<vmem>> -> memref<1x1x128xi32, #tpu.memory_space<vmem>>
        %dma_start3A_345 = tpu.memref_squeeze %dma_start3A_344 : memref<1x1x128xi32, #tpu.memory_space<vmem>> -> memref<128xi32, #tpu.memory_space<vmem>>
        %dma_start3A_346 = arith.constant 0 : i32
        %dma_start3A_347 = arith.constant 0 : i32
        %dma_start3A_348 = tpu.memref_slice %arg16[%dma_start3A_346, %dma_start3A_347] : memref<10112x8xf32, #tpu.memory_space<vmem_shared>> -> memref<10112x8xf32, #tpu.memory_space<vmem_shared>>
        tpu.enqueue_indirect_dma source(%run_scoped3A_5 : memref<128x8xf32, #tpu.memory_space<vmem>>) target(%dma_start3A_348 : memref<10112x8xf32, #tpu.memory_space<vmem_shared>>) offsets(%dma_start3A_345 : memref<128xi32, #tpu.memory_space<vmem>>) semaphore(%arg15 : memref<!tpu.dma_semaphore, #tpu.memory_space<semaphore_mem>>) {add = true}
        %dma_wait3A_349 = arith.constant 5 : i32
        %dma_wait3A_350 = arith.constant 0 : i32
        %dma_wait3A_351 = tpu.memref_slice %run_scoped3A_0[%rem3A_75, %dma_wait3A_349, %dma_wait3A_350] : memref<2x8x128xi32, #tpu.memory_space<vmem>> -> memref<1x1x128xi32, #tpu.memory_space<vmem>>
        %dma_wait3A_352 = tpu.memref_squeeze %dma_wait3A_351 : memref<1x1x128xi32, #tpu.memory_space<vmem>> -> memref<128xi32, #tpu.memory_space<vmem>>
        %dma_wait3A_353 = arith.constant 0 : i32
        %dma_wait3A_354 = arith.constant 0 : i32
        %dma_wait3A_355 = tpu.memref_slice %arg9[%dma_wait3A_353, %dma_wait3A_354] : memref<10112x128xbf16, #tpu.memory_space<vmem_shared>> -> memref<10112x128xbf16, #tpu.memory_space<vmem_shared>>
        tpu.wait_indirect_dma semaphore(%arg15 : memref<!tpu.dma_semaphore, #tpu.memory_space<semaphore_mem>>) src(%run_scoped3A_2 : memref<128x128xbf16, #tpu.memory_space<vmem>>) dst(%dma_wait3A_355 : memref<10112x128xbf16, #tpu.memory_space<vmem_shared>>)
        %dma_wait3A_356 = arith.constant 5 : i32
        %dma_wait3A_357 = arith.constant 0 : i32
        %dma_wait3A_358 = tpu.memref_slice %run_scoped3A_0[%rem3A_75, %dma_wait3A_356, %dma_wait3A_357] : memref<2x8x128xi32, #tpu.memory_space<vmem>> -> memref<1x1x128xi32, #tpu.memory_space<vmem>>
        %dma_wait3A_359 = tpu.memref_squeeze %dma_wait3A_358 : memref<1x1x128xi32, #tpu.memory_space<vmem>> -> memref<128xi32, #tpu.memory_space<vmem>>
        %dma_wait3A_360 = arith.constant 0 : i32
        %dma_wait3A_361 = arith.constant 0 : i32
        %dma_wait3A_362 = tpu.memref_slice %arg16[%dma_wait3A_360, %dma_wait3A_361] : memref<10112x8xf32, #tpu.memory_space<vmem_shared>> -> memref<10112x8xf32, #tpu.memory_space<vmem_shared>>
        tpu.wait_indirect_dma semaphore(%arg15 : memref<!tpu.dma_semaphore, #tpu.memory_space<semaphore_mem>>) src(%run_scoped3A_5 : memref<128x8xf32, #tpu.memory_space<vmem>>) dst(%dma_wait3A_362 : memref<10112x8xf32, #tpu.memory_space<vmem_shared>>)
        %add3A_363 = arith.constant 1 : i32
        %add3A_364 = arith.addi %while3A_74, %add3A_363 : i32
        %lt3A_365 = arith.cmpi slt, %add3A_364, %select_n3A : i32
        %convert_element_type3A_366 = arith.extui %lt3A_365 : i1 to i32
        %cond3A_367 = arith.constant 0 : i32
        %cond3A_368 = arith.cmpi ne, %convert_element_type3A_366, %cond3A_367 : i32
        scf.if %cond3A_368 {
          %dma_start3A_418 = arith.constant 1 : i32
          %dma_start3A_419 = arith.constant 0 : i32
          %dma_start3A_420 = tpu.memref_slice %run_scoped3A[%rem3A_79, %dma_start3A_418, %dma_start3A_419] : memref<2x8x128xi32, #tpu.memory_space<vmem>> -> memref<1x1x128xi32, #tpu.memory_space<vmem>>
          %dma_start3A_421 = tpu.memref_squeeze %dma_start3A_420 : memref<1x1x128xi32, #tpu.memory_space<vmem>> -> memref<128xi32, #tpu.memory_space<vmem>>
          %dma_start3A_422 = arith.constant 0 : i32
          %dma_start3A_423 = arith.constant 0 : i32
          %dma_start3A_424 = tpu.memref_slice %arg2[%dma_start3A_422, %dma_start3A_423] : memref<10112x128xbf16, #tpu.memory_space<hbm>> -> memref<10112x128xbf16, #tpu.memory_space<hbm>>
          tpu.enqueue_indirect_dma source(%dma_start3A_424 : memref<10112x128xbf16, #tpu.memory_space<hbm>>) target(%run_scoped3A_2 : memref<128x128xbf16, #tpu.memory_space<vmem>>) offsets(%dma_start3A_421 : memref<128xi32, #tpu.memory_space<vmem>>) semaphore(%arg11 : memref<!tpu.dma_semaphore, #tpu.memory_space<semaphore_mem>>)
        } else {
        }
        %dma_wait3A_369 = arith.constant 7 : i32
        %dma_wait3A_370 = arith.constant 0 : i32
        %dma_wait3A_371 = tpu.memref_slice %run_scoped3A[%rem3A_75, %dma_wait3A_369, %dma_wait3A_370] : memref<2x8x128xi32, #tpu.memory_space<vmem>> -> memref<1x1x128xi32, #tpu.memory_space<vmem>>
        %dma_wait3A_372 = tpu.memref_squeeze %dma_wait3A_371 : memref<1x1x128xi32, #tpu.memory_space<vmem>> -> memref<128xi32, #tpu.memory_space<vmem>>
        %dma_wait3A_373 = arith.constant 0 : i32
        %dma_wait3A_374 = arith.constant 0 : i32
        %dma_wait3A_375 = tpu.memref_slice %arg2[%dma_wait3A_373, %dma_wait3A_374] : memref<10112x128xbf16, #tpu.memory_space<hbm>> -> memref<10112x128xbf16, #tpu.memory_space<hbm>>
        tpu.wait_indirect_dma semaphore(%arg13 : memref<!tpu.dma_semaphore, #tpu.memory_space<semaphore_mem>>) src(%dma_wait3A_375 : memref<10112x128xbf16, #tpu.memory_space<hbm>>) dst(%run_scoped3A_4 : memref<128x128xbf16, #tpu.memory_space<vmem>>)
        %dma_start3A_376 = arith.constant 7 : i32
        %dma_start3A_377 = arith.constant 0 : i32
        %dma_start3A_378 = tpu.memref_slice %run_scoped3A_0[%rem3A_75, %dma_start3A_376, %dma_start3A_377] : memref<2x8x128xi32, #tpu.memory_space<vmem>> -> memref<1x1x128xi32, #tpu.memory_space<vmem>>
        %dma_start3A_379 = tpu.memref_squeeze %dma_start3A_378 : memref<1x1x128xi32, #tpu.memory_space<vmem>> -> memref<128xi32, #tpu.memory_space<vmem>>
        %dma_start3A_380 = arith.constant 0 : i32
        %dma_start3A_381 = arith.constant 0 : i32
        %dma_start3A_382 = tpu.memref_slice %arg9[%dma_start3A_380, %dma_start3A_381] : memref<10112x128xbf16, #tpu.memory_space<vmem_shared>> -> memref<10112x128xbf16, #tpu.memory_space<vmem_shared>>
        tpu.enqueue_indirect_dma source(%run_scoped3A_4 : memref<128x128xbf16, #tpu.memory_space<vmem>>) target(%dma_start3A_382 : memref<10112x128xbf16, #tpu.memory_space<vmem_shared>>) offsets(%dma_start3A_379 : memref<128xi32, #tpu.memory_space<vmem>>) semaphore(%arg15 : memref<!tpu.dma_semaphore, #tpu.memory_space<semaphore_mem>>) {add = true}
        %dma_start3A_383 = arith.constant 7 : i32
        %dma_start3A_384 = arith.constant 0 : i32
        %dma_start3A_385 = tpu.memref_slice %run_scoped3A_0[%rem3A_75, %dma_start3A_383, %dma_start3A_384] : memref<2x8x128xi32, #tpu.memory_space<vmem>> -> memref<1x1x128xi32, #tpu.memory_space<vmem>>
        %dma_start3A_386 = tpu.memref_squeeze %dma_start3A_385 : memref<1x1x128xi32, #tpu.memory_space<vmem>> -> memref<128xi32, #tpu.memory_space<vmem>>
        %dma_start3A_387 = arith.constant 0 : i32
        %dma_start3A_388 = arith.constant 0 : i32
        %dma_start3A_389 = tpu.memref_slice %arg16[%dma_start3A_387, %dma_start3A_388] : memref<10112x8xf32, #tpu.memory_space<vmem_shared>> -> memref<10112x8xf32, #tpu.memory_space<vmem_shared>>
        tpu.enqueue_indirect_dma source(%run_scoped3A_5 : memref<128x8xf32, #tpu.memory_space<vmem>>) target(%dma_start3A_389 : memref<10112x8xf32, #tpu.memory_space<vmem_shared>>) offsets(%dma_start3A_386 : memref<128xi32, #tpu.memory_space<vmem>>) semaphore(%arg15 : memref<!tpu.dma_semaphore, #tpu.memory_space<semaphore_mem>>) {add = true}
        %dma_wait3A_390 = arith.constant 6 : i32
        %dma_wait3A_391 = arith.constant 0 : i32
        %dma_wait3A_392 = tpu.memref_slice %run_scoped3A_0[%rem3A_75, %dma_wait3A_390, %dma_wait3A_391] : memref<2x8x128xi32, #tpu.memory_space<vmem>> -> memref<1x1x128xi32, #tpu.memory_space<vmem>>
        %dma_wait3A_393 = tpu.memref_squeeze %dma_wait3A_392 : memref<1x1x128xi32, #tpu.memory_space<vmem>> -> memref<128xi32, #tpu.memory_space<vmem>>
        %dma_wait3A_394 = arith.constant 0 : i32
        %dma_wait3A_395 = arith.constant 0 : i32
        %dma_wait3A_396 = tpu.memref_slice %arg9[%dma_wait3A_394, %dma_wait3A_395] : memref<10112x128xbf16, #tpu.memory_space<vmem_shared>> -> memref<10112x128xbf16, #tpu.memory_space<vmem_shared>>
        tpu.wait_indirect_dma semaphore(%arg15 : memref<!tpu.dma_semaphore, #tpu.memory_space<semaphore_mem>>) src(%run_scoped3A_3 : memref<128x128xbf16, #tpu.memory_space<vmem>>) dst(%dma_wait3A_396 : memref<10112x128xbf16, #tpu.memory_space<vmem_shared>>)
        %dma_wait3A_397 = arith.constant 7 : i32
        %dma_wait3A_398 = arith.constant 0 : i32
        %dma_wait3A_399 = tpu.memref_slice %run_scoped3A_0[%rem3A_75, %dma_wait3A_397, %dma_wait3A_398] : memref<2x8x128xi32, #tpu.memory_space<vmem>> -> memref<1x1x128xi32, #tpu.memory_space<vmem>>
        %dma_wait3A_400 = tpu.memref_squeeze %dma_wait3A_399 : memref<1x1x128xi32, #tpu.memory_space<vmem>> -> memref<128xi32, #tpu.memory_space<vmem>>
        %dma_wait3A_401 = arith.constant 0 : i32
        %dma_wait3A_402 = arith.constant 0 : i32
        %dma_wait3A_403 = tpu.memref_slice %arg9[%dma_wait3A_401, %dma_wait3A_402] : memref<10112x128xbf16, #tpu.memory_space<vmem_shared>> -> memref<10112x128xbf16, #tpu.memory_space<vmem_shared>>
        tpu.wait_indirect_dma semaphore(%arg15 : memref<!tpu.dma_semaphore, #tpu.memory_space<semaphore_mem>>) src(%run_scoped3A_4 : memref<128x128xbf16, #tpu.memory_space<vmem>>) dst(%dma_wait3A_403 : memref<10112x128xbf16, #tpu.memory_space<vmem_shared>>)
        %dma_wait3A_404 = arith.constant 6 : i32
        %dma_wait3A_405 = arith.constant 0 : i32
        %dma_wait3A_406 = tpu.memref_slice %run_scoped3A_0[%rem3A_75, %dma_wait3A_404, %dma_wait3A_405] : memref<2x8x128xi32, #tpu.memory_space<vmem>> -> memref<1x1x128xi32, #tpu.memory_space<vmem>>
        %dma_wait3A_407 = tpu.memref_squeeze %dma_wait3A_406 : memref<1x1x128xi32, #tpu.memory_space<vmem>> -> memref<128xi32, #tpu.memory_space<vmem>>
        %dma_wait3A_408 = arith.constant 0 : i32
        %dma_wait3A_409 = arith.constant 0 : i32
        %dma_wait3A_410 = tpu.memref_slice %arg16[%dma_wait3A_408, %dma_wait3A_409] : memref<10112x8xf32, #tpu.memory_space<vmem_shared>> -> memref<10112x8xf32, #tpu.memory_space<vmem_shared>>
        tpu.wait_indirect_dma semaphore(%arg15 : memref<!tpu.dma_semaphore, #tpu.memory_space<semaphore_mem>>) src(%run_scoped3A_5 : memref<128x8xf32, #tpu.memory_space<vmem>>) dst(%dma_wait3A_410 : memref<10112x8xf32, #tpu.memory_space<vmem_shared>>)
        %dma_wait3A_411 = arith.constant 7 : i32
        %dma_wait3A_412 = arith.constant 0 : i32
        %dma_wait3A_413 = tpu.memref_slice %run_scoped3A_0[%rem3A_75, %dma_wait3A_411, %dma_wait3A_412] : memref<2x8x128xi32, #tpu.memory_space<vmem>> -> memref<1x1x128xi32, #tpu.memory_space<vmem>>
        %dma_wait3A_414 = tpu.memref_squeeze %dma_wait3A_413 : memref<1x1x128xi32, #tpu.memory_space<vmem>> -> memref<128xi32, #tpu.memory_space<vmem>>
        %dma_wait3A_415 = arith.constant 0 : i32
        %dma_wait3A_416 = arith.constant 0 : i32
        %dma_wait3A_417 = tpu.memref_slice %arg16[%dma_wait3A_415, %dma_wait3A_416] : memref<10112x8xf32, #tpu.memory_space<vmem_shared>> -> memref<10112x8xf32, #tpu.memory_space<vmem_shared>>
        tpu.wait_indirect_dma semaphore(%arg15 : memref<!tpu.dma_semaphore, #tpu.memory_space<semaphore_mem>>) src(%run_scoped3A_5 : memref<128x8xf32, #tpu.memory_space<vmem>>) dst(%dma_wait3A_417 : memref<10112x8xf32, #tpu.memory_space<vmem_shared>>)
      }
      %while3A_69 = arith.constant 1 : i32
      scf.for %while3A_74 = %while3A_67 to %while3A_63 step %while3A_69  : i32 {
        %rem3A = arith.constant 2 : i32
        %rem3A_75 = arith.remsi %while3A_74, %rem3A : i32
        %add3A_76 = arith.constant 1 : i32
        %add3A_77 = arith.addi %while3A_74, %add3A_76 : i32
        %rem3A_78 = arith.constant 2 : i32
        %rem3A_79 = arith.remsi %add3A_77, %rem3A_78 : i32
        %add3A_80 = arith.constant 1 : i32
        %add3A_81 = arith.addi %while3A_74, %add3A_80 : i32
        %lt3A = arith.cmpi slt, %add3A_81, %select_n3A : i32
        %convert_element_type3A_82 = arith.extui %lt3A : i1 to i32
        %cond3A_83 = arith.constant 0 : i32
        %cond3A_84 = arith.cmpi ne, %convert_element_type3A_82, %cond3A_83 : i32
        scf.if %cond3A_84 {
          %add3A_418 = arith.addi %select_n3A_15, %while3A_74 : i32
          %add3A_419 = arith.constant 1 : i32
          %add3A_420 = arith.addi %add3A_418, %add3A_419 : i32
          %dma_start3A_421 = arith.constant 0 : i32
          %dma_start3A_422 = arith.constant 0 : i32
          %dma_start3A_423 = tpu.memref_slice %run_scoped3A[%rem3A_79, %dma_start3A_421, %dma_start3A_422] : memref<2x8x128xi32, #tpu.memory_space<vmem>> -> memref<1x8x128xi32, #tpu.memory_space<vmem>>
          %dma_start3A_424 = tpu.memref_squeeze %dma_start3A_423 : memref<1x8x128xi32, #tpu.memory_space<vmem>> -> memref<8x128xi32, #tpu.memory_space<vmem>>
          %dma_start3A_425 = arith.constant 0 : i32
          %dma_start3A_426 = arith.constant 0 : i32
          %dma_start3A_427 = tpu.memref_slice %arg3[%add3A_420, %dma_start3A_425, %dma_start3A_426] : memref<321x8x128xi32, #tpu.memory_space<hbm>> -> memref<1x8x128xi32, #tpu.memory_space<hbm>>
          %dma_start3A_428 = tpu.memref_squeeze %dma_start3A_427 : memref<1x8x128xi32, #tpu.memory_space<hbm>> -> memref<8x128xi32, #tpu.memory_space<hbm>>
          %dma_start3A_429 = arith.constant 0 : i32
          %dma_start3A_430 = arith.constant 0 : i32
          %dma_start3A_431 = tpu.memref_slice %run_scoped3A[%rem3A_79, %dma_start3A_429, %dma_start3A_430] : memref<2x8x128xi32, #tpu.memory_space<vmem>> -> memref<1x8x128xi32, #tpu.memory_space<vmem>>
          %dma_start3A_432 = tpu.memref_squeeze %dma_start3A_431 : memref<1x8x128xi32, #tpu.memory_space<vmem>> -> memref<8x128xi32, #tpu.memory_space<vmem>>
          %dma_start3A_433 = arith.constant 0 : i32
          %dma_start3A_434 = arith.constant 0 : i32
          %dma_start3A_435 = tpu.memref_slice %arg3[%add3A_420, %dma_start3A_433, %dma_start3A_434] : memref<321x8x128xi32, #tpu.memory_space<hbm>> -> memref<1x8x128xi32, #tpu.memory_space<hbm>>
          %dma_start3A_436 = tpu.memref_squeeze %dma_start3A_435 : memref<1x8x128xi32, #tpu.memory_space<hbm>> -> memref<8x128xi32, #tpu.memory_space<hbm>>
          tpu.enqueue_dma source(%dma_start3A_436 : memref<8x128xi32, #tpu.memory_space<hbm>>) target(%dma_start3A_432 : memref<8x128xi32, #tpu.memory_space<vmem>>) target_semaphore(%arg14 : memref<!tpu.dma_semaphore, #tpu.memory_space<semaphore_mem>>)
          %add3A_437 = arith.addi %select_n3A_15, %while3A_74 : i32
          %add3A_438 = arith.constant 1 : i32
          %add3A_439 = arith.addi %add3A_437, %add3A_438 : i32
          %dma_start3A_440 = arith.constant 0 : i32
          %dma_start3A_441 = arith.constant 0 : i32
          %dma_start3A_442 = tpu.memref_slice %run_scoped3A_0[%rem3A_79, %dma_start3A_440, %dma_start3A_441] : memref<2x8x128xi32, #tpu.memory_space<vmem>> -> memref<1x8x128xi32, #tpu.memory_space<vmem>>
          %dma_start3A_443 = tpu.memref_squeeze %dma_start3A_442 : memref<1x8x128xi32, #tpu.memory_space<vmem>> -> memref<8x128xi32, #tpu.memory_space<vmem>>
          %dma_start3A_444 = arith.constant 0 : i32
          %dma_start3A_445 = arith.constant 0 : i32
          %dma_start3A_446 = tpu.memref_slice %arg4[%add3A_439, %dma_start3A_444, %dma_start3A_445] : memref<321x8x128xi32, #tpu.memory_space<hbm>> -> memref<1x8x128xi32, #tpu.memory_space<hbm>>
          %dma_start3A_447 = tpu.memref_squeeze %dma_start3A_446 : memref<1x8x128xi32, #tpu.memory_space<hbm>> -> memref<8x128xi32, #tpu.memory_space<hbm>>
          %dma_start3A_448 = arith.constant 0 : i32
          %dma_start3A_449 = arith.constant 0 : i32
          %dma_start3A_450 = tpu.memref_slice %run_scoped3A_0[%rem3A_79, %dma_start3A_448, %dma_start3A_449] : memref<2x8x128xi32, #tpu.memory_space<vmem>> -> memref<1x8x128xi32, #tpu.memory_space<vmem>>
          %dma_start3A_451 = tpu.memref_squeeze %dma_start3A_450 : memref<1x8x128xi32, #tpu.memory_space<vmem>> -> memref<8x128xi32, #tpu.memory_space<vmem>>
          %dma_start3A_452 = arith.constant 0 : i32
          %dma_start3A_453 = arith.constant 0 : i32
          %dma_start3A_454 = tpu.memref_slice %arg4[%add3A_439, %dma_start3A_452, %dma_start3A_453] : memref<321x8x128xi32, #tpu.memory_space<hbm>> -> memref<1x8x128xi32, #tpu.memory_space<hbm>>
          %dma_start3A_455 = tpu.memref_squeeze %dma_start3A_454 : memref<1x8x128xi32, #tpu.memory_space<hbm>> -> memref<8x128xi32, #tpu.memory_space<hbm>>
          tpu.enqueue_dma source(%dma_start3A_455 : memref<8x128xi32, #tpu.memory_space<hbm>>) target(%dma_start3A_451 : memref<8x128xi32, #tpu.memory_space<vmem>>) target_semaphore(%arg14 : memref<!tpu.dma_semaphore, #tpu.memory_space<semaphore_mem>>)
        } else {
        }
        %dma_start3A_85 = arith.constant 2 : i32
        %dma_start3A_86 = arith.constant 0 : i32
        %dma_start3A_87 = tpu.memref_slice %run_scoped3A[%rem3A_75, %dma_start3A_85, %dma_start3A_86] : memref<2x8x128xi32, #tpu.memory_space<vmem>> -> memref<1x1x128xi32, #tpu.memory_space<vmem>>
        %dma_start3A_88 = tpu.memref_squeeze %dma_start3A_87 : memref<1x1x128xi32, #tpu.memory_space<vmem>> -> memref<128xi32, #tpu.memory_space<vmem>>
        %dma_start3A_89 = arith.constant 0 : i32
        %dma_start3A_90 = arith.constant 0 : i32
        %dma_start3A_91 = tpu.memref_slice %arg2[%dma_start3A_89, %dma_start3A_90] : memref<10112x128xbf16, #tpu.memory_space<hbm>> -> memref<10112x128xbf16, #tpu.memory_space<hbm>>
        tpu.enqueue_indirect_dma source(%dma_start3A_91 : memref<10112x128xbf16, #tpu.memory_space<hbm>>) target(%run_scoped3A_3 : memref<128x128xbf16, #tpu.memory_space<vmem>>) offsets(%dma_start3A_88 : memref<128xi32, #tpu.memory_space<vmem>>) semaphore(%arg12 : memref<!tpu.dma_semaphore, #tpu.memory_space<semaphore_mem>>)
        %dma_wait3A = arith.constant 0 : i32
        %dma_wait3A_92 = arith.constant 0 : i32
        %dma_wait3A_93 = tpu.memref_slice %run_scoped3A[%rem3A_75, %dma_wait3A, %dma_wait3A_92] : memref<2x8x128xi32, #tpu.memory_space<vmem>> -> memref<1x1x128xi32, #tpu.memory_space<vmem>>
        %dma_wait3A_94 = tpu.memref_squeeze %dma_wait3A_93 : memref<1x1x128xi32, #tpu.memory_space<vmem>> -> memref<128xi32, #tpu.memory_space<vmem>>
        %dma_wait3A_95 = arith.constant 0 : i32
        %dma_wait3A_96 = arith.constant 0 : i32
        %dma_wait3A_97 = tpu.memref_slice %arg2[%dma_wait3A_95, %dma_wait3A_96] : memref<10112x128xbf16, #tpu.memory_space<hbm>> -> memref<10112x128xbf16, #tpu.memory_space<hbm>>
        tpu.wait_indirect_dma semaphore(%arg10 : memref<!tpu.dma_semaphore, #tpu.memory_space<semaphore_mem>>) src(%dma_wait3A_97 : memref<10112x128xbf16, #tpu.memory_space<hbm>>) dst(%run_scoped3A_1 : memref<128x128xbf16, #tpu.memory_space<vmem>>)
        %dma_start3A_98 = arith.constant 0 : i32
        %dma_start3A_99 = arith.constant 0 : i32
        %dma_start3A_100 = tpu.memref_slice %run_scoped3A_0[%rem3A_75, %dma_start3A_98, %dma_start3A_99] : memref<2x8x128xi32, #tpu.memory_space<vmem>> -> memref<1x1x128xi32, #tpu.memory_space<vmem>>
        %dma_start3A_101 = tpu.memref_squeeze %dma_start3A_100 : memref<1x1x128xi32, #tpu.memory_space<vmem>> -> memref<128xi32, #tpu.memory_space<vmem>>
        %dma_start3A_102 = arith.constant 0 : i32
        %dma_start3A_103 = arith.constant 0 : i32
        %dma_start3A_104 = tpu.memref_slice %arg9[%dma_start3A_102, %dma_start3A_103] : memref<10112x128xbf16, #tpu.memory_space<vmem_shared>> -> memref<10112x128xbf16, #tpu.memory_space<vmem_shared>>
        tpu.enqueue_indirect_dma source(%run_scoped3A_1 : memref<128x128xbf16, #tpu.memory_space<vmem>>) target(%dma_start3A_104 : memref<10112x128xbf16, #tpu.memory_space<vmem_shared>>) offsets(%dma_start3A_101 : memref<128xi32, #tpu.memory_space<vmem>>) semaphore(%arg15 : memref<!tpu.dma_semaphore, #tpu.memory_space<semaphore_mem>>) {add = true}
        %dma_start3A_105 = arith.constant 0 : i32
        %dma_start3A_106 = arith.constant 0 : i32
        %dma_start3A_107 = tpu.memref_slice %run_scoped3A_0[%rem3A_75, %dma_start3A_105, %dma_start3A_106] : memref<2x8x128xi32, #tpu.memory_space<vmem>> -> memref<1x1x128xi32, #tpu.memory_space<vmem>>
        %dma_start3A_108 = tpu.memref_squeeze %dma_start3A_107 : memref<1x1x128xi32, #tpu.memory_space<vmem>> -> memref<128xi32, #tpu.memory_space<vmem>>
        %dma_start3A_109 = arith.constant 0 : i32
        %dma_start3A_110 = arith.constant 0 : i32
        %dma_start3A_111 = tpu.memref_slice %arg16[%dma_start3A_109, %dma_start3A_110] : memref<10112x8xf32, #tpu.memory_space<vmem_shared>> -> memref<10112x8xf32, #tpu.memory_space<vmem_shared>>
        tpu.enqueue_indirect_dma source(%run_scoped3A_5 : memref<128x8xf32, #tpu.memory_space<vmem>>) target(%dma_start3A_111 : memref<10112x8xf32, #tpu.memory_space<vmem_shared>>) offsets(%dma_start3A_108 : memref<128xi32, #tpu.memory_space<vmem>>) semaphore(%arg15 : memref<!tpu.dma_semaphore, #tpu.memory_space<semaphore_mem>>) {add = true}
        %dma_start3A_112 = arith.constant 3 : i32
        %dma_start3A_113 = arith.constant 0 : i32
        %dma_start3A_114 = tpu.memref_slice %run_scoped3A[%rem3A_75, %dma_start3A_112, %dma_start3A_113] : memref<2x8x128xi32, #tpu.memory_space<vmem>> -> memref<1x1x128xi32, #tpu.memory_space<vmem>>
        %dma_start3A_115 = tpu.memref_squeeze %dma_start3A_114 : memref<1x1x128xi32, #tpu.memory_space<vmem>> -> memref<128xi32, #tpu.memory_space<vmem>>
        %dma_start3A_116 = arith.constant 0 : i32
        %dma_start3A_117 = arith.constant 0 : i32
        %dma_start3A_118 = tpu.memref_slice %arg2[%dma_start3A_116, %dma_start3A_117] : memref<10112x128xbf16, #tpu.memory_space<hbm>> -> memref<10112x128xbf16, #tpu.memory_space<hbm>>
        tpu.enqueue_indirect_dma source(%dma_start3A_118 : memref<10112x128xbf16, #tpu.memory_space<hbm>>) target(%run_scoped3A_4 : memref<128x128xbf16, #tpu.memory_space<vmem>>) offsets(%dma_start3A_115 : memref<128xi32, #tpu.memory_space<vmem>>) semaphore(%arg13 : memref<!tpu.dma_semaphore, #tpu.memory_space<semaphore_mem>>)
        %dma_wait3A_119 = arith.constant 1 : i32
        %dma_wait3A_120 = arith.constant 0 : i32
        %dma_wait3A_121 = tpu.memref_slice %run_scoped3A[%rem3A_75, %dma_wait3A_119, %dma_wait3A_120] : memref<2x8x128xi32, #tpu.memory_space<vmem>> -> memref<1x1x128xi32, #tpu.memory_space<vmem>>
        %dma_wait3A_122 = tpu.memref_squeeze %dma_wait3A_121 : memref<1x1x128xi32, #tpu.memory_space<vmem>> -> memref<128xi32, #tpu.memory_space<vmem>>
        %dma_wait3A_123 = arith.constant 0 : i32
        %dma_wait3A_124 = arith.constant 0 : i32
        %dma_wait3A_125 = tpu.memref_slice %arg2[%dma_wait3A_123, %dma_wait3A_124] : memref<10112x128xbf16, #tpu.memory_space<hbm>> -> memref<10112x128xbf16, #tpu.memory_space<hbm>>
        tpu.wait_indirect_dma semaphore(%arg11 : memref<!tpu.dma_semaphore, #tpu.memory_space<semaphore_mem>>) src(%dma_wait3A_125 : memref<10112x128xbf16, #tpu.memory_space<hbm>>) dst(%run_scoped3A_2 : memref<128x128xbf16, #tpu.memory_space<vmem>>)
        %dma_start3A_126 = arith.constant 1 : i32
        %dma_start3A_127 = arith.constant 0 : i32
        %dma_start3A_128 = tpu.memref_slice %run_scoped3A_0[%rem3A_75, %dma_start3A_126, %dma_start3A_127] : memref<2x8x128xi32, #tpu.memory_space<vmem>> -> memref<1x1x128xi32, #tpu.memory_space<vmem>>
        %dma_start3A_129 = tpu.memref_squeeze %dma_start3A_128 : memref<1x1x128xi32, #tpu.memory_space<vmem>> -> memref<128xi32, #tpu.memory_space<vmem>>
        %dma_start3A_130 = arith.constant 0 : i32
        %dma_start3A_131 = arith.constant 0 : i32
        %dma_start3A_132 = tpu.memref_slice %arg9[%dma_start3A_130, %dma_start3A_131] : memref<10112x128xbf16, #tpu.memory_space<vmem_shared>> -> memref<10112x128xbf16, #tpu.memory_space<vmem_shared>>
        tpu.enqueue_indirect_dma source(%run_scoped3A_2 : memref<128x128xbf16, #tpu.memory_space<vmem>>) target(%dma_start3A_132 : memref<10112x128xbf16, #tpu.memory_space<vmem_shared>>) offsets(%dma_start3A_129 : memref<128xi32, #tpu.memory_space<vmem>>) semaphore(%arg15 : memref<!tpu.dma_semaphore, #tpu.memory_space<semaphore_mem>>) {add = true}
        %dma_start3A_133 = arith.constant 1 : i32
        %dma_start3A_134 = arith.constant 0 : i32
        %dma_start3A_135 = tpu.memref_slice %run_scoped3A_0[%rem3A_75, %dma_start3A_133, %dma_start3A_134] : memref<2x8x128xi32, #tpu.memory_space<vmem>> -> memref<1x1x128xi32, #tpu.memory_space<vmem>>
        %dma_start3A_136 = tpu.memref_squeeze %dma_start3A_135 : memref<1x1x128xi32, #tpu.memory_space<vmem>> -> memref<128xi32, #tpu.memory_space<vmem>>
        %dma_start3A_137 = arith.constant 0 : i32
        %dma_start3A_138 = arith.constant 0 : i32
        %dma_start3A_139 = tpu.memref_slice %arg16[%dma_start3A_137, %dma_start3A_138] : memref<10112x8xf32, #tpu.memory_space<vmem_shared>> -> memref<10112x8xf32, #tpu.memory_space<vmem_shared>>
        tpu.enqueue_indirect_dma source(%run_scoped3A_5 : memref<128x8xf32, #tpu.memory_space<vmem>>) target(%dma_start3A_139 : memref<10112x8xf32, #tpu.memory_space<vmem_shared>>) offsets(%dma_start3A_136 : memref<128xi32, #tpu.memory_space<vmem>>) semaphore(%arg15 : memref<!tpu.dma_semaphore, #tpu.memory_space<semaphore_mem>>) {add = true}
        %dma_wait3A_140 = arith.constant 0 : i32
        %dma_wait3A_141 = arith.constant 0 : i32
        %dma_wait3A_142 = tpu.memref_slice %run_scoped3A_0[%rem3A_75, %dma_wait3A_140, %dma_wait3A_141] : memref<2x8x128xi32, #tpu.memory_space<vmem>> -> memref<1x1x128xi32, #tpu.memory_space<vmem>>
        %dma_wait3A_143 = tpu.memref_squeeze %dma_wait3A_142 : memref<1x1x128xi32, #tpu.memory_space<vmem>> -> memref<128xi32, #tpu.memory_space<vmem>>
        %dma_wait3A_144 = arith.constant 0 : i32
        %dma_wait3A_145 = arith.constant 0 : i32
        %dma_wait3A_146 = tpu.memref_slice %arg9[%dma_wait3A_144, %dma_wait3A_145] : memref<10112x128xbf16, #tpu.memory_space<vmem_shared>> -> memref<10112x128xbf16, #tpu.memory_space<vmem_shared>>
        tpu.wait_indirect_dma semaphore(%arg15 : memref<!tpu.dma_semaphore, #tpu.memory_space<semaphore_mem>>) src(%run_scoped3A_1 : memref<128x128xbf16, #tpu.memory_space<vmem>>) dst(%dma_wait3A_146 : memref<10112x128xbf16, #tpu.memory_space<vmem_shared>>)
        %dma_wait3A_147 = arith.constant 0 : i32
        %dma_wait3A_148 = arith.constant 0 : i32
        %dma_wait3A_149 = tpu.memref_slice %run_scoped3A_0[%rem3A_75, %dma_wait3A_147, %dma_wait3A_148] : memref<2x8x128xi32, #tpu.memory_space<vmem>> -> memref<1x1x128xi32, #tpu.memory_space<vmem>>
        %dma_wait3A_150 = tpu.memref_squeeze %dma_wait3A_149 : memref<1x1x128xi32, #tpu.memory_space<vmem>> -> memref<128xi32, #tpu.memory_space<vmem>>
        %dma_wait3A_151 = arith.constant 0 : i32
        %dma_wait3A_152 = arith.constant 0 : i32
        %dma_wait3A_153 = tpu.memref_slice %arg16[%dma_wait3A_151, %dma_wait3A_152] : memref<10112x8xf32, #tpu.memory_space<vmem_shared>> -> memref<10112x8xf32, #tpu.memory_space<vmem_shared>>
        tpu.wait_indirect_dma semaphore(%arg15 : memref<!tpu.dma_semaphore, #tpu.memory_space<semaphore_mem>>) src(%run_scoped3A_5 : memref<128x8xf32, #tpu.memory_space<vmem>>) dst(%dma_wait3A_153 : memref<10112x8xf32, #tpu.memory_space<vmem_shared>>)
        %dma_start3A_154 = arith.constant 4 : i32
        %dma_start3A_155 = arith.constant 0 : i32
        %dma_start3A_156 = tpu.memref_slice %run_scoped3A[%rem3A_75, %dma_start3A_154, %dma_start3A_155] : memref<2x8x128xi32, #tpu.memory_space<vmem>> -> memref<1x1x128xi32, #tpu.memory_space<vmem>>
        %dma_start3A_157 = tpu.memref_squeeze %dma_start3A_156 : memref<1x1x128xi32, #tpu.memory_space<vmem>> -> memref<128xi32, #tpu.memory_space<vmem>>
        %dma_start3A_158 = arith.constant 0 : i32
        %dma_start3A_159 = arith.constant 0 : i32
        %dma_start3A_160 = tpu.memref_slice %arg2[%dma_start3A_158, %dma_start3A_159] : memref<10112x128xbf16, #tpu.memory_space<hbm>> -> memref<10112x128xbf16, #tpu.memory_space<hbm>>
        tpu.enqueue_indirect_dma source(%dma_start3A_160 : memref<10112x128xbf16, #tpu.memory_space<hbm>>) target(%run_scoped3A_1 : memref<128x128xbf16, #tpu.memory_space<vmem>>) offsets(%dma_start3A_157 : memref<128xi32, #tpu.memory_space<vmem>>) semaphore(%arg10 : memref<!tpu.dma_semaphore, #tpu.memory_space<semaphore_mem>>)
        %dma_wait3A_161 = arith.constant 2 : i32
        %dma_wait3A_162 = arith.constant 0 : i32
        %dma_wait3A_163 = tpu.memref_slice %run_scoped3A[%rem3A_75, %dma_wait3A_161, %dma_wait3A_162] : memref<2x8x128xi32, #tpu.memory_space<vmem>> -> memref<1x1x128xi32, #tpu.memory_space<vmem>>
        %dma_wait3A_164 = tpu.memref_squeeze %dma_wait3A_163 : memref<1x1x128xi32, #tpu.memory_space<vmem>> -> memref<128xi32, #tpu.memory_space<vmem>>
        %dma_wait3A_165 = arith.constant 0 : i32
        %dma_wait3A_166 = arith.constant 0 : i32
        %dma_wait3A_167 = tpu.memref_slice %arg2[%dma_wait3A_165, %dma_wait3A_166] : memref<10112x128xbf16, #tpu.memory_space<hbm>> -> memref<10112x128xbf16, #tpu.memory_space<hbm>>
        tpu.wait_indirect_dma semaphore(%arg12 : memref<!tpu.dma_semaphore, #tpu.memory_space<semaphore_mem>>) src(%dma_wait3A_167 : memref<10112x128xbf16, #tpu.memory_space<hbm>>) dst(%run_scoped3A_3 : memref<128x128xbf16, #tpu.memory_space<vmem>>)
        %dma_start3A_168 = arith.constant 2 : i32
        %dma_start3A_169 = arith.constant 0 : i32
        %dma_start3A_170 = tpu.memref_slice %run_scoped3A_0[%rem3A_75, %dma_start3A_168, %dma_start3A_169] : memref<2x8x128xi32, #tpu.memory_space<vmem>> -> memref<1x1x128xi32, #tpu.memory_space<vmem>>
        %dma_start3A_171 = tpu.memref_squeeze %dma_start3A_170 : memref<1x1x128xi32, #tpu.memory_space<vmem>> -> memref<128xi32, #tpu.memory_space<vmem>>
        %dma_start3A_172 = arith.constant 0 : i32
        %dma_start3A_173 = arith.constant 0 : i32
        %dma_start3A_174 = tpu.memref_slice %arg9[%dma_start3A_172, %dma_start3A_173] : memref<10112x128xbf16, #tpu.memory_space<vmem_shared>> -> memref<10112x128xbf16, #tpu.memory_space<vmem_shared>>
        tpu.enqueue_indirect_dma source(%run_scoped3A_3 : memref<128x128xbf16, #tpu.memory_space<vmem>>) target(%dma_start3A_174 : memref<10112x128xbf16, #tpu.memory_space<vmem_shared>>) offsets(%dma_start3A_171 : memref<128xi32, #tpu.memory_space<vmem>>) semaphore(%arg15 : memref<!tpu.dma_semaphore, #tpu.memory_space<semaphore_mem>>) {add = true}
        %dma_start3A_175 = arith.constant 2 : i32
        %dma_start3A_176 = arith.constant 0 : i32
        %dma_start3A_177 = tpu.memref_slice %run_scoped3A_0[%rem3A_75, %dma_start3A_175, %dma_start3A_176] : memref<2x8x128xi32, #tpu.memory_space<vmem>> -> memref<1x1x128xi32, #tpu.memory_space<vmem>>
        %dma_start3A_178 = tpu.memref_squeeze %dma_start3A_177 : memref<1x1x128xi32, #tpu.memory_space<vmem>> -> memref<128xi32, #tpu.memory_space<vmem>>
        %dma_start3A_179 = arith.constant 0 : i32
        %dma_start3A_180 = arith.constant 0 : i32
        %dma_start3A_181 = tpu.memref_slice %arg16[%dma_start3A_179, %dma_start3A_180] : memref<10112x8xf32, #tpu.memory_space<vmem_shared>> -> memref<10112x8xf32, #tpu.memory_space<vmem_shared>>
        tpu.enqueue_indirect_dma source(%run_scoped3A_5 : memref<128x8xf32, #tpu.memory_space<vmem>>) target(%dma_start3A_181 : memref<10112x8xf32, #tpu.memory_space<vmem_shared>>) offsets(%dma_start3A_178 : memref<128xi32, #tpu.memory_space<vmem>>) semaphore(%arg15 : memref<!tpu.dma_semaphore, #tpu.memory_space<semaphore_mem>>) {add = true}
        %dma_wait3A_182 = arith.constant 1 : i32
        %dma_wait3A_183 = arith.constant 0 : i32
        %dma_wait3A_184 = tpu.memref_slice %run_scoped3A_0[%rem3A_75, %dma_wait3A_182, %dma_wait3A_183] : memref<2x8x128xi32, #tpu.memory_space<vmem>> -> memref<1x1x128xi32, #tpu.memory_space<vmem>>
        %dma_wait3A_185 = tpu.memref_squeeze %dma_wait3A_184 : memref<1x1x128xi32, #tpu.memory_space<vmem>> -> memref<128xi32, #tpu.memory_space<vmem>>
        %dma_wait3A_186 = arith.constant 0 : i32
        %dma_wait3A_187 = arith.constant 0 : i32
        %dma_wait3A_188 = tpu.memref_slice %arg9[%dma_wait3A_186, %dma_wait3A_187] : memref<10112x128xbf16, #tpu.memory_space<vmem_shared>> -> memref<10112x128xbf16, #tpu.memory_space<vmem_shared>>
        tpu.wait_indirect_dma semaphore(%arg15 : memref<!tpu.dma_semaphore, #tpu.memory_space<semaphore_mem>>) src(%run_scoped3A_2 : memref<128x128xbf16, #tpu.memory_space<vmem>>) dst(%dma_wait3A_188 : memref<10112x128xbf16, #tpu.memory_space<vmem_shared>>)
        %dma_wait3A_189 = arith.constant 1 : i32
        %dma_wait3A_190 = arith.constant 0 : i32
        %dma_wait3A_191 = tpu.memref_slice %run_scoped3A_0[%rem3A_75, %dma_wait3A_189, %dma_wait3A_190] : memref<2x8x128xi32, #tpu.memory_space<vmem>> -> memref<1x1x128xi32, #tpu.memory_space<vmem>>
        %dma_wait3A_192 = tpu.memref_squeeze %dma_wait3A_191 : memref<1x1x128xi32, #tpu.memory_space<vmem>> -> memref<128xi32, #tpu.memory_space<vmem>>
        %dma_wait3A_193 = arith.constant 0 : i32
        %dma_wait3A_194 = arith.constant 0 : i32
        %dma_wait3A_195 = tpu.memref_slice %arg16[%dma_wait3A_193, %dma_wait3A_194] : memref<10112x8xf32, #tpu.memory_space<vmem_shared>> -> memref<10112x8xf32, #tpu.memory_space<vmem_shared>>
        tpu.wait_indirect_dma semaphore(%arg15 : memref<!tpu.dma_semaphore, #tpu.memory_space<semaphore_mem>>) src(%run_scoped3A_5 : memref<128x8xf32, #tpu.memory_space<vmem>>) dst(%dma_wait3A_195 : memref<10112x8xf32, #tpu.memory_space<vmem_shared>>)
        %dma_start3A_196 = arith.constant 5 : i32
        %dma_start3A_197 = arith.constant 0 : i32
        %dma_start3A_198 = tpu.memref_slice %run_scoped3A[%rem3A_75, %dma_start3A_196, %dma_start3A_197] : memref<2x8x128xi32, #tpu.memory_space<vmem>> -> memref<1x1x128xi32, #tpu.memory_space<vmem>>
        %dma_start3A_199 = tpu.memref_squeeze %dma_start3A_198 : memref<1x1x128xi32, #tpu.memory_space<vmem>> -> memref<128xi32, #tpu.memory_space<vmem>>
        %dma_start3A_200 = arith.constant 0 : i32
        %dma_start3A_201 = arith.constant 0 : i32
        %dma_start3A_202 = tpu.memref_slice %arg2[%dma_start3A_200, %dma_start3A_201] : memref<10112x128xbf16, #tpu.memory_space<hbm>> -> memref<10112x128xbf16, #tpu.memory_space<hbm>>
        tpu.enqueue_indirect_dma source(%dma_start3A_202 : memref<10112x128xbf16, #tpu.memory_space<hbm>>) target(%run_scoped3A_2 : memref<128x128xbf16, #tpu.memory_space<vmem>>) offsets(%dma_start3A_199 : memref<128xi32, #tpu.memory_space<vmem>>) semaphore(%arg11 : memref<!tpu.dma_semaphore, #tpu.memory_space<semaphore_mem>>)
        %dma_wait3A_203 = arith.constant 3 : i32
        %dma_wait3A_204 = arith.constant 0 : i32
        %dma_wait3A_205 = tpu.memref_slice %run_scoped3A[%rem3A_75, %dma_wait3A_203, %dma_wait3A_204] : memref<2x8x128xi32, #tpu.memory_space<vmem>> -> memref<1x1x128xi32, #tpu.memory_space<vmem>>
        %dma_wait3A_206 = tpu.memref_squeeze %dma_wait3A_205 : memref<1x1x128xi32, #tpu.memory_space<vmem>> -> memref<128xi32, #tpu.memory_space<vmem>>
        %dma_wait3A_207 = arith.constant 0 : i32
        %dma_wait3A_208 = arith.constant 0 : i32
        %dma_wait3A_209 = tpu.memref_slice %arg2[%dma_wait3A_207, %dma_wait3A_208] : memref<10112x128xbf16, #tpu.memory_space<hbm>> -> memref<10112x128xbf16, #tpu.memory_space<hbm>>
        tpu.wait_indirect_dma semaphore(%arg13 : memref<!tpu.dma_semaphore, #tpu.memory_space<semaphore_mem>>) src(%dma_wait3A_209 : memref<10112x128xbf16, #tpu.memory_space<hbm>>) dst(%run_scoped3A_4 : memref<128x128xbf16, #tpu.memory_space<vmem>>)
        %dma_start3A_210 = arith.constant 3 : i32
        %dma_start3A_211 = arith.constant 0 : i32
        %dma_start3A_212 = tpu.memref_slice %run_scoped3A_0[%rem3A_75, %dma_start3A_210, %dma_start3A_211] : memref<2x8x128xi32, #tpu.memory_space<vmem>> -> memref<1x1x128xi32, #tpu.memory_space<vmem>>
        %dma_start3A_213 = tpu.memref_squeeze %dma_start3A_212 : memref<1x1x128xi32, #tpu.memory_space<vmem>> -> memref<128xi32, #tpu.memory_space<vmem>>
        %dma_start3A_214 = arith.constant 0 : i32
        %dma_start3A_215 = arith.constant 0 : i32
        %dma_start3A_216 = tpu.memref_slice %arg9[%dma_start3A_214, %dma_start3A_215] : memref<10112x128xbf16, #tpu.memory_space<vmem_shared>> -> memref<10112x128xbf16, #tpu.memory_space<vmem_shared>>
        tpu.enqueue_indirect_dma source(%run_scoped3A_4 : memref<128x128xbf16, #tpu.memory_space<vmem>>) target(%dma_start3A_216 : memref<10112x128xbf16, #tpu.memory_space<vmem_shared>>) offsets(%dma_start3A_213 : memref<128xi32, #tpu.memory_space<vmem>>) semaphore(%arg15 : memref<!tpu.dma_semaphore, #tpu.memory_space<semaphore_mem>>) {add = true}
        %dma_start3A_217 = arith.constant 3 : i32
        %dma_start3A_218 = arith.constant 0 : i32
        %dma_start3A_219 = tpu.memref_slice %run_scoped3A_0[%rem3A_75, %dma_start3A_217, %dma_start3A_218] : memref<2x8x128xi32, #tpu.memory_space<vmem>> -> memref<1x1x128xi32, #tpu.memory_space<vmem>>
        %dma_start3A_220 = tpu.memref_squeeze %dma_start3A_219 : memref<1x1x128xi32, #tpu.memory_space<vmem>> -> memref<128xi32, #tpu.memory_space<vmem>>
        %dma_start3A_221 = arith.constant 0 : i32
        %dma_start3A_222 = arith.constant 0 : i32
        %dma_start3A_223 = tpu.memref_slice %arg16[%dma_start3A_221, %dma_start3A_222] : memref<10112x8xf32, #tpu.memory_space<vmem_shared>> -> memref<10112x8xf32, #tpu.memory_space<vmem_shared>>
        tpu.enqueue_indirect_dma source(%run_scoped3A_5 : memref<128x8xf32, #tpu.memory_space<vmem>>) target(%dma_start3A_223 : memref<10112x8xf32, #tpu.memory_space<vmem_shared>>) offsets(%dma_start3A_220 : memref<128xi32, #tpu.memory_space<vmem>>) semaphore(%arg15 : memref<!tpu.dma_semaphore, #tpu.memory_space<semaphore_mem>>) {add = true}
        %dma_wait3A_224 = arith.constant 2 : i32
        %dma_wait3A_225 = arith.constant 0 : i32
        %dma_wait3A_226 = tpu.memref_slice %run_scoped3A_0[%rem3A_75, %dma_wait3A_224, %dma_wait3A_225] : memref<2x8x128xi32, #tpu.memory_space<vmem>> -> memref<1x1x128xi32, #tpu.memory_space<vmem>>
        %dma_wait3A_227 = tpu.memref_squeeze %dma_wait3A_226 : memref<1x1x128xi32, #tpu.memory_space<vmem>> -> memref<128xi32, #tpu.memory_space<vmem>>
        %dma_wait3A_228 = arith.constant 0 : i32
        %dma_wait3A_229 = arith.constant 0 : i32
        %dma_wait3A_230 = tpu.memref_slice %arg9[%dma_wait3A_228, %dma_wait3A_229] : memref<10112x128xbf16, #tpu.memory_space<vmem_shared>> -> memref<10112x128xbf16, #tpu.memory_space<vmem_shared>>
        tpu.wait_indirect_dma semaphore(%arg15 : memref<!tpu.dma_semaphore, #tpu.memory_space<semaphore_mem>>) src(%run_scoped3A_3 : memref<128x128xbf16, #tpu.memory_space<vmem>>) dst(%dma_wait3A_230 : memref<10112x128xbf16, #tpu.memory_space<vmem_shared>>)
        %dma_wait3A_231 = arith.constant 2 : i32
        %dma_wait3A_232 = arith.constant 0 : i32
        %dma_wait3A_233 = tpu.memref_slice %run_scoped3A_0[%rem3A_75, %dma_wait3A_231, %dma_wait3A_232] : memref<2x8x128xi32, #tpu.memory_space<vmem>> -> memref<1x1x128xi32, #tpu.memory_space<vmem>>
        %dma_wait3A_234 = tpu.memref_squeeze %dma_wait3A_233 : memref<1x1x128xi32, #tpu.memory_space<vmem>> -> memref<128xi32, #tpu.memory_space<vmem>>
        %dma_wait3A_235 = arith.constant 0 : i32
        %dma_wait3A_236 = arith.constant 0 : i32
        %dma_wait3A_237 = tpu.memref_slice %arg16[%dma_wait3A_235, %dma_wait3A_236] : memref<10112x8xf32, #tpu.memory_space<vmem_shared>> -> memref<10112x8xf32, #tpu.memory_space<vmem_shared>>
        tpu.wait_indirect_dma semaphore(%arg15 : memref<!tpu.dma_semaphore, #tpu.memory_space<semaphore_mem>>) src(%run_scoped3A_5 : memref<128x8xf32, #tpu.memory_space<vmem>>) dst(%dma_wait3A_237 : memref<10112x8xf32, #tpu.memory_space<vmem_shared>>)
        %dma_start3A_238 = arith.constant 6 : i32
        %dma_start3A_239 = arith.constant 0 : i32
        %dma_start3A_240 = tpu.memref_slice %run_scoped3A[%rem3A_75, %dma_start3A_238, %dma_start3A_239] : memref<2x8x128xi32, #tpu.memory_space<vmem>> -> memref<1x1x128xi32, #tpu.memory_space<vmem>>
        %dma_start3A_241 = tpu.memref_squeeze %dma_start3A_240 : memref<1x1x128xi32, #tpu.memory_space<vmem>> -> memref<128xi32, #tpu.memory_space<vmem>>
        %dma_start3A_242 = arith.constant 0 : i32
        %dma_start3A_243 = arith.constant 0 : i32
        %dma_start3A_244 = tpu.memref_slice %arg2[%dma_start3A_242, %dma_start3A_243] : memref<10112x128xbf16, #tpu.memory_space<hbm>> -> memref<10112x128xbf16, #tpu.memory_space<hbm>>
        tpu.enqueue_indirect_dma source(%dma_start3A_244 : memref<10112x128xbf16, #tpu.memory_space<hbm>>) target(%run_scoped3A_3 : memref<128x128xbf16, #tpu.memory_space<vmem>>) offsets(%dma_start3A_241 : memref<128xi32, #tpu.memory_space<vmem>>) semaphore(%arg12 : memref<!tpu.dma_semaphore, #tpu.memory_space<semaphore_mem>>)
        %dma_wait3A_245 = arith.constant 4 : i32
        %dma_wait3A_246 = arith.constant 0 : i32
        %dma_wait3A_247 = tpu.memref_slice %run_scoped3A[%rem3A_75, %dma_wait3A_245, %dma_wait3A_246] : memref<2x8x128xi32, #tpu.memory_space<vmem>> -> memref<1x1x128xi32, #tpu.memory_space<vmem>>
        %dma_wait3A_248 = tpu.memref_squeeze %dma_wait3A_247 : memref<1x1x128xi32, #tpu.memory_space<vmem>> -> memref<128xi32, #tpu.memory_space<vmem>>
        %dma_wait3A_249 = arith.constant 0 : i32
        %dma_wait3A_250 = arith.constant 0 : i32
        %dma_wait3A_251 = tpu.memref_slice %arg2[%dma_wait3A_249, %dma_wait3A_250] : memref<10112x128xbf16, #tpu.memory_space<hbm>> -> memref<10112x128xbf16, #tpu.memory_space<hbm>>
        tpu.wait_indirect_dma semaphore(%arg10 : memref<!tpu.dma_semaphore, #tpu.memory_space<semaphore_mem>>) src(%dma_wait3A_251 : memref<10112x128xbf16, #tpu.memory_space<hbm>>) dst(%run_scoped3A_1 : memref<128x128xbf16, #tpu.memory_space<vmem>>)
        %dma_start3A_252 = arith.constant 4 : i32
        %dma_start3A_253 = arith.constant 0 : i32
        %dma_start3A_254 = tpu.memref_slice %run_scoped3A_0[%rem3A_75, %dma_start3A_252, %dma_start3A_253] : memref<2x8x128xi32, #tpu.memory_space<vmem>> -> memref<1x1x128xi32, #tpu.memory_space<vmem>>
        %dma_start3A_255 = tpu.memref_squeeze %dma_start3A_254 : memref<1x1x128xi32, #tpu.memory_space<vmem>> -> memref<128xi32, #tpu.memory_space<vmem>>
        %dma_start3A_256 = arith.constant 0 : i32
        %dma_start3A_257 = arith.constant 0 : i32
        %dma_start3A_258 = tpu.memref_slice %arg9[%dma_start3A_256, %dma_start3A_257] : memref<10112x128xbf16, #tpu.memory_space<vmem_shared>> -> memref<10112x128xbf16, #tpu.memory_space<vmem_shared>>
        tpu.enqueue_indirect_dma source(%run_scoped3A_1 : memref<128x128xbf16, #tpu.memory_space<vmem>>) target(%dma_start3A_258 : memref<10112x128xbf16, #tpu.memory_space<vmem_shared>>) offsets(%dma_start3A_255 : memref<128xi32, #tpu.memory_space<vmem>>) semaphore(%arg15 : memref<!tpu.dma_semaphore, #tpu.memory_space<semaphore_mem>>) {add = true}
        %dma_start3A_259 = arith.constant 4 : i32
        %dma_start3A_260 = arith.constant 0 : i32
        %dma_start3A_261 = tpu.memref_slice %run_scoped3A_0[%rem3A_75, %dma_start3A_259, %dma_start3A_260] : memref<2x8x128xi32, #tpu.memory_space<vmem>> -> memref<1x1x128xi32, #tpu.memory_space<vmem>>
        %dma_start3A_262 = tpu.memref_squeeze %dma_start3A_261 : memref<1x1x128xi32, #tpu.memory_space<vmem>> -> memref<128xi32, #tpu.memory_space<vmem>>
        %dma_start3A_263 = arith.constant 0 : i32
        %dma_start3A_264 = arith.constant 0 : i32
        %dma_start3A_265 = tpu.memref_slice %arg16[%dma_start3A_263, %dma_start3A_264] : memref<10112x8xf32, #tpu.memory_space<vmem_shared>> -> memref<10112x8xf32, #tpu.memory_space<vmem_shared>>
        tpu.enqueue_indirect_dma source(%run_scoped3A_5 : memref<128x8xf32, #tpu.memory_space<vmem>>) target(%dma_start3A_265 : memref<10112x8xf32, #tpu.memory_space<vmem_shared>>) offsets(%dma_start3A_262 : memref<128xi32, #tpu.memory_space<vmem>>) semaphore(%arg15 : memref<!tpu.dma_semaphore, #tpu.memory_space<semaphore_mem>>) {add = true}
        %dma_wait3A_266 = arith.constant 3 : i32
        %dma_wait3A_267 = arith.constant 0 : i32
        %dma_wait3A_268 = tpu.memref_slice %run_scoped3A_0[%rem3A_75, %dma_wait3A_266, %dma_wait3A_267] : memref<2x8x128xi32, #tpu.memory_space<vmem>> -> memref<1x1x128xi32, #tpu.memory_space<vmem>>
        %dma_wait3A_269 = tpu.memref_squeeze %dma_wait3A_268 : memref<1x1x128xi32, #tpu.memory_space<vmem>> -> memref<128xi32, #tpu.memory_space<vmem>>
        %dma_wait3A_270 = arith.constant 0 : i32
        %dma_wait3A_271 = arith.constant 0 : i32
        %dma_wait3A_272 = tpu.memref_slice %arg9[%dma_wait3A_270, %dma_wait3A_271] : memref<10112x128xbf16, #tpu.memory_space<vmem_shared>> -> memref<10112x128xbf16, #tpu.memory_space<vmem_shared>>
        tpu.wait_indirect_dma semaphore(%arg15 : memref<!tpu.dma_semaphore, #tpu.memory_space<semaphore_mem>>) src(%run_scoped3A_4 : memref<128x128xbf16, #tpu.memory_space<vmem>>) dst(%dma_wait3A_272 : memref<10112x128xbf16, #tpu.memory_space<vmem_shared>>)
        %dma_wait3A_273 = arith.constant 3 : i32
        %dma_wait3A_274 = arith.constant 0 : i32
        %dma_wait3A_275 = tpu.memref_slice %run_scoped3A_0[%rem3A_75, %dma_wait3A_273, %dma_wait3A_274] : memref<2x8x128xi32, #tpu.memory_space<vmem>> -> memref<1x1x128xi32, #tpu.memory_space<vmem>>
        %dma_wait3A_276 = tpu.memref_squeeze %dma_wait3A_275 : memref<1x1x128xi32, #tpu.memory_space<vmem>> -> memref<128xi32, #tpu.memory_space<vmem>>
        %dma_wait3A_277 = arith.constant 0 : i32
        %dma_wait3A_278 = arith.constant 0 : i32
        %dma_wait3A_279 = tpu.memref_slice %arg16[%dma_wait3A_277, %dma_wait3A_278] : memref<10112x8xf32, #tpu.memory_space<vmem_shared>> -> memref<10112x8xf32, #tpu.memory_space<vmem_shared>>
        tpu.wait_indirect_dma semaphore(%arg15 : memref<!tpu.dma_semaphore, #tpu.memory_space<semaphore_mem>>) src(%run_scoped3A_5 : memref<128x8xf32, #tpu.memory_space<vmem>>) dst(%dma_wait3A_279 : memref<10112x8xf32, #tpu.memory_space<vmem_shared>>)
        %dma_start3A_280 = arith.constant 7 : i32
        %dma_start3A_281 = arith.constant 0 : i32
        %dma_start3A_282 = tpu.memref_slice %run_scoped3A[%rem3A_75, %dma_start3A_280, %dma_start3A_281] : memref<2x8x128xi32, #tpu.memory_space<vmem>> -> memref<1x1x128xi32, #tpu.memory_space<vmem>>
        %dma_start3A_283 = tpu.memref_squeeze %dma_start3A_282 : memref<1x1x128xi32, #tpu.memory_space<vmem>> -> memref<128xi32, #tpu.memory_space<vmem>>
        %dma_start3A_284 = arith.constant 0 : i32
        %dma_start3A_285 = arith.constant 0 : i32
        %dma_start3A_286 = tpu.memref_slice %arg2[%dma_start3A_284, %dma_start3A_285] : memref<10112x128xbf16, #tpu.memory_space<hbm>> -> memref<10112x128xbf16, #tpu.memory_space<hbm>>
        tpu.enqueue_indirect_dma source(%dma_start3A_286 : memref<10112x128xbf16, #tpu.memory_space<hbm>>) target(%run_scoped3A_4 : memref<128x128xbf16, #tpu.memory_space<vmem>>) offsets(%dma_start3A_283 : memref<128xi32, #tpu.memory_space<vmem>>) semaphore(%arg13 : memref<!tpu.dma_semaphore, #tpu.memory_space<semaphore_mem>>)
        %dma_wait3A_287 = arith.constant 5 : i32
        %dma_wait3A_288 = arith.constant 0 : i32
        %dma_wait3A_289 = tpu.memref_slice %run_scoped3A[%rem3A_75, %dma_wait3A_287, %dma_wait3A_288] : memref<2x8x128xi32, #tpu.memory_space<vmem>> -> memref<1x1x128xi32, #tpu.memory_space<vmem>>
        %dma_wait3A_290 = tpu.memref_squeeze %dma_wait3A_289 : memref<1x1x128xi32, #tpu.memory_space<vmem>> -> memref<128xi32, #tpu.memory_space<vmem>>
        %dma_wait3A_291 = arith.constant 0 : i32
        %dma_wait3A_292 = arith.constant 0 : i32
        %dma_wait3A_293 = tpu.memref_slice %arg2[%dma_wait3A_291, %dma_wait3A_292] : memref<10112x128xbf16, #tpu.memory_space<hbm>> -> memref<10112x128xbf16, #tpu.memory_space<hbm>>
        tpu.wait_indirect_dma semaphore(%arg11 : memref<!tpu.dma_semaphore, #tpu.memory_space<semaphore_mem>>) src(%dma_wait3A_293 : memref<10112x128xbf16, #tpu.memory_space<hbm>>) dst(%run_scoped3A_2 : memref<128x128xbf16, #tpu.memory_space<vmem>>)
        %dma_start3A_294 = arith.constant 5 : i32
        %dma_start3A_295 = arith.constant 0 : i32
        %dma_start3A_296 = tpu.memref_slice %run_scoped3A_0[%rem3A_75, %dma_start3A_294, %dma_start3A_295] : memref<2x8x128xi32, #tpu.memory_space<vmem>> -> memref<1x1x128xi32, #tpu.memory_space<vmem>>
        %dma_start3A_297 = tpu.memref_squeeze %dma_start3A_296 : memref<1x1x128xi32, #tpu.memory_space<vmem>> -> memref<128xi32, #tpu.memory_space<vmem>>
        %dma_start3A_298 = arith.constant 0 : i32
        %dma_start3A_299 = arith.constant 0 : i32
        %dma_start3A_300 = tpu.memref_slice %arg9[%dma_start3A_298, %dma_start3A_299] : memref<10112x128xbf16, #tpu.memory_space<vmem_shared>> -> memref<10112x128xbf16, #tpu.memory_space<vmem_shared>>
        tpu.enqueue_indirect_dma source(%run_scoped3A_2 : memref<128x128xbf16, #tpu.memory_space<vmem>>) target(%dma_start3A_300 : memref<10112x128xbf16, #tpu.memory_space<vmem_shared>>) offsets(%dma_start3A_297 : memref<128xi32, #tpu.memory_space<vmem>>) semaphore(%arg15 : memref<!tpu.dma_semaphore, #tpu.memory_space<semaphore_mem>>) {add = true}
        %dma_start3A_301 = arith.constant 5 : i32
        %dma_start3A_302 = arith.constant 0 : i32
        %dma_start3A_303 = tpu.memref_slice %run_scoped3A_0[%rem3A_75, %dma_start3A_301, %dma_start3A_302] : memref<2x8x128xi32, #tpu.memory_space<vmem>> -> memref<1x1x128xi32, #tpu.memory_space<vmem>>
        %dma_start3A_304 = tpu.memref_squeeze %dma_start3A_303 : memref<1x1x128xi32, #tpu.memory_space<vmem>> -> memref<128xi32, #tpu.memory_space<vmem>>
        %dma_start3A_305 = arith.constant 0 : i32
        %dma_start3A_306 = arith.constant 0 : i32
        %dma_start3A_307 = tpu.memref_slice %arg16[%dma_start3A_305, %dma_start3A_306] : memref<10112x8xf32, #tpu.memory_space<vmem_shared>> -> memref<10112x8xf32, #tpu.memory_space<vmem_shared>>
        tpu.enqueue_indirect_dma source(%run_scoped3A_5 : memref<128x8xf32, #tpu.memory_space<vmem>>) target(%dma_start3A_307 : memref<10112x8xf32, #tpu.memory_space<vmem_shared>>) offsets(%dma_start3A_304 : memref<128xi32, #tpu.memory_space<vmem>>) semaphore(%arg15 : memref<!tpu.dma_semaphore, #tpu.memory_space<semaphore_mem>>) {add = true}
        %dma_wait3A_308 = arith.constant 4 : i32
        %dma_wait3A_309 = arith.constant 0 : i32
        %dma_wait3A_310 = tpu.memref_slice %run_scoped3A_0[%rem3A_75, %dma_wait3A_308, %dma_wait3A_309] : memref<2x8x128xi32, #tpu.memory_space<vmem>> -> memref<1x1x128xi32, #tpu.memory_space<vmem>>
        %dma_wait3A_311 = tpu.memref_squeeze %dma_wait3A_310 : memref<1x1x128xi32, #tpu.memory_space<vmem>> -> memref<128xi32, #tpu.memory_space<vmem>>
        %dma_wait3A_312 = arith.constant 0 : i32
        %dma_wait3A_313 = arith.constant 0 : i32
        %dma_wait3A_314 = tpu.memref_slice %arg9[%dma_wait3A_312, %dma_wait3A_313] : memref<10112x128xbf16, #tpu.memory_space<vmem_shared>> -> memref<10112x128xbf16, #tpu.memory_space<vmem_shared>>
        tpu.wait_indirect_dma semaphore(%arg15 : memref<!tpu.dma_semaphore, #tpu.memory_space<semaphore_mem>>) src(%run_scoped3A_1 : memref<128x128xbf16, #tpu.memory_space<vmem>>) dst(%dma_wait3A_314 : memref<10112x128xbf16, #tpu.memory_space<vmem_shared>>)
        %dma_wait3A_315 = arith.constant 4 : i32
        %dma_wait3A_316 = arith.constant 0 : i32
        %dma_wait3A_317 = tpu.memref_slice %run_scoped3A_0[%rem3A_75, %dma_wait3A_315, %dma_wait3A_316] : memref<2x8x128xi32, #tpu.memory_space<vmem>> -> memref<1x1x128xi32, #tpu.memory_space<vmem>>
        %dma_wait3A_318 = tpu.memref_squeeze %dma_wait3A_317 : memref<1x1x128xi32, #tpu.memory_space<vmem>> -> memref<128xi32, #tpu.memory_space<vmem>>
        %dma_wait3A_319 = arith.constant 0 : i32
        %dma_wait3A_320 = arith.constant 0 : i32
        %dma_wait3A_321 = tpu.memref_slice %arg16[%dma_wait3A_319, %dma_wait3A_320] : memref<10112x8xf32, #tpu.memory_space<vmem_shared>> -> memref<10112x8xf32, #tpu.memory_space<vmem_shared>>
        tpu.wait_indirect_dma semaphore(%arg15 : memref<!tpu.dma_semaphore, #tpu.memory_space<semaphore_mem>>) src(%run_scoped3A_5 : memref<128x8xf32, #tpu.memory_space<vmem>>) dst(%dma_wait3A_321 : memref<10112x8xf32, #tpu.memory_space<vmem_shared>>)
        %add3A_322 = arith.constant 1 : i32
        %add3A_323 = arith.addi %while3A_74, %add3A_322 : i32
        %lt3A_324 = arith.cmpi slt, %add3A_323, %select_n3A : i32
        %convert_element_type3A_325 = arith.extui %lt3A_324 : i1 to i32
        %cond3A_326 = arith.constant 0 : i32
        %cond3A_327 = arith.cmpi ne, %convert_element_type3A_325, %cond3A_326 : i32
        scf.if %cond3A_327 {
          %dma_wait3A_418 = arith.constant 0 : i32
          %dma_wait3A_419 = arith.constant 0 : i32
          %dma_wait3A_420 = tpu.memref_slice %run_scoped3A[%rem3A_79, %dma_wait3A_418, %dma_wait3A_419] : memref<2x8x128xi32, #tpu.memory_space<vmem>> -> memref<1x8x128xi32, #tpu.memory_space<vmem>>
          %dma_wait3A_421 = tpu.memref_squeeze %dma_wait3A_420 : memref<1x8x128xi32, #tpu.memory_space<vmem>> -> memref<8x128xi32, #tpu.memory_space<vmem>>
          %dma_wait3A_422 = arith.constant 0 : i32
          %dma_wait3A_423 = arith.constant 0 : i32
          %dma_wait3A_424 = tpu.memref_slice %arg3[%select_n3A_15, %dma_wait3A_422, %dma_wait3A_423] : memref<321x8x128xi32, #tpu.memory_space<hbm>> -> memref<1x8x128xi32, #tpu.memory_space<hbm>>
          %dma_wait3A_425 = tpu.memref_squeeze %dma_wait3A_424 : memref<1x8x128xi32, #tpu.memory_space<hbm>> -> memref<8x128xi32, #tpu.memory_space<hbm>>
          %dma_wait3A_426 = arith.constant 0 : i32
          %dma_wait3A_427 = arith.constant 0 : i32
          %dma_wait3A_428 = tpu.memref_slice %run_scoped3A[%rem3A_79, %dma_wait3A_426, %dma_wait3A_427] : memref<2x8x128xi32, #tpu.memory_space<vmem>> -> memref<1x8x128xi32, #tpu.memory_space<vmem>>
          %dma_wait3A_429 = tpu.memref_squeeze %dma_wait3A_428 : memref<1x8x128xi32, #tpu.memory_space<vmem>> -> memref<8x128xi32, #tpu.memory_space<vmem>>
          %dma_wait3A_430 = arith.constant 0 : i32
          %dma_wait3A_431 = arith.constant 0 : i32
          %dma_wait3A_432 = tpu.memref_slice %arg3[%select_n3A_15, %dma_wait3A_430, %dma_wait3A_431] : memref<321x8x128xi32, #tpu.memory_space<hbm>> -> memref<1x8x128xi32, #tpu.memory_space<hbm>>
          %dma_wait3A_433 = tpu.memref_squeeze %dma_wait3A_432 : memref<1x8x128xi32, #tpu.memory_space<hbm>> -> memref<8x128xi32, #tpu.memory_space<hbm>>
          tpu.wait_dma2 semaphore(%arg14 : memref<!tpu.dma_semaphore, #tpu.memory_space<semaphore_mem>>) src(%dma_wait3A_433 : memref<8x128xi32, #tpu.memory_space<hbm>>) dst(%dma_wait3A_429 : memref<8x128xi32, #tpu.memory_space<vmem>>)
          %dma_wait3A_434 = arith.constant 0 : i32
          %dma_wait3A_435 = arith.constant 0 : i32
          %dma_wait3A_436 = tpu.memref_slice %run_scoped3A_0[%rem3A_79, %dma_wait3A_434, %dma_wait3A_435] : memref<2x8x128xi32, #tpu.memory_space<vmem>> -> memref<1x8x128xi32, #tpu.memory_space<vmem>>
          %dma_wait3A_437 = tpu.memref_squeeze %dma_wait3A_436 : memref<1x8x128xi32, #tpu.memory_space<vmem>> -> memref<8x128xi32, #tpu.memory_space<vmem>>
          %dma_wait3A_438 = arith.constant 0 : i32
          %dma_wait3A_439 = arith.constant 0 : i32
          %dma_wait3A_440 = tpu.memref_slice %arg4[%select_n3A_15, %dma_wait3A_438, %dma_wait3A_439] : memref<321x8x128xi32, #tpu.memory_space<hbm>> -> memref<1x8x128xi32, #tpu.memory_space<hbm>>
          %dma_wait3A_441 = tpu.memref_squeeze %dma_wait3A_440 : memref<1x8x128xi32, #tpu.memory_space<hbm>> -> memref<8x128xi32, #tpu.memory_space<hbm>>
          %dma_wait3A_442 = arith.constant 0 : i32
          %dma_wait3A_443 = arith.constant 0 : i32
          %dma_wait3A_444 = tpu.memref_slice %run_scoped3A_0[%rem3A_79, %dma_wait3A_442, %dma_wait3A_443] : memref<2x8x128xi32, #tpu.memory_space<vmem>> -> memref<1x8x128xi32, #tpu.memory_space<vmem>>
          %dma_wait3A_445 = tpu.memref_squeeze %dma_wait3A_444 : memref<1x8x128xi32, #tpu.memory_space<vmem>> -> memref<8x128xi32, #tpu.memory_space<vmem>>
          %dma_wait3A_446 = arith.constant 0 : i32
          %dma_wait3A_447 = arith.constant 0 : i32
          %dma_wait3A_448 = tpu.memref_slice %arg4[%select_n3A_15, %dma_wait3A_446, %dma_wait3A_447] : memref<321x8x128xi32, #tpu.memory_space<hbm>> -> memref<1x8x128xi32, #tpu.memory_space<hbm>>
          %dma_wait3A_449 = tpu.memref_squeeze %dma_wait3A_448 : memref<1x8x128xi32, #tpu.memory_space<hbm>> -> memref<8x128xi32, #tpu.memory_space<hbm>>
          tpu.wait_dma2 semaphore(%arg14 : memref<!tpu.dma_semaphore, #tpu.memory_space<semaphore_mem>>) src(%dma_wait3A_449 : memref<8x128xi32, #tpu.memory_space<hbm>>) dst(%dma_wait3A_445 : memref<8x128xi32, #tpu.memory_space<vmem>>)
          %dma_start3A_450 = arith.constant 0 : i32
          %dma_start3A_451 = arith.constant 0 : i32
          %dma_start3A_452 = tpu.memref_slice %run_scoped3A[%rem3A_79, %dma_start3A_450, %dma_start3A_451] : memref<2x8x128xi32, #tpu.memory_space<vmem>> -> memref<1x1x128xi32, #tpu.memory_space<vmem>>
          %dma_start3A_453 = tpu.memref_squeeze %dma_start3A_452 : memref<1x1x128xi32, #tpu.memory_space<vmem>> -> memref<128xi32, #tpu.memory_space<vmem>>
          %dma_start3A_454 = arith.constant 0 : i32
          %dma_start3A_455 = arith.constant 0 : i32
          %dma_start3A_456 = tpu.memref_slice %arg2[%dma_start3A_454, %dma_start3A_455] : memref<10112x128xbf16, #tpu.memory_space<hbm>> -> memref<10112x128xbf16, #tpu.memory_space<hbm>>
          tpu.enqueue_indirect_dma source(%dma_start3A_456 : memref<10112x128xbf16, #tpu.memory_space<hbm>>) target(%run_scoped3A_1 : memref<128x128xbf16, #tpu.memory_space<vmem>>) offsets(%dma_start3A_453 : memref<128xi32, #tpu.memory_space<vmem>>) semaphore(%arg10 : memref<!tpu.dma_semaphore, #tpu.memory_space<semaphore_mem>>)
        } else {
        }
        %dma_wait3A_328 = arith.constant 6 : i32
        %dma_wait3A_329 = arith.constant 0 : i32
        %dma_wait3A_330 = tpu.memref_slice %run_scoped3A[%rem3A_75, %dma_wait3A_328, %dma_wait3A_329] : memref<2x8x128xi32, #tpu.memory_space<vmem>> -> memref<1x1x128xi32, #tpu.memory_space<vmem>>
        %dma_wait3A_331 = tpu.memref_squeeze %dma_wait3A_330 : memref<1x1x128xi32, #tpu.memory_space<vmem>> -> memref<128xi32, #tpu.memory_space<vmem>>
        %dma_wait3A_332 = arith.constant 0 : i32
        %dma_wait3A_333 = arith.constant 0 : i32
        %dma_wait3A_334 = tpu.memref_slice %arg2[%dma_wait3A_332, %dma_wait3A_333] : memref<10112x128xbf16, #tpu.memory_space<hbm>> -> memref<10112x128xbf16, #tpu.memory_space<hbm>>
        tpu.wait_indirect_dma semaphore(%arg12 : memref<!tpu.dma_semaphore, #tpu.memory_space<semaphore_mem>>) src(%dma_wait3A_334 : memref<10112x128xbf16, #tpu.memory_space<hbm>>) dst(%run_scoped3A_3 : memref<128x128xbf16, #tpu.memory_space<vmem>>)
        %dma_start3A_335 = arith.constant 6 : i32
        %dma_start3A_336 = arith.constant 0 : i32
        %dma_start3A_337 = tpu.memref_slice %run_scoped3A_0[%rem3A_75, %dma_start3A_335, %dma_start3A_336] : memref<2x8x128xi32, #tpu.memory_space<vmem>> -> memref<1x1x128xi32, #tpu.memory_space<vmem>>
        %dma_start3A_338 = tpu.memref_squeeze %dma_start3A_337 : memref<1x1x128xi32, #tpu.memory_space<vmem>> -> memref<128xi32, #tpu.memory_space<vmem>>
        %dma_start3A_339 = arith.constant 0 : i32
        %dma_start3A_340 = arith.constant 0 : i32
        %dma_start3A_341 = tpu.memref_slice %arg9[%dma_start3A_339, %dma_start3A_340] : memref<10112x128xbf16, #tpu.memory_space<vmem_shared>> -> memref<10112x128xbf16, #tpu.memory_space<vmem_shared>>
        tpu.enqueue_indirect_dma source(%run_scoped3A_3 : memref<128x128xbf16, #tpu.memory_space<vmem>>) target(%dma_start3A_341 : memref<10112x128xbf16, #tpu.memory_space<vmem_shared>>) offsets(%dma_start3A_338 : memref<128xi32, #tpu.memory_space<vmem>>) semaphore(%arg15 : memref<!tpu.dma_semaphore, #tpu.memory_space<semaphore_mem>>) {add = true}
        %dma_start3A_342 = arith.constant 6 : i32
        %dma_start3A_343 = arith.constant 0 : i32
        %dma_start3A_344 = tpu.memref_slice %run_scoped3A_0[%rem3A_75, %dma_start3A_342, %dma_start3A_343] : memref<2x8x128xi32, #tpu.memory_space<vmem>> -> memref<1x1x128xi32, #tpu.memory_space<vmem>>
        %dma_start3A_345 = tpu.memref_squeeze %dma_start3A_344 : memref<1x1x128xi32, #tpu.memory_space<vmem>> -> memref<128xi32, #tpu.memory_space<vmem>>
        %dma_start3A_346 = arith.constant 0 : i32
        %dma_start3A_347 = arith.constant 0 : i32
        %dma_start3A_348 = tpu.memref_slice %arg16[%dma_start3A_346, %dma_start3A_347] : memref<10112x8xf32, #tpu.memory_space<vmem_shared>> -> memref<10112x8xf32, #tpu.memory_space<vmem_shared>>
        tpu.enqueue_indirect_dma source(%run_scoped3A_5 : memref<128x8xf32, #tpu.memory_space<vmem>>) target(%dma_start3A_348 : memref<10112x8xf32, #tpu.memory_space<vmem_shared>>) offsets(%dma_start3A_345 : memref<128xi32, #tpu.memory_space<vmem>>) semaphore(%arg15 : memref<!tpu.dma_semaphore, #tpu.memory_space<semaphore_mem>>) {add = true}
        %dma_wait3A_349 = arith.constant 5 : i32
        %dma_wait3A_350 = arith.constant 0 : i32
        %dma_wait3A_351 = tpu.memref_slice %run_scoped3A_0[%rem3A_75, %dma_wait3A_349, %dma_wait3A_350] : memref<2x8x128xi32, #tpu.memory_space<vmem>> -> memref<1x1x128xi32, #tpu.memory_space<vmem>>
        %dma_wait3A_352 = tpu.memref_squeeze %dma_wait3A_351 : memref<1x1x128xi32, #tpu.memory_space<vmem>> -> memref<128xi32, #tpu.memory_space<vmem>>
        %dma_wait3A_353 = arith.constant 0 : i32
        %dma_wait3A_354 = arith.constant 0 : i32
        %dma_wait3A_355 = tpu.memref_slice %arg9[%dma_wait3A_353, %dma_wait3A_354] : memref<10112x128xbf16, #tpu.memory_space<vmem_shared>> -> memref<10112x128xbf16, #tpu.memory_space<vmem_shared>>
        tpu.wait_indirect_dma semaphore(%arg15 : memref<!tpu.dma_semaphore, #tpu.memory_space<semaphore_mem>>) src(%run_scoped3A_2 : memref<128x128xbf16, #tpu.memory_space<vmem>>) dst(%dma_wait3A_355 : memref<10112x128xbf16, #tpu.memory_space<vmem_shared>>)
        %dma_wait3A_356 = arith.constant 5 : i32
        %dma_wait3A_357 = arith.constant 0 : i32
        %dma_wait3A_358 = tpu.memref_slice %run_scoped3A_0[%rem3A_75, %dma_wait3A_356, %dma_wait3A_357] : memref<2x8x128xi32, #tpu.memory_space<vmem>> -> memref<1x1x128xi32, #tpu.memory_space<vmem>>
        %dma_wait3A_359 = tpu.memref_squeeze %dma_wait3A_358 : memref<1x1x128xi32, #tpu.memory_space<vmem>> -> memref<128xi32, #tpu.memory_space<vmem>>
        %dma_wait3A_360 = arith.constant 0 : i32
        %dma_wait3A_361 = arith.constant 0 : i32
        %dma_wait3A_362 = tpu.memref_slice %arg16[%dma_wait3A_360, %dma_wait3A_361] : memref<10112x8xf32, #tpu.memory_space<vmem_shared>> -> memref<10112x8xf32, #tpu.memory_space<vmem_shared>>
        tpu.wait_indirect_dma semaphore(%arg15 : memref<!tpu.dma_semaphore, #tpu.memory_space<semaphore_mem>>) src(%run_scoped3A_5 : memref<128x8xf32, #tpu.memory_space<vmem>>) dst(%dma_wait3A_362 : memref<10112x8xf32, #tpu.memory_space<vmem_shared>>)
        %add3A_363 = arith.constant 1 : i32
        %add3A_364 = arith.addi %while3A_74, %add3A_363 : i32
        %lt3A_365 = arith.cmpi slt, %add3A_364, %select_n3A : i32
        %convert_element_type3A_366 = arith.extui %lt3A_365 : i1 to i32
        %cond3A_367 = arith.constant 0 : i32
        %cond3A_368 = arith.cmpi ne, %convert_element_type3A_366, %cond3A_367 : i32
        scf.if %cond3A_368 {
          %dma_start3A_418 = arith.constant 1 : i32
          %dma_start3A_419 = arith.constant 0 : i32
          %dma_start3A_420 = tpu.memref_slice %run_scoped3A[%rem3A_79, %dma_start3A_418, %dma_start3A_419] : memref<2x8x128xi32, #tpu.memory_space<vmem>> -> memref<1x1x128xi32, #tpu.memory_space<vmem>>
          %dma_start3A_421 = tpu.memref_squeeze %dma_start3A_420 : memref<1x1x128xi32, #tpu.memory_space<vmem>> -> memref<128xi32, #tpu.memory_space<vmem>>
          %dma_start3A_422 = arith.constant 0 : i32
          %dma_start3A_423 = arith.constant 0 : i32
          %dma_start3A_424 = tpu.memref_slice %arg2[%dma_start3A_422, %dma_start3A_423] : memref<10112x128xbf16, #tpu.memory_space<hbm>> -> memref<10112x128xbf16, #tpu.memory_space<hbm>>
          tpu.enqueue_indirect_dma source(%dma_start3A_424 : memref<10112x128xbf16, #tpu.memory_space<hbm>>) target(%run_scoped3A_2 : memref<128x128xbf16, #tpu.memory_space<vmem>>) offsets(%dma_start3A_421 : memref<128xi32, #tpu.memory_space<vmem>>) semaphore(%arg11 : memref<!tpu.dma_semaphore, #tpu.memory_space<semaphore_mem>>)
        } else {
        }
        %dma_wait3A_369 = arith.constant 7 : i32
        %dma_wait3A_370 = arith.constant 0 : i32
        %dma_wait3A_371 = tpu.memref_slice %run_scoped3A[%rem3A_75, %dma_wait3A_369, %dma_wait3A_370] : memref<2x8x128xi32, #tpu.memory_space<vmem>> -> memref<1x1x128xi32, #tpu.memory_space<vmem>>
        %dma_wait3A_372 = tpu.memref_squeeze %dma_wait3A_371 : memref<1x1x128xi32, #tpu.memory_space<vmem>> -> memref<128xi32, #tpu.memory_space<vmem>>
        %dma_wait3A_373 = arith.constant 0 : i32
        %dma_wait3A_374 = arith.constant 0 : i32
        %dma_wait3A_375 = tpu.memref_slice %arg2[%dma_wait3A_373, %dma_wait3A_374] : memref<10112x128xbf16, #tpu.memory_space<hbm>> -> memref<10112x128xbf16, #tpu.memory_space<hbm>>
        tpu.wait_indirect_dma semaphore(%arg13 : memref<!tpu.dma_semaphore, #tpu.memory_space<semaphore_mem>>) src(%dma_wait3A_375 : memref<10112x128xbf16, #tpu.memory_space<hbm>>) dst(%run_scoped3A_4 : memref<128x128xbf16, #tpu.memory_space<vmem>>)
        %dma_start3A_376 = arith.constant 7 : i32
        %dma_start3A_377 = arith.constant 0 : i32
        %dma_start3A_378 = tpu.memref_slice %run_scoped3A_0[%rem3A_75, %dma_start3A_376, %dma_start3A_377] : memref<2x8x128xi32, #tpu.memory_space<vmem>> -> memref<1x1x128xi32, #tpu.memory_space<vmem>>
        %dma_start3A_379 = tpu.memref_squeeze %dma_start3A_378 : memref<1x1x128xi32, #tpu.memory_space<vmem>> -> memref<128xi32, #tpu.memory_space<vmem>>
        %dma_start3A_380 = arith.constant 0 : i32
        %dma_start3A_381 = arith.constant 0 : i32
        %dma_start3A_382 = tpu.memref_slice %arg9[%dma_start3A_380, %dma_start3A_381] : memref<10112x128xbf16, #tpu.memory_space<vmem_shared>> -> memref<10112x128xbf16, #tpu.memory_space<vmem_shared>>
        tpu.enqueue_indirect_dma source(%run_scoped3A_4 : memref<128x128xbf16, #tpu.memory_space<vmem>>) target(%dma_start3A_382 : memref<10112x128xbf16, #tpu.memory_space<vmem_shared>>) offsets(%dma_start3A_379 : memref<128xi32, #tpu.memory_space<vmem>>) semaphore(%arg15 : memref<!tpu.dma_semaphore, #tpu.memory_space<semaphore_mem>>) {add = true}
        %dma_start3A_383 = arith.constant 7 : i32
        %dma_start3A_384 = arith.constant 0 : i32
        %dma_start3A_385 = tpu.memref_slice %run_scoped3A_0[%rem3A_75, %dma_start3A_383, %dma_start3A_384] : memref<2x8x128xi32, #tpu.memory_space<vmem>> -> memref<1x1x128xi32, #tpu.memory_space<vmem>>
        %dma_start3A_386 = tpu.memref_squeeze %dma_start3A_385 : memref<1x1x128xi32, #tpu.memory_space<vmem>> -> memref<128xi32, #tpu.memory_space<vmem>>
        %dma_start3A_387 = arith.constant 0 : i32
        %dma_start3A_388 = arith.constant 0 : i32
        %dma_start3A_389 = tpu.memref_slice %arg16[%dma_start3A_387, %dma_start3A_388] : memref<10112x8xf32, #tpu.memory_space<vmem_shared>> -> memref<10112x8xf32, #tpu.memory_space<vmem_shared>>
        tpu.enqueue_indirect_dma source(%run_scoped3A_5 : memref<128x8xf32, #tpu.memory_space<vmem>>) target(%dma_start3A_389 : memref<10112x8xf32, #tpu.memory_space<vmem_shared>>) offsets(%dma_start3A_386 : memref<128xi32, #tpu.memory_space<vmem>>) semaphore(%arg15 : memref<!tpu.dma_semaphore, #tpu.memory_space<semaphore_mem>>) {add = true}
        %dma_wait3A_390 = arith.constant 6 : i32
        %dma_wait3A_391 = arith.constant 0 : i32
        %dma_wait3A_392 = tpu.memref_slice %run_scoped3A_0[%rem3A_75, %dma_wait3A_390, %dma_wait3A_391] : memref<2x8x128xi32, #tpu.memory_space<vmem>> -> memref<1x1x128xi32, #tpu.memory_space<vmem>>
        %dma_wait3A_393 = tpu.memref_squeeze %dma_wait3A_392 : memref<1x1x128xi32, #tpu.memory_space<vmem>> -> memref<128xi32, #tpu.memory_space<vmem>>
        %dma_wait3A_394 = arith.constant 0 : i32
        %dma_wait3A_395 = arith.constant 0 : i32
        %dma_wait3A_396 = tpu.memref_slice %arg9[%dma_wait3A_394, %dma_wait3A_395] : memref<10112x128xbf16, #tpu.memory_space<vmem_shared>> -> memref<10112x128xbf16, #tpu.memory_space<vmem_shared>>
        tpu.wait_indirect_dma semaphore(%arg15 : memref<!tpu.dma_semaphore, #tpu.memory_space<semaphore_mem>>) src(%run_scoped3A_3 : memref<128x128xbf16, #tpu.memory_space<vmem>>) dst(%dma_wait3A_396 : memref<10112x128xbf16, #tpu.memory_space<vmem_shared>>)
        %dma_wait3A_397 = arith.constant 7 : i32
        %dma_wait3A_398 = arith.constant 0 : i32
        %dma_wait3A_399 = tpu.memref_slice %run_scoped3A_0[%rem3A_75, %dma_wait3A_397, %dma_wait3A_398] : memref<2x8x128xi32, #tpu.memory_space<vmem>> -> memref<1x1x128xi32, #tpu.memory_space<vmem>>
        %dma_wait3A_400 = tpu.memref_squeeze %dma_wait3A_399 : memref<1x1x128xi32, #tpu.memory_space<vmem>> -> memref<128xi32, #tpu.memory_space<vmem>>
        %dma_wait3A_401 = arith.constant 0 : i32
        %dma_wait3A_402 = arith.constant 0 : i32
        %dma_wait3A_403 = tpu.memref_slice %arg9[%dma_wait3A_401, %dma_wait3A_402] : memref<10112x128xbf16, #tpu.memory_space<vmem_shared>> -> memref<10112x128xbf16, #tpu.memory_space<vmem_shared>>
        tpu.wait_indirect_dma semaphore(%arg15 : memref<!tpu.dma_semaphore, #tpu.memory_space<semaphore_mem>>) src(%run_scoped3A_4 : memref<128x128xbf16, #tpu.memory_space<vmem>>) dst(%dma_wait3A_403 : memref<10112x128xbf16, #tpu.memory_space<vmem_shared>>)
        %dma_wait3A_404 = arith.constant 6 : i32
        %dma_wait3A_405 = arith.constant 0 : i32
        %dma_wait3A_406 = tpu.memref_slice %run_scoped3A_0[%rem3A_75, %dma_wait3A_404, %dma_wait3A_405] : memref<2x8x128xi32, #tpu.memory_space<vmem>> -> memref<1x1x128xi32, #tpu.memory_space<vmem>>
        %dma_wait3A_407 = tpu.memref_squeeze %dma_wait3A_406 : memref<1x1x128xi32, #tpu.memory_space<vmem>> -> memref<128xi32, #tpu.memory_space<vmem>>
        %dma_wait3A_408 = arith.constant 0 : i32
        %dma_wait3A_409 = arith.constant 0 : i32
        %dma_wait3A_410 = tpu.memref_slice %arg16[%dma_wait3A_408, %dma_wait3A_409] : memref<10112x8xf32, #tpu.memory_space<vmem_shared>> -> memref<10112x8xf32, #tpu.memory_space<vmem_shared>>
        tpu.wait_indirect_dma semaphore(%arg15 : memref<!tpu.dma_semaphore, #tpu.memory_space<semaphore_mem>>) src(%run_scoped3A_5 : memref<128x8xf32, #tpu.memory_space<vmem>>) dst(%dma_wait3A_410 : memref<10112x8xf32, #tpu.memory_space<vmem_shared>>)
        %dma_wait3A_411 = arith.constant 7 : i32
        %dma_wait3A_412 = arith.constant 0 : i32
        %dma_wait3A_413 = tpu.memref_slice %run_scoped3A_0[%rem3A_75, %dma_wait3A_411, %dma_wait3A_412] : memref<2x8x128xi32, #tpu.memory_space<vmem>> -> memref<1x1x128xi32, #tpu.memory_space<vmem>>
        %dma_wait3A_414 = tpu.memref_squeeze %dma_wait3A_413 : memref<1x1x128xi32, #tpu.memory_space<vmem>> -> memref<128xi32, #tpu.memory_space<vmem>>
        %dma_wait3A_415 = arith.constant 0 : i32
        %dma_wait3A_416 = arith.constant 0 : i32
        %dma_wait3A_417 = tpu.memref_slice %arg16[%dma_wait3A_415, %dma_wait3A_416] : memref<10112x8xf32, #tpu.memory_space<vmem_shared>> -> memref<10112x8xf32, #tpu.memory_space<vmem_shared>>
        tpu.wait_indirect_dma semaphore(%arg15 : memref<!tpu.dma_semaphore, #tpu.memory_space<semaphore_mem>>) src(%run_scoped3A_5 : memref<128x8xf32, #tpu.memory_space<vmem>>) dst(%dma_wait3A_417 : memref<10112x8xf32, #tpu.memory_space<vmem_shared>>)
      }
      %eq3A_70 = arith.constant 0 : i32
      %eq3A_71 = arith.cmpi eq, %select_n3A, %eq3A_70 : i32
      %convert_element_type3A = arith.extui %eq3A_71 : i1 to i32
      %cond3A = arith.constant 0 : i32
      %cond3A_72 = arith.cmpi ne, %convert_element_type3A, %cond3A : i32
      scf.if %cond3A_72 {
        %dma_wait3A = arith.constant 0 : i32
        %dma_wait3A_74 = arith.constant 0 : i32
        %dma_wait3A_75 = arith.constant 0 : i32
        %dma_wait3A_76 = tpu.memref_slice %run_scoped3A[%dma_wait3A, %dma_wait3A_74, %dma_wait3A_75] : memref<2x8x128xi32, #tpu.memory_space<vmem>> -> memref<1x1x128xi32, #tpu.memory_space<vmem>>
        %dma_wait3A_77 = tpu.memref_squeeze %dma_wait3A_76 : memref<1x1x128xi32, #tpu.memory_space<vmem>> -> memref<128xi32, #tpu.memory_space<vmem>>
        %dma_wait3A_78 = arith.constant 0 : i32
        %dma_wait3A_79 = arith.constant 0 : i32
        %dma_wait3A_80 = tpu.memref_slice %arg2[%dma_wait3A_78, %dma_wait3A_79] : memref<10112x128xbf16, #tpu.memory_space<hbm>> -> memref<10112x128xbf16, #tpu.memory_space<hbm>>
        tpu.wait_indirect_dma semaphore(%arg10 : memref<!tpu.dma_semaphore, #tpu.memory_space<semaphore_mem>>) src(%dma_wait3A_80 : memref<10112x128xbf16, #tpu.memory_space<hbm>>) dst(%run_scoped3A_1 : memref<128x128xbf16, #tpu.memory_space<vmem>>)
        %dma_wait3A_81 = arith.constant 0 : i32
        %dma_wait3A_82 = arith.constant 1 : i32
        %dma_wait3A_83 = arith.constant 0 : i32
        %dma_wait3A_84 = tpu.memref_slice %run_scoped3A[%dma_wait3A_81, %dma_wait3A_82, %dma_wait3A_83] : memref<2x8x128xi32, #tpu.memory_space<vmem>> -> memref<1x1x128xi32, #tpu.memory_space<vmem>>
        %dma_wait3A_85 = tpu.memref_squeeze %dma_wait3A_84 : memref<1x1x128xi32, #tpu.memory_space<vmem>> -> memref<128xi32, #tpu.memory_space<vmem>>
        %dma_wait3A_86 = arith.constant 0 : i32
        %dma_wait3A_87 = arith.constant 0 : i32
        %dma_wait3A_88 = tpu.memref_slice %arg2[%dma_wait3A_86, %dma_wait3A_87] : memref<10112x128xbf16, #tpu.memory_space<hbm>> -> memref<10112x128xbf16, #tpu.memory_space<hbm>>
        tpu.wait_indirect_dma semaphore(%arg11 : memref<!tpu.dma_semaphore, #tpu.memory_space<semaphore_mem>>) src(%dma_wait3A_88 : memref<10112x128xbf16, #tpu.memory_space<hbm>>) dst(%run_scoped3A_2 : memref<128x128xbf16, #tpu.memory_space<vmem>>)
      } else {
      }
      %barrier3A_73 = arith.constant 0 : index
      tpu.barrier barrier_id(%barrier3A_73)
      "tpu.region"() ({
        %run_scoped3A_74 = tpu.sem_alloc : memref<!tpu.dma_semaphore, #tpu.memory_space<semaphore_mem>>
        %dma_start3A_75 = arith.constant 0 : i32
        %dma_start3A_76 = tpu.memref_slice %arg7[%arg0, %multiple_of3A, %dma_start3A_75] : memref<2x10112x128xbf16, #tpu.memory_space<hbm>> -> memref<1x632x128xbf16, #tpu.memory_space<hbm>>
        %dma_start3A_77 = tpu.memref_squeeze %dma_start3A_76 : memref<1x632x128xbf16, #tpu.memory_space<hbm>> -> memref<632x128xbf16, #tpu.memory_space<hbm>>
        %dma_start3A_78 = arith.constant 0 : i32
        %dma_start3A_79 = tpu.memref_slice %arg9[%multiple_of3A, %dma_start3A_78] : memref<10112x128xbf16, #tpu.memory_space<vmem_shared>> -> memref<632x128xbf16, #tpu.memory_space<vmem_shared>>
        tpu.enqueue_dma source(%dma_start3A_79 : memref<632x128xbf16, #tpu.memory_space<vmem_shared>>) target(%dma_start3A_77 : memref<632x128xbf16, #tpu.memory_space<hbm>>) target_semaphore(%run_scoped3A_74 : memref<!tpu.dma_semaphore, #tpu.memory_space<semaphore_mem>>)
        %dma_wait3A = arith.constant 0 : i32
        %dma_wait3A_80 = tpu.memref_slice %arg7[%arg0, %multiple_of3A, %dma_wait3A] : memref<2x10112x128xbf16, #tpu.memory_space<hbm>> -> memref<1x632x128xbf16, #tpu.memory_space<hbm>>
        %dma_wait3A_81 = tpu.memref_squeeze %dma_wait3A_80 : memref<1x632x128xbf16, #tpu.memory_space<hbm>> -> memref<632x128xbf16, #tpu.memory_space<hbm>>
        %dma_wait3A_82 = arith.constant 0 : i32
        %dma_wait3A_83 = tpu.memref_slice %arg9[%multiple_of3A, %dma_wait3A_82] : memref<10112x128xbf16, #tpu.memory_space<vmem_shared>> -> memref<632x128xbf16, #tpu.memory_space<vmem_shared>>
        tpu.wait_dma2 semaphore(%run_scoped3A_74 : memref<!tpu.dma_semaphore, #tpu.memory_space<semaphore_mem>>) src(%dma_wait3A_83 : memref<632x128xbf16, #tpu.memory_space<vmem_shared>>) dst(%dma_wait3A_81 : memref<632x128xbf16, #tpu.memory_space<hbm>>)
        tpu.yield
      }) : () -> ()
      "tpu.region"() ({
        %run_scoped3A_74 = tpu.sem_alloc : memref<!tpu.dma_semaphore, #tpu.memory_space<semaphore_mem>>
        %dma_start3A_75 = arith.constant 0 : i32
        %dma_start3A_76 = tpu.memref_slice %arg8[%arg0, %multiple_of3A, %dma_start3A_75] : memref<2x10112x8xf32, #tpu.memory_space<hbm>> -> memref<1x632x8xf32, #tpu.memory_space<hbm>>
        %dma_start3A_77 = tpu.memref_squeeze %dma_start3A_76 : memref<1x632x8xf32, #tpu.memory_space<hbm>> -> memref<632x8xf32, #tpu.memory_space<hbm>>
        %dma_start3A_78 = arith.constant 0 : i32
        %dma_start3A_79 = tpu.memref_slice %arg16[%multiple_of3A, %dma_start3A_78] : memref<10112x8xf32, #tpu.memory_space<vmem_shared>> -> memref<632x8xf32, #tpu.memory_space<vmem_shared>>
        tpu.enqueue_dma source(%dma_start3A_79 : memref<632x8xf32, #tpu.memory_space<vmem_shared>>) target(%dma_start3A_77 : memref<632x8xf32, #tpu.memory_space<hbm>>) target_semaphore(%run_scoped3A_74 : memref<!tpu.dma_semaphore, #tpu.memory_space<semaphore_mem>>)
        %dma_wait3A = arith.constant 0 : i32
        %dma_wait3A_80 = tpu.memref_slice %arg8[%arg0, %multiple_of3A, %dma_wait3A] : memref<2x10112x8xf32, #tpu.memory_space<hbm>> -> memref<1x632x8xf32, #tpu.memory_space<hbm>>
        %dma_wait3A_81 = tpu.memref_squeeze %dma_wait3A_80 : memref<1x632x8xf32, #tpu.memory_space<hbm>> -> memref<632x8xf32, #tpu.memory_space<hbm>>
        %dma_wait3A_82 = arith.constant 0 : i32
        %dma_wait3A_83 = tpu.memref_slice %arg16[%multiple_of3A, %dma_wait3A_82] : memref<10112x8xf32, #tpu.memory_space<vmem_shared>> -> memref<632x8xf32, #tpu.memory_space<vmem_shared>>
        tpu.wait_dma2 semaphore(%run_scoped3A_74 : memref<!tpu.dma_semaphore, #tpu.memory_space<semaphore_mem>>) src(%dma_wait3A_83 : memref<632x8xf32, #tpu.memory_space<vmem_shared>>) dst(%dma_wait3A_81 : memref<632x8xf32, #tpu.memory_space<hbm>>)
        tpu.yield
      }) : () -> ()
      tpu.yield
    }) : () -> ()
    return
  }
}

#map = affine_map<(d0, d1) -> (0, 0)>
#map1 = affine_map<(d0, d1) -> (0, 0, 0)>
module attributes {stable_mosaic.version = 14 : i64} {
  func.func @body(%arg0: i32, %arg1: i32, %arg2: memref<10112x128xbf16, #tpu.memory_space<hbm>>, %arg3: memref<321x8x128xi32, #tpu.memory_space<hbm>>, %arg4: memref<321x8x128xi32, #tpu.memory_space<hbm>>, %arg5: memref<2x10112x128xbf16, #tpu.memory_space<hbm>>, %arg6: memref<10112x128xbf16, #tpu.memory_space<vmem_shared>>, %arg7: memref<!tpu.dma_semaphore, #tpu.memory_space<semaphore_mem>>, %arg8: memref<!tpu.dma_semaphore, #tpu.memory_space<semaphore_mem>>, %arg9: memref<!tpu.dma_semaphore, #tpu.memory_space<semaphore_mem>>, %arg10: memref<!tpu.dma_semaphore, #tpu.memory_space<semaphore_mem>>, %arg11: memref<!tpu.dma_semaphore, #tpu.memory_space<semaphore_mem>>, %arg12: memref<!tpu.dma_semaphore, #tpu.memory_space<semaphore_mem>>) attributes {dimension_semantics = [#tpu.dimension_semantics<core_parallel>, #tpu.dimension_semantics<subcore_parallel>], iteration_bounds = array<i64: 2, 16>, scalar_prefetch = 0 : i64, scratch_operands = 7 : i64, tpu.core_type = #tpu.core_type<sc_vector_subcore>, window_params = [{transform_indices = #map}, {transform_indices = #map1}, {transform_indices = #map1}, {transform_indices = #map1}]} {
    "tpu.region"() ({
      %run_scoped3A = memref.alloca() : memref<2x8x128xi32, #tpu.memory_space<vmem>>
      %run_scoped3A_0 = memref.alloca() : memref<2x8x128xi32, #tpu.memory_space<vmem>>
      %run_scoped3A_1 = memref.alloca() : memref<128x128xbf16, #tpu.memory_space<vmem>>
      %run_scoped3A_2 = memref.alloca() : memref<128x128xbf16, #tpu.memory_space<vmem>>
      %run_scoped3A_3 = memref.alloca() : memref<128x128xbf16, #tpu.memory_space<vmem>>
      %run_scoped3A_4 = memref.alloca() : memref<128x128xbf16, #tpu.memory_space<vmem>>
      %eq3A = arith.constant 0 : i32
      %eq3A_5 = arith.cmpi eq, %arg0, %eq3A : i32
      %jit3A = arith.constant 19 : i32
      %jit3A_6 = arith.constant 1 : i32
      %select_n3A = arith.select %eq3A_5, %jit3A, %jit3A_6 : i32
      %eq3A_7 = arith.constant 0 : i32
      %eq3A_8 = arith.cmpi eq, %arg0, %eq3A_7 : i32
      %mul3A = arith.constant 19 : i32
      %mul3A_9 = arith.muli %arg1, %mul3A : i32
      %mul3A_10 = arith.constant 1 : i32
      %mul3A_11 = arith.muli %arg1, %mul3A_10 : i32
      %add3A = arith.constant 304 : i32
      %add3A_12 = arith.addi %add3A, %mul3A_11 : i32
      %select_n3A_13 = arith.select %eq3A_8, %mul3A_9, %add3A_12 : i32
      %broadcast_in_dim3A = arith.constant 0.000000e+00 : bf16
      %broadcast_in_dim3A_14 = vector.broadcast %broadcast_in_dim3A : bf16 to vector<32xbf16>
      %scan3A = arith.constant 0 : i32
      %scan3A_15 = arith.constant 0 : i32
      %scan3A_16 = arith.constant 128 : i32
      %scan3A_17 = arith.addi %scan3A_15, %scan3A_16 : i32
      %scan3A_18 = arith.constant 1 : i32
      scf.for %scan3A_62 = %scan3A_15 to %scan3A_17 step %scan3A_18  : i32 {
        %swap3A = arith.index_cast %scan3A_62 : i32 to index
        %swap3A_63 = arith.constant 0 : index
        %swap3A_64 = tpu.vector_load %run_scoped3A_1[%swap3A, %swap3A_63] {strides = array<i32>} : memref<128x128xbf16, #tpu.memory_space<vmem>>, vector<1x32xbf16>,
        %swap3A_65 = vector.shape_cast %swap3A_64 : vector<1x32xbf16> to vector<32xbf16>
        %swap3A_66 = vector.shape_cast %broadcast_in_dim3A_14 : vector<32xbf16> to vector<1x32xbf16>
        tpu.vector_store %run_scoped3A_1[%swap3A, %swap3A_63], %swap3A_66 {strides = array<i32>} : memref<128x128xbf16, #tpu.memory_space<vmem>>, vector<1x32xbf16>,
        %swap3A_67 = arith.index_cast %scan3A_62 : i32 to index
        %swap3A_68 = arith.constant 32 : index
        %swap3A_69 = tpu.vector_load %run_scoped3A_1[%swap3A_67, %swap3A_68] {strides = array<i32>} : memref<128x128xbf16, #tpu.memory_space<vmem>>, vector<1x32xbf16>,
        %swap3A_70 = vector.shape_cast %swap3A_69 : vector<1x32xbf16> to vector<32xbf16>
        %swap3A_71 = vector.shape_cast %broadcast_in_dim3A_14 : vector<32xbf16> to vector<1x32xbf16>
        tpu.vector_store %run_scoped3A_1[%swap3A_67, %swap3A_68], %swap3A_71 {strides = array<i32>} : memref<128x128xbf16, #tpu.memory_space<vmem>>, vector<1x32xbf16>,
        %swap3A_72 = arith.index_cast %scan3A_62 : i32 to index
        %swap3A_73 = arith.constant 64 : index
        %swap3A_74 = tpu.vector_load %run_scoped3A_1[%swap3A_72, %swap3A_73] {strides = array<i32>} : memref<128x128xbf16, #tpu.memory_space<vmem>>, vector<1x32xbf16>,
        %swap3A_75 = vector.shape_cast %swap3A_74 : vector<1x32xbf16> to vector<32xbf16>
        %swap3A_76 = vector.shape_cast %broadcast_in_dim3A_14 : vector<32xbf16> to vector<1x32xbf16>
        tpu.vector_store %run_scoped3A_1[%swap3A_72, %swap3A_73], %swap3A_76 {strides = array<i32>} : memref<128x128xbf16, #tpu.memory_space<vmem>>, vector<1x32xbf16>,
        %swap3A_77 = arith.index_cast %scan3A_62 : i32 to index
        %swap3A_78 = arith.constant 96 : index
        %swap3A_79 = tpu.vector_load %run_scoped3A_1[%swap3A_77, %swap3A_78] {strides = array<i32>} : memref<128x128xbf16, #tpu.memory_space<vmem>>, vector<1x32xbf16>,
        %swap3A_80 = vector.shape_cast %swap3A_79 : vector<1x32xbf16> to vector<32xbf16>
        %swap3A_81 = vector.shape_cast %broadcast_in_dim3A_14 : vector<32xbf16> to vector<1x32xbf16>
        tpu.vector_store %run_scoped3A_1[%swap3A_77, %swap3A_78], %swap3A_81 {strides = array<i32>} : memref<128x128xbf16, #tpu.memory_space<vmem>>, vector<1x32xbf16>,
      }
      %scan3A_19 = arith.constant 128 : i32
      %mul3A_20 = arith.constant 632 : i32
      %mul3A_21 = arith.muli %arg1, %mul3A_20 : i32
      %multiple_of3A = tpu.assume_multiple %mul3A_21, 8 : i32
      %add3A_22 = arith.constant 0 : i32
      %add3A_23 = arith.addi %multiple_of3A, %add3A_22 : i32
      "tpu.region"() ({
        %run_scoped3A_62 = tpu.sem_alloc : memref<!tpu.dma_semaphore, #tpu.memory_space<semaphore_mem>>
        %dma_start3A_63 = arith.constant 0 : i32
        %dma_start3A_64 = arith.constant 0 : i32
        %dma_start3A_65 = tpu.memref_slice %run_scoped3A_1[%dma_start3A_63, %dma_start3A_64] : memref<128x128xbf16, #tpu.memory_space<vmem>> -> memref<128x128xbf16, #tpu.memory_space<vmem>>
        %dma_start3A_66 = arith.constant 0 : i32
        %dma_start3A_67 = tpu.memref_slice %arg6[%add3A_23, %dma_start3A_66] : memref<10112x128xbf16, #tpu.memory_space<vmem_shared>> -> memref<128x128xbf16, #tpu.memory_space<vmem_shared>>
        %dma_start3A_68 = arith.constant 0 : i32
        %dma_start3A_69 = tpu.memref_slice %arg6[%add3A_23, %dma_start3A_68] : memref<10112x128xbf16, #tpu.memory_space<vmem_shared>> -> memref<128x128xbf16, #tpu.memory_space<vmem_shared>>
        %dma_start3A_70 = arith.constant 0 : i32
        %dma_start3A_71 = arith.constant 0 : i32
        %dma_start3A_72 = tpu.memref_slice %run_scoped3A_1[%dma_start3A_70, %dma_start3A_71] : memref<128x128xbf16, #tpu.memory_space<vmem>> -> memref<128x128xbf16, #tpu.memory_space<vmem>>
        tpu.enqueue_dma source(%dma_start3A_72 : memref<128x128xbf16, #tpu.memory_space<vmem>>) target(%dma_start3A_69 : memref<128x128xbf16, #tpu.memory_space<vmem_shared>>) target_semaphore(%run_scoped3A_62 : memref<!tpu.dma_semaphore, #tpu.memory_space<semaphore_mem>>)
        %dma_wait3A = arith.constant 0 : i32
        %dma_wait3A_73 = arith.constant 0 : i32
        %dma_wait3A_74 = tpu.memref_slice %run_scoped3A_1[%dma_wait3A, %dma_wait3A_73] : memref<128x128xbf16, #tpu.memory_space<vmem>> -> memref<128x128xbf16, #tpu.memory_space<vmem>>
        %dma_wait3A_75 = arith.constant 0 : i32
        %dma_wait3A_76 = tpu.memref_slice %arg6[%add3A_23, %dma_wait3A_75] : memref<10112x128xbf16, #tpu.memory_space<vmem_shared>> -> memref<128x128xbf16, #tpu.memory_space<vmem_shared>>
        %dma_wait3A_77 = arith.constant 0 : i32
        %dma_wait3A_78 = tpu.memref_slice %arg6[%add3A_23, %dma_wait3A_77] : memref<10112x128xbf16, #tpu.memory_space<vmem_shared>> -> memref<128x128xbf16, #tpu.memory_space<vmem_shared>>
        %dma_wait3A_79 = arith.constant 0 : i32
        %dma_wait3A_80 = arith.constant 0 : i32
        %dma_wait3A_81 = tpu.memref_slice %run_scoped3A_1[%dma_wait3A_79, %dma_wait3A_80] : memref<128x128xbf16, #tpu.memory_space<vmem>> -> memref<128x128xbf16, #tpu.memory_space<vmem>>
        tpu.wait_dma2 semaphore(%run_scoped3A_62 : memref<!tpu.dma_semaphore, #tpu.memory_space<semaphore_mem>>) src(%dma_wait3A_81 : memref<128x128xbf16, #tpu.memory_space<vmem>>) dst(%dma_wait3A_78 : memref<128x128xbf16, #tpu.memory_space<vmem_shared>>)
        tpu.yield
      }) : () -> ()
      %add3A_24 = arith.constant 128 : i32
      %add3A_25 = arith.addi %multiple_of3A, %add3A_24 : i32
      "tpu.region"() ({
        %run_scoped3A_62 = tpu.sem_alloc : memref<!tpu.dma_semaphore, #tpu.memory_space<semaphore_mem>>
        %dma_start3A_63 = arith.constant 0 : i32
        %dma_start3A_64 = arith.constant 0 : i32
        %dma_start3A_65 = tpu.memref_slice %run_scoped3A_1[%dma_start3A_63, %dma_start3A_64] : memref<128x128xbf16, #tpu.memory_space<vmem>> -> memref<128x128xbf16, #tpu.memory_space<vmem>>
        %dma_start3A_66 = arith.constant 0 : i32
        %dma_start3A_67 = tpu.memref_slice %arg6[%add3A_25, %dma_start3A_66] : memref<10112x128xbf16, #tpu.memory_space<vmem_shared>> -> memref<128x128xbf16, #tpu.memory_space<vmem_shared>>
        %dma_start3A_68 = arith.constant 0 : i32
        %dma_start3A_69 = tpu.memref_slice %arg6[%add3A_25, %dma_start3A_68] : memref<10112x128xbf16, #tpu.memory_space<vmem_shared>> -> memref<128x128xbf16, #tpu.memory_space<vmem_shared>>
        %dma_start3A_70 = arith.constant 0 : i32
        %dma_start3A_71 = arith.constant 0 : i32
        %dma_start3A_72 = tpu.memref_slice %run_scoped3A_1[%dma_start3A_70, %dma_start3A_71] : memref<128x128xbf16, #tpu.memory_space<vmem>> -> memref<128x128xbf16, #tpu.memory_space<vmem>>
        tpu.enqueue_dma source(%dma_start3A_72 : memref<128x128xbf16, #tpu.memory_space<vmem>>) target(%dma_start3A_69 : memref<128x128xbf16, #tpu.memory_space<vmem_shared>>) target_semaphore(%run_scoped3A_62 : memref<!tpu.dma_semaphore, #tpu.memory_space<semaphore_mem>>)
        %dma_wait3A = arith.constant 0 : i32
        %dma_wait3A_73 = arith.constant 0 : i32
        %dma_wait3A_74 = tpu.memref_slice %run_scoped3A_1[%dma_wait3A, %dma_wait3A_73] : memref<128x128xbf16, #tpu.memory_space<vmem>> -> memref<128x128xbf16, #tpu.memory_space<vmem>>
        %dma_wait3A_75 = arith.constant 0 : i32
        %dma_wait3A_76 = tpu.memref_slice %arg6[%add3A_25, %dma_wait3A_75] : memref<10112x128xbf16, #tpu.memory_space<vmem_shared>> -> memref<128x128xbf16, #tpu.memory_space<vmem_shared>>
        %dma_wait3A_77 = arith.constant 0 : i32
        %dma_wait3A_78 = tpu.memref_slice %arg6[%add3A_25, %dma_wait3A_77] : memref<10112x128xbf16, #tpu.memory_space<vmem_shared>> -> memref<128x128xbf16, #tpu.memory_space<vmem_shared>>
        %dma_wait3A_79 = arith.constant 0 : i32
        %dma_wait3A_80 = arith.constant 0 : i32
        %dma_wait3A_81 = tpu.memref_slice %run_scoped3A_1[%dma_wait3A_79, %dma_wait3A_80] : memref<128x128xbf16, #tpu.memory_space<vmem>> -> memref<128x128xbf16, #tpu.memory_space<vmem>>
        tpu.wait_dma2 semaphore(%run_scoped3A_62 : memref<!tpu.dma_semaphore, #tpu.memory_space<semaphore_mem>>) src(%dma_wait3A_81 : memref<128x128xbf16, #tpu.memory_space<vmem>>) dst(%dma_wait3A_78 : memref<128x128xbf16, #tpu.memory_space<vmem_shared>>)
        tpu.yield
      }) : () -> ()
      %add3A_26 = arith.constant 256 : i32
      %add3A_27 = arith.addi %multiple_of3A, %add3A_26 : i32
      "tpu.region"() ({
        %run_scoped3A_62 = tpu.sem_alloc : memref<!tpu.dma_semaphore, #tpu.memory_space<semaphore_mem>>
        %dma_start3A_63 = arith.constant 0 : i32
        %dma_start3A_64 = arith.constant 0 : i32
        %dma_start3A_65 = tpu.memref_slice %run_scoped3A_1[%dma_start3A_63, %dma_start3A_64] : memref<128x128xbf16, #tpu.memory_space<vmem>> -> memref<128x128xbf16, #tpu.memory_space<vmem>>
        %dma_start3A_66 = arith.constant 0 : i32
        %dma_start3A_67 = tpu.memref_slice %arg6[%add3A_27, %dma_start3A_66] : memref<10112x128xbf16, #tpu.memory_space<vmem_shared>> -> memref<128x128xbf16, #tpu.memory_space<vmem_shared>>
        %dma_start3A_68 = arith.constant 0 : i32
        %dma_start3A_69 = tpu.memref_slice %arg6[%add3A_27, %dma_start3A_68] : memref<10112x128xbf16, #tpu.memory_space<vmem_shared>> -> memref<128x128xbf16, #tpu.memory_space<vmem_shared>>
        %dma_start3A_70 = arith.constant 0 : i32
        %dma_start3A_71 = arith.constant 0 : i32
        %dma_start3A_72 = tpu.memref_slice %run_scoped3A_1[%dma_start3A_70, %dma_start3A_71] : memref<128x128xbf16, #tpu.memory_space<vmem>> -> memref<128x128xbf16, #tpu.memory_space<vmem>>
        tpu.enqueue_dma source(%dma_start3A_72 : memref<128x128xbf16, #tpu.memory_space<vmem>>) target(%dma_start3A_69 : memref<128x128xbf16, #tpu.memory_space<vmem_shared>>) target_semaphore(%run_scoped3A_62 : memref<!tpu.dma_semaphore, #tpu.memory_space<semaphore_mem>>)
        %dma_wait3A = arith.constant 0 : i32
        %dma_wait3A_73 = arith.constant 0 : i32
        %dma_wait3A_74 = tpu.memref_slice %run_scoped3A_1[%dma_wait3A, %dma_wait3A_73] : memref<128x128xbf16, #tpu.memory_space<vmem>> -> memref<128x128xbf16, #tpu.memory_space<vmem>>
        %dma_wait3A_75 = arith.constant 0 : i32
        %dma_wait3A_76 = tpu.memref_slice %arg6[%add3A_27, %dma_wait3A_75] : memref<10112x128xbf16, #tpu.memory_space<vmem_shared>> -> memref<128x128xbf16, #tpu.memory_space<vmem_shared>>
        %dma_wait3A_77 = arith.constant 0 : i32
        %dma_wait3A_78 = tpu.memref_slice %arg6[%add3A_27, %dma_wait3A_77] : memref<10112x128xbf16, #tpu.memory_space<vmem_shared>> -> memref<128x128xbf16, #tpu.memory_space<vmem_shared>>
        %dma_wait3A_79 = arith.constant 0 : i32
        %dma_wait3A_80 = arith.constant 0 : i32
        %dma_wait3A_81 = tpu.memref_slice %run_scoped3A_1[%dma_wait3A_79, %dma_wait3A_80] : memref<128x128xbf16, #tpu.memory_space<vmem>> -> memref<128x128xbf16, #tpu.memory_space<vmem>>
        tpu.wait_dma2 semaphore(%run_scoped3A_62 : memref<!tpu.dma_semaphore, #tpu.memory_space<semaphore_mem>>) src(%dma_wait3A_81 : memref<128x128xbf16, #tpu.memory_space<vmem>>) dst(%dma_wait3A_78 : memref<128x128xbf16, #tpu.memory_space<vmem_shared>>)
        tpu.yield
      }) : () -> ()
      %add3A_28 = arith.constant 384 : i32
      %add3A_29 = arith.addi %multiple_of3A, %add3A_28 : i32
      "tpu.region"() ({
        %run_scoped3A_62 = tpu.sem_alloc : memref<!tpu.dma_semaphore, #tpu.memory_space<semaphore_mem>>
        %dma_start3A_63 = arith.constant 0 : i32
        %dma_start3A_64 = arith.constant 0 : i32
        %dma_start3A_65 = tpu.memref_slice %run_scoped3A_1[%dma_start3A_63, %dma_start3A_64] : memref<128x128xbf16, #tpu.memory_space<vmem>> -> memref<128x128xbf16, #tpu.memory_space<vmem>>
        %dma_start3A_66 = arith.constant 0 : i32
        %dma_start3A_67 = tpu.memref_slice %arg6[%add3A_29, %dma_start3A_66] : memref<10112x128xbf16, #tpu.memory_space<vmem_shared>> -> memref<128x128xbf16, #tpu.memory_space<vmem_shared>>
        %dma_start3A_68 = arith.constant 0 : i32
        %dma_start3A_69 = tpu.memref_slice %arg6[%add3A_29, %dma_start3A_68] : memref<10112x128xbf16, #tpu.memory_space<vmem_shared>> -> memref<128x128xbf16, #tpu.memory_space<vmem_shared>>
        %dma_start3A_70 = arith.constant 0 : i32
        %dma_start3A_71 = arith.constant 0 : i32
        %dma_start3A_72 = tpu.memref_slice %run_scoped3A_1[%dma_start3A_70, %dma_start3A_71] : memref<128x128xbf16, #tpu.memory_space<vmem>> -> memref<128x128xbf16, #tpu.memory_space<vmem>>
        tpu.enqueue_dma source(%dma_start3A_72 : memref<128x128xbf16, #tpu.memory_space<vmem>>) target(%dma_start3A_69 : memref<128x128xbf16, #tpu.memory_space<vmem_shared>>) target_semaphore(%run_scoped3A_62 : memref<!tpu.dma_semaphore, #tpu.memory_space<semaphore_mem>>)
        %dma_wait3A = arith.constant 0 : i32
        %dma_wait3A_73 = arith.constant 0 : i32
        %dma_wait3A_74 = tpu.memref_slice %run_scoped3A_1[%dma_wait3A, %dma_wait3A_73] : memref<128x128xbf16, #tpu.memory_space<vmem>> -> memref<128x128xbf16, #tpu.memory_space<vmem>>
        %dma_wait3A_75 = arith.constant 0 : i32
        %dma_wait3A_76 = tpu.memref_slice %arg6[%add3A_29, %dma_wait3A_75] : memref<10112x128xbf16, #tpu.memory_space<vmem_shared>> -> memref<128x128xbf16, #tpu.memory_space<vmem_shared>>
        %dma_wait3A_77 = arith.constant 0 : i32
        %dma_wait3A_78 = tpu.memref_slice %arg6[%add3A_29, %dma_wait3A_77] : memref<10112x128xbf16, #tpu.memory_space<vmem_shared>> -> memref<128x128xbf16, #tpu.memory_space<vmem_shared>>
        %dma_wait3A_79 = arith.constant 0 : i32
        %dma_wait3A_80 = arith.constant 0 : i32
        %dma_wait3A_81 = tpu.memref_slice %run_scoped3A_1[%dma_wait3A_79, %dma_wait3A_80] : memref<128x128xbf16, #tpu.memory_space<vmem>> -> memref<128x128xbf16, #tpu.memory_space<vmem>>
        tpu.wait_dma2 semaphore(%run_scoped3A_62 : memref<!tpu.dma_semaphore, #tpu.memory_space<semaphore_mem>>) src(%dma_wait3A_81 : memref<128x128xbf16, #tpu.memory_space<vmem>>) dst(%dma_wait3A_78 : memref<128x128xbf16, #tpu.memory_space<vmem_shared>>)
        tpu.yield
      }) : () -> ()
      %add3A_30 = arith.constant 512 : i32
      %add3A_31 = arith.addi %multiple_of3A, %add3A_30 : i32
      "tpu.region"() ({
        %run_scoped3A_62 = tpu.sem_alloc : memref<!tpu.dma_semaphore, #tpu.memory_space<semaphore_mem>>
        %dma_start3A_63 = arith.constant 0 : i32
        %dma_start3A_64 = arith.constant 0 : i32
        %dma_start3A_65 = tpu.memref_slice %run_scoped3A_1[%dma_start3A_63, %dma_start3A_64] : memref<128x128xbf16, #tpu.memory_space<vmem>> -> memref<120x128xbf16, #tpu.memory_space<vmem>>
        %dma_start3A_66 = arith.constant 0 : i32
        %dma_start3A_67 = tpu.memref_slice %arg6[%add3A_31, %dma_start3A_66] : memref<10112x128xbf16, #tpu.memory_space<vmem_shared>> -> memref<120x128xbf16, #tpu.memory_space<vmem_shared>>
        %dma_start3A_68 = arith.constant 0 : i32
        %dma_start3A_69 = tpu.memref_slice %arg6[%add3A_31, %dma_start3A_68] : memref<10112x128xbf16, #tpu.memory_space<vmem_shared>> -> memref<120x128xbf16, #tpu.memory_space<vmem_shared>>
        %dma_start3A_70 = arith.constant 0 : i32
        %dma_start3A_71 = arith.constant 0 : i32
        %dma_start3A_72 = tpu.memref_slice %run_scoped3A_1[%dma_start3A_70, %dma_start3A_71] : memref<128x128xbf16, #tpu.memory_space<vmem>> -> memref<120x128xbf16, #tpu.memory_space<vmem>>
        tpu.enqueue_dma source(%dma_start3A_72 : memref<120x128xbf16, #tpu.memory_space<vmem>>) target(%dma_start3A_69 : memref<120x128xbf16, #tpu.memory_space<vmem_shared>>) target_semaphore(%run_scoped3A_62 : memref<!tpu.dma_semaphore, #tpu.memory_space<semaphore_mem>>)
        %dma_wait3A = arith.constant 0 : i32
        %dma_wait3A_73 = arith.constant 0 : i32
        %dma_wait3A_74 = tpu.memref_slice %run_scoped3A_1[%dma_wait3A, %dma_wait3A_73] : memref<128x128xbf16, #tpu.memory_space<vmem>> -> memref<120x128xbf16, #tpu.memory_space<vmem>>
        %dma_wait3A_75 = arith.constant 0 : i32
        %dma_wait3A_76 = tpu.memref_slice %arg6[%add3A_31, %dma_wait3A_75] : memref<10112x128xbf16, #tpu.memory_space<vmem_shared>> -> memref<120x128xbf16, #tpu.memory_space<vmem_shared>>
        %dma_wait3A_77 = arith.constant 0 : i32
        %dma_wait3A_78 = tpu.memref_slice %arg6[%add3A_31, %dma_wait3A_77] : memref<10112x128xbf16, #tpu.memory_space<vmem_shared>> -> memref<120x128xbf16, #tpu.memory_space<vmem_shared>>
        %dma_wait3A_79 = arith.constant 0 : i32
        %dma_wait3A_80 = arith.constant 0 : i32
        %dma_wait3A_81 = tpu.memref_slice %run_scoped3A_1[%dma_wait3A_79, %dma_wait3A_80] : memref<128x128xbf16, #tpu.memory_space<vmem>> -> memref<120x128xbf16, #tpu.memory_space<vmem>>
        tpu.wait_dma2 semaphore(%run_scoped3A_62 : memref<!tpu.dma_semaphore, #tpu.memory_space<semaphore_mem>>) src(%dma_wait3A_81 : memref<120x128xbf16, #tpu.memory_space<vmem>>) dst(%dma_wait3A_78 : memref<120x128xbf16, #tpu.memory_space<vmem_shared>>)
        tpu.yield
      }) : () -> ()
      %barrier3A = arith.constant 0 : index
      tpu.barrier barrier_id(%barrier3A)
      %run_scoped3A_32 = arith.constant 0 : i32
      "tpu.region"() ({
        %run_scoped3A_62 = tpu.sem_alloc : memref<!tpu.dma_semaphore, #tpu.memory_space<semaphore_mem>>
        %dma_start3A_63 = arith.constant 0 : i32
        %dma_start3A_64 = arith.constant 0 : i32
        %dma_start3A_65 = tpu.memref_slice %run_scoped3A[%run_scoped3A_32, %dma_start3A_63, %dma_start3A_64] : memref<2x8x128xi32, #tpu.memory_space<vmem>> -> memref<1x8x128xi32, #tpu.memory_space<vmem>>
        %dma_start3A_66 = tpu.memref_squeeze %dma_start3A_65 : memref<1x8x128xi32, #tpu.memory_space<vmem>> -> memref<8x128xi32, #tpu.memory_space<vmem>>
        %dma_start3A_67 = arith.constant 0 : i32
        %dma_start3A_68 = arith.constant 0 : i32
        %dma_start3A_69 = tpu.memref_slice %arg3[%select_n3A_13, %dma_start3A_67, %dma_start3A_68] : memref<321x8x128xi32, #tpu.memory_space<hbm>> -> memref<1x8x128xi32, #tpu.memory_space<hbm>>
        %dma_start3A_70 = tpu.memref_squeeze %dma_start3A_69 : memref<1x8x128xi32, #tpu.memory_space<hbm>> -> memref<8x128xi32, #tpu.memory_space<hbm>>
        %dma_start3A_71 = arith.constant 0 : i32
        %dma_start3A_72 = arith.constant 0 : i32
        %dma_start3A_73 = tpu.memref_slice %run_scoped3A[%run_scoped3A_32, %dma_start3A_71, %dma_start3A_72] : memref<2x8x128xi32, #tpu.memory_space<vmem>> -> memref<1x8x128xi32, #tpu.memory_space<vmem>>
        %dma_start3A_74 = tpu.memref_squeeze %dma_start3A_73 : memref<1x8x128xi32, #tpu.memory_space<vmem>> -> memref<8x128xi32, #tpu.memory_space<vmem>>
        %dma_start3A_75 = arith.constant 0 : i32
        %dma_start3A_76 = arith.constant 0 : i32
        %dma_start3A_77 = tpu.memref_slice %arg3[%select_n3A_13, %dma_start3A_75, %dma_start3A_76] : memref<321x8x128xi32, #tpu.memory_space<hbm>> -> memref<1x8x128xi32, #tpu.memory_space<hbm>>
        %dma_start3A_78 = tpu.memref_squeeze %dma_start3A_77 : memref<1x8x128xi32, #tpu.memory_space<hbm>> -> memref<8x128xi32, #tpu.memory_space<hbm>>
        tpu.enqueue_dma source(%dma_start3A_78 : memref<8x128xi32, #tpu.memory_space<hbm>>) target(%dma_start3A_74 : memref<8x128xi32, #tpu.memory_space<vmem>>) target_semaphore(%run_scoped3A_62 : memref<!tpu.dma_semaphore, #tpu.memory_space<semaphore_mem>>)
        %dma_wait3A = arith.constant 0 : i32
        %dma_wait3A_79 = arith.constant 0 : i32
        %dma_wait3A_80 = tpu.memref_slice %run_scoped3A[%run_scoped3A_32, %dma_wait3A, %dma_wait3A_79] : memref<2x8x128xi32, #tpu.memory_space<vmem>> -> memref<1x8x128xi32, #tpu.memory_space<vmem>>
        %dma_wait3A_81 = tpu.memref_squeeze %dma_wait3A_80 : memref<1x8x128xi32, #tpu.memory_space<vmem>> -> memref<8x128xi32, #tpu.memory_space<vmem>>
        %dma_wait3A_82 = arith.constant 0 : i32
        %dma_wait3A_83 = arith.constant 0 : i32
        %dma_wait3A_84 = tpu.memref_slice %arg3[%select_n3A_13, %dma_wait3A_82, %dma_wait3A_83] : memref<321x8x128xi32, #tpu.memory_space<hbm>> -> memref<1x8x128xi32, #tpu.memory_space<hbm>>
        %dma_wait3A_85 = tpu.memref_squeeze %dma_wait3A_84 : memref<1x8x128xi32, #tpu.memory_space<hbm>> -> memref<8x128xi32, #tpu.memory_space<hbm>>
        %dma_wait3A_86 = arith.constant 0 : i32
        %dma_wait3A_87 = arith.constant 0 : i32
        %dma_wait3A_88 = tpu.memref_slice %run_scoped3A[%run_scoped3A_32, %dma_wait3A_86, %dma_wait3A_87] : memref<2x8x128xi32, #tpu.memory_space<vmem>> -> memref<1x8x128xi32, #tpu.memory_space<vmem>>
        %dma_wait3A_89 = tpu.memref_squeeze %dma_wait3A_88 : memref<1x8x128xi32, #tpu.memory_space<vmem>> -> memref<8x128xi32, #tpu.memory_space<vmem>>
        %dma_wait3A_90 = arith.constant 0 : i32
        %dma_wait3A_91 = arith.constant 0 : i32
        %dma_wait3A_92 = tpu.memref_slice %arg3[%select_n3A_13, %dma_wait3A_90, %dma_wait3A_91] : memref<321x8x128xi32, #tpu.memory_space<hbm>> -> memref<1x8x128xi32, #tpu.memory_space<hbm>>
        %dma_wait3A_93 = tpu.memref_squeeze %dma_wait3A_92 : memref<1x8x128xi32, #tpu.memory_space<hbm>> -> memref<8x128xi32, #tpu.memory_space<hbm>>
        tpu.wait_dma2 semaphore(%run_scoped3A_62 : memref<!tpu.dma_semaphore, #tpu.memory_space<semaphore_mem>>) src(%dma_wait3A_93 : memref<8x128xi32, #tpu.memory_space<hbm>>) dst(%dma_wait3A_89 : memref<8x128xi32, #tpu.memory_space<vmem>>)
        tpu.yield
      }) : () -> ()
      %run_scoped3A_33 = arith.constant 0 : i32
      "tpu.region"() ({
        %run_scoped3A_62 = tpu.sem_alloc : memref<!tpu.dma_semaphore, #tpu.memory_space<semaphore_mem>>
        %dma_start3A_63 = arith.constant 0 : i32
        %dma_start3A_64 = arith.constant 0 : i32
        %dma_start3A_65 = tpu.memref_slice %run_scoped3A_0[%run_scoped3A_33, %dma_start3A_63, %dma_start3A_64] : memref<2x8x128xi32, #tpu.memory_space<vmem>> -> memref<1x8x128xi32, #tpu.memory_space<vmem>>
        %dma_start3A_66 = tpu.memref_squeeze %dma_start3A_65 : memref<1x8x128xi32, #tpu.memory_space<vmem>> -> memref<8x128xi32, #tpu.memory_space<vmem>>
        %dma_start3A_67 = arith.constant 0 : i32
        %dma_start3A_68 = arith.constant 0 : i32
        %dma_start3A_69 = tpu.memref_slice %arg4[%select_n3A_13, %dma_start3A_67, %dma_start3A_68] : memref<321x8x128xi32, #tpu.memory_space<hbm>> -> memref<1x8x128xi32, #tpu.memory_space<hbm>>
        %dma_start3A_70 = tpu.memref_squeeze %dma_start3A_69 : memref<1x8x128xi32, #tpu.memory_space<hbm>> -> memref<8x128xi32, #tpu.memory_space<hbm>>
        %dma_start3A_71 = arith.constant 0 : i32
        %dma_start3A_72 = arith.constant 0 : i32
        %dma_start3A_73 = tpu.memref_slice %run_scoped3A_0[%run_scoped3A_33, %dma_start3A_71, %dma_start3A_72] : memref<2x8x128xi32, #tpu.memory_space<vmem>> -> memref<1x8x128xi32, #tpu.memory_space<vmem>>
        %dma_start3A_74 = tpu.memref_squeeze %dma_start3A_73 : memref<1x8x128xi32, #tpu.memory_space<vmem>> -> memref<8x128xi32, #tpu.memory_space<vmem>>
        %dma_start3A_75 = arith.constant 0 : i32
        %dma_start3A_76 = arith.constant 0 : i32
        %dma_start3A_77 = tpu.memref_slice %arg4[%select_n3A_13, %dma_start3A_75, %dma_start3A_76] : memref<321x8x128xi32, #tpu.memory_space<hbm>> -> memref<1x8x128xi32, #tpu.memory_space<hbm>>
        %dma_start3A_78 = tpu.memref_squeeze %dma_start3A_77 : memref<1x8x128xi32, #tpu.memory_space<hbm>> -> memref<8x128xi32, #tpu.memory_space<hbm>>
        tpu.enqueue_dma source(%dma_start3A_78 : memref<8x128xi32, #tpu.memory_space<hbm>>) target(%dma_start3A_74 : memref<8x128xi32, #tpu.memory_space<vmem>>) target_semaphore(%run_scoped3A_62 : memref<!tpu.dma_semaphore, #tpu.memory_space<semaphore_mem>>)
        %dma_wait3A = arith.constant 0 : i32
        %dma_wait3A_79 = arith.constant 0 : i32
        %dma_wait3A_80 = tpu.memref_slice %run_scoped3A_0[%run_scoped3A_33, %dma_wait3A, %dma_wait3A_79] : memref<2x8x128xi32, #tpu.memory_space<vmem>> -> memref<1x8x128xi32, #tpu.memory_space<vmem>>
        %dma_wait3A_81 = tpu.memref_squeeze %dma_wait3A_80 : memref<1x8x128xi32, #tpu.memory_space<vmem>> -> memref<8x128xi32, #tpu.memory_space<vmem>>
        %dma_wait3A_82 = arith.constant 0 : i32
        %dma_wait3A_83 = arith.constant 0 : i32
        %dma_wait3A_84 = tpu.memref_slice %arg4[%select_n3A_13, %dma_wait3A_82, %dma_wait3A_83] : memref<321x8x128xi32, #tpu.memory_space<hbm>> -> memref<1x8x128xi32, #tpu.memory_space<hbm>>
        %dma_wait3A_85 = tpu.memref_squeeze %dma_wait3A_84 : memref<1x8x128xi32, #tpu.memory_space<hbm>> -> memref<8x128xi32, #tpu.memory_space<hbm>>
        %dma_wait3A_86 = arith.constant 0 : i32
        %dma_wait3A_87 = arith.constant 0 : i32
        %dma_wait3A_88 = tpu.memref_slice %run_scoped3A_0[%run_scoped3A_33, %dma_wait3A_86, %dma_wait3A_87] : memref<2x8x128xi32, #tpu.memory_space<vmem>> -> memref<1x8x128xi32, #tpu.memory_space<vmem>>
        %dma_wait3A_89 = tpu.memref_squeeze %dma_wait3A_88 : memref<1x8x128xi32, #tpu.memory_space<vmem>> -> memref<8x128xi32, #tpu.memory_space<vmem>>
        %dma_wait3A_90 = arith.constant 0 : i32
        %dma_wait3A_91 = arith.constant 0 : i32
        %dma_wait3A_92 = tpu.memref_slice %arg4[%select_n3A_13, %dma_wait3A_90, %dma_wait3A_91] : memref<321x8x128xi32, #tpu.memory_space<hbm>> -> memref<1x8x128xi32, #tpu.memory_space<hbm>>
        %dma_wait3A_93 = tpu.memref_squeeze %dma_wait3A_92 : memref<1x8x128xi32, #tpu.memory_space<hbm>> -> memref<8x128xi32, #tpu.memory_space<hbm>>
        tpu.wait_dma2 semaphore(%run_scoped3A_62 : memref<!tpu.dma_semaphore, #tpu.memory_space<semaphore_mem>>) src(%dma_wait3A_93 : memref<8x128xi32, #tpu.memory_space<hbm>>) dst(%dma_wait3A_89 : memref<8x128xi32, #tpu.memory_space<vmem>>)
        tpu.yield
      }) : () -> ()
      %dma_start3A = arith.constant 0 : i32
      %dma_start3A_34 = arith.constant 0 : i32
      %dma_start3A_35 = arith.constant 0 : i32
      %dma_start3A_36 = tpu.memref_slice %run_scoped3A[%dma_start3A, %dma_start3A_34, %dma_start3A_35] : memref<2x8x128xi32, #tpu.memory_space<vmem>> -> memref<1x1x128xi32, #tpu.memory_space<vmem>>
      %dma_start3A_37 = tpu.memref_squeeze %dma_start3A_36 : memref<1x1x128xi32, #tpu.memory_space<vmem>> -> memref<128xi32, #tpu.memory_space<vmem>>
      %dma_start3A_38 = arith.constant 0 : i32
      %dma_start3A_39 = arith.constant 0 : i32
      %dma_start3A_40 = tpu.memref_slice %arg2[%dma_start3A_38, %dma_start3A_39] : memref<10112x128xbf16, #tpu.memory_space<hbm>> -> memref<10112x128xbf16, #tpu.memory_space<hbm>>
      tpu.enqueue_indirect_dma source(%dma_start3A_40 : memref<10112x128xbf16, #tpu.memory_space<hbm>>) target(%run_scoped3A_1 : memref<128x128xbf16, #tpu.memory_space<vmem>>) offsets(%dma_start3A_37 : memref<128xi32, #tpu.memory_space<vmem>>) semaphore(%arg7 : memref<!tpu.dma_semaphore, #tpu.memory_space<semaphore_mem>>)
      %dma_start3A_41 = arith.constant 0 : i32
      %dma_start3A_42 = arith.constant 1 : i32
      %dma_start3A_43 = arith.constant 0 : i32
      %dma_start3A_44 = tpu.memref_slice %run_scoped3A[%dma_start3A_41, %dma_start3A_42, %dma_start3A_43] : memref<2x8x128xi32, #tpu.memory_space<vmem>> -> memref<1x1x128xi32, #tpu.memory_space<vmem>>
      %dma_start3A_45 = tpu.memref_squeeze %dma_start3A_44 : memref<1x1x128xi32, #tpu.memory_space<vmem>> -> memref<128xi32, #tpu.memory_space<vmem>>
      %dma_start3A_46 = arith.constant 0 : i32
      %dma_start3A_47 = arith.constant 0 : i32
      %dma_start3A_48 = tpu.memref_slice %arg2[%dma_start3A_46, %dma_start3A_47] : memref<10112x128xbf16, #tpu.memory_space<hbm>> -> memref<10112x128xbf16, #tpu.memory_space<hbm>>
      tpu.enqueue_indirect_dma source(%dma_start3A_48 : memref<10112x128xbf16, #tpu.memory_space<hbm>>) target(%run_scoped3A_2 : memref<128x128xbf16, #tpu.memory_space<vmem>>) offsets(%dma_start3A_45 : memref<128xi32, #tpu.memory_space<vmem>>) semaphore(%arg8 : memref<!tpu.dma_semaphore, #tpu.memory_space<semaphore_mem>>)
      %while3A = arith.constant 0 : i32
      %while3A_49 = arith.constant 0 : i32
      %while3A_50 = arith.subi %select_n3A, %while3A_49 : i32
      %while3A_51 = arith.addi %while3A_49, %while3A_50 : i32
      %while3A_52 = arith.constant 1 : i32
      %while3A_53 = arith.divsi %while3A_50, %while3A_52 : i32
      %while3A_54 = arith.muli %while3A_53, %while3A_52 : i32
      %while3A_55 = arith.addi %while3A_49, %while3A_54 : i32
      %while3A_56 = arith.constant 1 : i32
      scf.for %while3A_62 = %while3A_49 to %while3A_55 step %while3A_56  : i32 {
        %rem3A = arith.constant 2 : i32
        %rem3A_63 = arith.remsi %while3A_62, %rem3A : i32
        %add3A_64 = arith.constant 1 : i32
        %add3A_65 = arith.addi %while3A_62, %add3A_64 : i32
        %rem3A_66 = arith.constant 2 : i32
        %rem3A_67 = arith.remsi %add3A_65, %rem3A_66 : i32
        %add3A_68 = arith.constant 1 : i32
        %add3A_69 = arith.addi %while3A_62, %add3A_68 : i32
        %lt3A = arith.cmpi slt, %add3A_69, %select_n3A : i32
        %convert_element_type3A_70 = arith.extui %lt3A : i1 to i32
        %cond3A_71 = arith.constant 0 : i32
        %cond3A_72 = arith.cmpi ne, %convert_element_type3A_70, %cond3A_71 : i32
        scf.if %cond3A_72 {
          %add3A_294 = arith.addi %select_n3A_13, %while3A_62 : i32
          %add3A_295 = arith.constant 1 : i32
          %add3A_296 = arith.addi %add3A_294, %add3A_295 : i32
          %dma_start3A_297 = arith.constant 0 : i32
          %dma_start3A_298 = arith.constant 0 : i32
          %dma_start3A_299 = tpu.memref_slice %run_scoped3A[%rem3A_67, %dma_start3A_297, %dma_start3A_298] : memref<2x8x128xi32, #tpu.memory_space<vmem>> -> memref<1x8x128xi32, #tpu.memory_space<vmem>>
          %dma_start3A_300 = tpu.memref_squeeze %dma_start3A_299 : memref<1x8x128xi32, #tpu.memory_space<vmem>> -> memref<8x128xi32, #tpu.memory_space<vmem>>
          %dma_start3A_301 = arith.constant 0 : i32
          %dma_start3A_302 = arith.constant 0 : i32
          %dma_start3A_303 = tpu.memref_slice %arg3[%add3A_296, %dma_start3A_301, %dma_start3A_302] : memref<321x8x128xi32, #tpu.memory_space<hbm>> -> memref<1x8x128xi32, #tpu.memory_space<hbm>>
          %dma_start3A_304 = tpu.memref_squeeze %dma_start3A_303 : memref<1x8x128xi32, #tpu.memory_space<hbm>> -> memref<8x128xi32, #tpu.memory_space<hbm>>
          %dma_start3A_305 = arith.constant 0 : i32
          %dma_start3A_306 = arith.constant 0 : i32
          %dma_start3A_307 = tpu.memref_slice %run_scoped3A[%rem3A_67, %dma_start3A_305, %dma_start3A_306] : memref<2x8x128xi32, #tpu.memory_space<vmem>> -> memref<1x8x128xi32, #tpu.memory_space<vmem>>
          %dma_start3A_308 = tpu.memref_squeeze %dma_start3A_307 : memref<1x8x128xi32, #tpu.memory_space<vmem>> -> memref<8x128xi32, #tpu.memory_space<vmem>>
          %dma_start3A_309 = arith.constant 0 : i32
          %dma_start3A_310 = arith.constant 0 : i32
          %dma_start3A_311 = tpu.memref_slice %arg3[%add3A_296, %dma_start3A_309, %dma_start3A_310] : memref<321x8x128xi32, #tpu.memory_space<hbm>> -> memref<1x8x128xi32, #tpu.memory_space<hbm>>
          %dma_start3A_312 = tpu.memref_squeeze %dma_start3A_311 : memref<1x8x128xi32, #tpu.memory_space<hbm>> -> memref<8x128xi32, #tpu.memory_space<hbm>>
          tpu.enqueue_dma source(%dma_start3A_312 : memref<8x128xi32, #tpu.memory_space<hbm>>) target(%dma_start3A_308 : memref<8x128xi32, #tpu.memory_space<vmem>>) target_semaphore(%arg11 : memref<!tpu.dma_semaphore, #tpu.memory_space<semaphore_mem>>)
          %add3A_313 = arith.addi %select_n3A_13, %while3A_62 : i32
          %add3A_314 = arith.constant 1 : i32
          %add3A_315 = arith.addi %add3A_313, %add3A_314 : i32
          %dma_start3A_316 = arith.constant 0 : i32
          %dma_start3A_317 = arith.constant 0 : i32
          %dma_start3A_318 = tpu.memref_slice %run_scoped3A_0[%rem3A_67, %dma_start3A_316, %dma_start3A_317] : memref<2x8x128xi32, #tpu.memory_space<vmem>> -> memref<1x8x128xi32, #tpu.memory_space<vmem>>
          %dma_start3A_319 = tpu.memref_squeeze %dma_start3A_318 : memref<1x8x128xi32, #tpu.memory_space<vmem>> -> memref<8x128xi32, #tpu.memory_space<vmem>>
          %dma_start3A_320 = arith.constant 0 : i32
          %dma_start3A_321 = arith.constant 0 : i32
          %dma_start3A_322 = tpu.memref_slice %arg4[%add3A_315, %dma_start3A_320, %dma_start3A_321] : memref<321x8x128xi32, #tpu.memory_space<hbm>> -> memref<1x8x128xi32, #tpu.memory_space<hbm>>
          %dma_start3A_323 = tpu.memref_squeeze %dma_start3A_322 : memref<1x8x128xi32, #tpu.memory_space<hbm>> -> memref<8x128xi32, #tpu.memory_space<hbm>>
          %dma_start3A_324 = arith.constant 0 : i32
          %dma_start3A_325 = arith.constant 0 : i32
          %dma_start3A_326 = tpu.memref_slice %run_scoped3A_0[%rem3A_67, %dma_start3A_324, %dma_start3A_325] : memref<2x8x128xi32, #tpu.memory_space<vmem>> -> memref<1x8x128xi32, #tpu.memory_space<vmem>>
          %dma_start3A_327 = tpu.memref_squeeze %dma_start3A_326 : memref<1x8x128xi32, #tpu.memory_space<vmem>> -> memref<8x128xi32, #tpu.memory_space<vmem>>
          %dma_start3A_328 = arith.constant 0 : i32
          %dma_start3A_329 = arith.constant 0 : i32
          %dma_start3A_330 = tpu.memref_slice %arg4[%add3A_315, %dma_start3A_328, %dma_start3A_329] : memref<321x8x128xi32, #tpu.memory_space<hbm>> -> memref<1x8x128xi32, #tpu.memory_space<hbm>>
          %dma_start3A_331 = tpu.memref_squeeze %dma_start3A_330 : memref<1x8x128xi32, #tpu.memory_space<hbm>> -> memref<8x128xi32, #tpu.memory_space<hbm>>
          tpu.enqueue_dma source(%dma_start3A_331 : memref<8x128xi32, #tpu.memory_space<hbm>>) target(%dma_start3A_327 : memref<8x128xi32, #tpu.memory_space<vmem>>) target_semaphore(%arg11 : memref<!tpu.dma_semaphore, #tpu.memory_space<semaphore_mem>>)
        } else {
        }
        %dma_start3A_73 = arith.constant 2 : i32
        %dma_start3A_74 = arith.constant 0 : i32
        %dma_start3A_75 = tpu.memref_slice %run_scoped3A[%rem3A_63, %dma_start3A_73, %dma_start3A_74] : memref<2x8x128xi32, #tpu.memory_space<vmem>> -> memref<1x1x128xi32, #tpu.memory_space<vmem>>
        %dma_start3A_76 = tpu.memref_squeeze %dma_start3A_75 : memref<1x1x128xi32, #tpu.memory_space<vmem>> -> memref<128xi32, #tpu.memory_space<vmem>>
        %dma_start3A_77 = arith.constant 0 : i32
        %dma_start3A_78 = arith.constant 0 : i32
        %dma_start3A_79 = tpu.memref_slice %arg2[%dma_start3A_77, %dma_start3A_78] : memref<10112x128xbf16, #tpu.memory_space<hbm>> -> memref<10112x128xbf16, #tpu.memory_space<hbm>>
        tpu.enqueue_indirect_dma source(%dma_start3A_79 : memref<10112x128xbf16, #tpu.memory_space<hbm>>) target(%run_scoped3A_3 : memref<128x128xbf16, #tpu.memory_space<vmem>>) offsets(%dma_start3A_76 : memref<128xi32, #tpu.memory_space<vmem>>) semaphore(%arg9 : memref<!tpu.dma_semaphore, #tpu.memory_space<semaphore_mem>>)
        %dma_wait3A = arith.constant 0 : i32
        %dma_wait3A_80 = arith.constant 0 : i32
        %dma_wait3A_81 = tpu.memref_slice %run_scoped3A[%rem3A_63, %dma_wait3A, %dma_wait3A_80] : memref<2x8x128xi32, #tpu.memory_space<vmem>> -> memref<1x1x128xi32, #tpu.memory_space<vmem>>
        %dma_wait3A_82 = tpu.memref_squeeze %dma_wait3A_81 : memref<1x1x128xi32, #tpu.memory_space<vmem>> -> memref<128xi32, #tpu.memory_space<vmem>>
        %dma_wait3A_83 = arith.constant 0 : i32
        %dma_wait3A_84 = arith.constant 0 : i32
        %dma_wait3A_85 = tpu.memref_slice %arg2[%dma_wait3A_83, %dma_wait3A_84] : memref<10112x128xbf16, #tpu.memory_space<hbm>> -> memref<10112x128xbf16, #tpu.memory_space<hbm>>
        tpu.wait_indirect_dma semaphore(%arg7 : memref<!tpu.dma_semaphore, #tpu.memory_space<semaphore_mem>>) src(%dma_wait3A_85 : memref<10112x128xbf16, #tpu.memory_space<hbm>>) dst(%run_scoped3A_1 : memref<128x128xbf16, #tpu.memory_space<vmem>>)
        %dma_start3A_86 = arith.constant 0 : i32
        %dma_start3A_87 = arith.constant 0 : i32
        %dma_start3A_88 = tpu.memref_slice %run_scoped3A_0[%rem3A_63, %dma_start3A_86, %dma_start3A_87] : memref<2x8x128xi32, #tpu.memory_space<vmem>> -> memref<1x1x128xi32, #tpu.memory_space<vmem>>
        %dma_start3A_89 = tpu.memref_squeeze %dma_start3A_88 : memref<1x1x128xi32, #tpu.memory_space<vmem>> -> memref<128xi32, #tpu.memory_space<vmem>>
        %dma_start3A_90 = arith.constant 0 : i32
        %dma_start3A_91 = arith.constant 0 : i32
        %dma_start3A_92 = tpu.memref_slice %arg6[%dma_start3A_90, %dma_start3A_91] : memref<10112x128xbf16, #tpu.memory_space<vmem_shared>> -> memref<10112x128xbf16, #tpu.memory_space<vmem_shared>>
        tpu.enqueue_indirect_dma source(%run_scoped3A_1 : memref<128x128xbf16, #tpu.memory_space<vmem>>) target(%dma_start3A_92 : memref<10112x128xbf16, #tpu.memory_space<vmem_shared>>) offsets(%dma_start3A_89 : memref<128xi32, #tpu.memory_space<vmem>>) semaphore(%arg12 : memref<!tpu.dma_semaphore, #tpu.memory_space<semaphore_mem>>) {add = true}
        %dma_start3A_93 = arith.constant 3 : i32
        %dma_start3A_94 = arith.constant 0 : i32
        %dma_start3A_95 = tpu.memref_slice %run_scoped3A[%rem3A_63, %dma_start3A_93, %dma_start3A_94] : memref<2x8x128xi32, #tpu.memory_space<vmem>> -> memref<1x1x128xi32, #tpu.memory_space<vmem>>
        %dma_start3A_96 = tpu.memref_squeeze %dma_start3A_95 : memref<1x1x128xi32, #tpu.memory_space<vmem>> -> memref<128xi32, #tpu.memory_space<vmem>>
        %dma_start3A_97 = arith.constant 0 : i32
        %dma_start3A_98 = arith.constant 0 : i32
        %dma_start3A_99 = tpu.memref_slice %arg2[%dma_start3A_97, %dma_start3A_98] : memref<10112x128xbf16, #tpu.memory_space<hbm>> -> memref<10112x128xbf16, #tpu.memory_space<hbm>>
        tpu.enqueue_indirect_dma source(%dma_start3A_99 : memref<10112x128xbf16, #tpu.memory_space<hbm>>) target(%run_scoped3A_4 : memref<128x128xbf16, #tpu.memory_space<vmem>>) offsets(%dma_start3A_96 : memref<128xi32, #tpu.memory_space<vmem>>) semaphore(%arg10 : memref<!tpu.dma_semaphore, #tpu.memory_space<semaphore_mem>>)
        %dma_wait3A_100 = arith.constant 1 : i32
        %dma_wait3A_101 = arith.constant 0 : i32
        %dma_wait3A_102 = tpu.memref_slice %run_scoped3A[%rem3A_63, %dma_wait3A_100, %dma_wait3A_101] : memref<2x8x128xi32, #tpu.memory_space<vmem>> -> memref<1x1x128xi32, #tpu.memory_space<vmem>>
        %dma_wait3A_103 = tpu.memref_squeeze %dma_wait3A_102 : memref<1x1x128xi32, #tpu.memory_space<vmem>> -> memref<128xi32, #tpu.memory_space<vmem>>
        %dma_wait3A_104 = arith.constant 0 : i32
        %dma_wait3A_105 = arith.constant 0 : i32
        %dma_wait3A_106 = tpu.memref_slice %arg2[%dma_wait3A_104, %dma_wait3A_105] : memref<10112x128xbf16, #tpu.memory_space<hbm>> -> memref<10112x128xbf16, #tpu.memory_space<hbm>>
        tpu.wait_indirect_dma semaphore(%arg8 : memref<!tpu.dma_semaphore, #tpu.memory_space<semaphore_mem>>) src(%dma_wait3A_106 : memref<10112x128xbf16, #tpu.memory_space<hbm>>) dst(%run_scoped3A_2 : memref<128x128xbf16, #tpu.memory_space<vmem>>)
        %dma_start3A_107 = arith.constant 1 : i32
        %dma_start3A_108 = arith.constant 0 : i32
        %dma_start3A_109 = tpu.memref_slice %run_scoped3A_0[%rem3A_63, %dma_start3A_107, %dma_start3A_108] : memref<2x8x128xi32, #tpu.memory_space<vmem>> -> memref<1x1x128xi32, #tpu.memory_space<vmem>>
        %dma_start3A_110 = tpu.memref_squeeze %dma_start3A_109 : memref<1x1x128xi32, #tpu.memory_space<vmem>> -> memref<128xi32, #tpu.memory_space<vmem>>
        %dma_start3A_111 = arith.constant 0 : i32
        %dma_start3A_112 = arith.constant 0 : i32
        %dma_start3A_113 = tpu.memref_slice %arg6[%dma_start3A_111, %dma_start3A_112] : memref<10112x128xbf16, #tpu.memory_space<vmem_shared>> -> memref<10112x128xbf16, #tpu.memory_space<vmem_shared>>
        tpu.enqueue_indirect_dma source(%run_scoped3A_2 : memref<128x128xbf16, #tpu.memory_space<vmem>>) target(%dma_start3A_113 : memref<10112x128xbf16, #tpu.memory_space<vmem_shared>>) offsets(%dma_start3A_110 : memref<128xi32, #tpu.memory_space<vmem>>) semaphore(%arg12 : memref<!tpu.dma_semaphore, #tpu.memory_space<semaphore_mem>>) {add = true}
        %dma_wait3A_114 = arith.constant 0 : i32
        %dma_wait3A_115 = arith.constant 0 : i32
        %dma_wait3A_116 = tpu.memref_slice %run_scoped3A_0[%rem3A_63, %dma_wait3A_114, %dma_wait3A_115] : memref<2x8x128xi32, #tpu.memory_space<vmem>> -> memref<1x1x128xi32, #tpu.memory_space<vmem>>
        %dma_wait3A_117 = tpu.memref_squeeze %dma_wait3A_116 : memref<1x1x128xi32, #tpu.memory_space<vmem>> -> memref<128xi32, #tpu.memory_space<vmem>>
        %dma_wait3A_118 = arith.constant 0 : i32
        %dma_wait3A_119 = arith.constant 0 : i32
        %dma_wait3A_120 = tpu.memref_slice %arg6[%dma_wait3A_118, %dma_wait3A_119] : memref<10112x128xbf16, #tpu.memory_space<vmem_shared>> -> memref<10112x128xbf16, #tpu.memory_space<vmem_shared>>
        tpu.wait_indirect_dma semaphore(%arg12 : memref<!tpu.dma_semaphore, #tpu.memory_space<semaphore_mem>>) src(%run_scoped3A_1 : memref<128x128xbf16, #tpu.memory_space<vmem>>) dst(%dma_wait3A_120 : memref<10112x128xbf16, #tpu.memory_space<vmem_shared>>)
        %dma_start3A_121 = arith.constant 4 : i32
        %dma_start3A_122 = arith.constant 0 : i32
        %dma_start3A_123 = tpu.memref_slice %run_scoped3A[%rem3A_63, %dma_start3A_121, %dma_start3A_122] : memref<2x8x128xi32, #tpu.memory_space<vmem>> -> memref<1x1x128xi32, #tpu.memory_space<vmem>>
        %dma_start3A_124 = tpu.memref_squeeze %dma_start3A_123 : memref<1x1x128xi32, #tpu.memory_space<vmem>> -> memref<128xi32, #tpu.memory_space<vmem>>
        %dma_start3A_125 = arith.constant 0 : i32
        %dma_start3A_126 = arith.constant 0 : i32
        %dma_start3A_127 = tpu.memref_slice %arg2[%dma_start3A_125, %dma_start3A_126] : memref<10112x128xbf16, #tpu.memory_space<hbm>> -> memref<10112x128xbf16, #tpu.memory_space<hbm>>
        tpu.enqueue_indirect_dma source(%dma_start3A_127 : memref<10112x128xbf16, #tpu.memory_space<hbm>>) target(%run_scoped3A_1 : memref<128x128xbf16, #tpu.memory_space<vmem>>) offsets(%dma_start3A_124 : memref<128xi32, #tpu.memory_space<vmem>>) semaphore(%arg7 : memref<!tpu.dma_semaphore, #tpu.memory_space<semaphore_mem>>)
        %dma_wait3A_128 = arith.constant 2 : i32
        %dma_wait3A_129 = arith.constant 0 : i32
        %dma_wait3A_130 = tpu.memref_slice %run_scoped3A[%rem3A_63, %dma_wait3A_128, %dma_wait3A_129] : memref<2x8x128xi32, #tpu.memory_space<vmem>> -> memref<1x1x128xi32, #tpu.memory_space<vmem>>
        %dma_wait3A_131 = tpu.memref_squeeze %dma_wait3A_130 : memref<1x1x128xi32, #tpu.memory_space<vmem>> -> memref<128xi32, #tpu.memory_space<vmem>>
        %dma_wait3A_132 = arith.constant 0 : i32
        %dma_wait3A_133 = arith.constant 0 : i32
        %dma_wait3A_134 = tpu.memref_slice %arg2[%dma_wait3A_132, %dma_wait3A_133] : memref<10112x128xbf16, #tpu.memory_space<hbm>> -> memref<10112x128xbf16, #tpu.memory_space<hbm>>
        tpu.wait_indirect_dma semaphore(%arg9 : memref<!tpu.dma_semaphore, #tpu.memory_space<semaphore_mem>>) src(%dma_wait3A_134 : memref<10112x128xbf16, #tpu.memory_space<hbm>>) dst(%run_scoped3A_3 : memref<128x128xbf16, #tpu.memory_space<vmem>>)
        %dma_start3A_135 = arith.constant 2 : i32
        %dma_start3A_136 = arith.constant 0 : i32
        %dma_start3A_137 = tpu.memref_slice %run_scoped3A_0[%rem3A_63, %dma_start3A_135, %dma_start3A_136] : memref<2x8x128xi32, #tpu.memory_space<vmem>> -> memref<1x1x128xi32, #tpu.memory_space<vmem>>
        %dma_start3A_138 = tpu.memref_squeeze %dma_start3A_137 : memref<1x1x128xi32, #tpu.memory_space<vmem>> -> memref<128xi32, #tpu.memory_space<vmem>>
        %dma_start3A_139 = arith.constant 0 : i32
        %dma_start3A_140 = arith.constant 0 : i32
        %dma_start3A_141 = tpu.memref_slice %arg6[%dma_start3A_139, %dma_start3A_140] : memref<10112x128xbf16, #tpu.memory_space<vmem_shared>> -> memref<10112x128xbf16, #tpu.memory_space<vmem_shared>>
        tpu.enqueue_indirect_dma source(%run_scoped3A_3 : memref<128x128xbf16, #tpu.memory_space<vmem>>) target(%dma_start3A_141 : memref<10112x128xbf16, #tpu.memory_space<vmem_shared>>) offsets(%dma_start3A_138 : memref<128xi32, #tpu.memory_space<vmem>>) semaphore(%arg12 : memref<!tpu.dma_semaphore, #tpu.memory_space<semaphore_mem>>) {add = true}
        %dma_wait3A_142 = arith.constant 1 : i32
        %dma_wait3A_143 = arith.constant 0 : i32
        %dma_wait3A_144 = tpu.memref_slice %run_scoped3A_0[%rem3A_63, %dma_wait3A_142, %dma_wait3A_143] : memref<2x8x128xi32, #tpu.memory_space<vmem>> -> memref<1x1x128xi32, #tpu.memory_space<vmem>>
        %dma_wait3A_145 = tpu.memref_squeeze %dma_wait3A_144 : memref<1x1x128xi32, #tpu.memory_space<vmem>> -> memref<128xi32, #tpu.memory_space<vmem>>
        %dma_wait3A_146 = arith.constant 0 : i32
        %dma_wait3A_147 = arith.constant 0 : i32
        %dma_wait3A_148 = tpu.memref_slice %arg6[%dma_wait3A_146, %dma_wait3A_147] : memref<10112x128xbf16, #tpu.memory_space<vmem_shared>> -> memref<10112x128xbf16, #tpu.memory_space<vmem_shared>>
        tpu.wait_indirect_dma semaphore(%arg12 : memref<!tpu.dma_semaphore, #tpu.memory_space<semaphore_mem>>) src(%run_scoped3A_2 : memref<128x128xbf16, #tpu.memory_space<vmem>>) dst(%dma_wait3A_148 : memref<10112x128xbf16, #tpu.memory_space<vmem_shared>>)
        %dma_start3A_149 = arith.constant 5 : i32
        %dma_start3A_150 = arith.constant 0 : i32
        %dma_start3A_151 = tpu.memref_slice %run_scoped3A[%rem3A_63, %dma_start3A_149, %dma_start3A_150] : memref<2x8x128xi32, #tpu.memory_space<vmem>> -> memref<1x1x128xi32, #tpu.memory_space<vmem>>
        %dma_start3A_152 = tpu.memref_squeeze %dma_start3A_151 : memref<1x1x128xi32, #tpu.memory_space<vmem>> -> memref<128xi32, #tpu.memory_space<vmem>>
        %dma_start3A_153 = arith.constant 0 : i32
        %dma_start3A_154 = arith.constant 0 : i32
        %dma_start3A_155 = tpu.memref_slice %arg2[%dma_start3A_153, %dma_start3A_154] : memref<10112x128xbf16, #tpu.memory_space<hbm>> -> memref<10112x128xbf16, #tpu.memory_space<hbm>>
        tpu.enqueue_indirect_dma source(%dma_start3A_155 : memref<10112x128xbf16, #tpu.memory_space<hbm>>) target(%run_scoped3A_2 : memref<128x128xbf16, #tpu.memory_space<vmem>>) offsets(%dma_start3A_152 : memref<128xi32, #tpu.memory_space<vmem>>) semaphore(%arg8 : memref<!tpu.dma_semaphore, #tpu.memory_space<semaphore_mem>>)
        %dma_wait3A_156 = arith.constant 3 : i32
        %dma_wait3A_157 = arith.constant 0 : i32
        %dma_wait3A_158 = tpu.memref_slice %run_scoped3A[%rem3A_63, %dma_wait3A_156, %dma_wait3A_157] : memref<2x8x128xi32, #tpu.memory_space<vmem>> -> memref<1x1x128xi32, #tpu.memory_space<vmem>>
        %dma_wait3A_159 = tpu.memref_squeeze %dma_wait3A_158 : memref<1x1x128xi32, #tpu.memory_space<vmem>> -> memref<128xi32, #tpu.memory_space<vmem>>
        %dma_wait3A_160 = arith.constant 0 : i32
        %dma_wait3A_161 = arith.constant 0 : i32
        %dma_wait3A_162 = tpu.memref_slice %arg2[%dma_wait3A_160, %dma_wait3A_161] : memref<10112x128xbf16, #tpu.memory_space<hbm>> -> memref<10112x128xbf16, #tpu.memory_space<hbm>>
        tpu.wait_indirect_dma semaphore(%arg10 : memref<!tpu.dma_semaphore, #tpu.memory_space<semaphore_mem>>) src(%dma_wait3A_162 : memref<10112x128xbf16, #tpu.memory_space<hbm>>) dst(%run_scoped3A_4 : memref<128x128xbf16, #tpu.memory_space<vmem>>)
        %dma_start3A_163 = arith.constant 3 : i32
        %dma_start3A_164 = arith.constant 0 : i32
        %dma_start3A_165 = tpu.memref_slice %run_scoped3A_0[%rem3A_63, %dma_start3A_163, %dma_start3A_164] : memref<2x8x128xi32, #tpu.memory_space<vmem>> -> memref<1x1x128xi32, #tpu.memory_space<vmem>>
        %dma_start3A_166 = tpu.memref_squeeze %dma_start3A_165 : memref<1x1x128xi32, #tpu.memory_space<vmem>> -> memref<128xi32, #tpu.memory_space<vmem>>
        %dma_start3A_167 = arith.constant 0 : i32
        %dma_start3A_168 = arith.constant 0 : i32
        %dma_start3A_169 = tpu.memref_slice %arg6[%dma_start3A_167, %dma_start3A_168] : memref<10112x128xbf16, #tpu.memory_space<vmem_shared>> -> memref<10112x128xbf16, #tpu.memory_space<vmem_shared>>
        tpu.enqueue_indirect_dma source(%run_scoped3A_4 : memref<128x128xbf16, #tpu.memory_space<vmem>>) target(%dma_start3A_169 : memref<10112x128xbf16, #tpu.memory_space<vmem_shared>>) offsets(%dma_start3A_166 : memref<128xi32, #tpu.memory_space<vmem>>) semaphore(%arg12 : memref<!tpu.dma_semaphore, #tpu.memory_space<semaphore_mem>>) {add = true}
        %dma_wait3A_170 = arith.constant 2 : i32
        %dma_wait3A_171 = arith.constant 0 : i32
        %dma_wait3A_172 = tpu.memref_slice %run_scoped3A_0[%rem3A_63, %dma_wait3A_170, %dma_wait3A_171] : memref<2x8x128xi32, #tpu.memory_space<vmem>> -> memref<1x1x128xi32, #tpu.memory_space<vmem>>
        %dma_wait3A_173 = tpu.memref_squeeze %dma_wait3A_172 : memref<1x1x128xi32, #tpu.memory_space<vmem>> -> memref<128xi32, #tpu.memory_space<vmem>>
        %dma_wait3A_174 = arith.constant 0 : i32
        %dma_wait3A_175 = arith.constant 0 : i32
        %dma_wait3A_176 = tpu.memref_slice %arg6[%dma_wait3A_174, %dma_wait3A_175] : memref<10112x128xbf16, #tpu.memory_space<vmem_shared>> -> memref<10112x128xbf16, #tpu.memory_space<vmem_shared>>
        tpu.wait_indirect_dma semaphore(%arg12 : memref<!tpu.dma_semaphore, #tpu.memory_space<semaphore_mem>>) src(%run_scoped3A_3 : memref<128x128xbf16, #tpu.memory_space<vmem>>) dst(%dma_wait3A_176 : memref<10112x128xbf16, #tpu.memory_space<vmem_shared>>)
        %dma_start3A_177 = arith.constant 6 : i32
        %dma_start3A_178 = arith.constant 0 : i32
        %dma_start3A_179 = tpu.memref_slice %run_scoped3A[%rem3A_63, %dma_start3A_177, %dma_start3A_178] : memref<2x8x128xi32, #tpu.memory_space<vmem>> -> memref<1x1x128xi32, #tpu.memory_space<vmem>>
        %dma_start3A_180 = tpu.memref_squeeze %dma_start3A_179 : memref<1x1x128xi32, #tpu.memory_space<vmem>> -> memref<128xi32, #tpu.memory_space<vmem>>
        %dma_start3A_181 = arith.constant 0 : i32
        %dma_start3A_182 = arith.constant 0 : i32
        %dma_start3A_183 = tpu.memref_slice %arg2[%dma_start3A_181, %dma_start3A_182] : memref<10112x128xbf16, #tpu.memory_space<hbm>> -> memref<10112x128xbf16, #tpu.memory_space<hbm>>
        tpu.enqueue_indirect_dma source(%dma_start3A_183 : memref<10112x128xbf16, #tpu.memory_space<hbm>>) target(%run_scoped3A_3 : memref<128x128xbf16, #tpu.memory_space<vmem>>) offsets(%dma_start3A_180 : memref<128xi32, #tpu.memory_space<vmem>>) semaphore(%arg9 : memref<!tpu.dma_semaphore, #tpu.memory_space<semaphore_mem>>)
        %dma_wait3A_184 = arith.constant 4 : i32
        %dma_wait3A_185 = arith.constant 0 : i32
        %dma_wait3A_186 = tpu.memref_slice %run_scoped3A[%rem3A_63, %dma_wait3A_184, %dma_wait3A_185] : memref<2x8x128xi32, #tpu.memory_space<vmem>> -> memref<1x1x128xi32, #tpu.memory_space<vmem>>
        %dma_wait3A_187 = tpu.memref_squeeze %dma_wait3A_186 : memref<1x1x128xi32, #tpu.memory_space<vmem>> -> memref<128xi32, #tpu.memory_space<vmem>>
        %dma_wait3A_188 = arith.constant 0 : i32
        %dma_wait3A_189 = arith.constant 0 : i32
        %dma_wait3A_190 = tpu.memref_slice %arg2[%dma_wait3A_188, %dma_wait3A_189] : memref<10112x128xbf16, #tpu.memory_space<hbm>> -> memref<10112x128xbf16, #tpu.memory_space<hbm>>
        tpu.wait_indirect_dma semaphore(%arg7 : memref<!tpu.dma_semaphore, #tpu.memory_space<semaphore_mem>>) src(%dma_wait3A_190 : memref<10112x128xbf16, #tpu.memory_space<hbm>>) dst(%run_scoped3A_1 : memref<128x128xbf16, #tpu.memory_space<vmem>>)
        %dma_start3A_191 = arith.constant 4 : i32
        %dma_start3A_192 = arith.constant 0 : i32
        %dma_start3A_193 = tpu.memref_slice %run_scoped3A_0[%rem3A_63, %dma_start3A_191, %dma_start3A_192] : memref<2x8x128xi32, #tpu.memory_space<vmem>> -> memref<1x1x128xi32, #tpu.memory_space<vmem>>
        %dma_start3A_194 = tpu.memref_squeeze %dma_start3A_193 : memref<1x1x128xi32, #tpu.memory_space<vmem>> -> memref<128xi32, #tpu.memory_space<vmem>>
        %dma_start3A_195 = arith.constant 0 : i32
        %dma_start3A_196 = arith.constant 0 : i32
        %dma_start3A_197 = tpu.memref_slice %arg6[%dma_start3A_195, %dma_start3A_196] : memref<10112x128xbf16, #tpu.memory_space<vmem_shared>> -> memref<10112x128xbf16, #tpu.memory_space<vmem_shared>>
        tpu.enqueue_indirect_dma source(%run_scoped3A_1 : memref<128x128xbf16, #tpu.memory_space<vmem>>) target(%dma_start3A_197 : memref<10112x128xbf16, #tpu.memory_space<vmem_shared>>) offsets(%dma_start3A_194 : memref<128xi32, #tpu.memory_space<vmem>>) semaphore(%arg12 : memref<!tpu.dma_semaphore, #tpu.memory_space<semaphore_mem>>) {add = true}
        %dma_wait3A_198 = arith.constant 3 : i32
        %dma_wait3A_199 = arith.constant 0 : i32
        %dma_wait3A_200 = tpu.memref_slice %run_scoped3A_0[%rem3A_63, %dma_wait3A_198, %dma_wait3A_199] : memref<2x8x128xi32, #tpu.memory_space<vmem>> -> memref<1x1x128xi32, #tpu.memory_space<vmem>>
        %dma_wait3A_201 = tpu.memref_squeeze %dma_wait3A_200 : memref<1x1x128xi32, #tpu.memory_space<vmem>> -> memref<128xi32, #tpu.memory_space<vmem>>
        %dma_wait3A_202 = arith.constant 0 : i32
        %dma_wait3A_203 = arith.constant 0 : i32
        %dma_wait3A_204 = tpu.memref_slice %arg6[%dma_wait3A_202, %dma_wait3A_203] : memref<10112x128xbf16, #tpu.memory_space<vmem_shared>> -> memref<10112x128xbf16, #tpu.memory_space<vmem_shared>>
        tpu.wait_indirect_dma semaphore(%arg12 : memref<!tpu.dma_semaphore, #tpu.memory_space<semaphore_mem>>) src(%run_scoped3A_4 : memref<128x128xbf16, #tpu.memory_space<vmem>>) dst(%dma_wait3A_204 : memref<10112x128xbf16, #tpu.memory_space<vmem_shared>>)
        %dma_start3A_205 = arith.constant 7 : i32
        %dma_start3A_206 = arith.constant 0 : i32
        %dma_start3A_207 = tpu.memref_slice %run_scoped3A[%rem3A_63, %dma_start3A_205, %dma_start3A_206] : memref<2x8x128xi32, #tpu.memory_space<vmem>> -> memref<1x1x128xi32, #tpu.memory_space<vmem>>
        %dma_start3A_208 = tpu.memref_squeeze %dma_start3A_207 : memref<1x1x128xi32, #tpu.memory_space<vmem>> -> memref<128xi32, #tpu.memory_space<vmem>>
        %dma_start3A_209 = arith.constant 0 : i32
        %dma_start3A_210 = arith.constant 0 : i32
        %dma_start3A_211 = tpu.memref_slice %arg2[%dma_start3A_209, %dma_start3A_210] : memref<10112x128xbf16, #tpu.memory_space<hbm>> -> memref<10112x128xbf16, #tpu.memory_space<hbm>>
        tpu.enqueue_indirect_dma source(%dma_start3A_211 : memref<10112x128xbf16, #tpu.memory_space<hbm>>) target(%run_scoped3A_4 : memref<128x128xbf16, #tpu.memory_space<vmem>>) offsets(%dma_start3A_208 : memref<128xi32, #tpu.memory_space<vmem>>) semaphore(%arg10 : memref<!tpu.dma_semaphore, #tpu.memory_space<semaphore_mem>>)
        %dma_wait3A_212 = arith.constant 5 : i32
        %dma_wait3A_213 = arith.constant 0 : i32
        %dma_wait3A_214 = tpu.memref_slice %run_scoped3A[%rem3A_63, %dma_wait3A_212, %dma_wait3A_213] : memref<2x8x128xi32, #tpu.memory_space<vmem>> -> memref<1x1x128xi32, #tpu.memory_space<vmem>>
        %dma_wait3A_215 = tpu.memref_squeeze %dma_wait3A_214 : memref<1x1x128xi32, #tpu.memory_space<vmem>> -> memref<128xi32, #tpu.memory_space<vmem>>
        %dma_wait3A_216 = arith.constant 0 : i32
        %dma_wait3A_217 = arith.constant 0 : i32
        %dma_wait3A_218 = tpu.memref_slice %arg2[%dma_wait3A_216, %dma_wait3A_217] : memref<10112x128xbf16, #tpu.memory_space<hbm>> -> memref<10112x128xbf16, #tpu.memory_space<hbm>>
        tpu.wait_indirect_dma semaphore(%arg8 : memref<!tpu.dma_semaphore, #tpu.memory_space<semaphore_mem>>) src(%dma_wait3A_218 : memref<10112x128xbf16, #tpu.memory_space<hbm>>) dst(%run_scoped3A_2 : memref<128x128xbf16, #tpu.memory_space<vmem>>)
        %dma_start3A_219 = arith.constant 5 : i32
        %dma_start3A_220 = arith.constant 0 : i32
        %dma_start3A_221 = tpu.memref_slice %run_scoped3A_0[%rem3A_63, %dma_start3A_219, %dma_start3A_220] : memref<2x8x128xi32, #tpu.memory_space<vmem>> -> memref<1x1x128xi32, #tpu.memory_space<vmem>>
        %dma_start3A_222 = tpu.memref_squeeze %dma_start3A_221 : memref<1x1x128xi32, #tpu.memory_space<vmem>> -> memref<128xi32, #tpu.memory_space<vmem>>
        %dma_start3A_223 = arith.constant 0 : i32
        %dma_start3A_224 = arith.constant 0 : i32
        %dma_start3A_225 = tpu.memref_slice %arg6[%dma_start3A_223, %dma_start3A_224] : memref<10112x128xbf16, #tpu.memory_space<vmem_shared>> -> memref<10112x128xbf16, #tpu.memory_space<vmem_shared>>
        tpu.enqueue_indirect_dma source(%run_scoped3A_2 : memref<128x128xbf16, #tpu.memory_space<vmem>>) target(%dma_start3A_225 : memref<10112x128xbf16, #tpu.memory_space<vmem_shared>>) offsets(%dma_start3A_222 : memref<128xi32, #tpu.memory_space<vmem>>) semaphore(%arg12 : memref<!tpu.dma_semaphore, #tpu.memory_space<semaphore_mem>>) {add = true}
        %dma_wait3A_226 = arith.constant 4 : i32
        %dma_wait3A_227 = arith.constant 0 : i32
        %dma_wait3A_228 = tpu.memref_slice %run_scoped3A_0[%rem3A_63, %dma_wait3A_226, %dma_wait3A_227] : memref<2x8x128xi32, #tpu.memory_space<vmem>> -> memref<1x1x128xi32, #tpu.memory_space<vmem>>
        %dma_wait3A_229 = tpu.memref_squeeze %dma_wait3A_228 : memref<1x1x128xi32, #tpu.memory_space<vmem>> -> memref<128xi32, #tpu.memory_space<vmem>>
        %dma_wait3A_230 = arith.constant 0 : i32
        %dma_wait3A_231 = arith.constant 0 : i32
        %dma_wait3A_232 = tpu.memref_slice %arg6[%dma_wait3A_230, %dma_wait3A_231] : memref<10112x128xbf16, #tpu.memory_space<vmem_shared>> -> memref<10112x128xbf16, #tpu.memory_space<vmem_shared>>
        tpu.wait_indirect_dma semaphore(%arg12 : memref<!tpu.dma_semaphore, #tpu.memory_space<semaphore_mem>>) src(%run_scoped3A_1 : memref<128x128xbf16, #tpu.memory_space<vmem>>) dst(%dma_wait3A_232 : memref<10112x128xbf16, #tpu.memory_space<vmem_shared>>)
        %add3A_233 = arith.constant 1 : i32
        %add3A_234 = arith.addi %while3A_62, %add3A_233 : i32
        %lt3A_235 = arith.cmpi slt, %add3A_234, %select_n3A : i32
        %convert_element_type3A_236 = arith.extui %lt3A_235 : i1 to i32
        %cond3A_237 = arith.constant 0 : i32
        %cond3A_238 = arith.cmpi ne, %convert_element_type3A_236, %cond3A_237 : i32
        scf.if %cond3A_238 {
          %dma_wait3A_294 = arith.constant 0 : i32
          %dma_wait3A_295 = arith.constant 0 : i32
          %dma_wait3A_296 = tpu.memref_slice %run_scoped3A[%rem3A_67, %dma_wait3A_294, %dma_wait3A_295] : memref<2x8x128xi32, #tpu.memory_space<vmem>> -> memref<1x8x128xi32, #tpu.memory_space<vmem>>
          %dma_wait3A_297 = tpu.memref_squeeze %dma_wait3A_296 : memref<1x8x128xi32, #tpu.memory_space<vmem>> -> memref<8x128xi32, #tpu.memory_space<vmem>>
          %dma_wait3A_298 = arith.constant 0 : i32
          %dma_wait3A_299 = arith.constant 0 : i32
          %dma_wait3A_300 = tpu.memref_slice %arg3[%select_n3A_13, %dma_wait3A_298, %dma_wait3A_299] : memref<321x8x128xi32, #tpu.memory_space<hbm>> -> memref<1x8x128xi32, #tpu.memory_space<hbm>>
          %dma_wait3A_301 = tpu.memref_squeeze %dma_wait3A_300 : memref<1x8x128xi32, #tpu.memory_space<hbm>> -> memref<8x128xi32, #tpu.memory_space<hbm>>
          %dma_wait3A_302 = arith.constant 0 : i32
          %dma_wait3A_303 = arith.constant 0 : i32
          %dma_wait3A_304 = tpu.memref_slice %run_scoped3A[%rem3A_67, %dma_wait3A_302, %dma_wait3A_303] : memref<2x8x128xi32, #tpu.memory_space<vmem>> -> memref<1x8x128xi32, #tpu.memory_space<vmem>>
          %dma_wait3A_305 = tpu.memref_squeeze %dma_wait3A_304 : memref<1x8x128xi32, #tpu.memory_space<vmem>> -> memref<8x128xi32, #tpu.memory_space<vmem>>
          %dma_wait3A_306 = arith.constant 0 : i32
          %dma_wait3A_307 = arith.constant 0 : i32
          %dma_wait3A_308 = tpu.memref_slice %arg3[%select_n3A_13, %dma_wait3A_306, %dma_wait3A_307] : memref<321x8x128xi32, #tpu.memory_space<hbm>> -> memref<1x8x128xi32, #tpu.memory_space<hbm>>
          %dma_wait3A_309 = tpu.memref_squeeze %dma_wait3A_308 : memref<1x8x128xi32, #tpu.memory_space<hbm>> -> memref<8x128xi32, #tpu.memory_space<hbm>>
          tpu.wait_dma2 semaphore(%arg11 : memref<!tpu.dma_semaphore, #tpu.memory_space<semaphore_mem>>) src(%dma_wait3A_309 : memref<8x128xi32, #tpu.memory_space<hbm>>) dst(%dma_wait3A_305 : memref<8x128xi32, #tpu.memory_space<vmem>>)
          %dma_wait3A_310 = arith.constant 0 : i32
          %dma_wait3A_311 = arith.constant 0 : i32
          %dma_wait3A_312 = tpu.memref_slice %run_scoped3A_0[%rem3A_67, %dma_wait3A_310, %dma_wait3A_311] : memref<2x8x128xi32, #tpu.memory_space<vmem>> -> memref<1x8x128xi32, #tpu.memory_space<vmem>>
          %dma_wait3A_313 = tpu.memref_squeeze %dma_wait3A_312 : memref<1x8x128xi32, #tpu.memory_space<vmem>> -> memref<8x128xi32, #tpu.memory_space<vmem>>
          %dma_wait3A_314 = arith.constant 0 : i32
          %dma_wait3A_315 = arith.constant 0 : i32
          %dma_wait3A_316 = tpu.memref_slice %arg4[%select_n3A_13, %dma_wait3A_314, %dma_wait3A_315] : memref<321x8x128xi32, #tpu.memory_space<hbm>> -> memref<1x8x128xi32, #tpu.memory_space<hbm>>
          %dma_wait3A_317 = tpu.memref_squeeze %dma_wait3A_316 : memref<1x8x128xi32, #tpu.memory_space<hbm>> -> memref<8x128xi32, #tpu.memory_space<hbm>>
          %dma_wait3A_318 = arith.constant 0 : i32
          %dma_wait3A_319 = arith.constant 0 : i32
          %dma_wait3A_320 = tpu.memref_slice %run_scoped3A_0[%rem3A_67, %dma_wait3A_318, %dma_wait3A_319] : memref<2x8x128xi32, #tpu.memory_space<vmem>> -> memref<1x8x128xi32, #tpu.memory_space<vmem>>
          %dma_wait3A_321 = tpu.memref_squeeze %dma_wait3A_320 : memref<1x8x128xi32, #tpu.memory_space<vmem>> -> memref<8x128xi32, #tpu.memory_space<vmem>>
          %dma_wait3A_322 = arith.constant 0 : i32
          %dma_wait3A_323 = arith.constant 0 : i32
          %dma_wait3A_324 = tpu.memref_slice %arg4[%select_n3A_13, %dma_wait3A_322, %dma_wait3A_323] : memref<321x8x128xi32, #tpu.memory_space<hbm>> -> memref<1x8x128xi32, #tpu.memory_space<hbm>>
          %dma_wait3A_325 = tpu.memref_squeeze %dma_wait3A_324 : memref<1x8x128xi32, #tpu.memory_space<hbm>> -> memref<8x128xi32, #tpu.memory_space<hbm>>
          tpu.wait_dma2 semaphore(%arg11 : memref<!tpu.dma_semaphore, #tpu.memory_space<semaphore_mem>>) src(%dma_wait3A_325 : memref<8x128xi32, #tpu.memory_space<hbm>>) dst(%dma_wait3A_321 : memref<8x128xi32, #tpu.memory_space<vmem>>)
          %dma_start3A_326 = arith.constant 0 : i32
          %dma_start3A_327 = arith.constant 0 : i32
          %dma_start3A_328 = tpu.memref_slice %run_scoped3A[%rem3A_67, %dma_start3A_326, %dma_start3A_327] : memref<2x8x128xi32, #tpu.memory_space<vmem>> -> memref<1x1x128xi32, #tpu.memory_space<vmem>>
          %dma_start3A_329 = tpu.memref_squeeze %dma_start3A_328 : memref<1x1x128xi32, #tpu.memory_space<vmem>> -> memref<128xi32, #tpu.memory_space<vmem>>
          %dma_start3A_330 = arith.constant 0 : i32
          %dma_start3A_331 = arith.constant 0 : i32
          %dma_start3A_332 = tpu.memref_slice %arg2[%dma_start3A_330, %dma_start3A_331] : memref<10112x128xbf16, #tpu.memory_space<hbm>> -> memref<10112x128xbf16, #tpu.memory_space<hbm>>
          tpu.enqueue_indirect_dma source(%dma_start3A_332 : memref<10112x128xbf16, #tpu.memory_space<hbm>>) target(%run_scoped3A_1 : memref<128x128xbf16, #tpu.memory_space<vmem>>) offsets(%dma_start3A_329 : memref<128xi32, #tpu.memory_space<vmem>>) semaphore(%arg7 : memref<!tpu.dma_semaphore, #tpu.memory_space<semaphore_mem>>)
        } else {
        }
        %dma_wait3A_239 = arith.constant 6 : i32
        %dma_wait3A_240 = arith.constant 0 : i32
        %dma_wait3A_241 = tpu.memref_slice %run_scoped3A[%rem3A_63, %dma_wait3A_239, %dma_wait3A_240] : memref<2x8x128xi32, #tpu.memory_space<vmem>> -> memref<1x1x128xi32, #tpu.memory_space<vmem>>
        %dma_wait3A_242 = tpu.memref_squeeze %dma_wait3A_241 : memref<1x1x128xi32, #tpu.memory_space<vmem>> -> memref<128xi32, #tpu.memory_space<vmem>>
        %dma_wait3A_243 = arith.constant 0 : i32
        %dma_wait3A_244 = arith.constant 0 : i32
        %dma_wait3A_245 = tpu.memref_slice %arg2[%dma_wait3A_243, %dma_wait3A_244] : memref<10112x128xbf16, #tpu.memory_space<hbm>> -> memref<10112x128xbf16, #tpu.memory_space<hbm>>
        tpu.wait_indirect_dma semaphore(%arg9 : memref<!tpu.dma_semaphore, #tpu.memory_space<semaphore_mem>>) src(%dma_wait3A_245 : memref<10112x128xbf16, #tpu.memory_space<hbm>>) dst(%run_scoped3A_3 : memref<128x128xbf16, #tpu.memory_space<vmem>>)
        %dma_start3A_246 = arith.constant 6 : i32
        %dma_start3A_247 = arith.constant 0 : i32
        %dma_start3A_248 = tpu.memref_slice %run_scoped3A_0[%rem3A_63, %dma_start3A_246, %dma_start3A_247] : memref<2x8x128xi32, #tpu.memory_space<vmem>> -> memref<1x1x128xi32, #tpu.memory_space<vmem>>
        %dma_start3A_249 = tpu.memref_squeeze %dma_start3A_248 : memref<1x1x128xi32, #tpu.memory_space<vmem>> -> memref<128xi32, #tpu.memory_space<vmem>>
        %dma_start3A_250 = arith.constant 0 : i32
        %dma_start3A_251 = arith.constant 0 : i32
        %dma_start3A_252 = tpu.memref_slice %arg6[%dma_start3A_250, %dma_start3A_251] : memref<10112x128xbf16, #tpu.memory_space<vmem_shared>> -> memref<10112x128xbf16, #tpu.memory_space<vmem_shared>>
        tpu.enqueue_indirect_dma source(%run_scoped3A_3 : memref<128x128xbf16, #tpu.memory_space<vmem>>) target(%dma_start3A_252 : memref<10112x128xbf16, #tpu.memory_space<vmem_shared>>) offsets(%dma_start3A_249 : memref<128xi32, #tpu.memory_space<vmem>>) semaphore(%arg12 : memref<!tpu.dma_semaphore, #tpu.memory_space<semaphore_mem>>) {add = true}
        %dma_wait3A_253 = arith.constant 5 : i32
        %dma_wait3A_254 = arith.constant 0 : i32
        %dma_wait3A_255 = tpu.memref_slice %run_scoped3A_0[%rem3A_63, %dma_wait3A_253, %dma_wait3A_254] : memref<2x8x128xi32, #tpu.memory_space<vmem>> -> memref<1x1x128xi32, #tpu.memory_space<vmem>>
        %dma_wait3A_256 = tpu.memref_squeeze %dma_wait3A_255 : memref<1x1x128xi32, #tpu.memory_space<vmem>> -> memref<128xi32, #tpu.memory_space<vmem>>
        %dma_wait3A_257 = arith.constant 0 : i32
        %dma_wait3A_258 = arith.constant 0 : i32
        %dma_wait3A_259 = tpu.memref_slice %arg6[%dma_wait3A_257, %dma_wait3A_258] : memref<10112x128xbf16, #tpu.memory_space<vmem_shared>> -> memref<10112x128xbf16, #tpu.memory_space<vmem_shared>>
        tpu.wait_indirect_dma semaphore(%arg12 : memref<!tpu.dma_semaphore, #tpu.memory_space<semaphore_mem>>) src(%run_scoped3A_2 : memref<128x128xbf16, #tpu.memory_space<vmem>>) dst(%dma_wait3A_259 : memref<10112x128xbf16, #tpu.memory_space<vmem_shared>>)
        %add3A_260 = arith.constant 1 : i32
        %add3A_261 = arith.addi %while3A_62, %add3A_260 : i32
        %lt3A_262 = arith.cmpi slt, %add3A_261, %select_n3A : i32
        %convert_element_type3A_263 = arith.extui %lt3A_262 : i1 to i32
        %cond3A_264 = arith.constant 0 : i32
        %cond3A_265 = arith.cmpi ne, %convert_element_type3A_263, %cond3A_264 : i32
        scf.if %cond3A_265 {
          %dma_start3A_294 = arith.constant 1 : i32
          %dma_start3A_295 = arith.constant 0 : i32
          %dma_start3A_296 = tpu.memref_slice %run_scoped3A[%rem3A_67, %dma_start3A_294, %dma_start3A_295] : memref<2x8x128xi32, #tpu.memory_space<vmem>> -> memref<1x1x128xi32, #tpu.memory_space<vmem>>
          %dma_start3A_297 = tpu.memref_squeeze %dma_start3A_296 : memref<1x1x128xi32, #tpu.memory_space<vmem>> -> memref<128xi32, #tpu.memory_space<vmem>>
          %dma_start3A_298 = arith.constant 0 : i32
          %dma_start3A_299 = arith.constant 0 : i32
          %dma_start3A_300 = tpu.memref_slice %arg2[%dma_start3A_298, %dma_start3A_299] : memref<10112x128xbf16, #tpu.memory_space<hbm>> -> memref<10112x128xbf16, #tpu.memory_space<hbm>>
          tpu.enqueue_indirect_dma source(%dma_start3A_300 : memref<10112x128xbf16, #tpu.memory_space<hbm>>) target(%run_scoped3A_2 : memref<128x128xbf16, #tpu.memory_space<vmem>>) offsets(%dma_start3A_297 : memref<128xi32, #tpu.memory_space<vmem>>) semaphore(%arg8 : memref<!tpu.dma_semaphore, #tpu.memory_space<semaphore_mem>>)
        } else {
        }
        %dma_wait3A_266 = arith.constant 7 : i32
        %dma_wait3A_267 = arith.constant 0 : i32
        %dma_wait3A_268 = tpu.memref_slice %run_scoped3A[%rem3A_63, %dma_wait3A_266, %dma_wait3A_267] : memref<2x8x128xi32, #tpu.memory_space<vmem>> -> memref<1x1x128xi32, #tpu.memory_space<vmem>>
        %dma_wait3A_269 = tpu.memref_squeeze %dma_wait3A_268 : memref<1x1x128xi32, #tpu.memory_space<vmem>> -> memref<128xi32, #tpu.memory_space<vmem>>
        %dma_wait3A_270 = arith.constant 0 : i32
        %dma_wait3A_271 = arith.constant 0 : i32
        %dma_wait3A_272 = tpu.memref_slice %arg2[%dma_wait3A_270, %dma_wait3A_271] : memref<10112x128xbf16, #tpu.memory_space<hbm>> -> memref<10112x128xbf16, #tpu.memory_space<hbm>>
        tpu.wait_indirect_dma semaphore(%arg10 : memref<!tpu.dma_semaphore, #tpu.memory_space<semaphore_mem>>) src(%dma_wait3A_272 : memref<10112x128xbf16, #tpu.memory_space<hbm>>) dst(%run_scoped3A_4 : memref<128x128xbf16, #tpu.memory_space<vmem>>)
        %dma_start3A_273 = arith.constant 7 : i32
        %dma_start3A_274 = arith.constant 0 : i32
        %dma_start3A_275 = tpu.memref_slice %run_scoped3A_0[%rem3A_63, %dma_start3A_273, %dma_start3A_274] : memref<2x8x128xi32, #tpu.memory_space<vmem>> -> memref<1x1x128xi32, #tpu.memory_space<vmem>>
        %dma_start3A_276 = tpu.memref_squeeze %dma_start3A_275 : memref<1x1x128xi32, #tpu.memory_space<vmem>> -> memref<128xi32, #tpu.memory_space<vmem>>
        %dma_start3A_277 = arith.constant 0 : i32
        %dma_start3A_278 = arith.constant 0 : i32
        %dma_start3A_279 = tpu.memref_slice %arg6[%dma_start3A_277, %dma_start3A_278] : memref<10112x128xbf16, #tpu.memory_space<vmem_shared>> -> memref<10112x128xbf16, #tpu.memory_space<vmem_shared>>
        tpu.enqueue_indirect_dma source(%run_scoped3A_4 : memref<128x128xbf16, #tpu.memory_space<vmem>>) target(%dma_start3A_279 : memref<10112x128xbf16, #tpu.memory_space<vmem_shared>>) offsets(%dma_start3A_276 : memref<128xi32, #tpu.memory_space<vmem>>) semaphore(%arg12 : memref<!tpu.dma_semaphore, #tpu.memory_space<semaphore_mem>>) {add = true}
        %dma_wait3A_280 = arith.constant 6 : i32
        %dma_wait3A_281 = arith.constant 0 : i32
        %dma_wait3A_282 = tpu.memref_slice %run_scoped3A_0[%rem3A_63, %dma_wait3A_280, %dma_wait3A_281] : memref<2x8x128xi32, #tpu.memory_space<vmem>> -> memref<1x1x128xi32, #tpu.memory_space<vmem>>
        %dma_wait3A_283 = tpu.memref_squeeze %dma_wait3A_282 : memref<1x1x128xi32, #tpu.memory_space<vmem>> -> memref<128xi32, #tpu.memory_space<vmem>>
        %dma_wait3A_284 = arith.constant 0 : i32
        %dma_wait3A_285 = arith.constant 0 : i32
        %dma_wait3A_286 = tpu.memref_slice %arg6[%dma_wait3A_284, %dma_wait3A_285] : memref<10112x128xbf16, #tpu.memory_space<vmem_shared>> -> memref<10112x128xbf16, #tpu.memory_space<vmem_shared>>
        tpu.wait_indirect_dma semaphore(%arg12 : memref<!tpu.dma_semaphore, #tpu.memory_space<semaphore_mem>>) src(%run_scoped3A_3 : memref<128x128xbf16, #tpu.memory_space<vmem>>) dst(%dma_wait3A_286 : memref<10112x128xbf16, #tpu.memory_space<vmem_shared>>)
        %dma_wait3A_287 = arith.constant 7 : i32
        %dma_wait3A_288 = arith.constant 0 : i32
        %dma_wait3A_289 = tpu.memref_slice %run_scoped3A_0[%rem3A_63, %dma_wait3A_287, %dma_wait3A_288] : memref<2x8x128xi32, #tpu.memory_space<vmem>> -> memref<1x1x128xi32, #tpu.memory_space<vmem>>
        %dma_wait3A_290 = tpu.memref_squeeze %dma_wait3A_289 : memref<1x1x128xi32, #tpu.memory_space<vmem>> -> memref<128xi32, #tpu.memory_space<vmem>>
        %dma_wait3A_291 = arith.constant 0 : i32
        %dma_wait3A_292 = arith.constant 0 : i32
        %dma_wait3A_293 = tpu.memref_slice %arg6[%dma_wait3A_291, %dma_wait3A_292] : memref<10112x128xbf16, #tpu.memory_space<vmem_shared>> -> memref<10112x128xbf16, #tpu.memory_space<vmem_shared>>
        tpu.wait_indirect_dma semaphore(%arg12 : memref<!tpu.dma_semaphore, #tpu.memory_space<semaphore_mem>>) src(%run_scoped3A_4 : memref<128x128xbf16, #tpu.memory_space<vmem>>) dst(%dma_wait3A_293 : memref<10112x128xbf16, #tpu.memory_space<vmem_shared>>)
      }
      %while3A_57 = arith.constant 1 : i32
      scf.for %while3A_62 = %while3A_55 to %while3A_51 step %while3A_57  : i32 {
        %rem3A = arith.constant 2 : i32
        %rem3A_63 = arith.remsi %while3A_62, %rem3A : i32
        %add3A_64 = arith.constant 1 : i32
        %add3A_65 = arith.addi %while3A_62, %add3A_64 : i32
        %rem3A_66 = arith.constant 2 : i32
        %rem3A_67 = arith.remsi %add3A_65, %rem3A_66 : i32
        %add3A_68 = arith.constant 1 : i32
        %add3A_69 = arith.addi %while3A_62, %add3A_68 : i32
        %lt3A = arith.cmpi slt, %add3A_69, %select_n3A : i32
        %convert_element_type3A_70 = arith.extui %lt3A : i1 to i32
        %cond3A_71 = arith.constant 0 : i32
        %cond3A_72 = arith.cmpi ne, %convert_element_type3A_70, %cond3A_71 : i32
        scf.if %cond3A_72 {
          %add3A_294 = arith.addi %select_n3A_13, %while3A_62 : i32
          %add3A_295 = arith.constant 1 : i32
          %add3A_296 = arith.addi %add3A_294, %add3A_295 : i32
          %dma_start3A_297 = arith.constant 0 : i32
          %dma_start3A_298 = arith.constant 0 : i32
          %dma_start3A_299 = tpu.memref_slice %run_scoped3A[%rem3A_67, %dma_start3A_297, %dma_start3A_298] : memref<2x8x128xi32, #tpu.memory_space<vmem>> -> memref<1x8x128xi32, #tpu.memory_space<vmem>>
          %dma_start3A_300 = tpu.memref_squeeze %dma_start3A_299 : memref<1x8x128xi32, #tpu.memory_space<vmem>> -> memref<8x128xi32, #tpu.memory_space<vmem>>
          %dma_start3A_301 = arith.constant 0 : i32
          %dma_start3A_302 = arith.constant 0 : i32
          %dma_start3A_303 = tpu.memref_slice %arg3[%add3A_296, %dma_start3A_301, %dma_start3A_302] : memref<321x8x128xi32, #tpu.memory_space<hbm>> -> memref<1x8x128xi32, #tpu.memory_space<hbm>>
          %dma_start3A_304 = tpu.memref_squeeze %dma_start3A_303 : memref<1x8x128xi32, #tpu.memory_space<hbm>> -> memref<8x128xi32, #tpu.memory_space<hbm>>
          %dma_start3A_305 = arith.constant 0 : i32
          %dma_start3A_306 = arith.constant 0 : i32
          %dma_start3A_307 = tpu.memref_slice %run_scoped3A[%rem3A_67, %dma_start3A_305, %dma_start3A_306] : memref<2x8x128xi32, #tpu.memory_space<vmem>> -> memref<1x8x128xi32, #tpu.memory_space<vmem>>
          %dma_start3A_308 = tpu.memref_squeeze %dma_start3A_307 : memref<1x8x128xi32, #tpu.memory_space<vmem>> -> memref<8x128xi32, #tpu.memory_space<vmem>>
          %dma_start3A_309 = arith.constant 0 : i32
          %dma_start3A_310 = arith.constant 0 : i32
          %dma_start3A_311 = tpu.memref_slice %arg3[%add3A_296, %dma_start3A_309, %dma_start3A_310] : memref<321x8x128xi32, #tpu.memory_space<hbm>> -> memref<1x8x128xi32, #tpu.memory_space<hbm>>
          %dma_start3A_312 = tpu.memref_squeeze %dma_start3A_311 : memref<1x8x128xi32, #tpu.memory_space<hbm>> -> memref<8x128xi32, #tpu.memory_space<hbm>>
          tpu.enqueue_dma source(%dma_start3A_312 : memref<8x128xi32, #tpu.memory_space<hbm>>) target(%dma_start3A_308 : memref<8x128xi32, #tpu.memory_space<vmem>>) target_semaphore(%arg11 : memref<!tpu.dma_semaphore, #tpu.memory_space<semaphore_mem>>)
          %add3A_313 = arith.addi %select_n3A_13, %while3A_62 : i32
          %add3A_314 = arith.constant 1 : i32
          %add3A_315 = arith.addi %add3A_313, %add3A_314 : i32
          %dma_start3A_316 = arith.constant 0 : i32
          %dma_start3A_317 = arith.constant 0 : i32
          %dma_start3A_318 = tpu.memref_slice %run_scoped3A_0[%rem3A_67, %dma_start3A_316, %dma_start3A_317] : memref<2x8x128xi32, #tpu.memory_space<vmem>> -> memref<1x8x128xi32, #tpu.memory_space<vmem>>
          %dma_start3A_319 = tpu.memref_squeeze %dma_start3A_318 : memref<1x8x128xi32, #tpu.memory_space<vmem>> -> memref<8x128xi32, #tpu.memory_space<vmem>>
          %dma_start3A_320 = arith.constant 0 : i32
          %dma_start3A_321 = arith.constant 0 : i32
          %dma_start3A_322 = tpu.memref_slice %arg4[%add3A_315, %dma_start3A_320, %dma_start3A_321] : memref<321x8x128xi32, #tpu.memory_space<hbm>> -> memref<1x8x128xi32, #tpu.memory_space<hbm>>
          %dma_start3A_323 = tpu.memref_squeeze %dma_start3A_322 : memref<1x8x128xi32, #tpu.memory_space<hbm>> -> memref<8x128xi32, #tpu.memory_space<hbm>>
          %dma_start3A_324 = arith.constant 0 : i32
          %dma_start3A_325 = arith.constant 0 : i32
          %dma_start3A_326 = tpu.memref_slice %run_scoped3A_0[%rem3A_67, %dma_start3A_324, %dma_start3A_325] : memref<2x8x128xi32, #tpu.memory_space<vmem>> -> memref<1x8x128xi32, #tpu.memory_space<vmem>>
          %dma_start3A_327 = tpu.memref_squeeze %dma_start3A_326 : memref<1x8x128xi32, #tpu.memory_space<vmem>> -> memref<8x128xi32, #tpu.memory_space<vmem>>
          %dma_start3A_328 = arith.constant 0 : i32
          %dma_start3A_329 = arith.constant 0 : i32
          %dma_start3A_330 = tpu.memref_slice %arg4[%add3A_315, %dma_start3A_328, %dma_start3A_329] : memref<321x8x128xi32, #tpu.memory_space<hbm>> -> memref<1x8x128xi32, #tpu.memory_space<hbm>>
          %dma_start3A_331 = tpu.memref_squeeze %dma_start3A_330 : memref<1x8x128xi32, #tpu.memory_space<hbm>> -> memref<8x128xi32, #tpu.memory_space<hbm>>
          tpu.enqueue_dma source(%dma_start3A_331 : memref<8x128xi32, #tpu.memory_space<hbm>>) target(%dma_start3A_327 : memref<8x128xi32, #tpu.memory_space<vmem>>) target_semaphore(%arg11 : memref<!tpu.dma_semaphore, #tpu.memory_space<semaphore_mem>>)
        } else {
        }
        %dma_start3A_73 = arith.constant 2 : i32
        %dma_start3A_74 = arith.constant 0 : i32
        %dma_start3A_75 = tpu.memref_slice %run_scoped3A[%rem3A_63, %dma_start3A_73, %dma_start3A_74] : memref<2x8x128xi32, #tpu.memory_space<vmem>> -> memref<1x1x128xi32, #tpu.memory_space<vmem>>
        %dma_start3A_76 = tpu.memref_squeeze %dma_start3A_75 : memref<1x1x128xi32, #tpu.memory_space<vmem>> -> memref<128xi32, #tpu.memory_space<vmem>>
        %dma_start3A_77 = arith.constant 0 : i32
        %dma_start3A_78 = arith.constant 0 : i32
        %dma_start3A_79 = tpu.memref_slice %arg2[%dma_start3A_77, %dma_start3A_78] : memref<10112x128xbf16, #tpu.memory_space<hbm>> -> memref<10112x128xbf16, #tpu.memory_space<hbm>>
        tpu.enqueue_indirect_dma source(%dma_start3A_79 : memref<10112x128xbf16, #tpu.memory_space<hbm>>) target(%run_scoped3A_3 : memref<128x128xbf16, #tpu.memory_space<vmem>>) offsets(%dma_start3A_76 : memref<128xi32, #tpu.memory_space<vmem>>) semaphore(%arg9 : memref<!tpu.dma_semaphore, #tpu.memory_space<semaphore_mem>>)
        %dma_wait3A = arith.constant 0 : i32
        %dma_wait3A_80 = arith.constant 0 : i32
        %dma_wait3A_81 = tpu.memref_slice %run_scoped3A[%rem3A_63, %dma_wait3A, %dma_wait3A_80] : memref<2x8x128xi32, #tpu.memory_space<vmem>> -> memref<1x1x128xi32, #tpu.memory_space<vmem>>
        %dma_wait3A_82 = tpu.memref_squeeze %dma_wait3A_81 : memref<1x1x128xi32, #tpu.memory_space<vmem>> -> memref<128xi32, #tpu.memory_space<vmem>>
        %dma_wait3A_83 = arith.constant 0 : i32
        %dma_wait3A_84 = arith.constant 0 : i32
        %dma_wait3A_85 = tpu.memref_slice %arg2[%dma_wait3A_83, %dma_wait3A_84] : memref<10112x128xbf16, #tpu.memory_space<hbm>> -> memref<10112x128xbf16, #tpu.memory_space<hbm>>
        tpu.wait_indirect_dma semaphore(%arg7 : memref<!tpu.dma_semaphore, #tpu.memory_space<semaphore_mem>>) src(%dma_wait3A_85 : memref<10112x128xbf16, #tpu.memory_space<hbm>>) dst(%run_scoped3A_1 : memref<128x128xbf16, #tpu.memory_space<vmem>>)
        %dma_start3A_86 = arith.constant 0 : i32
        %dma_start3A_87 = arith.constant 0 : i32
        %dma_start3A_88 = tpu.memref_slice %run_scoped3A_0[%rem3A_63, %dma_start3A_86, %dma_start3A_87] : memref<2x8x128xi32, #tpu.memory_space<vmem>> -> memref<1x1x128xi32, #tpu.memory_space<vmem>>
        %dma_start3A_89 = tpu.memref_squeeze %dma_start3A_88 : memref<1x1x128xi32, #tpu.memory_space<vmem>> -> memref<128xi32, #tpu.memory_space<vmem>>
        %dma_start3A_90 = arith.constant 0 : i32
        %dma_start3A_91 = arith.constant 0 : i32
        %dma_start3A_92 = tpu.memref_slice %arg6[%dma_start3A_90, %dma_start3A_91] : memref<10112x128xbf16, #tpu.memory_space<vmem_shared>> -> memref<10112x128xbf16, #tpu.memory_space<vmem_shared>>
        tpu.enqueue_indirect_dma source(%run_scoped3A_1 : memref<128x128xbf16, #tpu.memory_space<vmem>>) target(%dma_start3A_92 : memref<10112x128xbf16, #tpu.memory_space<vmem_shared>>) offsets(%dma_start3A_89 : memref<128xi32, #tpu.memory_space<vmem>>) semaphore(%arg12 : memref<!tpu.dma_semaphore, #tpu.memory_space<semaphore_mem>>) {add = true}
        %dma_start3A_93 = arith.constant 3 : i32
        %dma_start3A_94 = arith.constant 0 : i32
        %dma_start3A_95 = tpu.memref_slice %run_scoped3A[%rem3A_63, %dma_start3A_93, %dma_start3A_94] : memref<2x8x128xi32, #tpu.memory_space<vmem>> -> memref<1x1x128xi32, #tpu.memory_space<vmem>>
        %dma_start3A_96 = tpu.memref_squeeze %dma_start3A_95 : memref<1x1x128xi32, #tpu.memory_space<vmem>> -> memref<128xi32, #tpu.memory_space<vmem>>
        %dma_start3A_97 = arith.constant 0 : i32
        %dma_start3A_98 = arith.constant 0 : i32
        %dma_start3A_99 = tpu.memref_slice %arg2[%dma_start3A_97, %dma_start3A_98] : memref<10112x128xbf16, #tpu.memory_space<hbm>> -> memref<10112x128xbf16, #tpu.memory_space<hbm>>
        tpu.enqueue_indirect_dma source(%dma_start3A_99 : memref<10112x128xbf16, #tpu.memory_space<hbm>>) target(%run_scoped3A_4 : memref<128x128xbf16, #tpu.memory_space<vmem>>) offsets(%dma_start3A_96 : memref<128xi32, #tpu.memory_space<vmem>>) semaphore(%arg10 : memref<!tpu.dma_semaphore, #tpu.memory_space<semaphore_mem>>)
        %dma_wait3A_100 = arith.constant 1 : i32
        %dma_wait3A_101 = arith.constant 0 : i32
        %dma_wait3A_102 = tpu.memref_slice %run_scoped3A[%rem3A_63, %dma_wait3A_100, %dma_wait3A_101] : memref<2x8x128xi32, #tpu.memory_space<vmem>> -> memref<1x1x128xi32, #tpu.memory_space<vmem>>
        %dma_wait3A_103 = tpu.memref_squeeze %dma_wait3A_102 : memref<1x1x128xi32, #tpu.memory_space<vmem>> -> memref<128xi32, #tpu.memory_space<vmem>>
        %dma_wait3A_104 = arith.constant 0 : i32
        %dma_wait3A_105 = arith.constant 0 : i32
        %dma_wait3A_106 = tpu.memref_slice %arg2[%dma_wait3A_104, %dma_wait3A_105] : memref<10112x128xbf16, #tpu.memory_space<hbm>> -> memref<10112x128xbf16, #tpu.memory_space<hbm>>
        tpu.wait_indirect_dma semaphore(%arg8 : memref<!tpu.dma_semaphore, #tpu.memory_space<semaphore_mem>>) src(%dma_wait3A_106 : memref<10112x128xbf16, #tpu.memory_space<hbm>>) dst(%run_scoped3A_2 : memref<128x128xbf16, #tpu.memory_space<vmem>>)
        %dma_start3A_107 = arith.constant 1 : i32
        %dma_start3A_108 = arith.constant 0 : i32
        %dma_start3A_109 = tpu.memref_slice %run_scoped3A_0[%rem3A_63, %dma_start3A_107, %dma_start3A_108] : memref<2x8x128xi32, #tpu.memory_space<vmem>> -> memref<1x1x128xi32, #tpu.memory_space<vmem>>
        %dma_start3A_110 = tpu.memref_squeeze %dma_start3A_109 : memref<1x1x128xi32, #tpu.memory_space<vmem>> -> memref<128xi32, #tpu.memory_space<vmem>>
        %dma_start3A_111 = arith.constant 0 : i32
        %dma_start3A_112 = arith.constant 0 : i32
        %dma_start3A_113 = tpu.memref_slice %arg6[%dma_start3A_111, %dma_start3A_112] : memref<10112x128xbf16, #tpu.memory_space<vmem_shared>> -> memref<10112x128xbf16, #tpu.memory_space<vmem_shared>>
        tpu.enqueue_indirect_dma source(%run_scoped3A_2 : memref<128x128xbf16, #tpu.memory_space<vmem>>) target(%dma_start3A_113 : memref<10112x128xbf16, #tpu.memory_space<vmem_shared>>) offsets(%dma_start3A_110 : memref<128xi32, #tpu.memory_space<vmem>>) semaphore(%arg12 : memref<!tpu.dma_semaphore, #tpu.memory_space<semaphore_mem>>) {add = true}
        %dma_wait3A_114 = arith.constant 0 : i32
        %dma_wait3A_115 = arith.constant 0 : i32
        %dma_wait3A_116 = tpu.memref_slice %run_scoped3A_0[%rem3A_63, %dma_wait3A_114, %dma_wait3A_115] : memref<2x8x128xi32, #tpu.memory_space<vmem>> -> memref<1x1x128xi32, #tpu.memory_space<vmem>>
        %dma_wait3A_117 = tpu.memref_squeeze %dma_wait3A_116 : memref<1x1x128xi32, #tpu.memory_space<vmem>> -> memref<128xi32, #tpu.memory_space<vmem>>
        %dma_wait3A_118 = arith.constant 0 : i32
        %dma_wait3A_119 = arith.constant 0 : i32
        %dma_wait3A_120 = tpu.memref_slice %arg6[%dma_wait3A_118, %dma_wait3A_119] : memref<10112x128xbf16, #tpu.memory_space<vmem_shared>> -> memref<10112x128xbf16, #tpu.memory_space<vmem_shared>>
        tpu.wait_indirect_dma semaphore(%arg12 : memref<!tpu.dma_semaphore, #tpu.memory_space<semaphore_mem>>) src(%run_scoped3A_1 : memref<128x128xbf16, #tpu.memory_space<vmem>>) dst(%dma_wait3A_120 : memref<10112x128xbf16, #tpu.memory_space<vmem_shared>>)
        %dma_start3A_121 = arith.constant 4 : i32
        %dma_start3A_122 = arith.constant 0 : i32
        %dma_start3A_123 = tpu.memref_slice %run_scoped3A[%rem3A_63, %dma_start3A_121, %dma_start3A_122] : memref<2x8x128xi32, #tpu.memory_space<vmem>> -> memref<1x1x128xi32, #tpu.memory_space<vmem>>
        %dma_start3A_124 = tpu.memref_squeeze %dma_start3A_123 : memref<1x1x128xi32, #tpu.memory_space<vmem>> -> memref<128xi32, #tpu.memory_space<vmem>>
        %dma_start3A_125 = arith.constant 0 : i32
        %dma_start3A_126 = arith.constant 0 : i32
        %dma_start3A_127 = tpu.memref_slice %arg2[%dma_start3A_125, %dma_start3A_126] : memref<10112x128xbf16, #tpu.memory_space<hbm>> -> memref<10112x128xbf16, #tpu.memory_space<hbm>>
        tpu.enqueue_indirect_dma source(%dma_start3A_127 : memref<10112x128xbf16, #tpu.memory_space<hbm>>) target(%run_scoped3A_1 : memref<128x128xbf16, #tpu.memory_space<vmem>>) offsets(%dma_start3A_124 : memref<128xi32, #tpu.memory_space<vmem>>) semaphore(%arg7 : memref<!tpu.dma_semaphore, #tpu.memory_space<semaphore_mem>>)
        %dma_wait3A_128 = arith.constant 2 : i32
        %dma_wait3A_129 = arith.constant 0 : i32
        %dma_wait3A_130 = tpu.memref_slice %run_scoped3A[%rem3A_63, %dma_wait3A_128, %dma_wait3A_129] : memref<2x8x128xi32, #tpu.memory_space<vmem>> -> memref<1x1x128xi32, #tpu.memory_space<vmem>>
        %dma_wait3A_131 = tpu.memref_squeeze %dma_wait3A_130 : memref<1x1x128xi32, #tpu.memory_space<vmem>> -> memref<128xi32, #tpu.memory_space<vmem>>
        %dma_wait3A_132 = arith.constant 0 : i32
        %dma_wait3A_133 = arith.constant 0 : i32
        %dma_wait3A_134 = tpu.memref_slice %arg2[%dma_wait3A_132, %dma_wait3A_133] : memref<10112x128xbf16, #tpu.memory_space<hbm>> -> memref<10112x128xbf16, #tpu.memory_space<hbm>>
        tpu.wait_indirect_dma semaphore(%arg9 : memref<!tpu.dma_semaphore, #tpu.memory_space<semaphore_mem>>) src(%dma_wait3A_134 : memref<10112x128xbf16, #tpu.memory_space<hbm>>) dst(%run_scoped3A_3 : memref<128x128xbf16, #tpu.memory_space<vmem>>)
        %dma_start3A_135 = arith.constant 2 : i32
        %dma_start3A_136 = arith.constant 0 : i32
        %dma_start3A_137 = tpu.memref_slice %run_scoped3A_0[%rem3A_63, %dma_start3A_135, %dma_start3A_136] : memref<2x8x128xi32, #tpu.memory_space<vmem>> -> memref<1x1x128xi32, #tpu.memory_space<vmem>>
        %dma_start3A_138 = tpu.memref_squeeze %dma_start3A_137 : memref<1x1x128xi32, #tpu.memory_space<vmem>> -> memref<128xi32, #tpu.memory_space<vmem>>
        %dma_start3A_139 = arith.constant 0 : i32
        %dma_start3A_140 = arith.constant 0 : i32
        %dma_start3A_141 = tpu.memref_slice %arg6[%dma_start3A_139, %dma_start3A_140] : memref<10112x128xbf16, #tpu.memory_space<vmem_shared>> -> memref<10112x128xbf16, #tpu.memory_space<vmem_shared>>
        tpu.enqueue_indirect_dma source(%run_scoped3A_3 : memref<128x128xbf16, #tpu.memory_space<vmem>>) target(%dma_start3A_141 : memref<10112x128xbf16, #tpu.memory_space<vmem_shared>>) offsets(%dma_start3A_138 : memref<128xi32, #tpu.memory_space<vmem>>) semaphore(%arg12 : memref<!tpu.dma_semaphore, #tpu.memory_space<semaphore_mem>>) {add = true}
        %dma_wait3A_142 = arith.constant 1 : i32
        %dma_wait3A_143 = arith.constant 0 : i32
        %dma_wait3A_144 = tpu.memref_slice %run_scoped3A_0[%rem3A_63, %dma_wait3A_142, %dma_wait3A_143] : memref<2x8x128xi32, #tpu.memory_space<vmem>> -> memref<1x1x128xi32, #tpu.memory_space<vmem>>
        %dma_wait3A_145 = tpu.memref_squeeze %dma_wait3A_144 : memref<1x1x128xi32, #tpu.memory_space<vmem>> -> memref<128xi32, #tpu.memory_space<vmem>>
        %dma_wait3A_146 = arith.constant 0 : i32
        %dma_wait3A_147 = arith.constant 0 : i32
        %dma_wait3A_148 = tpu.memref_slice %arg6[%dma_wait3A_146, %dma_wait3A_147] : memref<10112x128xbf16, #tpu.memory_space<vmem_shared>> -> memref<10112x128xbf16, #tpu.memory_space<vmem_shared>>
        tpu.wait_indirect_dma semaphore(%arg12 : memref<!tpu.dma_semaphore, #tpu.memory_space<semaphore_mem>>) src(%run_scoped3A_2 : memref<128x128xbf16, #tpu.memory_space<vmem>>) dst(%dma_wait3A_148 : memref<10112x128xbf16, #tpu.memory_space<vmem_shared>>)
        %dma_start3A_149 = arith.constant 5 : i32
        %dma_start3A_150 = arith.constant 0 : i32
        %dma_start3A_151 = tpu.memref_slice %run_scoped3A[%rem3A_63, %dma_start3A_149, %dma_start3A_150] : memref<2x8x128xi32, #tpu.memory_space<vmem>> -> memref<1x1x128xi32, #tpu.memory_space<vmem>>
        %dma_start3A_152 = tpu.memref_squeeze %dma_start3A_151 : memref<1x1x128xi32, #tpu.memory_space<vmem>> -> memref<128xi32, #tpu.memory_space<vmem>>
        %dma_start3A_153 = arith.constant 0 : i32
        %dma_start3A_154 = arith.constant 0 : i32
        %dma_start3A_155 = tpu.memref_slice %arg2[%dma_start3A_153, %dma_start3A_154] : memref<10112x128xbf16, #tpu.memory_space<hbm>> -> memref<10112x128xbf16, #tpu.memory_space<hbm>>
        tpu.enqueue_indirect_dma source(%dma_start3A_155 : memref<10112x128xbf16, #tpu.memory_space<hbm>>) target(%run_scoped3A_2 : memref<128x128xbf16, #tpu.memory_space<vmem>>) offsets(%dma_start3A_152 : memref<128xi32, #tpu.memory_space<vmem>>) semaphore(%arg8 : memref<!tpu.dma_semaphore, #tpu.memory_space<semaphore_mem>>)
        %dma_wait3A_156 = arith.constant 3 : i32
        %dma_wait3A_157 = arith.constant 0 : i32
        %dma_wait3A_158 = tpu.memref_slice %run_scoped3A[%rem3A_63, %dma_wait3A_156, %dma_wait3A_157] : memref<2x8x128xi32, #tpu.memory_space<vmem>> -> memref<1x1x128xi32, #tpu.memory_space<vmem>>
        %dma_wait3A_159 = tpu.memref_squeeze %dma_wait3A_158 : memref<1x1x128xi32, #tpu.memory_space<vmem>> -> memref<128xi32, #tpu.memory_space<vmem>>
        %dma_wait3A_160 = arith.constant 0 : i32
        %dma_wait3A_161 = arith.constant 0 : i32
        %dma_wait3A_162 = tpu.memref_slice %arg2[%dma_wait3A_160, %dma_wait3A_161] : memref<10112x128xbf16, #tpu.memory_space<hbm>> -> memref<10112x128xbf16, #tpu.memory_space<hbm>>
        tpu.wait_indirect_dma semaphore(%arg10 : memref<!tpu.dma_semaphore, #tpu.memory_space<semaphore_mem>>) src(%dma_wait3A_162 : memref<10112x128xbf16, #tpu.memory_space<hbm>>) dst(%run_scoped3A_4 : memref<128x128xbf16, #tpu.memory_space<vmem>>)
        %dma_start3A_163 = arith.constant 3 : i32
        %dma_start3A_164 = arith.constant 0 : i32
        %dma_start3A_165 = tpu.memref_slice %run_scoped3A_0[%rem3A_63, %dma_start3A_163, %dma_start3A_164] : memref<2x8x128xi32, #tpu.memory_space<vmem>> -> memref<1x1x128xi32, #tpu.memory_space<vmem>>
        %dma_start3A_166 = tpu.memref_squeeze %dma_start3A_165 : memref<1x1x128xi32, #tpu.memory_space<vmem>> -> memref<128xi32, #tpu.memory_space<vmem>>
        %dma_start3A_167 = arith.constant 0 : i32
        %dma_start3A_168 = arith.constant 0 : i32
        %dma_start3A_169 = tpu.memref_slice %arg6[%dma_start3A_167, %dma_start3A_168] : memref<10112x128xbf16, #tpu.memory_space<vmem_shared>> -> memref<10112x128xbf16, #tpu.memory_space<vmem_shared>>
        tpu.enqueue_indirect_dma source(%run_scoped3A_4 : memref<128x128xbf16, #tpu.memory_space<vmem>>) target(%dma_start3A_169 : memref<10112x128xbf16, #tpu.memory_space<vmem_shared>>) offsets(%dma_start3A_166 : memref<128xi32, #tpu.memory_space<vmem>>) semaphore(%arg12 : memref<!tpu.dma_semaphore, #tpu.memory_space<semaphore_mem>>) {add = true}
        %dma_wait3A_170 = arith.constant 2 : i32
        %dma_wait3A_171 = arith.constant 0 : i32
        %dma_wait3A_172 = tpu.memref_slice %run_scoped3A_0[%rem3A_63, %dma_wait3A_170, %dma_wait3A_171] : memref<2x8x128xi32, #tpu.memory_space<vmem>> -> memref<1x1x128xi32, #tpu.memory_space<vmem>>
        %dma_wait3A_173 = tpu.memref_squeeze %dma_wait3A_172 : memref<1x1x128xi32, #tpu.memory_space<vmem>> -> memref<128xi32, #tpu.memory_space<vmem>>
        %dma_wait3A_174 = arith.constant 0 : i32
        %dma_wait3A_175 = arith.constant 0 : i32
        %dma_wait3A_176 = tpu.memref_slice %arg6[%dma_wait3A_174, %dma_wait3A_175] : memref<10112x128xbf16, #tpu.memory_space<vmem_shared>> -> memref<10112x128xbf16, #tpu.memory_space<vmem_shared>>
        tpu.wait_indirect_dma semaphore(%arg12 : memref<!tpu.dma_semaphore, #tpu.memory_space<semaphore_mem>>) src(%run_scoped3A_3 : memref<128x128xbf16, #tpu.memory_space<vmem>>) dst(%dma_wait3A_176 : memref<10112x128xbf16, #tpu.memory_space<vmem_shared>>)
        %dma_start3A_177 = arith.constant 6 : i32
        %dma_start3A_178 = arith.constant 0 : i32
        %dma_start3A_179 = tpu.memref_slice %run_scoped3A[%rem3A_63, %dma_start3A_177, %dma_start3A_178] : memref<2x8x128xi32, #tpu.memory_space<vmem>> -> memref<1x1x128xi32, #tpu.memory_space<vmem>>
        %dma_start3A_180 = tpu.memref_squeeze %dma_start3A_179 : memref<1x1x128xi32, #tpu.memory_space<vmem>> -> memref<128xi32, #tpu.memory_space<vmem>>
        %dma_start3A_181 = arith.constant 0 : i32
        %dma_start3A_182 = arith.constant 0 : i32
        %dma_start3A_183 = tpu.memref_slice %arg2[%dma_start3A_181, %dma_start3A_182] : memref<10112x128xbf16, #tpu.memory_space<hbm>> -> memref<10112x128xbf16, #tpu.memory_space<hbm>>
        tpu.enqueue_indirect_dma source(%dma_start3A_183 : memref<10112x128xbf16, #tpu.memory_space<hbm>>) target(%run_scoped3A_3 : memref<128x128xbf16, #tpu.memory_space<vmem>>) offsets(%dma_start3A_180 : memref<128xi32, #tpu.memory_space<vmem>>) semaphore(%arg9 : memref<!tpu.dma_semaphore, #tpu.memory_space<semaphore_mem>>)
        %dma_wait3A_184 = arith.constant 4 : i32
        %dma_wait3A_185 = arith.constant 0 : i32
        %dma_wait3A_186 = tpu.memref_slice %run_scoped3A[%rem3A_63, %dma_wait3A_184, %dma_wait3A_185] : memref<2x8x128xi32, #tpu.memory_space<vmem>> -> memref<1x1x128xi32, #tpu.memory_space<vmem>>
        %dma_wait3A_187 = tpu.memref_squeeze %dma_wait3A_186 : memref<1x1x128xi32, #tpu.memory_space<vmem>> -> memref<128xi32, #tpu.memory_space<vmem>>
        %dma_wait3A_188 = arith.constant 0 : i32
        %dma_wait3A_189 = arith.constant 0 : i32
        %dma_wait3A_190 = tpu.memref_slice %arg2[%dma_wait3A_188, %dma_wait3A_189] : memref<10112x128xbf16, #tpu.memory_space<hbm>> -> memref<10112x128xbf16, #tpu.memory_space<hbm>>
        tpu.wait_indirect_dma semaphore(%arg7 : memref<!tpu.dma_semaphore, #tpu.memory_space<semaphore_mem>>) src(%dma_wait3A_190 : memref<10112x128xbf16, #tpu.memory_space<hbm>>) dst(%run_scoped3A_1 : memref<128x128xbf16, #tpu.memory_space<vmem>>)
        %dma_start3A_191 = arith.constant 4 : i32
        %dma_start3A_192 = arith.constant 0 : i32
        %dma_start3A_193 = tpu.memref_slice %run_scoped3A_0[%rem3A_63, %dma_start3A_191, %dma_start3A_192] : memref<2x8x128xi32, #tpu.memory_space<vmem>> -> memref<1x1x128xi32, #tpu.memory_space<vmem>>
        %dma_start3A_194 = tpu.memref_squeeze %dma_start3A_193 : memref<1x1x128xi32, #tpu.memory_space<vmem>> -> memref<128xi32, #tpu.memory_space<vmem>>
        %dma_start3A_195 = arith.constant 0 : i32
        %dma_start3A_196 = arith.constant 0 : i32
        %dma_start3A_197 = tpu.memref_slice %arg6[%dma_start3A_195, %dma_start3A_196] : memref<10112x128xbf16, #tpu.memory_space<vmem_shared>> -> memref<10112x128xbf16, #tpu.memory_space<vmem_shared>>
        tpu.enqueue_indirect_dma source(%run_scoped3A_1 : memref<128x128xbf16, #tpu.memory_space<vmem>>) target(%dma_start3A_197 : memref<10112x128xbf16, #tpu.memory_space<vmem_shared>>) offsets(%dma_start3A_194 : memref<128xi32, #tpu.memory_space<vmem>>) semaphore(%arg12 : memref<!tpu.dma_semaphore, #tpu.memory_space<semaphore_mem>>) {add = true}
        %dma_wait3A_198 = arith.constant 3 : i32
        %dma_wait3A_199 = arith.constant 0 : i32
        %dma_wait3A_200 = tpu.memref_slice %run_scoped3A_0[%rem3A_63, %dma_wait3A_198, %dma_wait3A_199] : memref<2x8x128xi32, #tpu.memory_space<vmem>> -> memref<1x1x128xi32, #tpu.memory_space<vmem>>
        %dma_wait3A_201 = tpu.memref_squeeze %dma_wait3A_200 : memref<1x1x128xi32, #tpu.memory_space<vmem>> -> memref<128xi32, #tpu.memory_space<vmem>>
        %dma_wait3A_202 = arith.constant 0 : i32
        %dma_wait3A_203 = arith.constant 0 : i32
        %dma_wait3A_204 = tpu.memref_slice %arg6[%dma_wait3A_202, %dma_wait3A_203] : memref<10112x128xbf16, #tpu.memory_space<vmem_shared>> -> memref<10112x128xbf16, #tpu.memory_space<vmem_shared>>
        tpu.wait_indirect_dma semaphore(%arg12 : memref<!tpu.dma_semaphore, #tpu.memory_space<semaphore_mem>>) src(%run_scoped3A_4 : memref<128x128xbf16, #tpu.memory_space<vmem>>) dst(%dma_wait3A_204 : memref<10112x128xbf16, #tpu.memory_space<vmem_shared>>)
        %dma_start3A_205 = arith.constant 7 : i32
        %dma_start3A_206 = arith.constant 0 : i32
        %dma_start3A_207 = tpu.memref_slice %run_scoped3A[%rem3A_63, %dma_start3A_205, %dma_start3A_206] : memref<2x8x128xi32, #tpu.memory_space<vmem>> -> memref<1x1x128xi32, #tpu.memory_space<vmem>>
        %dma_start3A_208 = tpu.memref_squeeze %dma_start3A_207 : memref<1x1x128xi32, #tpu.memory_space<vmem>> -> memref<128xi32, #tpu.memory_space<vmem>>
        %dma_start3A_209 = arith.constant 0 : i32
        %dma_start3A_210 = arith.constant 0 : i32
        %dma_start3A_211 = tpu.memref_slice %arg2[%dma_start3A_209, %dma_start3A_210] : memref<10112x128xbf16, #tpu.memory_space<hbm>> -> memref<10112x128xbf16, #tpu.memory_space<hbm>>
        tpu.enqueue_indirect_dma source(%dma_start3A_211 : memref<10112x128xbf16, #tpu.memory_space<hbm>>) target(%run_scoped3A_4 : memref<128x128xbf16, #tpu.memory_space<vmem>>) offsets(%dma_start3A_208 : memref<128xi32, #tpu.memory_space<vmem>>) semaphore(%arg10 : memref<!tpu.dma_semaphore, #tpu.memory_space<semaphore_mem>>)
        %dma_wait3A_212 = arith.constant 5 : i32
        %dma_wait3A_213 = arith.constant 0 : i32
        %dma_wait3A_214 = tpu.memref_slice %run_scoped3A[%rem3A_63, %dma_wait3A_212, %dma_wait3A_213] : memref<2x8x128xi32, #tpu.memory_space<vmem>> -> memref<1x1x128xi32, #tpu.memory_space<vmem>>
        %dma_wait3A_215 = tpu.memref_squeeze %dma_wait3A_214 : memref<1x1x128xi32, #tpu.memory_space<vmem>> -> memref<128xi32, #tpu.memory_space<vmem>>
        %dma_wait3A_216 = arith.constant 0 : i32
        %dma_wait3A_217 = arith.constant 0 : i32
        %dma_wait3A_218 = tpu.memref_slice %arg2[%dma_wait3A_216, %dma_wait3A_217] : memref<10112x128xbf16, #tpu.memory_space<hbm>> -> memref<10112x128xbf16, #tpu.memory_space<hbm>>
        tpu.wait_indirect_dma semaphore(%arg8 : memref<!tpu.dma_semaphore, #tpu.memory_space<semaphore_mem>>) src(%dma_wait3A_218 : memref<10112x128xbf16, #tpu.memory_space<hbm>>) dst(%run_scoped3A_2 : memref<128x128xbf16, #tpu.memory_space<vmem>>)
        %dma_start3A_219 = arith.constant 5 : i32
        %dma_start3A_220 = arith.constant 0 : i32
        %dma_start3A_221 = tpu.memref_slice %run_scoped3A_0[%rem3A_63, %dma_start3A_219, %dma_start3A_220] : memref<2x8x128xi32, #tpu.memory_space<vmem>> -> memref<1x1x128xi32, #tpu.memory_space<vmem>>
        %dma_start3A_222 = tpu.memref_squeeze %dma_start3A_221 : memref<1x1x128xi32, #tpu.memory_space<vmem>> -> memref<128xi32, #tpu.memory_space<vmem>>
        %dma_start3A_223 = arith.constant 0 : i32
        %dma_start3A_224 = arith.constant 0 : i32
        %dma_start3A_225 = tpu.memref_slice %arg6[%dma_start3A_223, %dma_start3A_224] : memref<10112x128xbf16, #tpu.memory_space<vmem_shared>> -> memref<10112x128xbf16, #tpu.memory_space<vmem_shared>>
        tpu.enqueue_indirect_dma source(%run_scoped3A_2 : memref<128x128xbf16, #tpu.memory_space<vmem>>) target(%dma_start3A_225 : memref<10112x128xbf16, #tpu.memory_space<vmem_shared>>) offsets(%dma_start3A_222 : memref<128xi32, #tpu.memory_space<vmem>>) semaphore(%arg12 : memref<!tpu.dma_semaphore, #tpu.memory_space<semaphore_mem>>) {add = true}
        %dma_wait3A_226 = arith.constant 4 : i32
        %dma_wait3A_227 = arith.constant 0 : i32
        %dma_wait3A_228 = tpu.memref_slice %run_scoped3A_0[%rem3A_63, %dma_wait3A_226, %dma_wait3A_227] : memref<2x8x128xi32, #tpu.memory_space<vmem>> -> memref<1x1x128xi32, #tpu.memory_space<vmem>>
        %dma_wait3A_229 = tpu.memref_squeeze %dma_wait3A_228 : memref<1x1x128xi32, #tpu.memory_space<vmem>> -> memref<128xi32, #tpu.memory_space<vmem>>
        %dma_wait3A_230 = arith.constant 0 : i32
        %dma_wait3A_231 = arith.constant 0 : i32
        %dma_wait3A_232 = tpu.memref_slice %arg6[%dma_wait3A_230, %dma_wait3A_231] : memref<10112x128xbf16, #tpu.memory_space<vmem_shared>> -> memref<10112x128xbf16, #tpu.memory_space<vmem_shared>>
        tpu.wait_indirect_dma semaphore(%arg12 : memref<!tpu.dma_semaphore, #tpu.memory_space<semaphore_mem>>) src(%run_scoped3A_1 : memref<128x128xbf16, #tpu.memory_space<vmem>>) dst(%dma_wait3A_232 : memref<10112x128xbf16, #tpu.memory_space<vmem_shared>>)
        %add3A_233 = arith.constant 1 : i32
        %add3A_234 = arith.addi %while3A_62, %add3A_233 : i32
        %lt3A_235 = arith.cmpi slt, %add3A_234, %select_n3A : i32
        %convert_element_type3A_236 = arith.extui %lt3A_235 : i1 to i32
        %cond3A_237 = arith.constant 0 : i32
        %cond3A_238 = arith.cmpi ne, %convert_element_type3A_236, %cond3A_237 : i32
        scf.if %cond3A_238 {
          %dma_wait3A_294 = arith.constant 0 : i32
          %dma_wait3A_295 = arith.constant 0 : i32
          %dma_wait3A_296 = tpu.memref_slice %run_scoped3A[%rem3A_67, %dma_wait3A_294, %dma_wait3A_295] : memref<2x8x128xi32, #tpu.memory_space<vmem>> -> memref<1x8x128xi32, #tpu.memory_space<vmem>>
          %dma_wait3A_297 = tpu.memref_squeeze %dma_wait3A_296 : memref<1x8x128xi32, #tpu.memory_space<vmem>> -> memref<8x128xi32, #tpu.memory_space<vmem>>
          %dma_wait3A_298 = arith.constant 0 : i32
          %dma_wait3A_299 = arith.constant 0 : i32
          %dma_wait3A_300 = tpu.memref_slice %arg3[%select_n3A_13, %dma_wait3A_298, %dma_wait3A_299] : memref<321x8x128xi32, #tpu.memory_space<hbm>> -> memref<1x8x128xi32, #tpu.memory_space<hbm>>
          %dma_wait3A_301 = tpu.memref_squeeze %dma_wait3A_300 : memref<1x8x128xi32, #tpu.memory_space<hbm>> -> memref<8x128xi32, #tpu.memory_space<hbm>>
          %dma_wait3A_302 = arith.constant 0 : i32
          %dma_wait3A_303 = arith.constant 0 : i32
          %dma_wait3A_304 = tpu.memref_slice %run_scoped3A[%rem3A_67, %dma_wait3A_302, %dma_wait3A_303] : memref<2x8x128xi32, #tpu.memory_space<vmem>> -> memref<1x8x128xi32, #tpu.memory_space<vmem>>
          %dma_wait3A_305 = tpu.memref_squeeze %dma_wait3A_304 : memref<1x8x128xi32, #tpu.memory_space<vmem>> -> memref<8x128xi32, #tpu.memory_space<vmem>>
          %dma_wait3A_306 = arith.constant 0 : i32
          %dma_wait3A_307 = arith.constant 0 : i32
          %dma_wait3A_308 = tpu.memref_slice %arg3[%select_n3A_13, %dma_wait3A_306, %dma_wait3A_307] : memref<321x8x128xi32, #tpu.memory_space<hbm>> -> memref<1x8x128xi32, #tpu.memory_space<hbm>>
          %dma_wait3A_309 = tpu.memref_squeeze %dma_wait3A_308 : memref<1x8x128xi32, #tpu.memory_space<hbm>> -> memref<8x128xi32, #tpu.memory_space<hbm>>
          tpu.wait_dma2 semaphore(%arg11 : memref<!tpu.dma_semaphore, #tpu.memory_space<semaphore_mem>>) src(%dma_wait3A_309 : memref<8x128xi32, #tpu.memory_space<hbm>>) dst(%dma_wait3A_305 : memref<8x128xi32, #tpu.memory_space<vmem>>)
          %dma_wait3A_310 = arith.constant 0 : i32
          %dma_wait3A_311 = arith.constant 0 : i32
          %dma_wait3A_312 = tpu.memref_slice %run_scoped3A_0[%rem3A_67, %dma_wait3A_310, %dma_wait3A_311] : memref<2x8x128xi32, #tpu.memory_space<vmem>> -> memref<1x8x128xi32, #tpu.memory_space<vmem>>
          %dma_wait3A_313 = tpu.memref_squeeze %dma_wait3A_312 : memref<1x8x128xi32, #tpu.memory_space<vmem>> -> memref<8x128xi32, #tpu.memory_space<vmem>>
          %dma_wait3A_314 = arith.constant 0 : i32
          %dma_wait3A_315 = arith.constant 0 : i32
          %dma_wait3A_316 = tpu.memref_slice %arg4[%select_n3A_13, %dma_wait3A_314, %dma_wait3A_315] : memref<321x8x128xi32, #tpu.memory_space<hbm>> -> memref<1x8x128xi32, #tpu.memory_space<hbm>>
          %dma_wait3A_317 = tpu.memref_squeeze %dma_wait3A_316 : memref<1x8x128xi32, #tpu.memory_space<hbm>> -> memref<8x128xi32, #tpu.memory_space<hbm>>
          %dma_wait3A_318 = arith.constant 0 : i32
          %dma_wait3A_319 = arith.constant 0 : i32
          %dma_wait3A_320 = tpu.memref_slice %run_scoped3A_0[%rem3A_67, %dma_wait3A_318, %dma_wait3A_319] : memref<2x8x128xi32, #tpu.memory_space<vmem>> -> memref<1x8x128xi32, #tpu.memory_space<vmem>>
          %dma_wait3A_321 = tpu.memref_squeeze %dma_wait3A_320 : memref<1x8x128xi32, #tpu.memory_space<vmem>> -> memref<8x128xi32, #tpu.memory_space<vmem>>
          %dma_wait3A_322 = arith.constant 0 : i32
          %dma_wait3A_323 = arith.constant 0 : i32
          %dma_wait3A_324 = tpu.memref_slice %arg4[%select_n3A_13, %dma_wait3A_322, %dma_wait3A_323] : memref<321x8x128xi32, #tpu.memory_space<hbm>> -> memref<1x8x128xi32, #tpu.memory_space<hbm>>
          %dma_wait3A_325 = tpu.memref_squeeze %dma_wait3A_324 : memref<1x8x128xi32, #tpu.memory_space<hbm>> -> memref<8x128xi32, #tpu.memory_space<hbm>>
          tpu.wait_dma2 semaphore(%arg11 : memref<!tpu.dma_semaphore, #tpu.memory_space<semaphore_mem>>) src(%dma_wait3A_325 : memref<8x128xi32, #tpu.memory_space<hbm>>) dst(%dma_wait3A_321 : memref<8x128xi32, #tpu.memory_space<vmem>>)
          %dma_start3A_326 = arith.constant 0 : i32
          %dma_start3A_327 = arith.constant 0 : i32
          %dma_start3A_328 = tpu.memref_slice %run_scoped3A[%rem3A_67, %dma_start3A_326, %dma_start3A_327] : memref<2x8x128xi32, #tpu.memory_space<vmem>> -> memref<1x1x128xi32, #tpu.memory_space<vmem>>
          %dma_start3A_329 = tpu.memref_squeeze %dma_start3A_328 : memref<1x1x128xi32, #tpu.memory_space<vmem>> -> memref<128xi32, #tpu.memory_space<vmem>>
          %dma_start3A_330 = arith.constant 0 : i32
          %dma_start3A_331 = arith.constant 0 : i32
          %dma_start3A_332 = tpu.memref_slice %arg2[%dma_start3A_330, %dma_start3A_331] : memref<10112x128xbf16, #tpu.memory_space<hbm>> -> memref<10112x128xbf16, #tpu.memory_space<hbm>>
          tpu.enqueue_indirect_dma source(%dma_start3A_332 : memref<10112x128xbf16, #tpu.memory_space<hbm>>) target(%run_scoped3A_1 : memref<128x128xbf16, #tpu.memory_space<vmem>>) offsets(%dma_start3A_329 : memref<128xi32, #tpu.memory_space<vmem>>) semaphore(%arg7 : memref<!tpu.dma_semaphore, #tpu.memory_space<semaphore_mem>>)
        } else {
        }
        %dma_wait3A_239 = arith.constant 6 : i32
        %dma_wait3A_240 = arith.constant 0 : i32
        %dma_wait3A_241 = tpu.memref_slice %run_scoped3A[%rem3A_63, %dma_wait3A_239, %dma_wait3A_240] : memref<2x8x128xi32, #tpu.memory_space<vmem>> -> memref<1x1x128xi32, #tpu.memory_space<vmem>>
        %dma_wait3A_242 = tpu.memref_squeeze %dma_wait3A_241 : memref<1x1x128xi32, #tpu.memory_space<vmem>> -> memref<128xi32, #tpu.memory_space<vmem>>
        %dma_wait3A_243 = arith.constant 0 : i32
        %dma_wait3A_244 = arith.constant 0 : i32
        %dma_wait3A_245 = tpu.memref_slice %arg2[%dma_wait3A_243, %dma_wait3A_244] : memref<10112x128xbf16, #tpu.memory_space<hbm>> -> memref<10112x128xbf16, #tpu.memory_space<hbm>>
        tpu.wait_indirect_dma semaphore(%arg9 : memref<!tpu.dma_semaphore, #tpu.memory_space<semaphore_mem>>) src(%dma_wait3A_245 : memref<10112x128xbf16, #tpu.memory_space<hbm>>) dst(%run_scoped3A_3 : memref<128x128xbf16, #tpu.memory_space<vmem>>)
        %dma_start3A_246 = arith.constant 6 : i32
        %dma_start3A_247 = arith.constant 0 : i32
        %dma_start3A_248 = tpu.memref_slice %run_scoped3A_0[%rem3A_63, %dma_start3A_246, %dma_start3A_247] : memref<2x8x128xi32, #tpu.memory_space<vmem>> -> memref<1x1x128xi32, #tpu.memory_space<vmem>>
        %dma_start3A_249 = tpu.memref_squeeze %dma_start3A_248 : memref<1x1x128xi32, #tpu.memory_space<vmem>> -> memref<128xi32, #tpu.memory_space<vmem>>
        %dma_start3A_250 = arith.constant 0 : i32
        %dma_start3A_251 = arith.constant 0 : i32
        %dma_start3A_252 = tpu.memref_slice %arg6[%dma_start3A_250, %dma_start3A_251] : memref<10112x128xbf16, #tpu.memory_space<vmem_shared>> -> memref<10112x128xbf16, #tpu.memory_space<vmem_shared>>
        tpu.enqueue_indirect_dma source(%run_scoped3A_3 : memref<128x128xbf16, #tpu.memory_space<vmem>>) target(%dma_start3A_252 : memref<10112x128xbf16, #tpu.memory_space<vmem_shared>>) offsets(%dma_start3A_249 : memref<128xi32, #tpu.memory_space<vmem>>) semaphore(%arg12 : memref<!tpu.dma_semaphore, #tpu.memory_space<semaphore_mem>>) {add = true}
        %dma_wait3A_253 = arith.constant 5 : i32
        %dma_wait3A_254 = arith.constant 0 : i32
        %dma_wait3A_255 = tpu.memref_slice %run_scoped3A_0[%rem3A_63, %dma_wait3A_253, %dma_wait3A_254] : memref<2x8x128xi32, #tpu.memory_space<vmem>> -> memref<1x1x128xi32, #tpu.memory_space<vmem>>
        %dma_wait3A_256 = tpu.memref_squeeze %dma_wait3A_255 : memref<1x1x128xi32, #tpu.memory_space<vmem>> -> memref<128xi32, #tpu.memory_space<vmem>>
        %dma_wait3A_257 = arith.constant 0 : i32
        %dma_wait3A_258 = arith.constant 0 : i32
        %dma_wait3A_259 = tpu.memref_slice %arg6[%dma_wait3A_257, %dma_wait3A_258] : memref<10112x128xbf16, #tpu.memory_space<vmem_shared>> -> memref<10112x128xbf16, #tpu.memory_space<vmem_shared>>
        tpu.wait_indirect_dma semaphore(%arg12 : memref<!tpu.dma_semaphore, #tpu.memory_space<semaphore_mem>>) src(%run_scoped3A_2 : memref<128x128xbf16, #tpu.memory_space<vmem>>) dst(%dma_wait3A_259 : memref<10112x128xbf16, #tpu.memory_space<vmem_shared>>)
        %add3A_260 = arith.constant 1 : i32
        %add3A_261 = arith.addi %while3A_62, %add3A_260 : i32
        %lt3A_262 = arith.cmpi slt, %add3A_261, %select_n3A : i32
        %convert_element_type3A_263 = arith.extui %lt3A_262 : i1 to i32
        %cond3A_264 = arith.constant 0 : i32
        %cond3A_265 = arith.cmpi ne, %convert_element_type3A_263, %cond3A_264 : i32
        scf.if %cond3A_265 {
          %dma_start3A_294 = arith.constant 1 : i32
          %dma_start3A_295 = arith.constant 0 : i32
          %dma_start3A_296 = tpu.memref_slice %run_scoped3A[%rem3A_67, %dma_start3A_294, %dma_start3A_295] : memref<2x8x128xi32, #tpu.memory_space<vmem>> -> memref<1x1x128xi32, #tpu.memory_space<vmem>>
          %dma_start3A_297 = tpu.memref_squeeze %dma_start3A_296 : memref<1x1x128xi32, #tpu.memory_space<vmem>> -> memref<128xi32, #tpu.memory_space<vmem>>
          %dma_start3A_298 = arith.constant 0 : i32
          %dma_start3A_299 = arith.constant 0 : i32
          %dma_start3A_300 = tpu.memref_slice %arg2[%dma_start3A_298, %dma_start3A_299] : memref<10112x128xbf16, #tpu.memory_space<hbm>> -> memref<10112x128xbf16, #tpu.memory_space<hbm>>
          tpu.enqueue_indirect_dma source(%dma_start3A_300 : memref<10112x128xbf16, #tpu.memory_space<hbm>>) target(%run_scoped3A_2 : memref<128x128xbf16, #tpu.memory_space<vmem>>) offsets(%dma_start3A_297 : memref<128xi32, #tpu.memory_space<vmem>>) semaphore(%arg8 : memref<!tpu.dma_semaphore, #tpu.memory_space<semaphore_mem>>)
        } else {
        }
        %dma_wait3A_266 = arith.constant 7 : i32
        %dma_wait3A_267 = arith.constant 0 : i32
        %dma_wait3A_268 = tpu.memref_slice %run_scoped3A[%rem3A_63, %dma_wait3A_266, %dma_wait3A_267] : memref<2x8x128xi32, #tpu.memory_space<vmem>> -> memref<1x1x128xi32, #tpu.memory_space<vmem>>
        %dma_wait3A_269 = tpu.memref_squeeze %dma_wait3A_268 : memref<1x1x128xi32, #tpu.memory_space<vmem>> -> memref<128xi32, #tpu.memory_space<vmem>>
        %dma_wait3A_270 = arith.constant 0 : i32
        %dma_wait3A_271 = arith.constant 0 : i32
        %dma_wait3A_272 = tpu.memref_slice %arg2[%dma_wait3A_270, %dma_wait3A_271] : memref<10112x128xbf16, #tpu.memory_space<hbm>> -> memref<10112x128xbf16, #tpu.memory_space<hbm>>
        tpu.wait_indirect_dma semaphore(%arg10 : memref<!tpu.dma_semaphore, #tpu.memory_space<semaphore_mem>>) src(%dma_wait3A_272 : memref<10112x128xbf16, #tpu.memory_space<hbm>>) dst(%run_scoped3A_4 : memref<128x128xbf16, #tpu.memory_space<vmem>>)
        %dma_start3A_273 = arith.constant 7 : i32
        %dma_start3A_274 = arith.constant 0 : i32
        %dma_start3A_275 = tpu.memref_slice %run_scoped3A_0[%rem3A_63, %dma_start3A_273, %dma_start3A_274] : memref<2x8x128xi32, #tpu.memory_space<vmem>> -> memref<1x1x128xi32, #tpu.memory_space<vmem>>
        %dma_start3A_276 = tpu.memref_squeeze %dma_start3A_275 : memref<1x1x128xi32, #tpu.memory_space<vmem>> -> memref<128xi32, #tpu.memory_space<vmem>>
        %dma_start3A_277 = arith.constant 0 : i32
        %dma_start3A_278 = arith.constant 0 : i32
        %dma_start3A_279 = tpu.memref_slice %arg6[%dma_start3A_277, %dma_start3A_278] : memref<10112x128xbf16, #tpu.memory_space<vmem_shared>> -> memref<10112x128xbf16, #tpu.memory_space<vmem_shared>>
        tpu.enqueue_indirect_dma source(%run_scoped3A_4 : memref<128x128xbf16, #tpu.memory_space<vmem>>) target(%dma_start3A_279 : memref<10112x128xbf16, #tpu.memory_space<vmem_shared>>) offsets(%dma_start3A_276 : memref<128xi32, #tpu.memory_space<vmem>>) semaphore(%arg12 : memref<!tpu.dma_semaphore, #tpu.memory_space<semaphore_mem>>) {add = true}
        %dma_wait3A_280 = arith.constant 6 : i32
        %dma_wait3A_281 = arith.constant 0 : i32
        %dma_wait3A_282 = tpu.memref_slice %run_scoped3A_0[%rem3A_63, %dma_wait3A_280, %dma_wait3A_281] : memref<2x8x128xi32, #tpu.memory_space<vmem>> -> memref<1x1x128xi32, #tpu.memory_space<vmem>>
        %dma_wait3A_283 = tpu.memref_squeeze %dma_wait3A_282 : memref<1x1x128xi32, #tpu.memory_space<vmem>> -> memref<128xi32, #tpu.memory_space<vmem>>
        %dma_wait3A_284 = arith.constant 0 : i32
        %dma_wait3A_285 = arith.constant 0 : i32
        %dma_wait3A_286 = tpu.memref_slice %arg6[%dma_wait3A_284, %dma_wait3A_285] : memref<10112x128xbf16, #tpu.memory_space<vmem_shared>> -> memref<10112x128xbf16, #tpu.memory_space<vmem_shared>>
        tpu.wait_indirect_dma semaphore(%arg12 : memref<!tpu.dma_semaphore, #tpu.memory_space<semaphore_mem>>) src(%run_scoped3A_3 : memref<128x128xbf16, #tpu.memory_space<vmem>>) dst(%dma_wait3A_286 : memref<10112x128xbf16, #tpu.memory_space<vmem_shared>>)
        %dma_wait3A_287 = arith.constant 7 : i32
        %dma_wait3A_288 = arith.constant 0 : i32
        %dma_wait3A_289 = tpu.memref_slice %run_scoped3A_0[%rem3A_63, %dma_wait3A_287, %dma_wait3A_288] : memref<2x8x128xi32, #tpu.memory_space<vmem>> -> memref<1x1x128xi32, #tpu.memory_space<vmem>>
        %dma_wait3A_290 = tpu.memref_squeeze %dma_wait3A_289 : memref<1x1x128xi32, #tpu.memory_space<vmem>> -> memref<128xi32, #tpu.memory_space<vmem>>
        %dma_wait3A_291 = arith.constant 0 : i32
        %dma_wait3A_292 = arith.constant 0 : i32
        %dma_wait3A_293 = tpu.memref_slice %arg6[%dma_wait3A_291, %dma_wait3A_292] : memref<10112x128xbf16, #tpu.memory_space<vmem_shared>> -> memref<10112x128xbf16, #tpu.memory_space<vmem_shared>>
        tpu.wait_indirect_dma semaphore(%arg12 : memref<!tpu.dma_semaphore, #tpu.memory_space<semaphore_mem>>) src(%run_scoped3A_4 : memref<128x128xbf16, #tpu.memory_space<vmem>>) dst(%dma_wait3A_293 : memref<10112x128xbf16, #tpu.memory_space<vmem_shared>>)
      }
      %eq3A_58 = arith.constant 0 : i32
      %eq3A_59 = arith.cmpi eq, %select_n3A, %eq3A_58 : i32
      %convert_element_type3A = arith.extui %eq3A_59 : i1 to i32
      %cond3A = arith.constant 0 : i32
      %cond3A_60 = arith.cmpi ne, %convert_element_type3A, %cond3A : i32
      scf.if %cond3A_60 {
        %dma_wait3A = arith.constant 0 : i32
        %dma_wait3A_62 = arith.constant 0 : i32
        %dma_wait3A_63 = arith.constant 0 : i32
        %dma_wait3A_64 = tpu.memref_slice %run_scoped3A[%dma_wait3A, %dma_wait3A_62, %dma_wait3A_63] : memref<2x8x128xi32, #tpu.memory_space<vmem>> -> memref<1x1x128xi32, #tpu.memory_space<vmem>>
        %dma_wait3A_65 = tpu.memref_squeeze %dma_wait3A_64 : memref<1x1x128xi32, #tpu.memory_space<vmem>> -> memref<128xi32, #tpu.memory_space<vmem>>
        %dma_wait3A_66 = arith.constant 0 : i32
        %dma_wait3A_67 = arith.constant 0 : i32
        %dma_wait3A_68 = tpu.memref_slice %arg2[%dma_wait3A_66, %dma_wait3A_67] : memref<10112x128xbf16, #tpu.memory_space<hbm>> -> memref<10112x128xbf16, #tpu.memory_space<hbm>>
        tpu.wait_indirect_dma semaphore(%arg7 : memref<!tpu.dma_semaphore, #tpu.memory_space<semaphore_mem>>) src(%dma_wait3A_68 : memref<10112x128xbf16, #tpu.memory_space<hbm>>) dst(%run_scoped3A_1 : memref<128x128xbf16, #tpu.memory_space<vmem>>)
        %dma_wait3A_69 = arith.constant 0 : i32
        %dma_wait3A_70 = arith.constant 1 : i32
        %dma_wait3A_71 = arith.constant 0 : i32
        %dma_wait3A_72 = tpu.memref_slice %run_scoped3A[%dma_wait3A_69, %dma_wait3A_70, %dma_wait3A_71] : memref<2x8x128xi32, #tpu.memory_space<vmem>> -> memref<1x1x128xi32, #tpu.memory_space<vmem>>
        %dma_wait3A_73 = tpu.memref_squeeze %dma_wait3A_72 : memref<1x1x128xi32, #tpu.memory_space<vmem>> -> memref<128xi32, #tpu.memory_space<vmem>>
        %dma_wait3A_74 = arith.constant 0 : i32
        %dma_wait3A_75 = arith.constant 0 : i32
        %dma_wait3A_76 = tpu.memref_slice %arg2[%dma_wait3A_74, %dma_wait3A_75] : memref<10112x128xbf16, #tpu.memory_space<hbm>> -> memref<10112x128xbf16, #tpu.memory_space<hbm>>
        tpu.wait_indirect_dma semaphore(%arg8 : memref<!tpu.dma_semaphore, #tpu.memory_space<semaphore_mem>>) src(%dma_wait3A_76 : memref<10112x128xbf16, #tpu.memory_space<hbm>>) dst(%run_scoped3A_2 : memref<128x128xbf16, #tpu.memory_space<vmem>>)
      } else {
      }
      %barrier3A_61 = arith.constant 0 : index
      tpu.barrier barrier_id(%barrier3A_61)
      "tpu.region"() ({
        %run_scoped3A_62 = tpu.sem_alloc : memref<!tpu.dma_semaphore, #tpu.memory_space<semaphore_mem>>
        %dma_start3A_63 = arith.constant 0 : i32
        %dma_start3A_64 = tpu.memref_slice %arg5[%arg0, %multiple_of3A, %dma_start3A_63] : memref<2x10112x128xbf16, #tpu.memory_space<hbm>> -> memref<1x632x128xbf16, #tpu.memory_space<hbm>>
        %dma_start3A_65 = tpu.memref_squeeze %dma_start3A_64 : memref<1x632x128xbf16, #tpu.memory_space<hbm>> -> memref<632x128xbf16, #tpu.memory_space<hbm>>
        %dma_start3A_66 = arith.constant 0 : i32
        %dma_start3A_67 = tpu.memref_slice %arg6[%multiple_of3A, %dma_start3A_66] : memref<10112x128xbf16, #tpu.memory_space<vmem_shared>> -> memref<632x128xbf16, #tpu.memory_space<vmem_shared>>
        tpu.enqueue_dma source(%dma_start3A_67 : memref<632x128xbf16, #tpu.memory_space<vmem_shared>>) target(%dma_start3A_65 : memref<632x128xbf16, #tpu.memory_space<hbm>>) target_semaphore(%run_scoped3A_62 : memref<!tpu.dma_semaphore, #tpu.memory_space<semaphore_mem>>)
        %dma_wait3A = arith.constant 0 : i32
        %dma_wait3A_68 = tpu.memref_slice %arg5[%arg0, %multiple_of3A, %dma_wait3A] : memref<2x10112x128xbf16, #tpu.memory_space<hbm>> -> memref<1x632x128xbf16, #tpu.memory_space<hbm>>
        %dma_wait3A_69 = tpu.memref_squeeze %dma_wait3A_68 : memref<1x632x128xbf16, #tpu.memory_space<hbm>> -> memref<632x128xbf16, #tpu.memory_space<hbm>>
        %dma_wait3A_70 = arith.constant 0 : i32
        %dma_wait3A_71 = tpu.memref_slice %arg6[%multiple_of3A, %dma_wait3A_70] : memref<10112x128xbf16, #tpu.memory_space<vmem_shared>> -> memref<632x128xbf16, #tpu.memory_space<vmem_shared>>
        tpu.wait_dma2 semaphore(%run_scoped3A_62 : memref<!tpu.dma_semaphore, #tpu.memory_space<semaphore_mem>>) src(%dma_wait3A_71 : memref<632x128xbf16, #tpu.memory_space<vmem_shared>>) dst(%dma_wait3A_69 : memref<632x128xbf16, #tpu.memory_space<hbm>>)
        tpu.yield
      }) : () -> ()
      tpu.yield
    }) : () -> ()
    return
  }
}

module attributes {stable_mosaic.version = 14 : i64} {
  func.func @body(%arg0: i32, %arg1: memref<2x1024x128xbf16, #tpu.memory_space<vmem>>, %arg2: memref<2x1024x8xf32, #tpu.memory_space<vmem>>, %arg3: memref<1024x128xf32, #tpu.memory_space<vmem>>, %arg4: memref<128x128xf32, #tpu.memory_space<vmem>>, %arg5: memref<128x128xf32, #tpu.memory_space<vmem>>, %arg6: memref<1x128xf32, #tpu.memory_space<vmem>>, %arg7: memref<1024x128xbf16, #tpu.memory_space<vmem>>, %arg8: memref<1024x128xf32, #tpu.memory_space<vmem>>, %arg9: memref<1024x128xbf16, #tpu.memory_space<vmem>>) attributes {dimension_semantics = [#tpu.dimension_semantics<arbitrary>], iteration_bounds = array<i64: 10>, scalar_prefetch = 0 : i64, scratch_operands = 0 : i64, tpu.core_type = #tpu.core_type<tc>, window_params = [{transform_indices = @transform_0, window_bounds = array<i64: 2, 1024, 128>}, {transform_indices = @transform_1, window_bounds = array<i64: 2, 1024, 8>}, {transform_indices = @transform_2, window_bounds = array<i64: 1024, 128>}, {pipeline_mode = #tpu.pipeline_mode<synchronous>, transform_indices = @transform_3, window_bounds = array<i64: 128, 128>}, {pipeline_mode = #tpu.pipeline_mode<synchronous>, transform_indices = @transform_4, window_bounds = array<i64: 128, 128>}, {pipeline_mode = #tpu.pipeline_mode<synchronous>, transform_indices = @transform_5, window_bounds = array<i64: 1, 128>}, {transform_indices = @transform_6, window_bounds = array<i64: 1024, 128>}, {transform_indices = @transform_7, window_bounds = array<i64: 1024, 128>}, {transform_indices = @transform_8, window_bounds = array<i64: 1024, 128>}]} {
    %get3A = arith.constant 0 : index
    %get3A_0 = arith.constant 0 : index
    %get3A_1 = arith.constant 0 : index
    %get3A_2 = vector.load %arg2[%get3A, %get3A_0, %get3A_1] : memref<2x1024x8xf32, #tpu.memory_space<vmem>>, vector<1x1024x8xf32>
    %get3A_3 = vector.shape_cast %get3A_2 : vector<1x1024x8xf32> to vector<1024x8xf32>
    %slice3A = vector.extract_strided_slice %get3A_3 {offsets = [0, 0], sizes = [1024, 1], strides = [1, 1]} : vector<1024x8xf32> to vector<1024x1xf32>
    %get3A_4 = arith.constant 1 : index
    %get3A_5 = arith.constant 0 : index
    %get3A_6 = arith.constant 0 : index
    %get3A_7 = vector.load %arg2[%get3A_4, %get3A_5, %get3A_6] : memref<2x1024x8xf32, #tpu.memory_space<vmem>>, vector<1x1024x8xf32>
    %get3A_8 = vector.shape_cast %get3A_7 : vector<1x1024x8xf32> to vector<1024x8xf32>
    %slice3A_9 = vector.extract_strided_slice %get3A_8 {offsets = [0, 0], sizes = [1024, 1], strides = [1, 1]} : vector<1024x8xf32> to vector<1024x1xf32>
    %add3A = arith.addf %slice3A, %slice3A_9 : vector<1024x1xf32>
    %get3A_10 = arith.constant 0 : index
    %get3A_11 = arith.constant 0 : index
    %get3A_12 = arith.constant 0 : index
    %get3A_13 = vector.load %arg1[%get3A_10, %get3A_11, %get3A_12] : memref<2x1024x128xbf16, #tpu.memory_space<vmem>>, vector<1x1024x128xbf16>
    %get3A_14 = vector.shape_cast %get3A_13 : vector<1x1024x128xbf16> to vector<1024x128xbf16>
    %convert_element_type3A = arith.extf %get3A_14 : vector<1024x128xbf16> to vector<1024x128xf32>
    %get3A_15 = arith.constant 1 : index
    %get3A_16 = arith.constant 0 : index
    %get3A_17 = arith.constant 0 : index
    %get3A_18 = vector.load %arg1[%get3A_15, %get3A_16, %get3A_17] : memref<2x1024x128xbf16, #tpu.memory_space<vmem>>, vector<1x1024x128xbf16>
    %get3A_19 = vector.shape_cast %get3A_18 : vector<1x1024x128xbf16> to vector<1024x128xbf16>
    %convert_element_type3A_20 = arith.extf %get3A_19 : vector<1024x128xbf16> to vector<1024x128xf32>
    %add3A_21 = arith.addf %convert_element_type3A, %convert_element_type3A_20 : vector<1024x128xf32>
    %max3A = arith.constant 1.000000e+00 : f32
    %max3A_22 = vector.broadcast %max3A : f32 to vector<1024x1xf32>
    %max3A_23 = arith.maximumf %add3A, %max3A_22 : vector<1024x1xf32>
    %div3A = vector.broadcast %max3A_23 : vector<1024x1xf32> to vector<1024x128xf32>
    %div3A_24 = arith.divf %add3A_21, %div3A : vector<1024x128xf32>
    %get3A_25 = arith.constant 0 : index
    %get3A_26 = arith.constant 0 : index
    %get3A_27 = vector.load %arg4[%get3A_25, %get3A_26] : memref<128x128xf32, #tpu.memory_space<vmem>>, vector<128x128xf32>
    %dot_general3A = arith.constant dense<0.000000e+00> : vector<1024x128xf32>
    %dot_general3A_28 = tpu.matmul %div3A_24, %get3A_27, %dot_general3A {dimension_numbers = #tpu.dot_dimension_numbers<[1], [0], [0], [1], [0, 0, 1, 1], [], []>, transpose_lhs_hint = false} : vector<1024x128xf32>, vector<128x128xf32>, vector<1024x128xf32> -> vector<1024x128xf32>
    %get3A_29 = arith.constant 0 : index
    %get3A_30 = arith.constant 0 : index
    %get3A_31 = vector.load %arg3[%get3A_29, %get3A_30] : memref<1024x128xf32, #tpu.memory_space<vmem>>, vector<1024x128xf32>
    %get3A_32 = arith.constant 0 : index
    %get3A_33 = arith.constant 0 : index
    %get3A_34 = vector.load %arg5[%get3A_32, %get3A_33] : memref<128x128xf32, #tpu.memory_space<vmem>>, vector<128x128xf32>
    %dot_general3A_35 = arith.constant dense<0.000000e+00> : vector<1024x128xf32>
    %dot_general3A_36 = tpu.matmul %get3A_31, %get3A_34, %dot_general3A_35 {dimension_numbers = #tpu.dot_dimension_numbers<[1], [0], [0], [1], [0, 0, 1, 1], [], []>, transpose_lhs_hint = false} : vector<1024x128xf32>, vector<128x128xf32>, vector<1024x128xf32> -> vector<1024x128xf32>
    %add3A_37 = arith.addf %dot_general3A_28, %dot_general3A_36 : vector<1024x128xf32>
    %get3A_38 = arith.constant 0 : index
    %get3A_39 = arith.constant 0 : index
    %get3A_40 = vector.load %arg6[%get3A_38, %get3A_39] : memref<1x128xf32, #tpu.memory_space<vmem>>, vector<1x128xf32>
    %add3A_41 = vector.broadcast %get3A_40 : vector<1x128xf32> to vector<1024x128xf32>
    %add3A_42 = arith.addf %add3A_37, %add3A_41 : vector<1024x128xf32>
    %max3A_43 = arith.constant 0.000000e+00 : f32
    %max3A_44 = vector.broadcast %max3A_43 : f32 to vector<1024x128xf32>
    %max3A_45 = arith.maximumf %add3A_42, %max3A_44 : vector<1024x128xf32>
    %swap3A = arith.constant 0 : index
    %swap3A_46 = arith.constant 0 : index
    %swap3A_47 = vector.load %arg8[%swap3A, %swap3A_46] : memref<1024x128xf32, #tpu.memory_space<vmem>>, vector<1024x128xf32>
    tpu.vector_store %arg8[%swap3A, %swap3A_46], %max3A_45 {strides = array<i32>} : memref<1024x128xf32, #tpu.memory_space<vmem>>, vector<1024x128xf32>,
    %convert_element_type3A_48 = arith.truncf %max3A_45 : vector<1024x128xf32> to vector<1024x128xbf16>
    %swap3A_49 = arith.constant 0 : index
    %swap3A_50 = arith.constant 0 : index
    %swap3A_51 = vector.load %arg9[%swap3A_49, %swap3A_50] : memref<1024x128xbf16, #tpu.memory_space<vmem>>, vector<1024x128xbf16>
    tpu.vector_store %arg9[%swap3A_49, %swap3A_50], %convert_element_type3A_48 {strides = array<i32>} : memref<1024x128xbf16, #tpu.memory_space<vmem>>, vector<1024x128xbf16>,
    return
  }
  func.func @transform_0(%arg0: i32) -> (i32, i32, i32) {
    %c0_i32 = arith.constant 0 : i32
    %c0_i32_0 = arith.constant 0 : i32
    %c0_i32_1 = arith.constant 0 : i32
    return %c0_i32, %arg0, %c0_i32_0 : i32, i32, i32
  }
  func.func @transform_1(%arg0: i32) -> (i32, i32, i32) {
    %c0_i32 = arith.constant 0 : i32
    %c0_i32_0 = arith.constant 0 : i32
    %c0_i32_1 = arith.constant 0 : i32
    return %c0_i32, %arg0, %c0_i32_0 : i32, i32, i32
  }
  func.func @transform_2(%arg0: i32) -> (i32, i32) {
    %c0_i32 = arith.constant 0 : i32
    %c0_i32_0 = arith.constant 0 : i32
    return %arg0, %c0_i32 : i32, i32
  }
  func.func @transform_3(%arg0: i32) -> (i32, i32) {
    %c0_i32 = arith.constant 0 : i32
    %c0_i32_0 = arith.constant 0 : i32
    %c0_i32_1 = arith.constant 0 : i32
    return %c0_i32, %c0_i32_0 : i32, i32
  }
  func.func @transform_4(%arg0: i32) -> (i32, i32) {
    %c0_i32 = arith.constant 0 : i32
    %c0_i32_0 = arith.constant 0 : i32
    %c0_i32_1 = arith.constant 0 : i32
    return %c0_i32, %c0_i32_0 : i32, i32
  }
  func.func @transform_5(%arg0: i32) -> (i32, i32) {
    %c0_i32 = arith.constant 0 : i32
    %c0_i32_0 = arith.constant 0 : i32
    %c0_i32_1 = arith.constant 0 : i32
    return %c0_i32, %c0_i32_0 : i32, i32
  }
  func.func @transform_6(%arg0: i32) -> (i32, i32) {
    %c0_i32 = arith.constant 0 : i32
    %c0_i32_0 = arith.constant 0 : i32
    return %arg0, %c0_i32 : i32, i32
  }
  func.func @transform_7(%arg0: i32) -> (i32, i32) {
    %c0_i32 = arith.constant 0 : i32
    %c0_i32_0 = arith.constant 0 : i32
    return %arg0, %c0_i32 : i32, i32
  }
  func.func @transform_8(%arg0: i32) -> (i32, i32) {
    %c0_i32 = arith.constant 0 : i32
    %c0_i32_0 = arith.constant 0 : i32
    return %arg0, %c0_i32 : i32, i32
  }
}

module attributes {stable_mosaic.version = 14 : i64} {
  func.func @body(%arg0: i32, %arg1: memref<2x1024x128xbf16, #tpu.memory_space<vmem>>, %arg2: memref<2x1024x8xf32, #tpu.memory_space<vmem>>, %arg3: memref<1024x128xf32, #tpu.memory_space<vmem>>, %arg4: memref<128x128xf32, #tpu.memory_space<vmem>>, %arg5: memref<128x128xf32, #tpu.memory_space<vmem>>, %arg6: memref<1x128xf32, #tpu.memory_space<vmem>>, %arg7: memref<1024x128xf32, #tpu.memory_space<vmem>>) attributes {dimension_semantics = [#tpu.dimension_semantics<arbitrary>], iteration_bounds = array<i64: 10>, scalar_prefetch = 0 : i64, scratch_operands = 0 : i64, tpu.core_type = #tpu.core_type<tc>, window_params = [{transform_indices = @transform_0, window_bounds = array<i64: 2, 1024, 128>}, {transform_indices = @transform_1, window_bounds = array<i64: 2, 1024, 8>}, {transform_indices = @transform_2, window_bounds = array<i64: 1024, 128>}, {pipeline_mode = #tpu.pipeline_mode<synchronous>, transform_indices = @transform_3, window_bounds = array<i64: 128, 128>}, {pipeline_mode = #tpu.pipeline_mode<synchronous>, transform_indices = @transform_4, window_bounds = array<i64: 128, 128>}, {pipeline_mode = #tpu.pipeline_mode<synchronous>, transform_indices = @transform_5, window_bounds = array<i64: 1, 128>}, {transform_indices = @transform_6, window_bounds = array<i64: 1024, 128>}]} {
    %get3A = arith.constant 0 : index
    %get3A_0 = arith.constant 0 : index
    %get3A_1 = arith.constant 0 : index
    %get3A_2 = vector.load %arg2[%get3A, %get3A_0, %get3A_1] : memref<2x1024x8xf32, #tpu.memory_space<vmem>>, vector<1x1024x8xf32>
    %get3A_3 = vector.shape_cast %get3A_2 : vector<1x1024x8xf32> to vector<1024x8xf32>
    %slice3A = vector.extract_strided_slice %get3A_3 {offsets = [0, 0], sizes = [1024, 1], strides = [1, 1]} : vector<1024x8xf32> to vector<1024x1xf32>
    %get3A_4 = arith.constant 1 : index
    %get3A_5 = arith.constant 0 : index
    %get3A_6 = arith.constant 0 : index
    %get3A_7 = vector.load %arg2[%get3A_4, %get3A_5, %get3A_6] : memref<2x1024x8xf32, #tpu.memory_space<vmem>>, vector<1x1024x8xf32>
    %get3A_8 = vector.shape_cast %get3A_7 : vector<1x1024x8xf32> to vector<1024x8xf32>
    %slice3A_9 = vector.extract_strided_slice %get3A_8 {offsets = [0, 0], sizes = [1024, 1], strides = [1, 1]} : vector<1024x8xf32> to vector<1024x1xf32>
    %add3A = arith.addf %slice3A, %slice3A_9 : vector<1024x1xf32>
    %get3A_10 = arith.constant 0 : index
    %get3A_11 = arith.constant 0 : index
    %get3A_12 = arith.constant 0 : index
    %get3A_13 = vector.load %arg1[%get3A_10, %get3A_11, %get3A_12] : memref<2x1024x128xbf16, #tpu.memory_space<vmem>>, vector<1x1024x128xbf16>
    %get3A_14 = vector.shape_cast %get3A_13 : vector<1x1024x128xbf16> to vector<1024x128xbf16>
    %convert_element_type3A = arith.extf %get3A_14 : vector<1024x128xbf16> to vector<1024x128xf32>
    %get3A_15 = arith.constant 1 : index
    %get3A_16 = arith.constant 0 : index
    %get3A_17 = arith.constant 0 : index
    %get3A_18 = vector.load %arg1[%get3A_15, %get3A_16, %get3A_17] : memref<2x1024x128xbf16, #tpu.memory_space<vmem>>, vector<1x1024x128xbf16>
    %get3A_19 = vector.shape_cast %get3A_18 : vector<1x1024x128xbf16> to vector<1024x128xbf16>
    %convert_element_type3A_20 = arith.extf %get3A_19 : vector<1024x128xbf16> to vector<1024x128xf32>
    %add3A_21 = arith.addf %convert_element_type3A, %convert_element_type3A_20 : vector<1024x128xf32>
    %max3A = arith.constant 1.000000e+00 : f32
    %max3A_22 = vector.broadcast %max3A : f32 to vector<1024x1xf32>
    %max3A_23 = arith.maximumf %add3A, %max3A_22 : vector<1024x1xf32>
    %div3A = vector.broadcast %max3A_23 : vector<1024x1xf32> to vector<1024x128xf32>
    %div3A_24 = arith.divf %add3A_21, %div3A : vector<1024x128xf32>
    %get3A_25 = arith.constant 0 : index
    %get3A_26 = arith.constant 0 : index
    %get3A_27 = vector.load %arg4[%get3A_25, %get3A_26] : memref<128x128xf32, #tpu.memory_space<vmem>>, vector<128x128xf32>
    %dot_general3A = arith.constant dense<0.000000e+00> : vector<1024x128xf32>
    %dot_general3A_28 = tpu.matmul %div3A_24, %get3A_27, %dot_general3A {dimension_numbers = #tpu.dot_dimension_numbers<[1], [0], [0], [1], [0, 0, 1, 1], [], []>, transpose_lhs_hint = false} : vector<1024x128xf32>, vector<128x128xf32>, vector<1024x128xf32> -> vector<1024x128xf32>
    %get3A_29 = arith.constant 0 : index
    %get3A_30 = arith.constant 0 : index
    %get3A_31 = vector.load %arg3[%get3A_29, %get3A_30] : memref<1024x128xf32, #tpu.memory_space<vmem>>, vector<1024x128xf32>
    %get3A_32 = arith.constant 0 : index
    %get3A_33 = arith.constant 0 : index
    %get3A_34 = vector.load %arg5[%get3A_32, %get3A_33] : memref<128x128xf32, #tpu.memory_space<vmem>>, vector<128x128xf32>
    %dot_general3A_35 = arith.constant dense<0.000000e+00> : vector<1024x128xf32>
    %dot_general3A_36 = tpu.matmul %get3A_31, %get3A_34, %dot_general3A_35 {dimension_numbers = #tpu.dot_dimension_numbers<[1], [0], [0], [1], [0, 0, 1, 1], [], []>, transpose_lhs_hint = false} : vector<1024x128xf32>, vector<128x128xf32>, vector<1024x128xf32> -> vector<1024x128xf32>
    %add3A_37 = arith.addf %dot_general3A_28, %dot_general3A_36 : vector<1024x128xf32>
    %get3A_38 = arith.constant 0 : index
    %get3A_39 = arith.constant 0 : index
    %get3A_40 = vector.load %arg6[%get3A_38, %get3A_39] : memref<1x128xf32, #tpu.memory_space<vmem>>, vector<1x128xf32>
    %add3A_41 = vector.broadcast %get3A_40 : vector<1x128xf32> to vector<1024x128xf32>
    %add3A_42 = arith.addf %add3A_37, %add3A_41 : vector<1024x128xf32>
    %mul3A = arith.mulf %add3A_42, %add3A_42 : vector<1024x128xf32>
    %reduce_sum3A = arith.constant dense<0.000000e+00> : vector<1024xf32>
    %reduce_sum3A_43 = vector.multi_reduction <add>, %mul3A, %reduce_sum3A [1] : vector<1024x128xf32> to vector<1024xf32>
    %broadcast_in_dim3A = vector.shape_cast %reduce_sum3A_43 : vector<1024xf32> to vector<1024x1xf32>
    %sqrt3A = math.sqrt %broadcast_in_dim3A : vector<1024x1xf32>
    %max3A_44 = arith.constant 9.99999996E-13 : f32
    %max3A_45 = vector.broadcast %max3A_44 : f32 to vector<1024x1xf32>
    %max3A_46 = arith.maximumf %sqrt3A, %max3A_45 : vector<1024x1xf32>
    %div3A_47 = vector.broadcast %max3A_46 : vector<1024x1xf32> to vector<1024x128xf32>
    %div3A_48 = arith.divf %add3A_42, %div3A_47 : vector<1024x128xf32>
    %swap3A = arith.constant 0 : index
    %swap3A_49 = arith.constant 0 : index
    %swap3A_50 = vector.load %arg7[%swap3A, %swap3A_49] : memref<1024x128xf32, #tpu.memory_space<vmem>>, vector<1024x128xf32>
    tpu.vector_store %arg7[%swap3A, %swap3A_49], %div3A_48 {strides = array<i32>} : memref<1024x128xf32, #tpu.memory_space<vmem>>, vector<1024x128xf32>,
    return
  }
  func.func @transform_0(%arg0: i32) -> (i32, i32, i32) {
    %c0_i32 = arith.constant 0 : i32
    %c0_i32_0 = arith.constant 0 : i32
    %c0_i32_1 = arith.constant 0 : i32
    return %c0_i32, %arg0, %c0_i32_0 : i32, i32, i32
  }
  func.func @transform_1(%arg0: i32) -> (i32, i32, i32) {
    %c0_i32 = arith.constant 0 : i32
    %c0_i32_0 = arith.constant 0 : i32
    %c0_i32_1 = arith.constant 0 : i32
    return %c0_i32, %arg0, %c0_i32_0 : i32, i32, i32
  }
  func.func @transform_2(%arg0: i32) -> (i32, i32) {
    %c0_i32 = arith.constant 0 : i32
    %c0_i32_0 = arith.constant 0 : i32
    return %arg0, %c0_i32 : i32, i32
  }
  func.func @transform_3(%arg0: i32) -> (i32, i32) {
    %c0_i32 = arith.constant 0 : i32
    %c0_i32_0 = arith.constant 0 : i32
    %c0_i32_1 = arith.constant 0 : i32
    return %c0_i32, %c0_i32_0 : i32, i32
  }
  func.func @transform_4(%arg0: i32) -> (i32, i32) {
    %c0_i32 = arith.constant 0 : i32
    %c0_i32_0 = arith.constant 0 : i32
    %c0_i32_1 = arith.constant 0 : i32
    return %c0_i32, %c0_i32_0 : i32, i32
  }
  func.func @transform_5(%arg0: i32) -> (i32, i32) {
    %c0_i32 = arith.constant 0 : i32
    %c0_i32_0 = arith.constant 0 : i32
    %c0_i32_1 = arith.constant 0 : i32
    return %c0_i32, %c0_i32_0 : i32, i32
  }
  func.func @transform_6(%arg0: i32) -> (i32, i32) {
    %c0_i32 = arith.constant 0 : i32
    %c0_i32_0 = arith.constant 0 : i32
    return %arg0, %c0_i32 : i32, i32
  }
}

</mosaic_0001>

<sc_bundles>
// kernel: kernel.6.cloned.1.call-start
scs
__scs_entry_jumppad:
0x0: {  	(pc) =	sbr.rel $0x88, $3  }
0x1: {  	(tag) =	ssettag $0x0;
	lr =	simm.s32 $0x1  }
0x2: {  	[smem:$0x3F99] =	sst lr;
	_ =	strace $0xD0000000  }
0x3: {  	_ = 	snop  }
0x4: {  	_ = 	snop  }
0x5: {  	_ = 	snop  }
0x6: {  	_ = 	snop  }
0x7: {  	_ = 	snop  }
__scs_overlays_trampoline_lowered:
0x8: {  	[smem:$0x3FA8] =	sst s0  }
0x9: {  	[smem:$0x3FA9] =	sst s1  }
0xa: {  	[smem:$0x3FAA] =	sst s2  }
0xb: {  	[smem:$0x3FAB] =	sst s3  }
0xc: {  	[smem:$0x3FAC] =	sst s4  }
0xd: {  	[smem:$0x3FAD] =	sst s5  }
0xe: {  	[smem:$0x3FAE] =	sst s6  }
0xf: {  	[smem:$0x3FAF] =	sst s7  }
0x10: {  	[smem:$0x3FB0] =	sst s8  }
0x11: {  	[smem:$0x3FB1] =	sst s9;
	s0 =	simm.s32 @!p0 $0x0  }
0x12: {  	s1 =	sld [smem:$0x3F97];
	s0 =	simm.s32 @p0 $0x1  }
0x13: {  	[smem:$0x3FB2] =	sst s0;
	s0 =	simm.s32 @!p1 $0x0  }
0x14: {  	s2 =	sld [smem:$0x3F96];
	s0 =	simm.s32 @p1 $0x1  }
0x15: {  	[smem:$0x3FB3] =	sst s0;
	s0 =	simm.s32 @!p2 $0x0  }
0x16: {  	s3 =	sld [smem:$0x3FDB];
	s0 =	simm.s32 @p2 $0x1  }
0x17: {  	s4 =	simm.s32 $0x1BF5;
	[smem:$0x3FB5] =	sst s0  }
0x18: {  	s0 =	sld [smem:$0x3F98];
	_ =	swait.ge [sflag:s4], $0x0  }
0x19: {  	s7 =	sld [smem:$0x3F99]  }
0x1a: {  	s8 =	sadd.s32 $0xFFFFE003, lr  }
0x1b: {  	s9 =	sadd.s32 $0xFFFFFEF7, lr;
	s5 =	simm.s32 $0xFFFFFFFF;
	p2 =	slt.u32 s8, $0xFFFFF086  }
0x1c: {  	p1 =	slt.u32 s9, $0xF7A;
	s5 =	simm.s32 @!p2 $0x0  }
0x1d: {  	s5 =	simm.s32 @p1 $0x1;
	p0 =	seq.s32 s7, s2  }
0x1e: {  	s7 =	smul.u32 @!p0 $0xF7A, s2;
	p2 =	seq.s32 @!p0 s5, $0x0  }
0x1f: {  	s9 =	smul.u32 $0xF7A, s1;
	s8 =	simm.s32 @!p0 $0x1BF5;
	p2 =	por !p2, p0  }
0x20: {  	[sflag:s8] =	ssyncset.s32 @!p0 $0xFFFFF086;
	s6 =	sadd.s32 @!p0 s3, s7;
	s7 =	simm.s32 @!p0 $0x108  }
0x21: {  	s3 =	sadd.s32 s3, s9;
	s6 =	sadd.s32 @!p0 $0x88, s6;
	s7 =	simm.s32 @p2 $0x1082  }
0x22: {  	[simem:s7], [sflag:s8] =	dma.local @!p0 [hbm:s6], $0xF7A  }
0x23: {  	s9 =	sor.u32 $0xD0000000, s2;
	s6 =	simm.s32 $0x108;
	_ =	swait.ge @!p0 [sflag:s8], $0x0  }
0x24: {  	s3 =	sadd.s32 $0x88, s3;
	s6 =	simm.s32 @!p1 $0x1082;
	[sflag:s4] =	ssyncset.s32 $0xFFFFF086  }
0x25: {  	[simem:s6], [sflag:s4] =	dma.local [hbm:s3], $0xF7A  }
0x26: {  	[smem:$0x3F99] =	sst s1;
	(tag) =	ssettag s2;
	_ =	strace s9  }
0x27: {  	s1 =	sld [smem:$0x3FA9]  }
0x28: {  	s2 =	sld [smem:$0x3FAA]  }
0x29: {  	s4 =	sld [smem:$0x3FAC]  }
0x2a: {  	p0 =	seq.s32 s5, $0x0;
	s5 =	sld [smem:$0x3FAD]  }
0x2b: {  	s6 =	sld [smem:$0x3FAE]  }
0x2c: {  	s7 =	sld [smem:$0x3FAF]  }
0x2d: {  	s3 =	simm.s32 $0x108;
	s8 =	sld [smem:$0x3FB0]  }
0x2e: {  	s3 =	simm.s32 @!p0 $0x1082;
	s9 =	sld [smem:$0x3FB1]  }
0x2f: {  	lr =	sadd.s32 s0, s3;
	s0 =	sld [smem:$0x3FA8]  }
0x30: {  	s3 =	sld [smem:$0x3FAB]  }
0x31: {  	[smem:$0x3FB4] =	sst s10  }
0x32: {  	s10 =	sld [smem:$0x3FB2];
	_ =	sdelay $0x3  }
0x33: {  	p0 =	seq.s32 s10, $0x1;
	s10 =	sld [smem:$0x3FB4];
	_ =	sdelay $0x3  }
0x34: {  	[smem:$0x3FB4] =	sst s10  }
0x35: {  	s10 =	sld [smem:$0x3FB3];
	_ =	sdelay $0x3  }
0x36: {  	p1 =	seq.s32 s10, $0x1;
	s10 =	sld [smem:$0x3FB4];
	_ =	sdelay $0x3  }
0x37: {  	[smem:$0x3FB4] =	sst s10  }
0x38: {  	s10 =	sld [smem:$0x3FB5]  }
0x39: {  	_ = 	snop;
	(pc) =	sbr.ind lr, $3  }
0x3a: {  	_ = 	snop  }
0x3b: {  	_ = 	snop  }
0x3c: {  	p2 =	seq.s32 s10, $0x1;
	s10 =	sld [smem:$0x3FB4]  }
0x3d: {  	_ =	shalt  }
0x3e: {  	_ =	shalt  }
0x3f: {  	_ =	shalt  }
0x40: {  	_ =	shalt  }
0x41: {  	_ =	shalt  }
0x42: {  	_ =	shalt  }
0x43: {  	_ =	shalt  }
0x44: {  	_ =	shalt  }
0x45: {  	_ =	shalt  }
0x46: {  	_ =	shalt  }
0x47: {  	_ =	shalt  }
0x48: {  	_ =	shalt  }
0x49: {  	_ =	shalt  }
0x4a: {  	_ =	shalt  }
0x4b: {  	_ =	shalt  }
0x4c: {  	_ =	shalt  }
0x4d: {  	_ =	shalt  }
0x4e: {  	_ =	shalt  }
0x4f: {  	_ =	shalt  }
0x50: {  	_ =	shalt  }
0x51: {  	_ =	shalt  }
0x52: {  	_ =	shalt  }
0x53: {  	_ =	shalt  }
0x54: {  	_ =	shalt  }
0x55: {  	_ =	shalt  }
0x56: {  	_ =	shalt  }
0x57: {  	_ =	shalt  }
0x58: {  	_ =	shalt  }
0x59: {  	_ =	shalt  }
0x5a: {  	_ =	shalt  }
0x5b: {  	_ =	shalt  }
0x5c: {  	_ =	shalt  }
0x5d: {  	_ =	shalt  }
0x5e: {  	_ =	shalt  }
0x5f: {  	_ =	shalt  }
0x60: {  	_ =	shalt  }
0x61: {  	_ =	shalt  }
0x62: {  	_ =	shalt  }
0x63: {  	_ =	shalt  }
0x64: {  	_ =	shalt  }
0x65: {  	_ =	shalt  }
0x66: {  	_ =	shalt  }
0x67: {  	_ =	shalt  }
0x68: {  	_ =	shalt  }
0x69: {  	_ =	shalt  }
0x6a: {  	_ =	shalt  }
0x6b: {  	_ =	shalt  }
0x6c: {  	_ =	shalt  }
0x6d: {  	_ =	shalt  }
0x6e: {  	_ =	shalt  }
0x6f: {  	_ =	shalt  }
0x70: {  	_ =	shalt  }
0x71: {  	_ =	shalt  }
0x72: {  	_ =	shalt  }
0x73: {  	_ =	shalt  }
0x74: {  	_ =	shalt  }
0x75: {  	_ =	shalt  }
0x76: {  	_ =	shalt  }
0x77: {  	_ =	shalt  }
0x78: {  	_ =	shalt  }
0x79: {  	_ =	shalt  }
0x7a: {  	_ =	shalt  }
0x7b: {  	_ =	shalt  }
0x7c: {  	_ =	shalt  }
0x7d: {  	_ =	shalt  }
0x7e: {  	_ =	shalt  }
0x7f: {  	_ =	shalt  }
0x80: {  	_ =	shalt  }
0x81: {  	_ =	shalt  }
0x82: {  	_ =	shalt  }
0x83: {  	_ =	shalt  }
0x84: {  	_ =	shalt  }
0x85: {  	_ =	shalt  }
0x86: {  	_ =	shalt  }
0x87: {  	_ =	shalt  }
.Lfunc_end0:
.L_simem_size_0:
called_computation_lowered:
.L_overlay_start_0:
0x88: {  	s2 =	sld [smem:$0x3FD9]  }
0x89: {  	s3 =	sld [smem:$0x3FFE];
	_ =	sdelay $0x1  }
0x8a: {  	s1 =	srdreg.scid  }
0x8b: {  	s0 =	sand.u32 $0x1, s1  }
0x8c: {  	s17 =	sshll.u32 s0, $0xA;
	s2 =	sadd.s32 s3, s2  }
0x8d: {  	s2 =	sadd.s32 s2, s17  }
0x8e: {  	[smem:$0x3FC0] =	sst s2  }
0x8f: {  	_ = 	snop  }
0x90: {  	s2 =	sld [smem:$0x3FD0];
	(tm) =	ssettm $0x1  }
0x91: {  	s18 =	sld [smem:$0x3FFB];
	_ =	sdelay $0x3  }
0x92: {  	_ =	strace s18  }
0x93: {  	s3 =	sld [smem:$0x3FFC];
	_ =	sdelay $0x3  }
0x94: {  	_ =	strace s3  }
0x95: {  	s3 =	sld [smem:$0x3FFD];
	_ =	sdelay $0x3  }
0x96: {  	_ =	strace s3  }
0x97: {  	_ =	strace $0x8FFFFFFF  }
0x98: {  	s19 =	sld [smem:$0x3FDB];
	_ =	sdelay $0x1  }
0x99: {  	s4 =	simm.s32 $_scs_section_size  }
0x9a: {  	s5 =	simm.s32 $_size__tile_overlayer_lowered;
	s6 =	simm.s32 $_tile_overlayer_lowered  }
0x9b: {  	s22 =	simm.s32 $0x1BFF;
	s21 =	sshll.u32 s6, $0x1;
	s3 =	sadd.s32 s4, s19  }
0x9c: {  	s7 =	simm.s32 $0x0;
	s20 =	sshll.u32 s5, $0x1;
	s5 =	sadd.s32 s21, s3  }
0x9d: {  	[timem:s7], [sflag:s22] =	dma.local [hbm:s5], s20  }
0x9e: {  	_ =	swait.ge [sflag:s22], s20  }
0x9f: {  	s4 =	ssub.s32 $0x0, s20;
	[sflag:s22] =	ssyncset.done $0x0  }
0xa0: {  	[sflag:s22] =	ssyncadd.s32 s4;
	_ =	sdelay $0x1  }
0xa1: {  	s23 =	simm.s32 $0x1B8B  }
0xa2: {  	_ =	swait.ge [sflag:s23], $0x1  }
0xa3: {  	[sflag:s23] =	ssyncset.done $0x0  }
0xa4: {  	s25 =	simm.s32 $0x1B8E;
	s24 =	sld [smem:$0x3FFE];
	[sflag:s23] =	ssyncadd.s32 $0xFFFFFFFF  }
0xa5: {  	s26 =	simm.s32 $execute0_lowered;
	[smem:$0x3FD2] =	sst s25  }
0xa6: {  	s5 =	sshll.u32 s26, $0x1;
	_ =	strace $0x80000046;
	[dreg:$0x1] =	wrdreg $0xFFFFFFFF  }
0xa7: {  	s28 =	simm.s32 $_size_execute0_lowered;
	s3 =	sadd.s32 s3, s5;
	[dreg:$0x0] =	wrdreg $0x0  }
0xa8: {  	s5 =	sshll.u32 s28, $0x1;
	[dreg:$0x2] =	wrdreg s3  }
0xa9: {  	[dreg:$0x3] =	wrdreg s5  }
0xaa: {  	[dreg:$0x4] =	wrdreg $0xC0  }
0xab: {  	_ =	task [dreg:s7], $0x5FFFF  }
0xac: {  	[dreg:$0x1] =	wrdreg $0xFFFFFFFF  }
0xad: {  	[dreg:$0x0] =	wrdreg $0x60  }
0xae: {  	[dreg:$0x2] =	wrdreg s2  }
0xaf: {  	[dreg:$0x3] =	wrdreg s24  }
0xb0: {  	[dreg:$0x4] =	wrdreg $0x0  }
0xb1: {  	[dreg:$0x5] =	wrdreg $0x9E000  }
0xb2: {  	[dreg:$0x6] =	wrdreg $0x9  }
0xb3: {  	_ =	task.clear_ibuf [dreg:s7], $0x7FFFF;
	_ =	strace $0x90000046  }
0xb4: {  	s29 =	simm.s32 $0x9;
	_ =	strace $0x80000048  }
0xb5: {  	_ =	swait.ge [sflag:s29], $0x1  }
0xb6: {  	[sflag:s29] =	ssyncadd.s32 $0xFFFFFFFF  }
0xb7: {  	_ =	strace $0x90000048  }
0xb8: {  	_ =	sfence  }
0xb9: {  	s30 =	sld [smem:$0x0];
	_ =	sdelay $0x2  }
0xba: {  	s31 =	sshll.u32 s1, $0xD;
	s1 =	sshrl.u32 s1, $0x2  }
0xbb: {  	s3 =	sand.u32 $0x4000, s31;
	s1 =	sadd.s32 s1, s30  }
0xbc: {  	s0 =	sor.u32 s3, s0;
	s1 =	sshll.u32 s1, $0x11  }
0xbd: {  	s0 =	sor.u32 s1, s0  }
0xbe: {  	s0 =	sadd.s32 $0x8F2B, s0  }
0xbf: {  	[sflag:s0] =	ssyncadd.remote.s32 $0x1  }
0xc0: {  	_ =	sfence.sel $0xFFFF  }
0xc1: {  	[dreg:$0x0] =	wrdreg $0xFFFFFFFF;
	(pc) =	sbr.abs _section_cstart, $3  }
0xc2: {  	[dreg:$0x1] =	wrdreg $0xFFFFFFFF  }
0xc3: {  	_ =	task.clear_ibuf [dreg:s7], $0x2FFFF;
	_ =	strace $0x9FFFFFFF  }
0xc4: {  	(tm) =	ssettm $0x7FFFFFFF  }
0xc5: {  	_ =	shalt  }
tec
execute0_lowered:
.L_overlay_start_1:
0x0: {  	(tag) =	ssettag $0x1  }
0x1: {  	s1 =	rddreg [dreg:$0x0]  }
0x2: {  	s0 =	rddreg [dreg:$0x1]  }
0x3: {  	s3 =	rddreg [dreg:$0x2]  }
0x4: {  	s4 =	rddreg [dreg:$0x3]  }
0x5: {  	s12 =	stileid.u32;
	s5 =	simm.s32 $0x0;
	s2 =	srdreg.scid  }
0x6: {  	s28 =	simm.s32 $0x7;
	s29 =	simm.s32 $0x141C0;
	s30 =	simm.s32 $0x145C0  }
0x7: {  	s6 =	smul.u32 $0x13, s12;
	[smem:$0x7FF] =	sst s5;
	s2 =	sand.u32 $0x1, s2  }
0x8: {  	s7 =	smul.u32 $0x13C00, s12;
	s8 =	sor.u32 $0x130, s12;
	s18 =	sadd.s32 $0x15C00, s0  }
0x9: {  	s20 =	sadd.s32 $0x15A00, s0;
	s22 =	smul.u32 $0x278, s12;
	p0 =	seq.s32 s2, $0x0  }
0xa: {  	s9 =	smul.u32 $0x13C000, s2;
	_ =	strace $0x80000047;
	[dreg:$0x6] =	wrdreg s18  }
0xb: {  	s10 =	smul.u32 $0x13C00, s2;
	[dreg:$0x7] =	wrdreg s20;
	s2 =	ssub.s32 $0x2, s2  }
0xc: {  	s8 =	smov.u32 @p0 s6;
	s6 =	smul.u32 $0x13C0, s12;
	s23 =	sshrl.u32 s2, $0x1  }
0xd: {  	s13 =	sadd.s32 $0x80, s22;
	s25 =	sadd.s32 $0x100, s22;
	s15 =	sadd.s32 $0x180, s22  }
0xe: {  	s8 =	sshll.u32 s8, $0x7;
	s19 =	sadd.s32 s7, s9;
	s2 =	ssub.s32 s2, s23  }
0xf: {  	s7 =	sshrl.u32 s7, $0x1;
	s14 =	sshll.u32 s13, $0x6;
	s26 =	sshll.u32 s25, $0x6  }
0x10: {  	s31 =	sshll.u32 s15, $0x6;
	s13 =	sshll.u32 s13, $0x3;
	s20 =	sshll.u32 s15, $0x3  }
0x11: {  	s15 =	simm.s32 $0x4;
	s11 =	sadd.s32 s8, s0;
	s8 =	sshrl.u32 s19, $0x4  }
0x12: {  	s21 =	sadd.s32 s6, s10;
	s24 =	sadd.s32 s14, s3;
	s10 =	sadd.s32 $0x200, s22  }
0x13: {  	s14 =	sadd.s32 s26, s3;
	s18 =	sadd.s32 s13, s4;
	s19 =	sshll.u32 s25, $0x3  }
0x14: {  	s13 =	simm.s32 $0x3;
	s9 =	sshrl.u32 s21, $0x3;
	[dreg:$0x8] =	wrdreg s24  }
0x15: {  	s12 =	sadd.s32 s8, s0;
	s8 =	simm.s32 $0x13;
	[dreg:$0x9] =	wrdreg s14  }
0x16: {  	s16 =	sshll.u32 s10, $0x6;
	s14 =	sadd.s32 s31, s3;
	[dreg:$0xc] =	wrdreg s18  }
0x17: {  	s21 =	sshll.u32 s10, $0x3;
	s23 =	sadd.s32 $0xB800, s11;
	[dreg:$0xa] =	wrdreg s14  }
0x18: {  	s24 =	sadd.s32 $0x1600, s11;
	s31 =	smax.u32 s2, $0x1;
	[dreg:$0x10] =	wrdreg s23  }
0x19: {  	s18 =	sadd.s32 $0xB880, s11;
	s2 =	simm.s32 $0x80;
	[dreg:$0x11] =	wrdreg s24  }
0x1a: {  	s10 =	simm.s32 $0x121C0;
	s17 =	sadd.s32 s16, s3;
	[dreg:$0x14] =	wrdreg s31  }
0x1b: {  	s14 =	sadd.s32 s6, s4;
	s6 =	sadd.s32 s19, s4;
	[dreg:$0xb] =	wrdreg s17  }
0x1c: {  	s0 =	sadd.s32 s9, s0;
	s22 =	sadd.s32 s21, s4;
	[dreg:$0xd] =	wrdreg s6  }
0x1d: {  	s8 =	simm.s32 @!p0 $0x1;
	s25 =	sadd.s32 $0x1AE00, s12;
	[dreg:$0xf] =	wrdreg s22  }
0x1e: {  	s9 =	sadd.s32 s7, s3;
	s6 =	sadd.s32 s20, s4;
	[dreg:$0x12] =	wrdreg s25  }
0x1f: {  	s19 =	sadd.s32 $0x1680, s11;
	s0 =	sadd.s32 $0x15E00, s0;
	[dreg:$0xe] =	wrdreg s6  }
0x20: {  	s7 =	simm.s32 $0x1;
	s26 =	sshll.u32 s8, $0xA;
	[dreg:$0x13] =	wrdreg s0  }
0x21: {  	s11 =	simm.s32 $0x2;
	s12 =	simm.s32 $0x6;
	[dreg:$0x5] =	wrdreg s26  }
0x22: {  	v0 =	vimm.bf16 $0.0e+00;
	s26 =	simm.s32 $0xC1C0;
	s0 =	simm.s32 $0xE1C0;
	s6 =	simm.s32 $0x101C0  }
.LBB2_1:
0x23: {  	s17 =	simm.s32 $0x100;
	s16 =	simm.s32 $0x0  }
.LBB2_2:
0x24: {  	p0 =	sne.s32 s17, $0x7F00;
	[tilespmem:s16+$0xC1F0] =	vst v0;
	s20 =	smov.u32 s17;
	s17 =	sadd.s32 $0x100, s17  }
.Ltmp0:
0x25: {  	[tilespmem:s16+$0xC1E0] =	vst v0;
	(pc) =	sbr.rel @p0 .LBB2_2-.Ltmp0, $3  }
0x26: {  	[tilespmem:s16+$0xC1C0] =	vst v0  }
0x27: {  	[tilespmem:s16+$0xC1D0] =	vst v0;
	_ =	sdelay $0x1  }
0x28: {  	s16 =	sshra.s32 s20, $0x2  }
0x29: {  	[tilespmem:s16+$0xC1F0] =	vst v0  }
0x2a: {  	[tilespmem:s16+$0xC1E0] =	vst v0  }
0x2b: {  	[tilespmem:s16+$0xC1C0] =	vst v0  }
0x2c: {  	[tilespmem:s16+$0xC1D0] =	vst v0  }
0x2d: {  	[spmem:s9] =	stream.linear.scatter [tilespmem:s26], [sflag:$0x7], $0x2000, $0x38;
	[tilespmem:$0x149C0] =	vst v63  }
0x2e: {  	_ =	swait.ge [sflag:s28], $0x2000  }
0x2f: {  	[sflag:s28] =	ssyncset.done $0x0  }
0x30: {  	s22 =	rddreg [dreg:$0x8];
	[sflag:s28] =	ssyncadd.s32 $0xFFFFE000  }
0x31: {  	[spmem:s22] =	stream.linear.scatter [tilespmem:s26], [sflag:$0x7], $0x2000, $0x38;
	[tilespmem:$0x149C0] =	vst v63  }
0x32: {  	_ =	swait.ge [sflag:s28], $0x2000  }
0x33: {  	[sflag:s28] =	ssyncset.done $0x0  }
0x34: {  	s23 =	rddreg [dreg:$0x9];
	[sflag:s28] =	ssyncadd.s32 $0xFFFFE000  }
0x35: {  	[spmem:s23] =	stream.linear.scatter [tilespmem:s26], [sflag:$0x7], $0x2000, $0x38;
	[tilespmem:$0x149C0] =	vst v63  }
0x36: {  	_ =	swait.ge [sflag:s28], $0x2000  }
0x37: {  	[sflag:s28] =	ssyncset.done $0x0  }
0x38: {  	s24 =	rddreg [dreg:$0xa];
	[sflag:s28] =	ssyncadd.s32 $0xFFFFE000  }
0x39: {  	[spmem:s24] =	stream.linear.scatter [tilespmem:s26], [sflag:$0x7], $0x2000, $0x38;
	[tilespmem:$0x149C0] =	vst v63  }
0x3a: {  	_ =	swait.ge [sflag:s28], $0x2000  }
0x3b: {  	[sflag:s28] =	ssyncset.done $0x0  }
0x3c: {  	s25 =	rddreg [dreg:$0xb];
	[sflag:s28] =	ssyncadd.s32 $0xFFFFE000  }
0x3d: {  	[spmem:s25] =	stream.linear.scatter [tilespmem:s26], [sflag:$0x7], $0x1E00, $0x38;
	[tilespmem:$0x149C0] =	vst v63  }
0x3e: {  	_ =	swait.ge [sflag:s28], $0x1E00  }
0x3f: {  	[sflag:s28] =	ssyncset.done $0x0  }
0x40: {  	s16 =	simm.s32 $0x0;
	s17 =	rddreg [dreg:$0x6];
	[sflag:s28] =	ssyncadd.s32 $0xFFFFE200  }
0x41: {  	[tilespmem:s29], [sflag:$0x7] =	stream.linear.gather [hbm4b:s17+s16], $0x400, $0x38;
	[tilespmem:$0x149C0] =	vst v63  }
0x42: {  	_ =	swait.ge [sflag:s28], $0x400  }
0x43: {  	[sflag:s28] =	ssyncset.done $0x0  }
0x44: {  	s31 =	rddreg [dreg:$0x7];
	[sflag:s28] =	ssyncadd.s32 $0xFFFFFC00  }
0x45: {  	[tilespmem:s30], [sflag:$0x7] =	stream.linear.gather [hbm4b:s31+s16], $0x400, $0x38;
	[tilespmem:$0x149C0] =	vst v63  }
0x46: {  	_ =	swait.ge [sflag:s28], $0x400  }
0x47: {  	[sflag:s28] =	ssyncset.done $0x0  }
0x48: {  	[sflag:s28] =	ssyncadd.s32 $0xFFFFFC00  }
0x49: {  	[spmem:s14] =	stream.linear.scatter [tilespmem:s30], [sflag:$0x7], $0x400, $0x38;
	[tilespmem:$0x149C0] =	vst v63  }
0x4a: {  	_ =	swait.ge [sflag:s28], $0x400  }
0x4b: {  	[sflag:s28] =	ssyncset.done $0x0  }
0x4c: {  	s20 =	rddreg [dreg:$0xc];
	[sflag:s28] =	ssyncadd.s32 $0xFFFFFC00  }
0x4d: {  	[spmem:s20] =	stream.linear.scatter [tilespmem:s30], [sflag:$0x7], $0x400, $0x38;
	[tilespmem:$0x149C0] =	vst v63  }
0x4e: {  	_ =	swait.ge [sflag:s28], $0x400  }
0x4f: {  	[sflag:s28] =	ssyncset.done $0x0  }
0x50: {  	s21 =	rddreg [dreg:$0xd];
	[sflag:s28] =	ssyncadd.s32 $0xFFFFFC00  }
0x51: {  	[spmem:s21] =	stream.linear.scatter [tilespmem:s30], [sflag:$0x7], $0x400, $0x38;
	[tilespmem:$0x149C0] =	vst v63  }
0x52: {  	_ =	swait.ge [sflag:s28], $0x400  }
0x53: {  	[sflag:s28] =	ssyncset.done $0x0  }
0x54: {  	s22 =	rddreg [dreg:$0xe];
	[sflag:s28] =	ssyncadd.s32 $0xFFFFFC00  }
0x55: {  	[spmem:s22] =	stream.linear.scatter [tilespmem:s30], [sflag:$0x7], $0x400, $0x38;
	[tilespmem:$0x149C0] =	vst v63  }
0x56: {  	_ =	swait.ge [sflag:s28], $0x400  }
0x57: {  	[sflag:s28] =	ssyncset.done $0x0  }
0x58: {  	s23 =	rddreg [dreg:$0xf];
	[sflag:s28] =	ssyncadd.s32 $0xFFFFFC00  }
0x59: {  	[spmem:s23] =	stream.linear.scatter [tilespmem:s30], [sflag:$0x7], $0x3C0, $0x38;
	[tilespmem:$0x149C0] =	vst v63  }
0x5a: {  	_ =	swait.ge [sflag:s28], $0x3C0  }
0x5b: {  	[sflag:s28] =	ssyncset.done $0x0  }
0x5c: {  	[sflag:s28] =	ssyncadd.s32 $0xFFFFFC40  }
0x5d: {  	[bflag:$0x0] =	sbarrier.arrive $0xFFFF  }
0x5e: {  	s20 =	simm.s32 $0xB1C0;
	s24 =	rddreg [dreg:$0x10]  }
0x5f: {  	[tilespmem:s20], [sflag:$0x7] =	stream.linear.gather [hbm4b:s24+s16], $0x400, $0x38;
	[tilespmem:$0x149C0] =	vst v63  }
0x60: {  	_ =	swait.ge [sflag:s28], $0x400  }
0x61: {  	[sflag:s28] =	ssyncset.done $0x0  }
0x62: {  	s21 =	simm.s32 $0xB9C0;
	s25 =	rddreg [dreg:$0x11];
	[sflag:s28] =	ssyncadd.s32 $0xFFFFFC00  }
0x63: {  	[tilespmem:s21], [sflag:$0x7] =	stream.linear.gather [hbm4b:s25+s16], $0x400, $0x38;
	[tilespmem:$0x149C0] =	vst v63  }
0x64: {  	_ =	swait.ge [sflag:s28], $0x400  }
0x65: {  	[sflag:s28] =	ssyncset.done $0x0  }
0x66: {  	s17 =	simm.s32 $0x1;
	[sflag:s28] =	ssyncadd.s32 $0xFFFFFC00  }
0x67: {  	[tilespmem:s26], [sflag:$0x1] =	stream.indirect.gather [hbm4b:s1+s2], $0x40, s20, s2, $0xb8;
	[tilespmem:$0x149C0] =	vst v63  }
0x68: {  	s31 =	simm.s32 $0xB240;
	s24 =	smov.u32 s19;
	s25 =	smov.u32 s18  }
0x69: {  	[tilespmem:s0], [sflag:$0x2] =	stream.indirect.gather [hbm4b:s1+s2], $0x40, s31, s2, $0xb8;
	[tilespmem:$0x149C0] =	vst v63  }
.LBB2_4:
0x6a: {  	s20 =	sand.u32 $0x1, s17;
	p0 =	sge.u32 s17, s8  }
0x6b: {  	s20 =	sshll.u32 @!p0 s20, $0xA  }
0x6c: {  	s21 =	simm.s32 @!p0 $0x0;
	s22 =	sor.u32 @!p0 $0xB1C0, s20  }
0x6d: {  	[tilespmem:s22], [sflag:$0x5] =	stream.linear.gather @!p0 [hbm4b:s25+s21], $0x400, $0x38;
	[tilespmem:$0x149C0] =	vst v63  }
0x6e: {  	s23 =	sor.u32 @!p0 $0xB9C0, s20  }
0x6f: {  	[tilespmem:s23], [sflag:$0x5] =	stream.linear.gather @!p0 [hbm4b:s24+s21], $0x400, $0x38;
	[tilespmem:$0x149C0] =	vst v63  }
0x70: {  	s21 =	sand.u32 $0x400, s16  }
0x71: {  	s31 =	sor.u32 $0xB2C0, s21  }
0x72: {  	[tilespmem:s6], [sflag:$0x3] =	stream.indirect.gather [hbm4b:s1+s2], $0x40, s31, s2, $0xb8;
	[tilespmem:$0x149C0] =	vst v63  }
0x73: {  	_ =	swait.ge [sflag:s7], $0x2000  }
0x74: {  	[sflag:s7] =	ssyncset.done $0x0  }
0x75: {  	s31 =	sor.u32 $0xB9C0, s21;
	[sflag:s7] =	ssyncadd.s32 $0xFFFFE000  }
0x76: {  	[spmem:s3] =	stream.indirect.scatter.add.bf16 [tilespmem:s26], [sflag:$0x6], $0x40, s31, s2, $0xb8;
	[tilespmem:$0x149C0] =	vst v63  }
0x77: {  	_ = 	snop  }
0x78: {  	[spmem:s4] =	stream.indirect.scatter.add.f32 [tilespmem:s29], [sflag:$0x6], $0x8, s31, s2, $0xb8;
	[tilespmem:$0x149C0] =	vst v63  }
0x79: {  	s31 =	sor.u32 $0xB340, s21  }
0x7a: {  	[tilespmem:s10], [sflag:$0x4] =	stream.indirect.gather [hbm4b:s1+s2], $0x40, s31, s2, $0xb8;
	[tilespmem:$0x149C0] =	vst v63  }
0x7b: {  	_ =	swait.ge [sflag:s11], $0x2000  }
0x7c: {  	[sflag:s11] =	ssyncset.done $0x0  }
0x7d: {  	s31 =	sor.u32 $0xBA40, s21;
	[sflag:s11] =	ssyncadd.s32 $0xFFFFE000  }
0x7e: {  	[spmem:s3] =	stream.indirect.scatter.add.bf16 [tilespmem:s0], [sflag:$0x6], $0x40, s31, s2, $0xb8;
	[tilespmem:$0x149C0] =	vst v63  }
0x7f: {  	_ = 	snop  }
0x80: {  	[spmem:s4] =	stream.indirect.scatter.add.f32 [tilespmem:s29], [sflag:$0x6], $0x8, s31, s2, $0xb8;
	[tilespmem:$0x149C0] =	vst v63  }
0x81: {  	_ =	swait.ge [sflag:s12], $0x2000  }
0x82: {  	[sflag:s12] =	ssyncset.done $0x0  }
0x83: {  	[sflag:s12] =	ssyncadd.s32 $0xFFFFE000  }
0x84: {  	_ =	swait.ge [sflag:s12], $0x400  }
0x85: {  	[sflag:s12] =	ssyncset.done $0x0  }
0x86: {  	s31 =	sor.u32 $0xB3C0, s21;
	[sflag:s12] =	ssyncadd.s32 $0xFFFFFC00  }
0x87: {  	[tilespmem:s26], [sflag:$0x1] =	stream.indirect.gather [hbm4b:s1+s2], $0x40, s31, s2, $0xb8;
	[tilespmem:$0x149C0] =	vst v63  }
0x88: {  	_ =	swait.ge [sflag:s13], $0x2000  }
0x89: {  	[sflag:s13] =	ssyncset.done $0x0  }
0x8a: {  	s31 =	sor.u32 $0xBAC0, s21;
	[sflag:s13] =	ssyncadd.s32 $0xFFFFE000  }
0x8b: {  	[spmem:s3] =	stream.indirect.scatter.add.bf16 [tilespmem:s6], [sflag:$0x6], $0x40, s31, s2, $0xb8;
	[tilespmem:$0x149C0] =	vst v63  }
0x8c: {  	_ = 	snop  }
0x8d: {  	[spmem:s4] =	stream.indirect.scatter.add.f32 [tilespmem:s29], [sflag:$0x6], $0x8, s31, s2, $0xb8;
	[tilespmem:$0x149C0] =	vst v63  }
0x8e: {  	_ =	swait.ge [sflag:s12], $0x2000  }
0x8f: {  	[sflag:s12] =	ssyncset.done $0x0  }
0x90: {  	[sflag:s12] =	ssyncadd.s32 $0xFFFFE000  }
0x91: {  	_ =	swait.ge [sflag:s12], $0x400  }
0x92: {  	[sflag:s12] =	ssyncset.done $0x0  }
0x93: {  	s31 =	sadd.s32 $0xB440, s21;
	[sflag:s12] =	ssyncadd.s32 $0xFFFFFC00  }
0x94: {  	[tilespmem:s0], [sflag:$0x2] =	stream.indirect.gather [hbm4b:s1+s2], $0x40, s31, s2, $0xb8;
	[tilespmem:$0x149C0] =	vst v63  }
0x95: {  	_ =	swait.ge [sflag:s15], $0x2000  }
0x96: {  	[sflag:s15] =	ssyncset.done $0x0  }
0x97: {  	s31 =	sor.u32 $0xBB40, s21;
	[sflag:s15] =	ssyncadd.s32 $0xFFFFE000  }
0x98: {  	[spmem:s3] =	stream.indirect.scatter.add.bf16 [tilespmem:s10], [sflag:$0x6], $0x40, s31, s2, $0xb8;
	[tilespmem:$0x149C0] =	vst v63  }
0x99: {  	_ = 	snop  }
0x9a: {  	[spmem:s4] =	stream.indirect.scatter.add.f32 [tilespmem:s29], [sflag:$0x6], $0x8, s31, s2, $0xb8;
	[tilespmem:$0x149C0] =	vst v63  }
0x9b: {  	_ =	swait.ge [sflag:s12], $0x2000  }
0x9c: {  	[sflag:s12] =	ssyncset.done $0x0  }
0x9d: {  	[sflag:s12] =	ssyncadd.s32 $0xFFFFE000  }
0x9e: {  	_ =	swait.ge [sflag:s12], $0x400  }
0x9f: {  	[sflag:s12] =	ssyncset.done $0x0  }
0xa0: {  	s31 =	sadd.s32 $0xB4C0, s21;
	[sflag:s12] =	ssyncadd.s32 $0xFFFFFC00  }
0xa1: {  	[tilespmem:s6], [sflag:$0x3] =	stream.indirect.gather [hbm4b:s1+s2], $0x40, s31, s2, $0xb8;
	[tilespmem:$0x149C0] =	vst v63  }
0xa2: {  	_ =	swait.ge [sflag:s7], $0x2000  }
0xa3: {  	[sflag:s7] =	ssyncset.done $0x0  }
0xa4: {  	s31 =	sor.u32 $0xBBC0, s21;
	[sflag:s7] =	ssyncadd.s32 $0xFFFFE000  }
0xa5: {  	[spmem:s3] =	stream.indirect.scatter.add.bf16 [tilespmem:s26], [sflag:$0x6], $0x40, s31, s2, $0xb8;
	[tilespmem:$0x149C0] =	vst v63  }
0xa6: {  	_ = 	snop  }
0xa7: {  	[spmem:s4] =	stream.indirect.scatter.add.f32 [tilespmem:s29], [sflag:$0x6], $0x8, s31, s2, $0xb8;
	[tilespmem:$0x149C0] =	vst v63  }
0xa8: {  	_ =	swait.ge [sflag:s12], $0x2000  }
0xa9: {  	[sflag:s12] =	ssyncset.done $0x0  }
0xaa: {  	[sflag:s12] =	ssyncadd.s32 $0xFFFFE000  }
0xab: {  	_ =	swait.ge [sflag:s12], $0x400  }
0xac: {  	[sflag:s12] =	ssyncset.done $0x0  }
0xad: {  	s31 =	sadd.s32 $0xB540, s21;
	[sflag:s12] =	ssyncadd.s32 $0xFFFFFC00  }
0xae: {  	[tilespmem:s10], [sflag:$0x4] =	stream.indirect.gather [hbm4b:s1+s2], $0x40, s31, s2, $0xb8;
	[tilespmem:$0x149C0] =	vst v63  }
0xaf: {  	_ =	swait.ge [sflag:s11], $0x2000  }
0xb0: {  	[sflag:s11] =	ssyncset.done $0x0  }
0xb1: {  	s31 =	sadd.s32 $0xBC40, s21;
	[sflag:s11] =	ssyncadd.s32 $0xFFFFE000  }
0xb2: {  	[spmem:s3] =	stream.indirect.scatter.add.bf16 [tilespmem:s0], [sflag:$0x6], $0x40, s31, s2, $0xb8;
	[tilespmem:$0x149C0] =	vst v63  }
0xb3: {  	_ = 	snop  }
0xb4: {  	[spmem:s4] =	stream.indirect.scatter.add.f32 [tilespmem:s29], [sflag:$0x6], $0x8, s31, s2, $0xb8;
	[tilespmem:$0x149C0] =	vst v63  }
0xb5: {  	_ =	swait.ge [sflag:s12], $0x2000  }
0xb6: {  	[sflag:s12] =	ssyncset.done $0x0  }
0xb7: {  	[sflag:s12] =	ssyncadd.s32 $0xFFFFE000  }
0xb8: {  	_ =	swait.ge [sflag:s12], $0x400  }
0xb9: {  	[sflag:s12] =	ssyncset.done $0x0  }
0xba: {  	s23 =	simm.s32 @!p0 $0x5;
	[sflag:s12] =	ssyncadd.s32 $0xFFFFFC00  }
0xbb: {  	_ =	swait.ge @!p0 [sflag:s23], $0x400  }
0xbc: {  	[sflag:s23] =	ssyncset.done @!p0 $0x0  }
0xbd: {  	[sflag:s23] =	ssyncadd.s32 @!p0 $0xFFFFFC00  }
0xbe: {  	_ =	swait.ge @!p0 [sflag:s23], $0x400  }
0xbf: {  	[sflag:s23] =	ssyncset.done @!p0 $0x0  }
0xc0: {  	s31 =	simm.s32 @!p0 $0xC1C0;
	[sflag:s23] =	ssyncadd.s32 @!p0 $0xFFFFFC00;
	s23 =	simm.s32 @!p0 $0x80  }
0xc1: {  	[tilespmem:s31], [sflag:$0x1] =	stream.indirect.gather @!p0 [hbm4b:s1+s23], $0x40, s22, s23, $0xb8;
	[tilespmem:$0x149C0] =	vst v63  }
0xc2: {  	_ =	swait.ge [sflag:s13], $0x2000  }
0xc3: {  	s31 =	sor.u32 $0x300, s21;
	[sflag:s13] =	ssyncset.done $0x0  }
0xc4: {  	s22 =	sadd.s32 $0xB9C0, s31;
	[sflag:s13] =	ssyncadd.s32 $0xFFFFE000  }
0xc5: {  	[spmem:s3] =	stream.indirect.scatter.add.bf16 [tilespmem:s6], [sflag:$0x6], $0x40, s22, s2, $0xb8;
	[tilespmem:$0x149C0] =	vst v63  }
0xc6: {  	_ = 	snop  }
0xc7: {  	[spmem:s4] =	stream.indirect.scatter.add.f32 [tilespmem:s29], [sflag:$0x6], $0x8, s22, s2, $0xb8;
	[tilespmem:$0x149C0] =	vst v63  }
0xc8: {  	_ =	swait.ge [sflag:s12], $0x2000  }
0xc9: {  	[sflag:s12] =	ssyncset.done $0x0  }
0xca: {  	[sflag:s12] =	ssyncadd.s32 $0xFFFFE000  }
0xcb: {  	_ =	swait.ge [sflag:s12], $0x400  }
0xcc: {  	[sflag:s12] =	ssyncset.done $0x0  }
0xcd: {  	s20 =	sor.u32 @!p0 $0xB240, s20;
	s22 =	simm.s32 @!p0 $0xE1C0;
	[sflag:s12] =	ssyncadd.s32 $0xFFFFFC00  }
0xce: {  	[tilespmem:s22], [sflag:$0x2] =	stream.indirect.gather @!p0 [hbm4b:s1+s23], $0x40, s20, s23, $0xb8;
	[tilespmem:$0x149C0] =	vst v63  }
0xcf: {  	_ =	swait.ge [sflag:s15], $0x2000  }
0xd0: {  	s23 =	sor.u32 $0x380, s21;
	[sflag:s15] =	ssyncset.done $0x0  }
0xd1: {  	s20 =	sadd.s32 $0xB9C0, s23;
	[sflag:s15] =	ssyncadd.s32 $0xFFFFE000  }
0xd2: {  	[spmem:s3] =	stream.indirect.scatter.add.bf16 [tilespmem:s10], [sflag:$0x6], $0x40, s20, s2, $0xb8;
	[tilespmem:$0x149C0] =	vst v63  }
0xd3: {  	_ = 	snop  }
0xd4: {  	[spmem:s4] =	stream.indirect.scatter.add.f32 [tilespmem:s29], [sflag:$0x6], $0x8, s20, s2, $0xb8;
	[tilespmem:$0x149C0] =	vst v63  }
0xd5: {  	_ =	swait.ge [sflag:s12], $0x2000  }
0xd6: {  	[sflag:s12] =	ssyncset.done $0x0  }
0xd7: {  	[sflag:s12] =	ssyncadd.s32 $0xFFFFE000  }
0xd8: {  	_ =	swait.ge [sflag:s12], $0x2000  }
0xd9: {  	[sflag:s12] =	ssyncset.done $0x0  }
0xda: {  	[sflag:s12] =	ssyncadd.s32 $0xFFFFE000  }
0xdb: {  	_ =	swait.ge [sflag:s12], $0x400  }
0xdc: {  	[sflag:s12] =	ssyncset.done $0x0  }
0xdd: {  	[sflag:s12] =	ssyncadd.s32 $0xFFFFFC00  }
0xde: {  	_ =	swait.ge [sflag:s12], $0x400  }
0xdf: {  	s16 =	sadd.s32 $0x400, s16;
	s31 =	rddreg [dreg:$0x5]  }
0xe0: {  	p0 =	sne.s32 s31, s16  }
.Ltmp1:
0xe1: {  	_ = 	snop;
	(pc) =	sbr.rel @p0 .LBB2_4-.Ltmp1, $3  }
0xe2: {  	_ =	sdelay $0x1  }
0xe3: {  	s17 =	sadd.s32 $0x1, s17;
	[sflag:s12] =	ssyncset.done $0x0  }
0xe4: {  	s25 =	sadd.s32 $0x80, s25;
	s24 =	sadd.s32 $0x80, s24;
	[sflag:s12] =	ssyncadd.s32 $0xFFFFFC00  }
0xe5: {  	s16 =	stileid.u32  }
0xe6: {  	[bflag:$0x0] =	sbarrier.arrive $0xFFFF;
	s16 =	sshll.u32 s16, $0x6  }
0xe7: {  	s17 =	sshrl.u32 s9, $0x3;
	s20 =	rddreg [dreg:$0x12];
	s16 =	sor.u32 $0x1C07, s16  }
0xe8: {  	[hbm:s20], [sflag:s16] =	dma.local [spmem:s17], $0x13C0  }
0xe9: {  	_ =	swait.ge [sflag:s28], $0x13C0  }
0xea: {  	[sflag:s28] =	ssyncset.done $0x0  }
0xeb: {  	s24 =	sshrl.u32 s14, $0x3;
	s25 =	rddreg [dreg:$0x13];
	[sflag:s28] =	ssyncadd.s32 $0xFFFFEC40  }
0xec: {  	[hbm:s25], [sflag:s16] =	dma.local [spmem:s24], $0x278  }
0xed: {  	_ =	swait.ge [sflag:s28], $0x278  }
0xee: {  	s5 =	sadd.s32 $0x1, s5;
	s31 =	rddreg [dreg:$0x14]  }
0xef: {  	p0 =	sne.s32 s5, s31  }
.Ltmp2:
0xf0: {  	_ = 	snop;
	(pc) =	sbr.rel @p0 .LBB2_1-.Ltmp2, $3  }
0xf1: {  	_ =	sdelay $0x1  }
0xf2: {  	[sflag:s28] =	ssyncset.done $0x0  }
0xf3: {  	[sflag:s28] =	ssyncadd.s32 $0xFFFFFD88  }
0xf4: {  	_ =	sfence.sel $0x180000  }
0xf5: {  	[bflag:$0x0] =	sbarrier.arrive $0xFFFF  }
0xf6: {  	_ =	strace $0x90000047  }
0xf7: {  	s0 =	stileid.u32;
	[bflag:$0x2] =	sbarrier.arrive $0xFFFF  }
0xf8: {  	p0 =	sne.s32 s0, $0x0;
	s0 =	rddreg [dreg:$0x4]  }
0xf9: {  	s0 =	sadd.s32 @!p0 $0x100000, s0  }
0xfa: {  	[sflag:s0] =	ssyncadd.tile.s32 @!p0 $0x1;
	_ =	shalt  }
.Lfunc_end2:
_tile_overlayer_lowered:
.L_overlay_start_2:
0xfb: {  	(tag) =	ssettag $0x2  }
0xfc: {  	s0 =	rddreg [dreg:$0x0];
	s2 =	stileid.u32  }
0xfd: {  	s1 =	rddreg [dreg:$0x1];
	p0 =	sne.s32 s2, $0x0  }
0xfe: {  	s3 =	rddreg [dreg:$0x2];
	[bflag:$0x3] =	sbarrier.arrive $0xFFFF;
	s2 =	simm.s32 @!p0 $0x1C07  }
0xff: {  	[timem:s3], [sflag:s2] =	dma.local @!p0 [hbm:s0], s1  }
0x100: {  	s0 =	simm.s32 @!p0 $0x7  }
0x101: {  	_ =	swait.ge @!p0 [sflag:s0], s1  }
0x102: {  	s1 =	ssub.s32 @!p0 $0x0, s1;
	[sflag:s0] =	ssyncset.done @!p0 $0x0  }
0x103: {  	[sflag:s0] =	ssyncadd.s32 @!p0 s1  }
0x104: {  	[bflag:$0x3] =	sbarrier.arrive $0xFFFF  }
0x105: {  	_ =	shalt  }

// kernel: kernel.9.cloned.1.call-start
scs
__scs_entry_jumppad:
0x0: {  	(pc) =	sbr.rel $0x88, $3  }
0x1: {  	(tag) =	ssettag $0x0;
	lr =	simm.s32 $0x1  }
0x2: {  	[smem:$0x3F99] =	sst lr;
	_ =	strace $0xD0000000  }
0x3: {  	_ = 	snop  }
0x4: {  	_ = 	snop  }
0x5: {  	_ = 	snop  }
0x6: {  	_ = 	snop  }
0x7: {  	_ = 	snop  }
__scs_overlays_trampoline_lowered:
0x8: {  	[smem:$0x3FA8] =	sst s0  }
0x9: {  	[smem:$0x3FA9] =	sst s1  }
0xa: {  	[smem:$0x3FAA] =	sst s2  }
0xb: {  	[smem:$0x3FAB] =	sst s3  }
0xc: {  	[smem:$0x3FAC] =	sst s4  }
0xd: {  	[smem:$0x3FAD] =	sst s5  }
0xe: {  	[smem:$0x3FAE] =	sst s6  }
0xf: {  	[smem:$0x3FAF] =	sst s7  }
0x10: {  	[smem:$0x3FB0] =	sst s8  }
0x11: {  	[smem:$0x3FB1] =	sst s9;
	s0 =	simm.s32 @!p0 $0x0  }
0x12: {  	s1 =	sld [smem:$0x3F97];
	s0 =	simm.s32 @p0 $0x1  }
0x13: {  	[smem:$0x3FB2] =	sst s0;
	s0 =	simm.s32 @!p1 $0x0  }
0x14: {  	s2 =	sld [smem:$0x3F96];
	s0 =	simm.s32 @p1 $0x1  }
0x15: {  	[smem:$0x3FB3] =	sst s0;
	s0 =	simm.s32 @!p2 $0x0  }
0x16: {  	s3 =	sld [smem:$0x3FDB];
	s0 =	simm.s32 @p2 $0x1  }
0x17: {  	s4 =	simm.s32 $0x1BF5;
	[smem:$0x3FB5] =	sst s0  }
0x18: {  	s0 =	sld [smem:$0x3F98];
	_ =	swait.ge [sflag:s4], $0x0  }
0x19: {  	s7 =	sld [smem:$0x3F99]  }
0x1a: {  	s8 =	sadd.s32 $0xFFFFE003, lr  }
0x1b: {  	s9 =	sadd.s32 $0xFFFFFEF7, lr;
	s5 =	simm.s32 $0xFFFFFFFF;
	p2 =	slt.u32 s8, $0xFFFFF086  }
0x1c: {  	p1 =	slt.u32 s9, $0xF7A;
	s5 =	simm.s32 @!p2 $0x0  }
0x1d: {  	s5 =	simm.s32 @p1 $0x1;
	p0 =	seq.s32 s7, s2  }
0x1e: {  	s7 =	smul.u32 @!p0 $0xF7A, s2;
	p2 =	seq.s32 @!p0 s5, $0x0  }
0x1f: {  	s9 =	smul.u32 $0xF7A, s1;
	s8 =	simm.s32 @!p0 $0x1BF5;
	p2 =	por !p2, p0  }
0x20: {  	[sflag:s8] =	ssyncset.s32 @!p0 $0xFFFFF086;
	s6 =	sadd.s32 @!p0 s3, s7;
	s7 =	simm.s32 @!p0 $0x108  }
0x21: {  	s3 =	sadd.s32 s3, s9;
	s6 =	sadd.s32 @!p0 $0x88, s6;
	s7 =	simm.s32 @p2 $0x1082  }
0x22: {  	[simem:s7], [sflag:s8] =	dma.local @!p0 [hbm:s6], $0xF7A  }
0x23: {  	s9 =	sor.u32 $0xD0000000, s2;
	s6 =	simm.s32 $0x108;
	_ =	swait.ge @!p0 [sflag:s8], $0x0  }
0x24: {  	s3 =	sadd.s32 $0x88, s3;
	s6 =	simm.s32 @!p1 $0x1082;
	[sflag:s4] =	ssyncset.s32 $0xFFFFF086  }
0x25: {  	[simem:s6], [sflag:s4] =	dma.local [hbm:s3], $0xF7A  }
0x26: {  	[smem:$0x3F99] =	sst s1;
	(tag) =	ssettag s2;
	_ =	strace s9  }
0x27: {  	s1 =	sld [smem:$0x3FA9]  }
0x28: {  	s2 =	sld [smem:$0x3FAA]  }
0x29: {  	s4 =	sld [smem:$0x3FAC]  }
0x2a: {  	p0 =	seq.s32 s5, $0x0;
	s5 =	sld [smem:$0x3FAD]  }
0x2b: {  	s6 =	sld [smem:$0x3FAE]  }
0x2c: {  	s7 =	sld [smem:$0x3FAF]  }
0x2d: {  	s3 =	simm.s32 $0x108;
	s8 =	sld [smem:$0x3FB0]  }
0x2e: {  	s3 =	simm.s32 @!p0 $0x1082;
	s9 =	sld [smem:$0x3FB1]  }
0x2f: {  	lr =	sadd.s32 s0, s3;
	s0 =	sld [smem:$0x3FA8]  }
0x30: {  	s3 =	sld [smem:$0x3FAB]  }
0x31: {  	[smem:$0x3FB4] =	sst s10  }
0x32: {  	s10 =	sld [smem:$0x3FB2];
	_ =	sdelay $0x3  }
0x33: {  	p0 =	seq.s32 s10, $0x1;
	s10 =	sld [smem:$0x3FB4];
	_ =	sdelay $0x3  }
0x34: {  	[smem:$0x3FB4] =	sst s10  }
0x35: {  	s10 =	sld [smem:$0x3FB3];
	_ =	sdelay $0x3  }
0x36: {  	p1 =	seq.s32 s10, $0x1;
	s10 =	sld [smem:$0x3FB4];
	_ =	sdelay $0x3  }
0x37: {  	[smem:$0x3FB4] =	sst s10  }
0x38: {  	s10 =	sld [smem:$0x3FB5]  }
0x39: {  	_ = 	snop;
	(pc) =	sbr.ind lr, $3  }
0x3a: {  	_ = 	snop  }
0x3b: {  	_ = 	snop  }
0x3c: {  	p2 =	seq.s32 s10, $0x1;
	s10 =	sld [smem:$0x3FB4]  }
0x3d: {  	_ =	shalt  }
0x3e: {  	_ =	shalt  }
0x3f: {  	_ =	shalt  }
0x40: {  	_ =	shalt  }
0x41: {  	_ =	shalt  }
0x42: {  	_ =	shalt  }
0x43: {  	_ =	shalt  }
0x44: {  	_ =	shalt  }
0x45: {  	_ =	shalt  }
0x46: {  	_ =	shalt  }
0x47: {  	_ =	shalt  }
0x48: {  	_ =	shalt  }
0x49: {  	_ =	shalt  }
0x4a: {  	_ =	shalt  }
0x4b: {  	_ =	shalt  }
0x4c: {  	_ =	shalt  }
0x4d: {  	_ =	shalt  }
0x4e: {  	_ =	shalt  }
0x4f: {  	_ =	shalt  }
0x50: {  	_ =	shalt  }
0x51: {  	_ =	shalt  }
0x52: {  	_ =	shalt  }
0x53: {  	_ =	shalt  }
0x54: {  	_ =	shalt  }
0x55: {  	_ =	shalt  }
0x56: {  	_ =	shalt  }
0x57: {  	_ =	shalt  }
0x58: {  	_ =	shalt  }
0x59: {  	_ =	shalt  }
0x5a: {  	_ =	shalt  }
0x5b: {  	_ =	shalt  }
0x5c: {  	_ =	shalt  }
0x5d: {  	_ =	shalt  }
0x5e: {  	_ =	shalt  }
0x5f: {  	_ =	shalt  }
0x60: {  	_ =	shalt  }
0x61: {  	_ =	shalt  }
0x62: {  	_ =	shalt  }
0x63: {  	_ =	shalt  }
0x64: {  	_ =	shalt  }
0x65: {  	_ =	shalt  }
0x66: {  	_ =	shalt  }
0x67: {  	_ =	shalt  }
0x68: {  	_ =	shalt  }
0x69: {  	_ =	shalt  }
0x6a: {  	_ =	shalt  }
0x6b: {  	_ =	shalt  }
0x6c: {  	_ =	shalt  }
0x6d: {  	_ =	shalt  }
0x6e: {  	_ =	shalt  }
0x6f: {  	_ =	shalt  }
0x70: {  	_ =	shalt  }
0x71: {  	_ =	shalt  }
0x72: {  	_ =	shalt  }
0x73: {  	_ =	shalt  }
0x74: {  	_ =	shalt  }
0x75: {  	_ =	shalt  }
0x76: {  	_ =	shalt  }
0x77: {  	_ =	shalt  }
0x78: {  	_ =	shalt  }
0x79: {  	_ =	shalt  }
0x7a: {  	_ =	shalt  }
0x7b: {  	_ =	shalt  }
0x7c: {  	_ =	shalt  }
0x7d: {  	_ =	shalt  }
0x7e: {  	_ =	shalt  }
0x7f: {  	_ =	shalt  }
0x80: {  	_ =	shalt  }
0x81: {  	_ =	shalt  }
0x82: {  	_ =	shalt  }
0x83: {  	_ =	shalt  }
0x84: {  	_ =	shalt  }
0x85: {  	_ =	shalt  }
0x86: {  	_ =	shalt  }
0x87: {  	_ =	shalt  }
.Lfunc_end0:
.L_simem_size_0:
called_computation.1_lowered:
.L_overlay_start_0:
0x88: {  	s2 =	sld [smem:$0x3FD9]  }
0x89: {  	s3 =	sld [smem:$0x3FFE];
	_ =	sdelay $0x1  }
0x8a: {  	s1 =	srdreg.scid  }
0x8b: {  	s0 =	sand.u32 $0x1, s1  }
0x8c: {  	s17 =	sshll.u32 s0, $0xA;
	s2 =	sadd.s32 s3, s2  }
0x8d: {  	s2 =	sadd.s32 s2, s17  }
0x8e: {  	[smem:$0x3FC0] =	sst s2  }
0x8f: {  	_ = 	snop  }
0x90: {  	s2 =	sld [smem:$0x3FD0];
	(tm) =	ssettm $0x1  }
0x91: {  	s18 =	sld [smem:$0x3FFB];
	_ =	sdelay $0x3  }
0x92: {  	_ =	strace s18  }
0x93: {  	s3 =	sld [smem:$0x3FFC];
	_ =	sdelay $0x3  }
0x94: {  	_ =	strace s3  }
0x95: {  	s3 =	sld [smem:$0x3FFD];
	_ =	sdelay $0x3  }
0x96: {  	_ =	strace s3  }
0x97: {  	_ =	strace $0x8FFFFFFF  }
0x98: {  	s19 =	sld [smem:$0x3FDB];
	_ =	sdelay $0x1  }
0x99: {  	s4 =	simm.s32 $_scs_section_size  }
0x9a: {  	s5 =	simm.s32 $_size__tile_overlayer_lowered;
	s6 =	simm.s32 $_tile_overlayer_lowered  }
0x9b: {  	s22 =	simm.s32 $0x1BFF;
	s21 =	sshll.u32 s6, $0x1;
	s3 =	sadd.s32 s4, s19  }
0x9c: {  	s7 =	simm.s32 $0x0;
	s20 =	sshll.u32 s5, $0x1;
	s5 =	sadd.s32 s21, s3  }
0x9d: {  	[timem:s7], [sflag:s22] =	dma.local [hbm:s5], s20  }
0x9e: {  	_ =	swait.ge [sflag:s22], s20  }
0x9f: {  	s4 =	ssub.s32 $0x0, s20;
	[sflag:s22] =	ssyncset.done $0x0  }
0xa0: {  	[sflag:s22] =	ssyncadd.s32 s4;
	_ =	sdelay $0x1  }
0xa1: {  	s23 =	simm.s32 $0x1B8B  }
0xa2: {  	_ =	swait.ge [sflag:s23], $0x1  }
0xa3: {  	[sflag:s23] =	ssyncset.done $0x0  }
0xa4: {  	s25 =	simm.s32 $0x1B8E;
	s24 =	sld [smem:$0x3FFE];
	[sflag:s23] =	ssyncadd.s32 $0xFFFFFFFF  }
0xa5: {  	s26 =	simm.s32 $execute0_lowered;
	[smem:$0x3FD2] =	sst s25  }
0xa6: {  	s5 =	sshll.u32 s26, $0x1;
	_ =	strace $0x80000049;
	[dreg:$0x1] =	wrdreg $0xFFFFFFFF  }
0xa7: {  	s28 =	simm.s32 $_size_execute0_lowered;
	s3 =	sadd.s32 s3, s5;
	[dreg:$0x0] =	wrdreg $0x0  }
0xa8: {  	s5 =	sshll.u32 s28, $0x1;
	[dreg:$0x2] =	wrdreg s3  }
0xa9: {  	[dreg:$0x3] =	wrdreg s5  }
0xaa: {  	[dreg:$0x4] =	wrdreg $0xC0  }
0xab: {  	_ =	task [dreg:s7], $0x5FFFF  }
0xac: {  	[dreg:$0x1] =	wrdreg $0xFFFFFFFF  }
0xad: {  	[dreg:$0x0] =	wrdreg $0x60  }
0xae: {  	[dreg:$0x2] =	wrdreg s2  }
0xaf: {  	[dreg:$0x3] =	wrdreg s24  }
0xb0: {  	[dreg:$0x4] =	wrdreg $0x0  }
0xb1: {  	[dreg:$0x5] =	wrdreg $0x9  }
0xb2: {  	_ =	task.clear_ibuf [dreg:s7], $0x6FFFF;
	_ =	strace $0x90000049  }
0xb3: {  	s29 =	simm.s32 $0x9;
	_ =	strace $0x8000004B  }
0xb4: {  	_ =	swait.ge [sflag:s29], $0x1  }
0xb5: {  	[sflag:s29] =	ssyncadd.s32 $0xFFFFFFFF  }
0xb6: {  	_ =	strace $0x9000004B  }
0xb7: {  	_ =	sfence  }
0xb8: {  	s30 =	sld [smem:$0x0];
	_ =	sdelay $0x2  }
0xb9: {  	s31 =	sshll.u32 s1, $0xD;
	s1 =	sshrl.u32 s1, $0x2  }
0xba: {  	s3 =	sand.u32 $0x4000, s31;
	s1 =	sadd.s32 s1, s30  }
0xbb: {  	s0 =	sor.u32 s3, s0;
	s1 =	sshll.u32 s1, $0x11  }
0xbc: {  	s0 =	sor.u32 s1, s0  }
0xbd: {  	s0 =	sadd.s32 $0x8F2B, s0  }
0xbe: {  	[sflag:s0] =	ssyncadd.remote.s32 $0x1  }
0xbf: {  	_ =	sfence.sel $0xFFFF  }
0xc0: {  	[dreg:$0x0] =	wrdreg $0xFFFFFFFF;
	(pc) =	sbr.abs _section_cstart, $3  }
0xc1: {  	[dreg:$0x1] =	wrdreg $0xFFFFFFFF  }
0xc2: {  	_ =	task.clear_ibuf [dreg:s7], $0x2FFFF;
	_ =	strace $0x9FFFFFFF  }
0xc3: {  	(tm) =	ssettm $0x7FFFFFFF  }
tec
execute0_lowered:
.L_overlay_start_1:
0x0: {  	(tag) =	ssettag $0x1  }
0x1: {  	s2 =	rddreg [dreg:$0x0]  }
0x2: {  	s0 =	rddreg [dreg:$0x1]  }
0x3: {  	s3 =	rddreg [dreg:$0x2];
	s9 =	stileid.u32  }
0x4: {  	s1 =	srdreg.scid;
	s4 =	simm.s32 $0x0;
	s28 =	simm.s32 $0x2  }
0x5: {  	s29 =	simm.s32 $0x6;
	s30 =	simm.s32 $0x3;
	s5 =	smul.u32 $0x13, s9  }
0x6: {  	s31 =	simm.s32 $0x4;
	s1 =	sand.u32 $0x1, s1;
	s6 =	smul.u32 $0x13C00, s9  }
0x7: {  	s7 =	sor.u32 $0x130, s9;
	[smem:$0x7FF] =	sst s4;
	s17 =	smul.u32 $0x27800, s9  }
0x8: {  	p0 =	seq.s32 s1, $0x0;
	s8 =	smul.u32 $0x13C000, s1;
	s1 =	ssub.s32 $0x2, s1  }
0x9: {  	_ =	strace $0x8000004A;
	s7 =	smov.u32 @p0 s5;
	s19 =	sshrl.u32 s1, $0x1  }
0xa: {  	s20 =	sshrl.u32 s17, $0x2;
	s17 =	simm.s32 $0xAE00;
	s5 =	sshll.u32 s7, $0x7  }
0xb: {  	s16 =	sadd.s32 s6, s8;
	s1 =	ssub.s32 s1, s19;
	s6 =	sshrl.u32 s6, $0x1  }
0xc: {  	s19 =	simm.s32 $0x9E00;
	s7 =	sshrl.u32 s16, $0x4;
	s18 =	sadd.s32 s5, s0  }
0xd: {  	s5 =	simm.s32 $0x13;
	s0 =	sadd.s32 s7, s0;
	s24 =	sadd.s32 $0xB800, s18  }
0xe: {  	s7 =	sadd.s32 s20, s3;
	s25 =	sadd.s32 $0x1600, s18;
	[dreg:$0x9] =	wrdreg s24  }
0xf: {  	s6 =	sadd.s32 s6, s3;
	s21 =	sadd.s32 $0x2000, s7;
	[dreg:$0xa] =	wrdreg s25  }
0x10: {  	s14 =	smax.u32 s1, $0x1;
	s22 =	sadd.s32 $0x4000, s7;
	[dreg:$0x5] =	wrdreg s21  }
0x11: {  	s5 =	simm.s32 @!p0 $0x1;
	s23 =	sadd.s32 $0x6000, s7;
	[dreg:$0x6] =	wrdreg s22  }
0x12: {  	s20 =	sadd.s32 $0xB880, s18;
	s7 =	sadd.s32 $0x8000, s7;
	[dreg:$0x7] =	wrdreg s23  }
0x13: {  	s0 =	sadd.s32 $0x15A00, s0;
	s26 =	sshll.u32 s5, $0xA;
	[dreg:$0x8] =	wrdreg s7  }
0x14: {  	s24 =	simm.s32 $0xEE00;
	s25 =	simm.s32 $0x1;
	[dreg:$0xb] =	wrdreg s0  }
0x15: {  	s22 =	sadd.s32 $0x1680, s18;
	[dreg:$0x4] =	wrdreg s26;
	s18 =	simm.s32 $0x7  }
0x16: {  	v0 =	vimm.bf16 $0.0e+00;
	s21 =	simm.s32 $0x80;
	s23 =	simm.s32 $0xCE00;
	s26 =	simm.s32 $0x10E00  }
.LBB2_1:
0x17: {  	s1 =	simm.s32 $0x100;
	s0 =	simm.s32 $0x0  }
.LBB2_2:
0x18: {  	p0 =	sne.s32 s1, $0x7F00;
	[tilespmem:s0+$0xAE30] =	vst v0;
	s7 =	smov.u32 s1;
	s1 =	sadd.s32 $0x100, s1  }
.Ltmp0:
0x19: {  	[tilespmem:s0+$0xAE20] =	vst v0;
	(pc) =	sbr.rel @p0 .LBB2_2-.Ltmp0, $3  }
0x1a: {  	[tilespmem:s0+$0xAE00] =	vst v0  }
0x1b: {  	[tilespmem:s0+$0xAE10] =	vst v0;
	_ =	sdelay $0x1  }
0x1c: {  	s0 =	sshra.s32 s7, $0x2  }
0x1d: {  	[tilespmem:s0+$0xAE30] =	vst v0  }
0x1e: {  	[tilespmem:s0+$0xAE20] =	vst v0  }
0x1f: {  	[tilespmem:s0+$0xAE00] =	vst v0  }
0x20: {  	[tilespmem:s0+$0xAE10] =	vst v0  }
0x21: {  	[spmem:s6] =	stream.linear.scatter [tilespmem:s17], [sflag:$0x7], $0x2000, $0x38;
	[tilespmem:$0x12E00] =	vst v63  }
0x22: {  	_ =	swait.ge [sflag:s18], $0x2000  }
0x23: {  	[sflag:s18] =	ssyncset.done $0x0  }
0x24: {  	s10 =	rddreg [dreg:$0x5];
	[sflag:s18] =	ssyncadd.s32 $0xFFFFE000  }
0x25: {  	[spmem:s10] =	stream.linear.scatter [tilespmem:s17], [sflag:$0x7], $0x2000, $0x38;
	[tilespmem:$0x12E00] =	vst v63  }
0x26: {  	_ =	swait.ge [sflag:s18], $0x2000  }
0x27: {  	[sflag:s18] =	ssyncset.done $0x0  }
0x28: {  	s11 =	rddreg [dreg:$0x6];
	[sflag:s18] =	ssyncadd.s32 $0xFFFFE000  }
0x29: {  	[spmem:s11] =	stream.linear.scatter [tilespmem:s17], [sflag:$0x7], $0x2000, $0x38;
	[tilespmem:$0x12E00] =	vst v63  }
0x2a: {  	_ =	swait.ge [sflag:s18], $0x2000  }
0x2b: {  	[sflag:s18] =	ssyncset.done $0x0  }
0x2c: {  	s12 =	rddreg [dreg:$0x7];
	[sflag:s18] =	ssyncadd.s32 $0xFFFFE000  }
0x2d: {  	[spmem:s12] =	stream.linear.scatter [tilespmem:s17], [sflag:$0x7], $0x2000, $0x38;
	[tilespmem:$0x12E00] =	vst v63  }
0x2e: {  	_ =	swait.ge [sflag:s18], $0x2000  }
0x2f: {  	[sflag:s18] =	ssyncset.done $0x0  }
0x30: {  	s13 =	rddreg [dreg:$0x8];
	[sflag:s18] =	ssyncadd.s32 $0xFFFFE000  }
0x31: {  	[spmem:s13] =	stream.linear.scatter [tilespmem:s17], [sflag:$0x7], $0x1E00, $0x38;
	[tilespmem:$0x12E00] =	vst v63  }
0x32: {  	_ =	swait.ge [sflag:s18], $0x1E00  }
0x33: {  	[sflag:s18] =	ssyncset.done $0x0  }
0x34: {  	[sflag:s18] =	ssyncadd.s32 $0xFFFFE200  }
0x35: {  	[bflag:$0x0] =	sbarrier.arrive $0xFFFF  }
0x36: {  	s0 =	simm.s32 $0x0;
	s1 =	rddreg [dreg:$0x9]  }
0x37: {  	[tilespmem:s19], [sflag:$0x7] =	stream.linear.gather [hbm4b:s1+s0], $0x400, $0x38;
	[tilespmem:$0x12E00] =	vst v63  }
0x38: {  	_ =	swait.ge [sflag:s18], $0x400  }
0x39: {  	[sflag:s18] =	ssyncset.done $0x0  }
0x3a: {  	s7 =	simm.s32 $0xA600;
	s15 =	rddreg [dreg:$0xa];
	[sflag:s18] =	ssyncadd.s32 $0xFFFFFC00  }
0x3b: {  	[tilespmem:s7], [sflag:$0x7] =	stream.linear.gather [hbm4b:s15+s0], $0x400, $0x38;
	[tilespmem:$0x12E00] =	vst v63  }
0x3c: {  	_ =	swait.ge [sflag:s18], $0x400  }
0x3d: {  	[sflag:s18] =	ssyncset.done $0x0  }
0x3e: {  	[sflag:s18] =	ssyncadd.s32 $0xFFFFFC00  }
0x3f: {  	[tilespmem:s17], [sflag:$0x1] =	stream.indirect.gather [hbm4b:s2+s21], $0x40, s19, s21, $0xb8;
	[tilespmem:$0x12E00] =	vst v63  }
0x40: {  	s16 =	simm.s32 $0x9E80  }
0x41: {  	[tilespmem:s23], [sflag:$0x2] =	stream.indirect.gather [hbm4b:s2+s21], $0x40, s16, s21, $0xb8;
	[tilespmem:$0x12E00] =	vst v63  }
0x42: {  	s1 =	simm.s32 $0x1;
	s15 =	smov.u32 s22;
	s16 =	smov.u32 s20  }
.LBB2_4:
0x43: {  	s7 =	sand.u32 $0x1, s1;
	p0 =	sge.u32 s1, s5  }
0x44: {  	s7 =	sshll.u32 @!p0 s7, $0xA  }
0x45: {  	s8 =	simm.s32 @!p0 $0x0;
	s9 =	sadd.s32 @!p0 $0x9E00, s7  }
0x46: {  	[tilespmem:s9], [sflag:$0x5] =	stream.linear.gather @!p0 [hbm4b:s16+s8], $0x400, $0x38;
	[tilespmem:$0x12E00] =	vst v63  }
0x47: {  	s10 =	sadd.s32 @!p0 $0xA600, s7  }
0x48: {  	[tilespmem:s10], [sflag:$0x5] =	stream.linear.gather @!p0 [hbm4b:s15+s8], $0x400, $0x38;
	[tilespmem:$0x12E00] =	vst v63  }
0x49: {  	s8 =	sand.u32 $0x400, s0  }
0x4a: {  	s12 =	sadd.s32 $0x9F00, s8  }
0x4b: {  	[tilespmem:s24], [sflag:$0x3] =	stream.indirect.gather [hbm4b:s2+s21], $0x40, s12, s21, $0xb8;
	[tilespmem:$0x12E00] =	vst v63  }
0x4c: {  	_ =	swait.ge [sflag:s25], $0x2000  }
0x4d: {  	[sflag:s25] =	ssyncset.done $0x0  }
0x4e: {  	s13 =	sadd.s32 $0xA600, s8;
	[sflag:s25] =	ssyncadd.s32 $0xFFFFE000  }
0x4f: {  	[spmem:s3] =	stream.indirect.scatter.add.bf16 [tilespmem:s17], [sflag:$0x6], $0x40, s13, s21, $0xb8;
	[tilespmem:$0x12E00] =	vst v63  }
0x50: {  	s11 =	sadd.s32 $0x9F80, s8  }
0x51: {  	[tilespmem:s26], [sflag:$0x4] =	stream.indirect.gather [hbm4b:s2+s21], $0x40, s11, s21, $0xb8;
	[tilespmem:$0x12E00] =	vst v63  }
0x52: {  	_ =	swait.ge [sflag:s28], $0x2000  }
0x53: {  	[sflag:s28] =	ssyncset.done $0x0  }
0x54: {  	s12 =	sadd.s32 $0xA680, s8;
	[sflag:s28] =	ssyncadd.s32 $0xFFFFE000  }
0x55: {  	[spmem:s3] =	stream.indirect.scatter.add.bf16 [tilespmem:s23], [sflag:$0x6], $0x40, s12, s21, $0xb8;
	[tilespmem:$0x12E00] =	vst v63  }
0x56: {  	_ =	swait.ge [sflag:s29], $0x2000  }
0x57: {  	[sflag:s29] =	ssyncset.done $0x0  }
0x58: {  	s13 =	sor.u32 $0xA000, s8;
	[sflag:s29] =	ssyncadd.s32 $0xFFFFE000  }
0x59: {  	[tilespmem:s17], [sflag:$0x1] =	stream.indirect.gather [hbm4b:s2+s21], $0x40, s13, s21, $0xb8;
	[tilespmem:$0x12E00] =	vst v63  }
0x5a: {  	_ =	swait.ge [sflag:s30], $0x2000  }
0x5b: {  	[sflag:s30] =	ssyncset.done $0x0  }
0x5c: {  	s11 =	sadd.s32 $0xA700, s8;
	[sflag:s30] =	ssyncadd.s32 $0xFFFFE000  }
0x5d: {  	[spmem:s3] =	stream.indirect.scatter.add.bf16 [tilespmem:s24], [sflag:$0x6], $0x40, s11, s21, $0xb8;
	[tilespmem:$0x12E00] =	vst v63  }
0x5e: {  	_ =	swait.ge [sflag:s29], $0x2000  }
0x5f: {  	[sflag:s29] =	ssyncset.done $0x0  }
0x60: {  	s12 =	sor.u32 $0xA080, s8;
	[sflag:s29] =	ssyncadd.s32 $0xFFFFE000  }
0x61: {  	[tilespmem:s23], [sflag:$0x2] =	stream.indirect.gather [hbm4b:s2+s21], $0x40, s12, s21, $0xb8;
	[tilespmem:$0x12E00] =	vst v63  }
0x62: {  	_ =	swait.ge [sflag:s31], $0x2000  }
0x63: {  	[sflag:s31] =	ssyncset.done $0x0  }
0x64: {  	s13 =	sadd.s32 $0xA780, s8;
	[sflag:s31] =	ssyncadd.s32 $0xFFFFE000  }
0x65: {  	[spmem:s3] =	stream.indirect.scatter.add.bf16 [tilespmem:s26], [sflag:$0x6], $0x40, s13, s21, $0xb8;
	[tilespmem:$0x12E00] =	vst v63  }
0x66: {  	_ =	swait.ge [sflag:s29], $0x2000  }
0x67: {  	[sflag:s29] =	ssyncset.done $0x0  }
0x68: {  	s11 =	sor.u32 $0xA100, s8;
	[sflag:s29] =	ssyncadd.s32 $0xFFFFE000  }
0x69: {  	[tilespmem:s24], [sflag:$0x3] =	stream.indirect.gather [hbm4b:s2+s21], $0x40, s11, s21, $0xb8;
	[tilespmem:$0x12E00] =	vst v63  }
0x6a: {  	_ =	swait.ge [sflag:s25], $0x2000  }
0x6b: {  	[sflag:s25] =	ssyncset.done $0x0  }
0x6c: {  	s12 =	sor.u32 $0xA800, s8;
	[sflag:s25] =	ssyncadd.s32 $0xFFFFE000  }
0x6d: {  	[spmem:s3] =	stream.indirect.scatter.add.bf16 [tilespmem:s17], [sflag:$0x6], $0x40, s12, s21, $0xb8;
	[tilespmem:$0x12E00] =	vst v63  }
0x6e: {  	_ =	swait.ge [sflag:s29], $0x2000  }
0x6f: {  	[sflag:s29] =	ssyncset.done $0x0  }
0x70: {  	s13 =	sor.u32 $0xA180, s8;
	[sflag:s29] =	ssyncadd.s32 $0xFFFFE000  }
0x71: {  	[tilespmem:s26], [sflag:$0x4] =	stream.indirect.gather [hbm4b:s2+s21], $0x40, s13, s21, $0xb8;
	[tilespmem:$0x12E00] =	vst v63  }
0x72: {  	_ =	swait.ge [sflag:s28], $0x2000  }
0x73: {  	[sflag:s28] =	ssyncset.done $0x0  }
0x74: {  	s11 =	sor.u32 $0xA880, s8;
	[sflag:s28] =	ssyncadd.s32 $0xFFFFE000  }
0x75: {  	[spmem:s3] =	stream.indirect.scatter.add.bf16 [tilespmem:s23], [sflag:$0x6], $0x40, s11, s21, $0xb8;
	[tilespmem:$0x12E00] =	vst v63  }
0x76: {  	_ =	swait.ge [sflag:s29], $0x2000  }
0x77: {  	[sflag:s29] =	ssyncset.done $0x0  }
0x78: {  	s10 =	simm.s32 @p0 $0x3;
	[sflag:s29] =	ssyncadd.s32 $0xFFFFE000  }
0x79: {  	_ =	swait.ge @p0 [sflag:s10], $0x2000  }
0x7a: {  	s12 =	simm.s32 @p0 $0x80;
	s11 =	sor.u32 $0x300, s8;
	[sflag:s10] =	ssyncset.done @p0 $0x0  }
0x7b: {  	s13 =	simm.s32 @p0 $0xEE00;
	[sflag:s10] =	ssyncadd.s32 @p0 $0xFFFFE000;
	s10 =	sadd.s32 @p0 $0xA600, s11  }
0x7c: {  	[spmem:s3] =	stream.indirect.scatter.add.bf16 @p0 [tilespmem:s13], [sflag:$0x6], $0x40, s10, s12, $0xb8;
	[tilespmem:$0x12E00] =	vst v63  }
0x7d: {  	s10 =	simm.s32 @p0 $0x6  }
0x7e: {  	_ =	swait.ge @p0 [sflag:s10], $0x2000  }
0x7f: {  	[sflag:s10] =	ssyncset.done @p0 $0x0  }
0x80: {  	[sflag:s10] =	ssyncadd.s32 @p0 $0xFFFFE000;
	s10 =	simm.s32 @!p0 $0x5  }
0x81: {  	_ =	swait.ge @!p0 [sflag:s10], $0x400  }
0x82: {  	[sflag:s10] =	ssyncset.done @!p0 $0x0  }
0x83: {  	[sflag:s10] =	ssyncadd.s32 @!p0 $0xFFFFFC00  }
0x84: {  	_ =	swait.ge @!p0 [sflag:s10], $0x400  }
0x85: {  	[sflag:s10] =	ssyncset.done @!p0 $0x0  }
0x86: {  	s12 =	simm.s32 @!p0 $0xAE00;
	[sflag:s10] =	ssyncadd.s32 @!p0 $0xFFFFFC00;
	s10 =	simm.s32 @!p0 $0x80  }
0x87: {  	[tilespmem:s12], [sflag:$0x1] =	stream.indirect.gather @!p0 [hbm4b:s2+s10], $0x40, s9, s10, $0xb8;
	[tilespmem:$0x12E00] =	vst v63  }
0x88: {  	s9 =	simm.s32 @!p0 $0x3  }
0x89: {  	_ =	swait.ge @!p0 [sflag:s9], $0x2000  }
0x8a: {  	[sflag:s9] =	ssyncset.done @!p0 $0x0  }
0x8b: {  	[sflag:s9] =	ssyncadd.s32 @!p0 $0xFFFFE000;
	s9 =	sadd.s32 @!p0 $0xA600, s11;
	s11 =	simm.s32 @!p0 $0xEE00  }
0x8c: {  	[spmem:s3] =	stream.indirect.scatter.add.bf16 @!p0 [tilespmem:s11], [sflag:$0x6], $0x40, s9, s10, $0xb8;
	[tilespmem:$0x12E00] =	vst v63  }
0x8d: {  	s9 =	simm.s32 @!p0 $0x6  }
0x8e: {  	_ =	swait.ge @!p0 [sflag:s9], $0x2000  }
0x8f: {  	[sflag:s9] =	ssyncset.done @!p0 $0x0  }
0x90: {  	s7 =	sadd.s32 @!p0 $0x9E80, s7;
	[sflag:s9] =	ssyncadd.s32 @!p0 $0xFFFFE000;
	s9 =	simm.s32 @!p0 $0xCE00  }
0x91: {  	[tilespmem:s9], [sflag:$0x2] =	stream.indirect.gather @!p0 [hbm4b:s2+s10], $0x40, s7, s10, $0xb8;
	[tilespmem:$0x12E00] =	vst v63  }
0x92: {  	_ =	swait.ge [sflag:s31], $0x2000  }
0x93: {  	s12 =	sor.u32 $0x380, s8;
	[sflag:s31] =	ssyncset.done $0x0  }
0x94: {  	s7 =	sadd.s32 $0xA600, s12;
	[sflag:s31] =	ssyncadd.s32 $0xFFFFE000  }
0x95: {  	[spmem:s3] =	stream.indirect.scatter.add.bf16 [tilespmem:s26], [sflag:$0x6], $0x40, s7, s21, $0xb8;
	[tilespmem:$0x12E00] =	vst v63  }
0x96: {  	_ =	swait.ge [sflag:s29], $0x2000  }
0x97: {  	[sflag:s29] =	ssyncset.done $0x0  }
0x98: {  	[sflag:s29] =	ssyncadd.s32 $0xFFFFE000  }
0x99: {  	_ =	swait.ge [sflag:s29], $0x2000  }
0x9a: {  	s0 =	sadd.s32 $0x400, s0;
	s13 =	rddreg [dreg:$0x4]  }
0x9b: {  	p0 =	sne.s32 s13, s0  }
.Ltmp1:
0x9c: {  	_ = 	snop;
	(pc) =	sbr.rel @p0 .LBB2_4-.Ltmp1, $3  }
0x9d: {  	_ =	sdelay $0x1  }
0x9e: {  	s1 =	sadd.s32 $0x1, s1;
	[sflag:s29] =	ssyncset.done $0x0  }
0x9f: {  	s16 =	sadd.s32 $0x80, s16;
	s15 =	sadd.s32 $0x80, s15;
	[sflag:s29] =	ssyncadd.s32 $0xFFFFE000  }
0xa0: {  	s0 =	stileid.u32;
	[bflag:$0x0] =	sbarrier.arrive $0xFFFF;
	s4 =	sadd.s32 $0x1, s4  }
0xa1: {  	s1 =	sshrl.u32 s6, $0x3;
	s0 =	sshll.u32 s0, $0x6;
	p0 =	sne.s32 s4, s14  }
.Ltmp2:
0xa2: {  	s7 =	rddreg [dreg:$0xb];
	s0 =	sor.u32 $0x1C07, s0;
	(pc) =	sbr.rel @p0 .LBB2_1-.Ltmp2, $4  }
0xa3: {  	[hbm:s7], [sflag:s0] =	dma.local [spmem:s1], $0x13C0  }
0xa4: {  	_ =	swait.ge [sflag:s18], $0x13C0  }
0xa5: {  	[sflag:s18] =	ssyncset.done $0x0  }
0xa6: {  	[sflag:s18] =	ssyncadd.s32 $0xFFFFEC40  }
0xa7: {  	_ =	sfence.sel $0x180000  }
0xa8: {  	[bflag:$0x0] =	sbarrier.arrive $0xFFFF  }
0xa9: {  	_ =	strace $0x9000004A  }
0xaa: {  	s0 =	stileid.u32;
	[bflag:$0x2] =	sbarrier.arrive $0xFFFF  }
0xab: {  	p0 =	sne.s32 s0, $0x0;
	s0 =	rddreg [dreg:$0x3]  }
0xac: {  	s0 =	sadd.s32 @!p0 $0x100000, s0  }
0xad: {  	[sflag:s0] =	ssyncadd.tile.s32 @!p0 $0x1;
	_ =	shalt  }
.Lfunc_end2:
_tile_overlayer_lowered:
.L_overlay_start_2:
0xae: {  	(tag) =	ssettag $0x2  }
0xaf: {  	s0 =	rddreg [dreg:$0x0];
	s2 =	stileid.u32  }
0xb0: {  	s1 =	rddreg [dreg:$0x1];
	p0 =	sne.s32 s2, $0x0  }
0xb1: {  	s3 =	rddreg [dreg:$0x2];
	[bflag:$0x3] =	sbarrier.arrive $0xFFFF;
	s2 =	simm.s32 @!p0 $0x1C07  }
0xb2: {  	[timem:s3], [sflag:s2] =	dma.local @!p0 [hbm:s0], s1  }
0xb3: {  	s0 =	simm.s32 @!p0 $0x7  }
0xb4: {  	_ =	swait.ge @!p0 [sflag:s0], s1  }
0xb5: {  	s1 =	ssub.s32 @!p0 $0x0, s1;
	[sflag:s0] =	ssyncset.done @!p0 $0x0  }
0xb6: {  	[sflag:s0] =	ssyncadd.s32 @!p0 s1  }
0xb7: {  	[bflag:$0x3] =	sbarrier.arrive $0xFFFF  }
0xb8: {  	_ =	shalt  }

</sc_bundles>
